<compile_context>
chip_gen: v7x
topology: tpu7x:2x2x1
jax: 0.10.2.dev20260603
libtpu: 0.0.44.dev20260713+nightly
codegen_flags: <defaults>
</compile_context>

<pallas_src>
import jax
import jax.numpy as jnp
from jax import lax
from jax.experimental import pallas as pl
from jax.experimental.pallas import tpu as pltpu
from jax.experimental.pallas import tpu_sc as plsc

_N = 10000
_E = 160000
_G = 64

_NC = 2
_NS = 16
_NW = _NC * _NS
_CH = 128
_K0 = 62
_K1 = 18
_KMAX = max(_K0, _K1)
_E0 = _K0 * _NS * _CH
_ACC_ROWS = 10112
_ZROWS = _ACC_ROWS // _NS

_RB = 400
_NB = _N // _RB


def _sc_mesh():
    return plsc.VectorSubcoreMesh(core_axis_name="c", subcore_axis_name="s",
                                  num_cores=_NC, num_subcores=_NS)


def _deg_partials(dst_w):
    zeros = jnp.zeros((_ZROWS, 128), jnp.float32)
    ones = jnp.ones((_CH, 128), jnp.float32)

    def body(dstw, ones_hbm, zeros_hbm, out, dall, ones_v, acc):
        c = lax.axis_index("c")
        s = lax.axis_index("s")
        kc = jnp.where(c == 0, _K0, _K1)
        pltpu.sync_copy(zeros_hbm, acc.at[pl.ds(s * _ZROWS, _ZROWS)])
        pltpu.sync_copy(ones_hbm, ones_v)
        pltpu.sync_copy(dstw.at[c, s], dall)
        plsc.subcore_barrier()

        def step(j, carry):
            pltpu.sync_copy(ones_v, acc.at[dall.at[j]], add=True)
            return carry

        lax.fori_loop(0, kc, step, 0)
        plsc.subcore_barrier()
        pltpu.sync_copy(acc.at[pl.ds(s * _ZROWS, _ZROWS)],
                        out.at[c, pl.ds(s * _ZROWS, _ZROWS)])

    f = pl.kernel(
        body,
        out_type=jax.ShapeDtypeStruct((_NC, _ACC_ROWS, 128), jnp.float32),
        mesh=_sc_mesh(),
        scratch_types=[pltpu.VMEM((_KMAX, _CH), jnp.int32),
                       pltpu.VMEM((_CH, 128), jnp.float32),
                       pltpu.VMEM_SHARED((_ACC_ROWS, 128), jnp.float32)])
    return f(dst_w, ones, zeros)


def _agg_partials(src_w, dst_w, tables):
    ncb = len(tables)
    dcol = tables[0].shape[1]
    zeros = jnp.zeros((_ZROWS, dcol), jnp.float32)

    nbuf = 2

    def body(*refs):
        srcw, dstw = refs[0], refs[1]
        tabs = refs[2:2 + ncb]
        zeros_hbm = refs[2 + ncb]
        outs = refs[3 + ncb:3 + 2 * ncb]
        rest = refs[3 + 2 * ncb:]
        sall, dall = rest[0], rest[1]
        rows = rest[2:2 + nbuf]
        acc = rest[2 + nbuf]
        gsems = rest[3 + nbuf:3 + 2 * nbuf]
        ssems = rest[3 + 2 * nbuf:3 + 3 * nbuf]
        c = lax.axis_index("c")
        s = lax.axis_index("s")
        kc2 = jnp.where(c == 0, _K0 // nbuf, _K1 // nbuf)
        pltpu.sync_copy(srcw.at[c, s], sall)
        pltpu.sync_copy(dstw.at[c, s], dall)
        for cb in range(ncb):
            pltpu.sync_copy(zeros_hbm, acc.at[pl.ds(s * _ZROWS, _ZROWS)])
            plsc.subcore_barrier()
            tab = tabs[cb]
            for b in range(nbuf):
                pltpu.async_copy(tab.at[sall.at[b]], rows[b], gsems[b])

            def step(t, carry, tab=tab, kc2=kc2):
                descs = []
                for b in range(nbuf):
                    pltpu.make_async_copy(tab.at[sall.at[b]], rows[b],
                                          gsems[b]).wait()
                    descs.append(pltpu.async_copy(
                        rows[b], acc.at[dall.at[t * nbuf + b]], ssems[b],
                        add=True))
                for b in range(nbuf):
                    descs[b].wait()

                    @pl.when(t < kc2 - 1)
                    def _(b=b, t=t):
                        pltpu.async_copy(
                            tab.at[sall.at[t * nbuf + nbuf + b]],
                            rows[b], gsems[b])
                return carry

            lax.fori_loop(0, kc2, step, 0)
            plsc.subcore_barrier()
            pltpu.sync_copy(acc.at[pl.ds(s * _ZROWS, _ZROWS)],
                            outs[cb].at[c, pl.ds(s * _ZROWS, _ZROWS)])
            plsc.subcore_barrier()

    f = pl.kernel(
        body,
        out_type=[jax.ShapeDtypeStruct((_NC, _ACC_ROWS, dcol),
                                       jnp.float32)] * ncb,
        mesh=_sc_mesh(),
        scratch_types=[pltpu.VMEM((_KMAX, _CH), jnp.int32),
                       pltpu.VMEM((_KMAX, _CH), jnp.int32)] +
                      [pltpu.VMEM((_CH, dcol), jnp.float32)] * nbuf +
                      [pltpu.VMEM_SHARED((_ACC_ROWS, dcol), jnp.float32)] +
                      [pltpu.SemaphoreType.DMA] * (2 * nbuf))
    out = f(src_w, dst_w, *tables, zeros)
    return list(out) if isinstance(out, (list, tuple)) else [out]


def _stage_a_body(x_ref, w_ref, dp_ref, dinv_ref, h0, h1, h2, h3):
    deg = 1.0 + dp_ref[0, :, 0:1] + dp_ref[1, :, 0:1]
    dinv = lax.rsqrt(deg)
    h = jnp.dot(x_ref[...], w_ref[...],
                preferred_element_type=jnp.float32) * dinv
    dinv_ref[...] = dinv
    for cb, hr in enumerate((h0, h1, h2, h3)):
        hr[...] = h[:, cb * 128:(cb + 1) * 128]


def _stage_a(x, w1, degp):
    din = x.shape[1]
    return pl.pallas_call(
        _stage_a_body,
        grid=(_NB,),
        in_specs=[pl.BlockSpec((_RB, din), lambda i: (i, 0)),
                  pl.BlockSpec((din, 512), lambda i: (0, 0)),
                  pl.BlockSpec((2, _RB, 128), lambda i: (0, i, 0))],
        out_specs=[pl.BlockSpec((_RB, 1), lambda i: (i, 0))] +
                  [pl.BlockSpec((_RB, 128), lambda i: (i, 0))] * 4,
        out_shape=[jax.ShapeDtypeStruct((_N, 1), jnp.float32)] +
                  [jax.ShapeDtypeStruct((_N, 128), jnp.float32)] * 4,
    )(x, w1, degp)


def _stats(ps, hs, dinv, b2d):
    ncb = len(hs)
    dcol = hs[0].shape[1]

    def body(*refs):
        p_refs = refs[0:ncb]
        h_refs = refs[ncb:2 * ncb]
        dinv_ref = refs[2 * ncb]
        b_ref = refs[2 * ncb + 1]
        zouts = refs[2 * ncb + 2:2 * ncb + 2 + ncb]
        st = refs[-1]
        i = pl.program_id(0)

        @pl.when(i == 0)
        def _():
            st[...] = jnp.zeros_like(st)

        dinv = dinv_ref[...]
        for cb in range(ncb):
            z = dinv * (p_refs[cb][0] + p_refs[cb][1] + h_refs[cb][...]) \
                + b_ref[cb]
            zouts[cb][...] = z
            sl = pl.ds(cb * dcol, dcol)
            st[0:1, sl] = st[0:1, sl] + jnp.sum(z, 0, keepdims=True)
            st[1:2, sl] = st[1:2, sl] + jnp.sum(z * z, 0, keepdims=True)

    outs = pl.pallas_call(
        body,
        grid=(_NB,),
        in_specs=[pl.BlockSpec((2, _RB, dcol), lambda i: (0, i, 0))] * ncb +
                 [pl.BlockSpec((_RB, dcol), lambda i: (i, 0))] * ncb +
                 [pl.BlockSpec((_RB, 1), lambda i: (i, 0)),
                  pl.BlockSpec((ncb, dcol), lambda i: (0, 0))],
        out_specs=[pl.BlockSpec((_RB, dcol), lambda i: (i, 0))] * ncb +
                  [pl.BlockSpec((2, ncb * dcol), lambda i: (0, 0))],
        out_shape=[jax.ShapeDtypeStruct((_N, dcol), jnp.float32)] * ncb +
                  [jax.ShapeDtypeStruct((2, ncb * dcol), jnp.float32)],
    )(*ps, *hs, dinv, b2d)
    return outs[:ncb], outs[ncb]


def _transform(zs, st, g, be, w, dinv, ncb_out, dcol_out):
    ncb_in = len(zs)
    dcol_in = zs[0].shape[1]
    din = ncb_in * dcol_in
    dn = w.shape[1]

    def body(*refs):
        z_refs = refs[0:ncb_in]
        st_ref = refs[ncb_in]
        g_ref = refs[ncb_in + 1]
        be_ref = refs[ncb_in + 2]
        w_ref = refs[ncb_in + 3]
        dinv_ref = refs[ncb_in + 4]
        outs = refs[ncb_in + 5:]
        mu = st_ref[0:1, :] * (1.0 / _N)
        var = st_ref[1:2, :] * (1.0 / _N) - mu * mu
        scale = g_ref[...] * lax.rsqrt(var + 1e-5)
        if ncb_in > 1:
            z = jnp.concatenate([zr[...] for zr in z_refs], axis=1)
        else:
            z = z_refs[0][...]
        a = jnp.maximum((z - mu) * scale + be_ref[...], 0.0)
        h = jnp.dot(a, w_ref[...],
                    preferred_element_type=jnp.float32) * dinv_ref[...]
        pad = ncb_out * dcol_out - dn
        if pad:
            h = jnp.concatenate(
                [h, jnp.zeros((_RB, pad), jnp.float32)], axis=1)
        for cb, o in enumerate(outs):
            o[...] = h[:, cb * dcol_out:(cb + 1) * dcol_out]

    return pl.pallas_call(
        body,
        grid=(_NB,),
        in_specs=[pl.BlockSpec((_RB, dcol_in), lambda i: (i, 0))] * ncb_in +
                 [pl.BlockSpec((2, din), lambda i: (0, 0)),
                  pl.BlockSpec((1, din), lambda i: (0, 0)),
                  pl.BlockSpec((1, din), lambda i: (0, 0)),
                  pl.BlockSpec((din, dn), lambda i: (0, 0)),
                  pl.BlockSpec((_RB, 1), lambda i: (i, 0))],
        out_specs=[pl.BlockSpec((_RB, dcol_out), lambda i: (i, 0))] * ncb_out,
        out_shape=[jax.ShapeDtypeStruct((_N, dcol_out), jnp.float32)] * ncb_out,
    )(*zs, st, g, be, w, dinv)


def _final(z3, st3, g, be, batch3d):

    def body(z_ref, st_ref, g_ref, be_ref, b_ref, out_ref, acc):
        i = pl.program_id(0)

        @pl.when(i == 0)
        def _():
            acc[...] = jnp.zeros_like(acc)

        mu = st_ref[0:1, :] * (1.0 / _N)
        var = st_ref[1:2, :] * (1.0 / _N) - mu * mu
        scale = g_ref[...] * lax.rsqrt(var + 1e-5)
        z = ((z_ref[...] - mu) * scale + be_ref[...])[:, 0:64]
        bt = jnp.broadcast_to(b_ref[0], (_G, _RB))
        oh_t = (lax.broadcasted_iota(jnp.int32, (_G, _RB), 0) == bt
                ).astype(jnp.float32)
        zaug = jnp.concatenate([z, jnp.ones((_RB, 64), jnp.float32)], axis=1)
        acc[...] = acc[...] + jnp.dot(oh_t, zaug,
                                      preferred_element_type=jnp.float32)

        @pl.when(i == _NB - 1)
        def _():
            s = acc[...]
            cnt = jnp.maximum(s[:, 64:65], 1.0)
            pooled = s[:, 0:64] / cnt
            m = jnp.max(pooled, axis=1, keepdims=True)
            e = jnp.exp(pooled - m)
            out_ref[...] = (pooled - m) - jnp.log(
                jnp.sum(e, axis=1, keepdims=True))

    return pl.pallas_call(
        body,
        grid=(_NB,),
        in_specs=[pl.BlockSpec((_RB, 128), lambda i: (i, 0)),
                  pl.BlockSpec((2, 128), lambda i: (0, 0)),
                  pl.BlockSpec((1, 128), lambda i: (0, 0)),
                  pl.BlockSpec((1, 128), lambda i: (0, 0)),
                  pl.BlockSpec((1, 1, _RB), lambda i: (i, 0, 0))],
        out_specs=pl.BlockSpec((_G, 64), lambda i: (0, 0)),
        out_shape=jax.ShapeDtypeStruct((_G, 64), jnp.float32),
        scratch_shapes=[pltpu.VMEM((_G, 128), jnp.float32)],
    )(z3, st3, g, be, batch3d)


def kernel(x, edge_index, batch, W1, b1, g1, be1, W2, b2, g2, be2,
           W3, b3, g3, be3):
    src = edge_index[0]
    dst = edge_index[1]

    def _split(a, fill):
        parts = []
        for lo, hi, k in ((0, _E0, _K0), (_E0, _E, _K1)):
            seg = a[lo:hi]
            pad = k * _NS * _CH - (hi - lo)
            seg = jnp.concatenate(
                [seg, jnp.full((pad,), fill, jnp.int32)]).reshape(
                    _NS, k, _CH)
            seg = jnp.pad(seg, ((0, 0), (0, _KMAX - k), (0, 0)),
                          constant_values=fill)
            parts.append(seg)
        return jnp.stack(parts)

    src_w = _split(src, 0)
    dst_w = _split(dst, _N)

    degp = _deg_partials(dst_w)
    dinv, h0, h1, h2, h3 = _stage_a(x, W1, degp)
    hs1 = (h0, h1, h2, h3)

    p1 = _agg_partials(src_w, dst_w, hs1)
    z1, st1 = _stats(p1, hs1, dinv, b1.reshape(4, 128))
    hs2 = _transform(z1, st1, g1.reshape(1, 512), be1.reshape(1, 512),
                     W2, dinv, ncb_out=4, dcol_out=128)

    p2 = _agg_partials(src_w, dst_w, hs2)
    z2, st2 = _stats(p2, hs2, dinv, b2.reshape(4, 128))
    hs3 = _transform(z2, st2, g2.reshape(1, 512), be2.reshape(1, 512),
                     W3, dinv, ncb_out=1, dcol_out=128)
    zpad = jnp.zeros((64,), jnp.float32)
    b3p = jnp.concatenate([b3, zpad]).reshape(1, 128)
    g3p = jnp.concatenate([g3, jnp.ones((64,), jnp.float32)]).reshape(1, 128)
    be3p = jnp.concatenate([be3, zpad]).reshape(1, 128)

    p3 = _agg_partials(src_w, dst_w, tuple(hs3))
    z3, st3 = _stats(p3, tuple(hs3), dinv, b3p)
    return _final(z3[0], st3, g3p, be3p, batch.reshape(_NB, 1, _RB))

# --- scband reference (transcript-rebuilt; emitter-appended) ---
"""Pipeline reference for scband-gcn-local-53807350284448 (READ-ONLY COPY).

The authoritative reference and input builder live on the scoring server;
editing this copy changes nothing except your own understanding.
"""

import jax, jax.numpy as jnp
import numpy as np

N = 10000
E = 160000
DIN = 256
DH = 512
DOUT = 64
G = 64


def setup_inputs(seed: int = 0) -> dict:
    key = jax.random.key(seed)
    ks = jax.random.split(key, 10)
    x = jax.random.normal(ks[0], (N, DIN), dtype=jnp.float32)
    edge_index = jax.random.randint(ks[1], (2, E), 0, N, dtype=jnp.int32)
    batch = jnp.sort(jax.random.randint(ks[2], (N,), 0, G, dtype=jnp.int32))
    W1 = jax.random.normal(ks[3], (DIN, DH), dtype=jnp.float32) * (1.0 / np.sqrt(DIN))
    b1 = jnp.zeros((DH,), jnp.float32)
    W2 = jax.random.normal(ks[4], (DH, DH), dtype=jnp.float32) * (1.0 / np.sqrt(DH))
    b2 = jnp.zeros((DH,), jnp.float32)
    W3 = jax.random.normal(ks[5], (DH, DOUT), dtype=jnp.float32) * (1.0 / np.sqrt(DH))
    b3 = jnp.zeros((DOUT,), jnp.float32)
    g1 = jnp.ones((DH,), jnp.float32); be1 = jnp.zeros((DH,), jnp.float32)
    g2 = jnp.ones((DH,), jnp.float32); be2 = jnp.zeros((DH,), jnp.float32)
    g3 = jnp.ones((DOUT,), jnp.float32); be3 = jnp.zeros((DOUT,), jnp.float32)
    return {"x": x, "edge_index": edge_index, "batch": batch,
            "W1": W1, "b1": b1, "g1": g1, "be1": be1,
            "W2": W2, "b2": b2, "g2": g2, "be2": be2,
            "W3": W3, "b3": b3, "g3": g3, "be3": be3}


def _gcn_conv(x, edge_index, W, b):
    # GCNConv: add self-loops, symmetric normalization, XW then scatter-add aggregation
    loop = jnp.arange(N, dtype=edge_index.dtype)
    src = jnp.concatenate([edge_index[0], loop])
    dst = jnp.concatenate([edge_index[1], loop])
    deg = jnp.zeros((N,), x.dtype).at[dst].add(1.0)
    dinv = jax.lax.rsqrt(deg)
    norm = dinv[src] * dinv[dst]
    h = x @ W
    out = jnp.zeros((N, W.shape[1]), x.dtype).at[dst].add(h[src] * norm[:, None])
    return out + b


def _batchnorm(x, gamma, beta, eps=1e-5):
    mu = jnp.mean(x, axis=0)
    var = jnp.var(x, axis=0)
    return gamma * (x - mu) * jax.lax.rsqrt(var + eps) + beta


def reference(x, edge_index, batch, W1, b1, g1, be1, W2, b2, g2, be2, W3, b3, g3, be3):
    h = _gcn_conv(x, edge_index, W1, b1)
    h = _batchnorm(h, g1, be1)
    h = jax.nn.relu(h)
    h = _gcn_conv(h, edge_index, W2, b2)
    h = _batchnorm(h, g2, be2)
    h = jax.nn.relu(h)
    h = _gcn_conv(h, edge_index, W3, b3)
    h = _batchnorm(h, g3, be3)
    sums = jax.ops.segment_sum(h, batch, num_segments=G)
    cnt = jax.ops.segment_sum(jnp.ones((N, 1), h.dtype), batch, num_segments=G)
    pooled = sums / jnp.maximum(cnt, 1.0)
    return jax.nn.log_softmax(pooled, axis=1)

if __name__ == "__main__":
    import jax
    _d = setup_inputs()
    print(jax.jit(kernel)(*tuple(_d.values())))

</pallas_src>

<mosaic_0001>
#map = affine_map<(d0, d1) -> (0, 0, 0, 0)>
#map1 = affine_map<(d0, d1) -> (0, 0)>
#map2 = affine_map<(d0, d1) -> (0, 0, 0)>
module attributes {stable_mosaic.version = 14 : i64} {
  func.func @body(%arg0: i32, %arg1: i32, %arg2: memref<2x16x62x128xi32, #tpu.memory_space<hbm>>, %arg3: memref<2x16x62x128xi32, #tpu.memory_space<hbm>>, %arg4: memref<10000x128xf32, #tpu.memory_space<hbm>>, %arg5: memref<10000x128xf32, #tpu.memory_space<hbm>>, %arg6: memref<10000x128xf32, #tpu.memory_space<hbm>>, %arg7: memref<10000x128xf32, #tpu.memory_space<hbm>>, %arg8: memref<632x128xf32, #tpu.memory_space<hbm>>, %arg9: memref<2x10112x128xf32, #tpu.memory_space<hbm>>, %arg10: memref<2x10112x128xf32, #tpu.memory_space<hbm>>, %arg11: memref<2x10112x128xf32, #tpu.memory_space<hbm>>, %arg12: memref<2x10112x128xf32, #tpu.memory_space<hbm>>, %arg13: memref<62x128xi32, #tpu.memory_space<vmem>>, %arg14: memref<62x128xi32, #tpu.memory_space<vmem>>, %arg15: memref<128x128xf32, #tpu.memory_space<vmem>>, %arg16: memref<128x128xf32, #tpu.memory_space<vmem>>, %arg17: memref<10112x128xf32, #tpu.memory_space<vmem_shared>>, %arg18: memref<!tpu.dma_semaphore, #tpu.memory_space<semaphore_mem>>, %arg19: memref<!tpu.dma_semaphore, #tpu.memory_space<semaphore_mem>>, %arg20: memref<!tpu.dma_semaphore, #tpu.memory_space<semaphore_mem>>, %arg21: memref<!tpu.dma_semaphore, #tpu.memory_space<semaphore_mem>>) attributes {dimension_semantics = [#tpu.dimension_semantics<core_parallel>, #tpu.dimension_semantics<subcore_parallel>], iteration_bounds = array<i64: 2, 16>, scalar_prefetch = 0 : i64, scratch_operands = 9 : i64, tpu.core_type = #tpu.core_type<sc_vector_subcore>, window_params = [{transform_indices = #map}, {transform_indices = #map}, {transform_indices = #map1}, {transform_indices = #map1}, {transform_indices = #map1}, {transform_indices = #map1}, {transform_indices = #map1}, {transform_indices = #map2}, {transform_indices = #map2}, {transform_indices = #map2}, {transform_indices = #map2}]} {
    %eq3A = arith.constant 0 : i32
    %eq3A_0 = arith.cmpi eq, %arg0, %eq3A : i32
    %jit3A = arith.constant 31 : i32
    %jit3A_1 = arith.constant 9 : i32
    %select_n3A = arith.select %eq3A_0, %jit3A, %jit3A_1 : i32
    "tpu.region"() ({
      %run_scoped3A = tpu.sem_alloc : memref<!tpu.dma_semaphore, #tpu.memory_space<semaphore_mem>>
      %dma_start3A_130 = arith.constant 0 : i32
      %dma_start3A_131 = arith.constant 0 : i32
      %dma_start3A_132 = tpu.memref_slice %arg2[%arg0, %arg1, %dma_start3A_130, %dma_start3A_131] : memref<2x16x62x128xi32, #tpu.memory_space<hbm>> -> memref<1x1x62x128xi32, #tpu.memory_space<hbm>>
      %dma_start3A_133 = tpu.memref_squeeze %dma_start3A_132 : memref<1x1x62x128xi32, #tpu.memory_space<hbm>> -> memref<62x128xi32, #tpu.memory_space<hbm>>
      %dma_start3A_134 = arith.constant 0 : i32
      %dma_start3A_135 = arith.constant 0 : i32
      %dma_start3A_136 = tpu.memref_slice %arg2[%arg0, %arg1, %dma_start3A_134, %dma_start3A_135] : memref<2x16x62x128xi32, #tpu.memory_space<hbm>> -> memref<1x1x62x128xi32, #tpu.memory_space<hbm>>
      %dma_start3A_137 = tpu.memref_squeeze %dma_start3A_136 : memref<1x1x62x128xi32, #tpu.memory_space<hbm>> -> memref<62x128xi32, #tpu.memory_space<hbm>>
      tpu.enqueue_dma source(%dma_start3A_137 : memref<62x128xi32, #tpu.memory_space<hbm>>) target(%arg13 : memref<62x128xi32, #tpu.memory_space<vmem>>) target_semaphore(%run_scoped3A : memref<!tpu.dma_semaphore, #tpu.memory_space<semaphore_mem>>)
      %dma_wait3A = arith.constant 0 : i32
      %dma_wait3A_138 = arith.constant 0 : i32
      %dma_wait3A_139 = tpu.memref_slice %arg2[%arg0, %arg1, %dma_wait3A, %dma_wait3A_138] : memref<2x16x62x128xi32, #tpu.memory_space<hbm>> -> memref<1x1x62x128xi32, #tpu.memory_space<hbm>>
      %dma_wait3A_140 = tpu.memref_squeeze %dma_wait3A_139 : memref<1x1x62x128xi32, #tpu.memory_space<hbm>> -> memref<62x128xi32, #tpu.memory_space<hbm>>
      %dma_wait3A_141 = arith.constant 0 : i32
      %dma_wait3A_142 = arith.constant 0 : i32
      %dma_wait3A_143 = tpu.memref_slice %arg2[%arg0, %arg1, %dma_wait3A_141, %dma_wait3A_142] : memref<2x16x62x128xi32, #tpu.memory_space<hbm>> -> memref<1x1x62x128xi32, #tpu.memory_space<hbm>>
      %dma_wait3A_144 = tpu.memref_squeeze %dma_wait3A_143 : memref<1x1x62x128xi32, #tpu.memory_space<hbm>> -> memref<62x128xi32, #tpu.memory_space<hbm>>
      tpu.wait_dma2 semaphore(%run_scoped3A : memref<!tpu.dma_semaphore, #tpu.memory_space<semaphore_mem>>) src(%dma_wait3A_144 : memref<62x128xi32, #tpu.memory_space<hbm>>) dst(%arg13 : memref<62x128xi32, #tpu.memory_space<vmem>>)
      tpu.yield
    }) : () -> ()
    "tpu.region"() ({
      %run_scoped3A = tpu.sem_alloc : memref<!tpu.dma_semaphore, #tpu.memory_space<semaphore_mem>>
      %dma_start3A_130 = arith.constant 0 : i32
      %dma_start3A_131 = arith.constant 0 : i32
      %dma_start3A_132 = tpu.memref_slice %arg3[%arg0, %arg1, %dma_start3A_130, %dma_start3A_131] : memref<2x16x62x128xi32, #tpu.memory_space<hbm>> -> memref<1x1x62x128xi32, #tpu.memory_space<hbm>>
      %dma_start3A_133 = tpu.memref_squeeze %dma_start3A_132 : memref<1x1x62x128xi32, #tpu.memory_space<hbm>> -> memref<62x128xi32, #tpu.memory_space<hbm>>
      %dma_start3A_134 = arith.constant 0 : i32
      %dma_start3A_135 = arith.constant 0 : i32
      %dma_start3A_136 = tpu.memref_slice %arg3[%arg0, %arg1, %dma_start3A_134, %dma_start3A_135] : memref<2x16x62x128xi32, #tpu.memory_space<hbm>> -> memref<1x1x62x128xi32, #tpu.memory_space<hbm>>
      %dma_start3A_137 = tpu.memref_squeeze %dma_start3A_136 : memref<1x1x62x128xi32, #tpu.memory_space<hbm>> -> memref<62x128xi32, #tpu.memory_space<hbm>>
      tpu.enqueue_dma source(%dma_start3A_137 : memref<62x128xi32, #tpu.memory_space<hbm>>) target(%arg14 : memref<62x128xi32, #tpu.memory_space<vmem>>) target_semaphore(%run_scoped3A : memref<!tpu.dma_semaphore, #tpu.memory_space<semaphore_mem>>)
      %dma_wait3A = arith.constant 0 : i32
      %dma_wait3A_138 = arith.constant 0 : i32
      %dma_wait3A_139 = tpu.memref_slice %arg3[%arg0, %arg1, %dma_wait3A, %dma_wait3A_138] : memref<2x16x62x128xi32, #tpu.memory_space<hbm>> -> memref<1x1x62x128xi32, #tpu.memory_space<hbm>>
      %dma_wait3A_140 = tpu.memref_squeeze %dma_wait3A_139 : memref<1x1x62x128xi32, #tpu.memory_space<hbm>> -> memref<62x128xi32, #tpu.memory_space<hbm>>
      %dma_wait3A_141 = arith.constant 0 : i32
      %dma_wait3A_142 = arith.constant 0 : i32
      %dma_wait3A_143 = tpu.memref_slice %arg3[%arg0, %arg1, %dma_wait3A_141, %dma_wait3A_142] : memref<2x16x62x128xi32, #tpu.memory_space<hbm>> -> memref<1x1x62x128xi32, #tpu.memory_space<hbm>>
      %dma_wait3A_144 = tpu.memref_squeeze %dma_wait3A_143 : memref<1x1x62x128xi32, #tpu.memory_space<hbm>> -> memref<62x128xi32, #tpu.memory_space<hbm>>
      tpu.wait_dma2 semaphore(%run_scoped3A : memref<!tpu.dma_semaphore, #tpu.memory_space<semaphore_mem>>) src(%dma_wait3A_144 : memref<62x128xi32, #tpu.memory_space<hbm>>) dst(%arg14 : memref<62x128xi32, #tpu.memory_space<vmem>>)
      tpu.yield
    }) : () -> ()
    %mul3A = arith.constant 632 : i32
    %mul3A_2 = arith.muli %arg1, %mul3A : i32
    "tpu.region"() ({
      %run_scoped3A = tpu.sem_alloc : memref<!tpu.dma_semaphore, #tpu.memory_space<semaphore_mem>>
      %dma_start3A_130 = arith.constant 0 : i32
      %dma_start3A_131 = tpu.memref_slice %arg17[%mul3A_2, %dma_start3A_130] : memref<10112x128xf32, #tpu.memory_space<vmem_shared>> -> memref<632x128xf32, #tpu.memory_space<vmem_shared>>
      tpu.enqueue_dma source(%arg8 : memref<632x128xf32, #tpu.memory_space<hbm>>) target(%dma_start3A_131 : memref<632x128xf32, #tpu.memory_space<vmem_shared>>) target_semaphore(%run_scoped3A : memref<!tpu.dma_semaphore, #tpu.memory_space<semaphore_mem>>)
      %dma_wait3A = arith.constant 0 : i32
      %dma_wait3A_132 = tpu.memref_slice %arg17[%mul3A_2, %dma_wait3A] : memref<10112x128xf32, #tpu.memory_space<vmem_shared>> -> memref<632x128xf32, #tpu.memory_space<vmem_shared>>
      tpu.wait_dma2 semaphore(%run_scoped3A : memref<!tpu.dma_semaphore, #tpu.memory_space<semaphore_mem>>) src(%arg8 : memref<632x128xf32, #tpu.memory_space<hbm>>) dst(%dma_wait3A_132 : memref<632x128xf32, #tpu.memory_space<vmem_shared>>)
      tpu.yield
    }) : () -> ()
    %barrier3A = arith.constant 0 : index
    tpu.barrier barrier_id(%barrier3A)
    %dma_start3A = arith.constant 0 : i32
    %dma_start3A_3 = arith.constant 0 : i32
    %dma_start3A_4 = tpu.memref_slice %arg13[%dma_start3A, %dma_start3A_3] : memref<62x128xi32, #tpu.memory_space<vmem>> -> memref<1x128xi32, #tpu.memory_space<vmem>>
    %dma_start3A_5 = tpu.memref_squeeze %dma_start3A_4 : memref<1x128xi32, #tpu.memory_space<vmem>> -> memref<128xi32, #tpu.memory_space<vmem>>
    %dma_start3A_6 = arith.constant 0 : i32
    %dma_start3A_7 = arith.constant 0 : i32
    %dma_start3A_8 = tpu.memref_slice %arg4[%dma_start3A_6, %dma_start3A_7] : memref<10000x128xf32, #tpu.memory_space<hbm>> -> memref<10000x128xf32, #tpu.memory_space<hbm>>
    tpu.enqueue_indirect_dma source(%dma_start3A_8 : memref<10000x128xf32, #tpu.memory_space<hbm>>) target(%arg15 : memref<128x128xf32, #tpu.memory_space<vmem>>) offsets(%dma_start3A_5 : memref<128xi32, #tpu.memory_space<vmem>>) semaphore(%arg18 : memref<!tpu.dma_semaphore, #tpu.memory_space<semaphore_mem>>)
    %dma_start3A_9 = arith.constant 1 : i32
    %dma_start3A_10 = arith.constant 0 : i32
    %dma_start3A_11 = tpu.memref_slice %arg13[%dma_start3A_9, %dma_start3A_10] : memref<62x128xi32, #tpu.memory_space<vmem>> -> memref<1x128xi32, #tpu.memory_space<vmem>>
    %dma_start3A_12 = tpu.memref_squeeze %dma_start3A_11 : memref<1x128xi32, #tpu.memory_space<vmem>> -> memref<128xi32, #tpu.memory_space<vmem>>
    %dma_start3A_13 = arith.constant 0 : i32
    %dma_start3A_14 = arith.constant 0 : i32
    %dma_start3A_15 = tpu.memref_slice %arg4[%dma_start3A_13, %dma_start3A_14] : memref<10000x128xf32, #tpu.memory_space<hbm>> -> memref<10000x128xf32, #tpu.memory_space<hbm>>
    tpu.enqueue_indirect_dma source(%dma_start3A_15 : memref<10000x128xf32, #tpu.memory_space<hbm>>) target(%arg16 : memref<128x128xf32, #tpu.memory_space<vmem>>) offsets(%dma_start3A_12 : memref<128xi32, #tpu.memory_space<vmem>>) semaphore(%arg19 : memref<!tpu.dma_semaphore, #tpu.memory_space<semaphore_mem>>)
    %while3A = arith.constant 0 : i32
    %while3A_16 = arith.constant 0 : i32
    %while3A_17 = arith.subi %select_n3A, %while3A_16 : i32
    %while3A_18 = arith.addi %while3A_16, %while3A_17 : i32
    %while3A_19 = arith.constant 1 : i32
    %while3A_20 = arith.divsi %while3A_17, %while3A_19 : i32
    %while3A_21 = arith.muli %while3A_20, %while3A_19 : i32
    %while3A_22 = arith.addi %while3A_16, %while3A_21 : i32
    %while3A_23 = arith.constant 1 : i32
    scf.for %while3A_130 = %while3A_16 to %while3A_22 step %while3A_23  : i32 {
      %dma_wait3A = arith.constant 0 : i32
      %dma_wait3A_131 = arith.constant 0 : i32
      %dma_wait3A_132 = tpu.memref_slice %arg13[%dma_wait3A, %dma_wait3A_131] : memref<62x128xi32, #tpu.memory_space<vmem>> -> memref<1x128xi32, #tpu.memory_space<vmem>>
      %dma_wait3A_133 = tpu.memref_squeeze %dma_wait3A_132 : memref<1x128xi32, #tpu.memory_space<vmem>> -> memref<128xi32, #tpu.memory_space<vmem>>
      %dma_wait3A_134 = arith.constant 0 : i32
      %dma_wait3A_135 = arith.constant 0 : i32
      %dma_wait3A_136 = tpu.memref_slice %arg4[%dma_wait3A_134, %dma_wait3A_135] : memref<10000x128xf32, #tpu.memory_space<hbm>> -> memref<10000x128xf32, #tpu.memory_space<hbm>>
      tpu.wait_indirect_dma semaphore(%arg18 : memref<!tpu.dma_semaphore, #tpu.memory_space<semaphore_mem>>) src(%dma_wait3A_136 : memref<10000x128xf32, #tpu.memory_space<hbm>>) dst(%arg15 : memref<128x128xf32, #tpu.memory_space<vmem>>)
      %mul3A_137 = arith.constant 2 : i32
      %mul3A_138 = arith.muli %while3A_130, %mul3A_137 : i32
      %add3A = arith.constant 0 : i32
      %add3A_139 = arith.addi %mul3A_138, %add3A : i32
      %dma_start3A_140 = arith.constant 0 : i32
      %dma_start3A_141 = tpu.memref_slice %arg14[%add3A_139, %dma_start3A_140] : memref<62x128xi32, #tpu.memory_space<vmem>> -> memref<1x128xi32, #tpu.memory_space<vmem>>
      %dma_start3A_142 = tpu.memref_squeeze %dma_start3A_141 : memref<1x128xi32, #tpu.memory_space<vmem>> -> memref<128xi32, #tpu.memory_space<vmem>>
      %dma_start3A_143 = arith.constant 0 : i32
      %dma_start3A_144 = arith.constant 0 : i32
      %dma_start3A_145 = tpu.memref_slice %arg17[%dma_start3A_143, %dma_start3A_144] : memref<10112x128xf32, #tpu.memory_space<vmem_shared>> -> memref<10112x128xf32, #tpu.memory_space<vmem_shared>>
      tpu.enqueue_indirect_dma source(%arg15 : memref<128x128xf32, #tpu.memory_space<vmem>>) target(%dma_start3A_145 : memref<10112x128xf32, #tpu.memory_space<vmem_shared>>) offsets(%dma_start3A_142 : memref<128xi32, #tpu.memory_space<vmem>>) semaphore(%arg20 : memref<!tpu.dma_semaphore, #tpu.memory_space<semaphore_mem>>) {add = true}
      %dma_wait3A_146 = arith.constant 1 : i32
      %dma_wait3A_147 = arith.constant 0 : i32
      %dma_wait3A_148 = tpu.memref_slice %arg13[%dma_wait3A_146, %dma_wait3A_147] : memref<62x128xi32, #tpu.memory_space<vmem>> -> memref<1x128xi32, #tpu.memory_space<vmem>>
      %dma_wait3A_149 = tpu.memref_squeeze %dma_wait3A_148 : memref<1x128xi32, #tpu.memory_space<vmem>> -> memref<128xi32, #tpu.memory_space<vmem>>
      %dma_wait3A_150 = arith.constant 0 : i32
      %dma_wait3A_151 = arith.constant 0 : i32
      %dma_wait3A_152 = tpu.memref_slice %arg4[%dma_wait3A_150, %dma_wait3A_151] : memref<10000x128xf32, #tpu.memory_space<hbm>> -> memref<10000x128xf32, #tpu.memory_space<hbm>>
      tpu.wait_indirect_dma semaphore(%arg19 : memref<!tpu.dma_semaphore, #tpu.memory_space<semaphore_mem>>) src(%dma_wait3A_152 : memref<10000x128xf32, #tpu.memory_space<hbm>>) dst(%arg16 : memref<128x128xf32, #tpu.memory_space<vmem>>)
      %mul3A_153 = arith.constant 2 : i32
      %mul3A_154 = arith.muli %while3A_130, %mul3A_153 : i32
      %add3A_155 = arith.constant 1 : i32
      %add3A_156 = arith.addi %mul3A_154, %add3A_155 : i32
      %dma_start3A_157 = arith.constant 0 : i32
      %dma_start3A_158 = tpu.memref_slice %arg14[%add3A_156, %dma_start3A_157] : memref<62x128xi32, #tpu.memory_space<vmem>> -> memref<1x128xi32, #tpu.memory_space<vmem>>
      %dma_start3A_159 = tpu.memref_squeeze %dma_start3A_158 : memref<1x128xi32, #tpu.memory_space<vmem>> -> memref<128xi32, #tpu.memory_space<vmem>>
      %dma_start3A_160 = arith.constant 0 : i32
      %dma_start3A_161 = arith.constant 0 : i32
      %dma_start3A_162 = tpu.memref_slice %arg17[%dma_start3A_160, %dma_start3A_161] : memref<10112x128xf32, #tpu.memory_space<vmem_shared>> -> memref<10112x128xf32, #tpu.memory_space<vmem_shared>>
      tpu.enqueue_indirect_dma source(%arg16 : memref<128x128xf32, #tpu.memory_space<vmem>>) target(%dma_start3A_162 : memref<10112x128xf32, #tpu.memory_space<vmem_shared>>) offsets(%dma_start3A_159 : memref<128xi32, #tpu.memory_space<vmem>>) semaphore(%arg21 : memref<!tpu.dma_semaphore, #tpu.memory_space<semaphore_mem>>) {add = true}
      %dma_wait3A_163 = arith.constant 0 : i32
      %dma_wait3A_164 = tpu.memref_slice %arg14[%add3A_139, %dma_wait3A_163] : memref<62x128xi32, #tpu.memory_space<vmem>> -> memref<1x128xi32, #tpu.memory_space<vmem>>
      %dma_wait3A_165 = tpu.memref_squeeze %dma_wait3A_164 : memref<1x128xi32, #tpu.memory_space<vmem>> -> memref<128xi32, #tpu.memory_space<vmem>>
      %dma_wait3A_166 = arith.constant 0 : i32
      %dma_wait3A_167 = arith.constant 0 : i32
      %dma_wait3A_168 = tpu.memref_slice %arg17[%dma_wait3A_166, %dma_wait3A_167] : memref<10112x128xf32, #tpu.memory_space<vmem_shared>> -> memref<10112x128xf32, #tpu.memory_space<vmem_shared>>
      tpu.wait_indirect_dma semaphore(%arg20 : memref<!tpu.dma_semaphore, #tpu.memory_space<semaphore_mem>>) src(%arg15 : memref<128x128xf32, #tpu.memory_space<vmem>>) dst(%dma_wait3A_168 : memref<10112x128xf32, #tpu.memory_space<vmem_shared>>)
      %sub3A = arith.constant 1 : i32
      %sub3A_169 = arith.subi %select_n3A, %sub3A : i32
      %lt3A = arith.cmpi slt, %while3A_130, %sub3A_169 : i32
      %convert_element_type3A = arith.extui %lt3A : i1 to i32
      %cond3A = arith.constant 0 : i32
      %cond3A_170 = arith.cmpi ne, %convert_element_type3A, %cond3A : i32
      scf.if %cond3A_170 {
        %mul3A_183 = arith.constant 2 : i32
        %mul3A_184 = arith.muli %while3A_130, %mul3A_183 : i32
        %add3A_185 = arith.constant 2 : i32
        %add3A_186 = arith.addi %mul3A_184, %add3A_185 : i32
        %add3A_187 = arith.constant 0 : i32
        %add3A_188 = arith.addi %add3A_186, %add3A_187 : i32
        %dma_start3A_189 = arith.constant 0 : i32
        %dma_start3A_190 = tpu.memref_slice %arg13[%add3A_188, %dma_start3A_189] : memref<62x128xi32, #tpu.memory_space<vmem>> -> memref<1x128xi32, #tpu.memory_space<vmem>>
        %dma_start3A_191 = tpu.memref_squeeze %dma_start3A_190 : memref<1x128xi32, #tpu.memory_space<vmem>> -> memref<128xi32, #tpu.memory_space<vmem>>
        %dma_start3A_192 = arith.constant 0 : i32
        %dma_start3A_193 = arith.constant 0 : i32
        %dma_start3A_194 = tpu.memref_slice %arg4[%dma_start3A_192, %dma_start3A_193] : memref<10000x128xf32, #tpu.memory_space<hbm>> -> memref<10000x128xf32, #tpu.memory_space<hbm>>
        tpu.enqueue_indirect_dma source(%dma_start3A_194 : memref<10000x128xf32, #tpu.memory_space<hbm>>) target(%arg15 : memref<128x128xf32, #tpu.memory_space<vmem>>) offsets(%dma_start3A_191 : memref<128xi32, #tpu.memory_space<vmem>>) semaphore(%arg18 : memref<!tpu.dma_semaphore, #tpu.memory_space<semaphore_mem>>)
      } else {
      }
      %dma_wait3A_171 = arith.constant 0 : i32
      %dma_wait3A_172 = tpu.memref_slice %arg14[%add3A_156, %dma_wait3A_171] : memref<62x128xi32, #tpu.memory_space<vmem>> -> memref<1x128xi32, #tpu.memory_space<vmem>>
      %dma_wait3A_173 = tpu.memref_squeeze %dma_wait3A_172 : memref<1x128xi32, #tpu.memory_space<vmem>> -> memref<128xi32, #tpu.memory_space<vmem>>
      %dma_wait3A_174 = arith.constant 0 : i32
      %dma_wait3A_175 = arith.constant 0 : i32
      %dma_wait3A_176 = tpu.memref_slice %arg17[%dma_wait3A_174, %dma_wait3A_175] : memref<10112x128xf32, #tpu.memory_space<vmem_shared>> -> memref<10112x128xf32, #tpu.memory_space<vmem_shared>>
      tpu.wait_indirect_dma semaphore(%arg21 : memref<!tpu.dma_semaphore, #tpu.memory_space<semaphore_mem>>) src(%arg16 : memref<128x128xf32, #tpu.memory_space<vmem>>) dst(%dma_wait3A_176 : memref<10112x128xf32, #tpu.memory_space<vmem_shared>>)
      %sub3A_177 = arith.constant 1 : i32
      %sub3A_178 = arith.subi %select_n3A, %sub3A_177 : i32
      %lt3A_179 = arith.cmpi slt, %while3A_130, %sub3A_178 : i32
      %convert_element_type3A_180 = arith.extui %lt3A_179 : i1 to i32
      %cond3A_181 = arith.constant 0 : i32
      %cond3A_182 = arith.cmpi ne, %convert_element_type3A_180, %cond3A_181 : i32
      scf.if %cond3A_182 {
        %mul3A_183 = arith.constant 2 : i32
        %mul3A_184 = arith.muli %while3A_130, %mul3A_183 : i32
        %add3A_185 = arith.constant 2 : i32
        %add3A_186 = arith.addi %mul3A_184, %add3A_185 : i32
        %add3A_187 = arith.constant 1 : i32
        %add3A_188 = arith.addi %add3A_186, %add3A_187 : i32
        %dma_start3A_189 = arith.constant 0 : i32
        %dma_start3A_190 = tpu.memref_slice %arg13[%add3A_188, %dma_start3A_189] : memref<62x128xi32, #tpu.memory_space<vmem>> -> memref<1x128xi32, #tpu.memory_space<vmem>>
        %dma_start3A_191 = tpu.memref_squeeze %dma_start3A_190 : memref<1x128xi32, #tpu.memory_space<vmem>> -> memref<128xi32, #tpu.memory_space<vmem>>
        %dma_start3A_192 = arith.constant 0 : i32
        %dma_start3A_193 = arith.constant 0 : i32
        %dma_start3A_194 = tpu.memref_slice %arg4[%dma_start3A_192, %dma_start3A_193] : memref<10000x128xf32, #tpu.memory_space<hbm>> -> memref<10000x128xf32, #tpu.memory_space<hbm>>
        tpu.enqueue_indirect_dma source(%dma_start3A_194 : memref<10000x128xf32, #tpu.memory_space<hbm>>) target(%arg16 : memref<128x128xf32, #tpu.memory_space<vmem>>) offsets(%dma_start3A_191 : memref<128xi32, #tpu.memory_space<vmem>>) semaphore(%arg19 : memref<!tpu.dma_semaphore, #tpu.memory_space<semaphore_mem>>)
      } else {
      }
    }
    %while3A_24 = arith.constant 1 : i32
    scf.for %while3A_130 = %while3A_22 to %while3A_18 step %while3A_24  : i32 {
      %dma_wait3A = arith.constant 0 : i32
      %dma_wait3A_131 = arith.constant 0 : i32
      %dma_wait3A_132 = tpu.memref_slice %arg13[%dma_wait3A, %dma_wait3A_131] : memref<62x128xi32, #tpu.memory_space<vmem>> -> memref<1x128xi32, #tpu.memory_space<vmem>>
      %dma_wait3A_133 = tpu.memref_squeeze %dma_wait3A_132 : memref<1x128xi32, #tpu.memory_space<vmem>> -> memref<128xi32, #tpu.memory_space<vmem>>
      %dma_wait3A_134 = arith.constant 0 : i32
      %dma_wait3A_135 = arith.constant 0 : i32
      %dma_wait3A_136 = tpu.memref_slice %arg4[%dma_wait3A_134, %dma_wait3A_135] : memref<10000x128xf32, #tpu.memory_space<hbm>> -> memref<10000x128xf32, #tpu.memory_space<hbm>>
      tpu.wait_indirect_dma semaphore(%arg18 : memref<!tpu.dma_semaphore, #tpu.memory_space<semaphore_mem>>) src(%dma_wait3A_136 : memref<10000x128xf32, #tpu.memory_space<hbm>>) dst(%arg15 : memref<128x128xf32, #tpu.memory_space<vmem>>)
      %mul3A_137 = arith.constant 2 : i32
      %mul3A_138 = arith.muli %while3A_130, %mul3A_137 : i32
      %add3A = arith.constant 0 : i32
      %add3A_139 = arith.addi %mul3A_138, %add3A : i32
      %dma_start3A_140 = arith.constant 0 : i32
      %dma_start3A_141 = tpu.memref_slice %arg14[%add3A_139, %dma_start3A_140] : memref<62x128xi32, #tpu.memory_space<vmem>> -> memref<1x128xi32, #tpu.memory_space<vmem>>
      %dma_start3A_142 = tpu.memref_squeeze %dma_start3A_141 : memref<1x128xi32, #tpu.memory_space<vmem>> -> memref<128xi32, #tpu.memory_space<vmem>>
      %dma_start3A_143 = arith.constant 0 : i32
      %dma_start3A_144 = arith.constant 0 : i32
      %dma_start3A_145 = tpu.memref_slice %arg17[%dma_start3A_143, %dma_start3A_144] : memref<10112x128xf32, #tpu.memory_space<vmem_shared>> -> memref<10112x128xf32, #tpu.memory_space<vmem_shared>>
      tpu.enqueue_indirect_dma source(%arg15 : memref<128x128xf32, #tpu.memory_space<vmem>>) target(%dma_start3A_145 : memref<10112x128xf32, #tpu.memory_space<vmem_shared>>) offsets(%dma_start3A_142 : memref<128xi32, #tpu.memory_space<vmem>>) semaphore(%arg20 : memref<!tpu.dma_semaphore, #tpu.memory_space<semaphore_mem>>) {add = true}
      %dma_wait3A_146 = arith.constant 1 : i32
      %dma_wait3A_147 = arith.constant 0 : i32
      %dma_wait3A_148 = tpu.memref_slice %arg13[%dma_wait3A_146, %dma_wait3A_147] : memref<62x128xi32, #tpu.memory_space<vmem>> -> memref<1x128xi32, #tpu.memory_space<vmem>>
      %dma_wait3A_149 = tpu.memref_squeeze %dma_wait3A_148 : memref<1x128xi32, #tpu.memory_space<vmem>> -> memref<128xi32, #tpu.memory_space<vmem>>
      %dma_wait3A_150 = arith.constant 0 : i32
      %dma_wait3A_151 = arith.constant 0 : i32
      %dma_wait3A_152 = tpu.memref_slice %arg4[%dma_wait3A_150, %dma_wait3A_151] : memref<10000x128xf32, #tpu.memory_space<hbm>> -> memref<10000x128xf32, #tpu.memory_space<hbm>>
      tpu.wait_indirect_dma semaphore(%arg19 : memref<!tpu.dma_semaphore, #tpu.memory_space<semaphore_mem>>) src(%dma_wait3A_152 : memref<10000x128xf32, #tpu.memory_space<hbm>>) dst(%arg16 : memref<128x128xf32, #tpu.memory_space<vmem>>)
      %mul3A_153 = arith.constant 2 : i32
      %mul3A_154 = arith.muli %while3A_130, %mul3A_153 : i32
      %add3A_155 = arith.constant 1 : i32
      %add3A_156 = arith.addi %mul3A_154, %add3A_155 : i32
      %dma_start3A_157 = arith.constant 0 : i32
      %dma_start3A_158 = tpu.memref_slice %arg14[%add3A_156, %dma_start3A_157] : memref<62x128xi32, #tpu.memory_space<vmem>> -> memref<1x128xi32, #tpu.memory_space<vmem>>
      %dma_start3A_159 = tpu.memref_squeeze %dma_start3A_158 : memref<1x128xi32, #tpu.memory_space<vmem>> -> memref<128xi32, #tpu.memory_space<vmem>>
      %dma_start3A_160 = arith.constant 0 : i32
      %dma_start3A_161 = arith.constant 0 : i32
      %dma_start3A_162 = tpu.memref_slice %arg17[%dma_start3A_160, %dma_start3A_161] : memref<10112x128xf32, #tpu.memory_space<vmem_shared>> -> memref<10112x128xf32, #tpu.memory_space<vmem_shared>>
      tpu.enqueue_indirect_dma source(%arg16 : memref<128x128xf32, #tpu.memory_space<vmem>>) target(%dma_start3A_162 : memref<10112x128xf32, #tpu.memory_space<vmem_shared>>) offsets(%dma_start3A_159 : memref<128xi32, #tpu.memory_space<vmem>>) semaphore(%arg21 : memref<!tpu.dma_semaphore, #tpu.memory_space<semaphore_mem>>) {add = true}
      %dma_wait3A_163 = arith.constant 0 : i32
      %dma_wait3A_164 = tpu.memref_slice %arg14[%add3A_139, %dma_wait3A_163] : memref<62x128xi32, #tpu.memory_space<vmem>> -> memref<1x128xi32, #tpu.memory_space<vmem>>
      %dma_wait3A_165 = tpu.memref_squeeze %dma_wait3A_164 : memref<1x128xi32, #tpu.memory_space<vmem>> -> memref<128xi32, #tpu.memory_space<vmem>>
      %dma_wait3A_166 = arith.constant 0 : i32
      %dma_wait3A_167 = arith.constant 0 : i32
      %dma_wait3A_168 = tpu.memref_slice %arg17[%dma_wait3A_166, %dma_wait3A_167] : memref<10112x128xf32, #tpu.memory_space<vmem_shared>> -> memref<10112x128xf32, #tpu.memory_space<vmem_shared>>
      tpu.wait_indirect_dma semaphore(%arg20 : memref<!tpu.dma_semaphore, #tpu.memory_space<semaphore_mem>>) src(%arg15 : memref<128x128xf32, #tpu.memory_space<vmem>>) dst(%dma_wait3A_168 : memref<10112x128xf32, #tpu.memory_space<vmem_shared>>)
      %sub3A = arith.constant 1 : i32
      %sub3A_169 = arith.subi %select_n3A, %sub3A : i32
      %lt3A = arith.cmpi slt, %while3A_130, %sub3A_169 : i32
      %convert_element_type3A = arith.extui %lt3A : i1 to i32
      %cond3A = arith.constant 0 : i32
      %cond3A_170 = arith.cmpi ne, %convert_element_type3A, %cond3A : i32
      scf.if %cond3A_170 {
        %mul3A_183 = arith.constant 2 : i32
        %mul3A_184 = arith.muli %while3A_130, %mul3A_183 : i32
        %add3A_185 = arith.constant 2 : i32
        %add3A_186 = arith.addi %mul3A_184, %add3A_185 : i32
        %add3A_187 = arith.constant 0 : i32
        %add3A_188 = arith.addi %add3A_186, %add3A_187 : i32
        %dma_start3A_189 = arith.constant 0 : i32
        %dma_start3A_190 = tpu.memref_slice %arg13[%add3A_188, %dma_start3A_189] : memref<62x128xi32, #tpu.memory_space<vmem>> -> memref<1x128xi32, #tpu.memory_space<vmem>>
        %dma_start3A_191 = tpu.memref_squeeze %dma_start3A_190 : memref<1x128xi32, #tpu.memory_space<vmem>> -> memref<128xi32, #tpu.memory_space<vmem>>
        %dma_start3A_192 = arith.constant 0 : i32
        %dma_start3A_193 = arith.constant 0 : i32
        %dma_start3A_194 = tpu.memref_slice %arg4[%dma_start3A_192, %dma_start3A_193] : memref<10000x128xf32, #tpu.memory_space<hbm>> -> memref<10000x128xf32, #tpu.memory_space<hbm>>
        tpu.enqueue_indirect_dma source(%dma_start3A_194 : memref<10000x128xf32, #tpu.memory_space<hbm>>) target(%arg15 : memref<128x128xf32, #tpu.memory_space<vmem>>) offsets(%dma_start3A_191 : memref<128xi32, #tpu.memory_space<vmem>>) semaphore(%arg18 : memref<!tpu.dma_semaphore, #tpu.memory_space<semaphore_mem>>)
      } else {
      }
      %dma_wait3A_171 = arith.constant 0 : i32
      %dma_wait3A_172 = tpu.memref_slice %arg14[%add3A_156, %dma_wait3A_171] : memref<62x128xi32, #tpu.memory_space<vmem>> -> memref<1x128xi32, #tpu.memory_space<vmem>>
      %dma_wait3A_173 = tpu.memref_squeeze %dma_wait3A_172 : memref<1x128xi32, #tpu.memory_space<vmem>> -> memref<128xi32, #tpu.memory_space<vmem>>
      %dma_wait3A_174 = arith.constant 0 : i32
      %dma_wait3A_175 = arith.constant 0 : i32
      %dma_wait3A_176 = tpu.memref_slice %arg17[%dma_wait3A_174, %dma_wait3A_175] : memref<10112x128xf32, #tpu.memory_space<vmem_shared>> -> memref<10112x128xf32, #tpu.memory_space<vmem_shared>>
      tpu.wait_indirect_dma semaphore(%arg21 : memref<!tpu.dma_semaphore, #tpu.memory_space<semaphore_mem>>) src(%arg16 : memref<128x128xf32, #tpu.memory_space<vmem>>) dst(%dma_wait3A_176 : memref<10112x128xf32, #tpu.memory_space<vmem_shared>>)
      %sub3A_177 = arith.constant 1 : i32
      %sub3A_178 = arith.subi %select_n3A, %sub3A_177 : i32
      %lt3A_179 = arith.cmpi slt, %while3A_130, %sub3A_178 : i32
      %convert_element_type3A_180 = arith.extui %lt3A_179 : i1 to i32
      %cond3A_181 = arith.constant 0 : i32
      %cond3A_182 = arith.cmpi ne, %convert_element_type3A_180, %cond3A_181 : i32
      scf.if %cond3A_182 {
        %mul3A_183 = arith.constant 2 : i32
        %mul3A_184 = arith.muli %while3A_130, %mul3A_183 : i32
        %add3A_185 = arith.constant 2 : i32
        %add3A_186 = arith.addi %mul3A_184, %add3A_185 : i32
        %add3A_187 = arith.constant 1 : i32
        %add3A_188 = arith.addi %add3A_186, %add3A_187 : i32
        %dma_start3A_189 = arith.constant 0 : i32
        %dma_start3A_190 = tpu.memref_slice %arg13[%add3A_188, %dma_start3A_189] : memref<62x128xi32, #tpu.memory_space<vmem>> -> memref<1x128xi32, #tpu.memory_space<vmem>>
        %dma_start3A_191 = tpu.memref_squeeze %dma_start3A_190 : memref<1x128xi32, #tpu.memory_space<vmem>> -> memref<128xi32, #tpu.memory_space<vmem>>
        %dma_start3A_192 = arith.constant 0 : i32
        %dma_start3A_193 = arith.constant 0 : i32
        %dma_start3A_194 = tpu.memref_slice %arg4[%dma_start3A_192, %dma_start3A_193] : memref<10000x128xf32, #tpu.memory_space<hbm>> -> memref<10000x128xf32, #tpu.memory_space<hbm>>
        tpu.enqueue_indirect_dma source(%dma_start3A_194 : memref<10000x128xf32, #tpu.memory_space<hbm>>) target(%arg16 : memref<128x128xf32, #tpu.memory_space<vmem>>) offsets(%dma_start3A_191 : memref<128xi32, #tpu.memory_space<vmem>>) semaphore(%arg19 : memref<!tpu.dma_semaphore, #tpu.memory_space<semaphore_mem>>)
      } else {
      }
    }
    %barrier3A_25 = arith.constant 0 : index
    tpu.barrier barrier_id(%barrier3A_25)
    %mul3A_26 = arith.constant 632 : i32
    %mul3A_27 = arith.muli %arg1, %mul3A_26 : i32
    %mul3A_28 = arith.constant 632 : i32
    %mul3A_29 = arith.muli %arg1, %mul3A_28 : i32
    "tpu.region"() ({
      %run_scoped3A = tpu.sem_alloc : memref<!tpu.dma_semaphore, #tpu.memory_space<semaphore_mem>>
      %dma_start3A_130 = arith.constant 0 : i32
      %dma_start3A_131 = tpu.memref_slice %arg9[%arg0, %mul3A_29, %dma_start3A_130] : memref<2x10112x128xf32, #tpu.memory_space<hbm>> -> memref<1x632x128xf32, #tpu.memory_space<hbm>>
      %dma_start3A_132 = tpu.memref_squeeze %dma_start3A_131 : memref<1x632x128xf32, #tpu.memory_space<hbm>> -> memref<632x128xf32, #tpu.memory_space<hbm>>
      %dma_start3A_133 = arith.constant 0 : i32
      %dma_start3A_134 = tpu.memref_slice %arg17[%mul3A_27, %dma_start3A_133] : memref<10112x128xf32, #tpu.memory_space<vmem_shared>> -> memref<632x128xf32, #tpu.memory_space<vmem_shared>>
      tpu.enqueue_dma source(%dma_start3A_134 : memref<632x128xf32, #tpu.memory_space<vmem_shared>>) target(%dma_start3A_132 : memref<632x128xf32, #tpu.memory_space<hbm>>) target_semaphore(%run_scoped3A : memref<!tpu.dma_semaphore, #tpu.memory_space<semaphore_mem>>)
      %dma_wait3A = arith.constant 0 : i32
      %dma_wait3A_135 = tpu.memref_slice %arg9[%arg0, %mul3A_29, %dma_wait3A] : memref<2x10112x128xf32, #tpu.memory_space<hbm>> -> memref<1x632x128xf32, #tpu.memory_space<hbm>>
      %dma_wait3A_136 = tpu.memref_squeeze %dma_wait3A_135 : memref<1x632x128xf32, #tpu.memory_space<hbm>> -> memref<632x128xf32, #tpu.memory_space<hbm>>
      %dma_wait3A_137 = arith.constant 0 : i32
      %dma_wait3A_138 = tpu.memref_slice %arg17[%mul3A_27, %dma_wait3A_137] : memref<10112x128xf32, #tpu.memory_space<vmem_shared>> -> memref<632x128xf32, #tpu.memory_space<vmem_shared>>
      tpu.wait_dma2 semaphore(%run_scoped3A : memref<!tpu.dma_semaphore, #tpu.memory_space<semaphore_mem>>) src(%dma_wait3A_138 : memref<632x128xf32, #tpu.memory_space<vmem_shared>>) dst(%dma_wait3A_136 : memref<632x128xf32, #tpu.memory_space<hbm>>)
      tpu.yield
    }) : () -> ()
    %barrier3A_30 = arith.constant 0 : index
    tpu.barrier barrier_id(%barrier3A_30)
    %mul3A_31 = arith.constant 632 : i32
    %mul3A_32 = arith.muli %arg1, %mul3A_31 : i32
    "tpu.region"() ({
      %run_scoped3A = tpu.sem_alloc : memref<!tpu.dma_semaphore, #tpu.memory_space<semaphore_mem>>
      %dma_start3A_130 = arith.constant 0 : i32
      %dma_start3A_131 = tpu.memref_slice %arg17[%mul3A_32, %dma_start3A_130] : memref<10112x128xf32, #tpu.memory_space<vmem_shared>> -> memref<632x128xf32, #tpu.memory_space<vmem_shared>>
      tpu.enqueue_dma source(%arg8 : memref<632x128xf32, #tpu.memory_space<hbm>>) target(%dma_start3A_131 : memref<632x128xf32, #tpu.memory_space<vmem_shared>>) target_semaphore(%run_scoped3A : memref<!tpu.dma_semaphore, #tpu.memory_space<semaphore_mem>>)
      %dma_wait3A = arith.constant 0 : i32
      %dma_wait3A_132 = tpu.memref_slice %arg17[%mul3A_32, %dma_wait3A] : memref<10112x128xf32, #tpu.memory_space<vmem_shared>> -> memref<632x128xf32, #tpu.memory_space<vmem_shared>>
      tpu.wait_dma2 semaphore(%run_scoped3A : memref<!tpu.dma_semaphore, #tpu.memory_space<semaphore_mem>>) src(%arg8 : memref<632x128xf32, #tpu.memory_space<hbm>>) dst(%dma_wait3A_132 : memref<632x128xf32, #tpu.memory_space<vmem_shared>>)
      tpu.yield
    }) : () -> ()
    %barrier3A_33 = arith.constant 0 : index
    tpu.barrier barrier_id(%barrier3A_33)
    %dma_start3A_34 = arith.constant 0 : i32
    %dma_start3A_35 = arith.constant 0 : i32
    %dma_start3A_36 = tpu.memref_slice %arg13[%dma_start3A_34, %dma_start3A_35] : memref<62x128xi32, #tpu.memory_space<vmem>> -> memref<1x128xi32, #tpu.memory_space<vmem>>
    %dma_start3A_37 = tpu.memref_squeeze %dma_start3A_36 : memref<1x128xi32, #tpu.memory_space<vmem>> -> memref<128xi32, #tpu.memory_space<vmem>>
    %dma_start3A_38 = arith.constant 0 : i32
    %dma_start3A_39 = arith.constant 0 : i32
    %dma_start3A_40 = tpu.memref_slice %arg5[%dma_start3A_38, %dma_start3A_39] : memref<10000x128xf32, #tpu.memory_space<hbm>> -> memref<10000x128xf32, #tpu.memory_space<hbm>>
    tpu.enqueue_indirect_dma source(%dma_start3A_40 : memref<10000x128xf32, #tpu.memory_space<hbm>>) target(%arg15 : memref<128x128xf32, #tpu.memory_space<vmem>>) offsets(%dma_start3A_37 : memref<128xi32, #tpu.memory_space<vmem>>) semaphore(%arg18 : memref<!tpu.dma_semaphore, #tpu.memory_space<semaphore_mem>>)
    %dma_start3A_41 = arith.constant 1 : i32
    %dma_start3A_42 = arith.constant 0 : i32
    %dma_start3A_43 = tpu.memref_slice %arg13[%dma_start3A_41, %dma_start3A_42] : memref<62x128xi32, #tpu.memory_space<vmem>> -> memref<1x128xi32, #tpu.memory_space<vmem>>
    %dma_start3A_44 = tpu.memref_squeeze %dma_start3A_43 : memref<1x128xi32, #tpu.memory_space<vmem>> -> memref<128xi32, #tpu.memory_space<vmem>>
    %dma_start3A_45 = arith.constant 0 : i32
    %dma_start3A_46 = arith.constant 0 : i32
    %dma_start3A_47 = tpu.memref_slice %arg5[%dma_start3A_45, %dma_start3A_46] : memref<10000x128xf32, #tpu.memory_space<hbm>> -> memref<10000x128xf32, #tpu.memory_space<hbm>>
    tpu.enqueue_indirect_dma source(%dma_start3A_47 : memref<10000x128xf32, #tpu.memory_space<hbm>>) target(%arg16 : memref<128x128xf32, #tpu.memory_space<vmem>>) offsets(%dma_start3A_44 : memref<128xi32, #tpu.memory_space<vmem>>) semaphore(%arg19 : memref<!tpu.dma_semaphore, #tpu.memory_space<semaphore_mem>>)
    %while3A_48 = arith.constant 0 : i32
    %while3A_49 = arith.constant 0 : i32
    %while3A_50 = arith.subi %select_n3A, %while3A_49 : i32
    %while3A_51 = arith.addi %while3A_49, %while3A_50 : i32
    %while3A_52 = arith.constant 1 : i32
    %while3A_53 = arith.divsi %while3A_50, %while3A_52 : i32
    %while3A_54 = arith.muli %while3A_53, %while3A_52 : i32
    %while3A_55 = arith.addi %while3A_49, %while3A_54 : i32
    %while3A_56 = arith.constant 1 : i32
    scf.for %while3A_130 = %while3A_49 to %while3A_55 step %while3A_56  : i32 {
      %dma_wait3A = arith.constant 0 : i32
      %dma_wait3A_131 = arith.constant 0 : i32
      %dma_wait3A_132 = tpu.memref_slice %arg13[%dma_wait3A, %dma_wait3A_131] : memref<62x128xi32, #tpu.memory_space<vmem>> -> memref<1x128xi32, #tpu.memory_space<vmem>>
      %dma_wait3A_133 = tpu.memref_squeeze %dma_wait3A_132 : memref<1x128xi32, #tpu.memory_space<vmem>> -> memref<128xi32, #tpu.memory_space<vmem>>
      %dma_wait3A_134 = arith.constant 0 : i32
      %dma_wait3A_135 = arith.constant 0 : i32
      %dma_wait3A_136 = tpu.memref_slice %arg5[%dma_wait3A_134, %dma_wait3A_135] : memref<10000x128xf32, #tpu.memory_space<hbm>> -> memref<10000x128xf32, #tpu.memory_space<hbm>>
      tpu.wait_indirect_dma semaphore(%arg18 : memref<!tpu.dma_semaphore, #tpu.memory_space<semaphore_mem>>) src(%dma_wait3A_136 : memref<10000x128xf32, #tpu.memory_space<hbm>>) dst(%arg15 : memref<128x128xf32, #tpu.memory_space<vmem>>)
      %mul3A_137 = arith.constant 2 : i32
      %mul3A_138 = arith.muli %while3A_130, %mul3A_137 : i32
      %add3A = arith.constant 0 : i32
      %add3A_139 = arith.addi %mul3A_138, %add3A : i32
      %dma_start3A_140 = arith.constant 0 : i32
      %dma_start3A_141 = tpu.memref_slice %arg14[%add3A_139, %dma_start3A_140] : memref<62x128xi32, #tpu.memory_space<vmem>> -> memref<1x128xi32, #tpu.memory_space<vmem>>
      %dma_start3A_142 = tpu.memref_squeeze %dma_start3A_141 : memref<1x128xi32, #tpu.memory_space<vmem>> -> memref<128xi32, #tpu.memory_space<vmem>>
      %dma_start3A_143 = arith.constant 0 : i32
      %dma_start3A_144 = arith.constant 0 : i32
      %dma_start3A_145 = tpu.memref_slice %arg17[%dma_start3A_143, %dma_start3A_144] : memref<10112x128xf32, #tpu.memory_space<vmem_shared>> -> memref<10112x128xf32, #tpu.memory_space<vmem_shared>>
      tpu.enqueue_indirect_dma source(%arg15 : memref<128x128xf32, #tpu.memory_space<vmem>>) target(%dma_start3A_145 : memref<10112x128xf32, #tpu.memory_space<vmem_shared>>) offsets(%dma_start3A_142 : memref<128xi32, #tpu.memory_space<vmem>>) semaphore(%arg20 : memref<!tpu.dma_semaphore, #tpu.memory_space<semaphore_mem>>) {add = true}
      %dma_wait3A_146 = arith.constant 1 : i32
      %dma_wait3A_147 = arith.constant 0 : i32
      %dma_wait3A_148 = tpu.memref_slice %arg13[%dma_wait3A_146, %dma_wait3A_147] : memref<62x128xi32, #tpu.memory_space<vmem>> -> memref<1x128xi32, #tpu.memory_space<vmem>>
      %dma_wait3A_149 = tpu.memref_squeeze %dma_wait3A_148 : memref<1x128xi32, #tpu.memory_space<vmem>> -> memref<128xi32, #tpu.memory_space<vmem>>
      %dma_wait3A_150 = arith.constant 0 : i32
      %dma_wait3A_151 = arith.constant 0 : i32
      %dma_wait3A_152 = tpu.memref_slice %arg5[%dma_wait3A_150, %dma_wait3A_151] : memref<10000x128xf32, #tpu.memory_space<hbm>> -> memref<10000x128xf32, #tpu.memory_space<hbm>>
      tpu.wait_indirect_dma semaphore(%arg19 : memref<!tpu.dma_semaphore, #tpu.memory_space<semaphore_mem>>) src(%dma_wait3A_152 : memref<10000x128xf32, #tpu.memory_space<hbm>>) dst(%arg16 : memref<128x128xf32, #tpu.memory_space<vmem>>)
      %mul3A_153 = arith.constant 2 : i32
      %mul3A_154 = arith.muli %while3A_130, %mul3A_153 : i32
      %add3A_155 = arith.constant 1 : i32
      %add3A_156 = arith.addi %mul3A_154, %add3A_155 : i32
      %dma_start3A_157 = arith.constant 0 : i32
      %dma_start3A_158 = tpu.memref_slice %arg14[%add3A_156, %dma_start3A_157] : memref<62x128xi32, #tpu.memory_space<vmem>> -> memref<1x128xi32, #tpu.memory_space<vmem>>
      %dma_start3A_159 = tpu.memref_squeeze %dma_start3A_158 : memref<1x128xi32, #tpu.memory_space<vmem>> -> memref<128xi32, #tpu.memory_space<vmem>>
      %dma_start3A_160 = arith.constant 0 : i32
      %dma_start3A_161 = arith.constant 0 : i32
      %dma_start3A_162 = tpu.memref_slice %arg17[%dma_start3A_160, %dma_start3A_161] : memref<10112x128xf32, #tpu.memory_space<vmem_shared>> -> memref<10112x128xf32, #tpu.memory_space<vmem_shared>>
      tpu.enqueue_indirect_dma source(%arg16 : memref<128x128xf32, #tpu.memory_space<vmem>>) target(%dma_start3A_162 : memref<10112x128xf32, #tpu.memory_space<vmem_shared>>) offsets(%dma_start3A_159 : memref<128xi32, #tpu.memory_space<vmem>>) semaphore(%arg21 : memref<!tpu.dma_semaphore, #tpu.memory_space<semaphore_mem>>) {add = true}
      %dma_wait3A_163 = arith.constant 0 : i32
      %dma_wait3A_164 = tpu.memref_slice %arg14[%add3A_139, %dma_wait3A_163] : memref<62x128xi32, #tpu.memory_space<vmem>> -> memref<1x128xi32, #tpu.memory_space<vmem>>
      %dma_wait3A_165 = tpu.memref_squeeze %dma_wait3A_164 : memref<1x128xi32, #tpu.memory_space<vmem>> -> memref<128xi32, #tpu.memory_space<vmem>>
      %dma_wait3A_166 = arith.constant 0 : i32
      %dma_wait3A_167 = arith.constant 0 : i32
      %dma_wait3A_168 = tpu.memref_slice %arg17[%dma_wait3A_166, %dma_wait3A_167] : memref<10112x128xf32, #tpu.memory_space<vmem_shared>> -> memref<10112x128xf32, #tpu.memory_space<vmem_shared>>
      tpu.wait_indirect_dma semaphore(%arg20 : memref<!tpu.dma_semaphore, #tpu.memory_space<semaphore_mem>>) src(%arg15 : memref<128x128xf32, #tpu.memory_space<vmem>>) dst(%dma_wait3A_168 : memref<10112x128xf32, #tpu.memory_space<vmem_shared>>)
      %sub3A = arith.constant 1 : i32
      %sub3A_169 = arith.subi %select_n3A, %sub3A : i32
      %lt3A = arith.cmpi slt, %while3A_130, %sub3A_169 : i32
      %convert_element_type3A = arith.extui %lt3A : i1 to i32
      %cond3A = arith.constant 0 : i32
      %cond3A_170 = arith.cmpi ne, %convert_element_type3A, %cond3A : i32
      scf.if %cond3A_170 {
        %mul3A_183 = arith.constant 2 : i32
        %mul3A_184 = arith.muli %while3A_130, %mul3A_183 : i32
        %add3A_185 = arith.constant 2 : i32
        %add3A_186 = arith.addi %mul3A_184, %add3A_185 : i32
        %add3A_187 = arith.constant 0 : i32
        %add3A_188 = arith.addi %add3A_186, %add3A_187 : i32
        %dma_start3A_189 = arith.constant 0 : i32
        %dma_start3A_190 = tpu.memref_slice %arg13[%add3A_188, %dma_start3A_189] : memref<62x128xi32, #tpu.memory_space<vmem>> -> memref<1x128xi32, #tpu.memory_space<vmem>>
        %dma_start3A_191 = tpu.memref_squeeze %dma_start3A_190 : memref<1x128xi32, #tpu.memory_space<vmem>> -> memref<128xi32, #tpu.memory_space<vmem>>
        %dma_start3A_192 = arith.constant 0 : i32
        %dma_start3A_193 = arith.constant 0 : i32
        %dma_start3A_194 = tpu.memref_slice %arg5[%dma_start3A_192, %dma_start3A_193] : memref<10000x128xf32, #tpu.memory_space<hbm>> -> memref<10000x128xf32, #tpu.memory_space<hbm>>
        tpu.enqueue_indirect_dma source(%dma_start3A_194 : memref<10000x128xf32, #tpu.memory_space<hbm>>) target(%arg15 : memref<128x128xf32, #tpu.memory_space<vmem>>) offsets(%dma_start3A_191 : memref<128xi32, #tpu.memory_space<vmem>>) semaphore(%arg18 : memref<!tpu.dma_semaphore, #tpu.memory_space<semaphore_mem>>)
      } else {
      }
      %dma_wait3A_171 = arith.constant 0 : i32
      %dma_wait3A_172 = tpu.memref_slice %arg14[%add3A_156, %dma_wait3A_171] : memref<62x128xi32, #tpu.memory_space<vmem>> -> memref<1x128xi32, #tpu.memory_space<vmem>>
      %dma_wait3A_173 = tpu.memref_squeeze %dma_wait3A_172 : memref<1x128xi32, #tpu.memory_space<vmem>> -> memref<128xi32, #tpu.memory_space<vmem>>
      %dma_wait3A_174 = arith.constant 0 : i32
      %dma_wait3A_175 = arith.constant 0 : i32
      %dma_wait3A_176 = tpu.memref_slice %arg17[%dma_wait3A_174, %dma_wait3A_175] : memref<10112x128xf32, #tpu.memory_space<vmem_shared>> -> memref<10112x128xf32, #tpu.memory_space<vmem_shared>>
      tpu.wait_indirect_dma semaphore(%arg21 : memref<!tpu.dma_semaphore, #tpu.memory_space<semaphore_mem>>) src(%arg16 : memref<128x128xf32, #tpu.memory_space<vmem>>) dst(%dma_wait3A_176 : memref<10112x128xf32, #tpu.memory_space<vmem_shared>>)
      %sub3A_177 = arith.constant 1 : i32
      %sub3A_178 = arith.subi %select_n3A, %sub3A_177 : i32
      %lt3A_179 = arith.cmpi slt, %while3A_130, %sub3A_178 : i32
      %convert_element_type3A_180 = arith.extui %lt3A_179 : i1 to i32
      %cond3A_181 = arith.constant 0 : i32
      %cond3A_182 = arith.cmpi ne, %convert_element_type3A_180, %cond3A_181 : i32
      scf.if %cond3A_182 {
        %mul3A_183 = arith.constant 2 : i32
        %mul3A_184 = arith.muli %while3A_130, %mul3A_183 : i32
        %add3A_185 = arith.constant 2 : i32
        %add3A_186 = arith.addi %mul3A_184, %add3A_185 : i32
        %add3A_187 = arith.constant 1 : i32
        %add3A_188 = arith.addi %add3A_186, %add3A_187 : i32
        %dma_start3A_189 = arith.constant 0 : i32
        %dma_start3A_190 = tpu.memref_slice %arg13[%add3A_188, %dma_start3A_189] : memref<62x128xi32, #tpu.memory_space<vmem>> -> memref<1x128xi32, #tpu.memory_space<vmem>>
        %dma_start3A_191 = tpu.memref_squeeze %dma_start3A_190 : memref<1x128xi32, #tpu.memory_space<vmem>> -> memref<128xi32, #tpu.memory_space<vmem>>
        %dma_start3A_192 = arith.constant 0 : i32
        %dma_start3A_193 = arith.constant 0 : i32
        %dma_start3A_194 = tpu.memref_slice %arg5[%dma_start3A_192, %dma_start3A_193] : memref<10000x128xf32, #tpu.memory_space<hbm>> -> memref<10000x128xf32, #tpu.memory_space<hbm>>
        tpu.enqueue_indirect_dma source(%dma_start3A_194 : memref<10000x128xf32, #tpu.memory_space<hbm>>) target(%arg16 : memref<128x128xf32, #tpu.memory_space<vmem>>) offsets(%dma_start3A_191 : memref<128xi32, #tpu.memory_space<vmem>>) semaphore(%arg19 : memref<!tpu.dma_semaphore, #tpu.memory_space<semaphore_mem>>)
      } else {
      }
    }
    %while3A_57 = arith.constant 1 : i32
    scf.for %while3A_130 = %while3A_55 to %while3A_51 step %while3A_57  : i32 {
      %dma_wait3A = arith.constant 0 : i32
      %dma_wait3A_131 = arith.constant 0 : i32
      %dma_wait3A_132 = tpu.memref_slice %arg13[%dma_wait3A, %dma_wait3A_131] : memref<62x128xi32, #tpu.memory_space<vmem>> -> memref<1x128xi32, #tpu.memory_space<vmem>>
      %dma_wait3A_133 = tpu.memref_squeeze %dma_wait3A_132 : memref<1x128xi32, #tpu.memory_space<vmem>> -> memref<128xi32, #tpu.memory_space<vmem>>
      %dma_wait3A_134 = arith.constant 0 : i32
      %dma_wait3A_135 = arith.constant 0 : i32
      %dma_wait3A_136 = tpu.memref_slice %arg5[%dma_wait3A_134, %dma_wait3A_135] : memref<10000x128xf32, #tpu.memory_space<hbm>> -> memref<10000x128xf32, #tpu.memory_space<hbm>>
      tpu.wait_indirect_dma semaphore(%arg18 : memref<!tpu.dma_semaphore, #tpu.memory_space<semaphore_mem>>) src(%dma_wait3A_136 : memref<10000x128xf32, #tpu.memory_space<hbm>>) dst(%arg15 : memref<128x128xf32, #tpu.memory_space<vmem>>)
      %mul3A_137 = arith.constant 2 : i32
      %mul3A_138 = arith.muli %while3A_130, %mul3A_137 : i32
      %add3A = arith.constant 0 : i32
      %add3A_139 = arith.addi %mul3A_138, %add3A : i32
      %dma_start3A_140 = arith.constant 0 : i32
      %dma_start3A_141 = tpu.memref_slice %arg14[%add3A_139, %dma_start3A_140] : memref<62x128xi32, #tpu.memory_space<vmem>> -> memref<1x128xi32, #tpu.memory_space<vmem>>
      %dma_start3A_142 = tpu.memref_squeeze %dma_start3A_141 : memref<1x128xi32, #tpu.memory_space<vmem>> -> memref<128xi32, #tpu.memory_space<vmem>>
      %dma_start3A_143 = arith.constant 0 : i32
      %dma_start3A_144 = arith.constant 0 : i32
      %dma_start3A_145 = tpu.memref_slice %arg17[%dma_start3A_143, %dma_start3A_144] : memref<10112x128xf32, #tpu.memory_space<vmem_shared>> -> memref<10112x128xf32, #tpu.memory_space<vmem_shared>>
      tpu.enqueue_indirect_dma source(%arg15 : memref<128x128xf32, #tpu.memory_space<vmem>>) target(%dma_start3A_145 : memref<10112x128xf32, #tpu.memory_space<vmem_shared>>) offsets(%dma_start3A_142 : memref<128xi32, #tpu.memory_space<vmem>>) semaphore(%arg20 : memref<!tpu.dma_semaphore, #tpu.memory_space<semaphore_mem>>) {add = true}
      %dma_wait3A_146 = arith.constant 1 : i32
      %dma_wait3A_147 = arith.constant 0 : i32
      %dma_wait3A_148 = tpu.memref_slice %arg13[%dma_wait3A_146, %dma_wait3A_147] : memref<62x128xi32, #tpu.memory_space<vmem>> -> memref<1x128xi32, #tpu.memory_space<vmem>>
      %dma_wait3A_149 = tpu.memref_squeeze %dma_wait3A_148 : memref<1x128xi32, #tpu.memory_space<vmem>> -> memref<128xi32, #tpu.memory_space<vmem>>
      %dma_wait3A_150 = arith.constant 0 : i32
      %dma_wait3A_151 = arith.constant 0 : i32
      %dma_wait3A_152 = tpu.memref_slice %arg5[%dma_wait3A_150, %dma_wait3A_151] : memref<10000x128xf32, #tpu.memory_space<hbm>> -> memref<10000x128xf32, #tpu.memory_space<hbm>>
      tpu.wait_indirect_dma semaphore(%arg19 : memref<!tpu.dma_semaphore, #tpu.memory_space<semaphore_mem>>) src(%dma_wait3A_152 : memref<10000x128xf32, #tpu.memory_space<hbm>>) dst(%arg16 : memref<128x128xf32, #tpu.memory_space<vmem>>)
      %mul3A_153 = arith.constant 2 : i32
      %mul3A_154 = arith.muli %while3A_130, %mul3A_153 : i32
      %add3A_155 = arith.constant 1 : i32
      %add3A_156 = arith.addi %mul3A_154, %add3A_155 : i32
      %dma_start3A_157 = arith.constant 0 : i32
      %dma_start3A_158 = tpu.memref_slice %arg14[%add3A_156, %dma_start3A_157] : memref<62x128xi32, #tpu.memory_space<vmem>> -> memref<1x128xi32, #tpu.memory_space<vmem>>
      %dma_start3A_159 = tpu.memref_squeeze %dma_start3A_158 : memref<1x128xi32, #tpu.memory_space<vmem>> -> memref<128xi32, #tpu.memory_space<vmem>>
      %dma_start3A_160 = arith.constant 0 : i32
      %dma_start3A_161 = arith.constant 0 : i32
      %dma_start3A_162 = tpu.memref_slice %arg17[%dma_start3A_160, %dma_start3A_161] : memref<10112x128xf32, #tpu.memory_space<vmem_shared>> -> memref<10112x128xf32, #tpu.memory_space<vmem_shared>>
      tpu.enqueue_indirect_dma source(%arg16 : memref<128x128xf32, #tpu.memory_space<vmem>>) target(%dma_start3A_162 : memref<10112x128xf32, #tpu.memory_space<vmem_shared>>) offsets(%dma_start3A_159 : memref<128xi32, #tpu.memory_space<vmem>>) semaphore(%arg21 : memref<!tpu.dma_semaphore, #tpu.memory_space<semaphore_mem>>) {add = true}
      %dma_wait3A_163 = arith.constant 0 : i32
      %dma_wait3A_164 = tpu.memref_slice %arg14[%add3A_139, %dma_wait3A_163] : memref<62x128xi32, #tpu.memory_space<vmem>> -> memref<1x128xi32, #tpu.memory_space<vmem>>
      %dma_wait3A_165 = tpu.memref_squeeze %dma_wait3A_164 : memref<1x128xi32, #tpu.memory_space<vmem>> -> memref<128xi32, #tpu.memory_space<vmem>>
      %dma_wait3A_166 = arith.constant 0 : i32
      %dma_wait3A_167 = arith.constant 0 : i32
      %dma_wait3A_168 = tpu.memref_slice %arg17[%dma_wait3A_166, %dma_wait3A_167] : memref<10112x128xf32, #tpu.memory_space<vmem_shared>> -> memref<10112x128xf32, #tpu.memory_space<vmem_shared>>
      tpu.wait_indirect_dma semaphore(%arg20 : memref<!tpu.dma_semaphore, #tpu.memory_space<semaphore_mem>>) src(%arg15 : memref<128x128xf32, #tpu.memory_space<vmem>>) dst(%dma_wait3A_168 : memref<10112x128xf32, #tpu.memory_space<vmem_shared>>)
      %sub3A = arith.constant 1 : i32
      %sub3A_169 = arith.subi %select_n3A, %sub3A : i32
      %lt3A = arith.cmpi slt, %while3A_130, %sub3A_169 : i32
      %convert_element_type3A = arith.extui %lt3A : i1 to i32
      %cond3A = arith.constant 0 : i32
      %cond3A_170 = arith.cmpi ne, %convert_element_type3A, %cond3A : i32
      scf.if %cond3A_170 {
        %mul3A_183 = arith.constant 2 : i32
        %mul3A_184 = arith.muli %while3A_130, %mul3A_183 : i32
        %add3A_185 = arith.constant 2 : i32
        %add3A_186 = arith.addi %mul3A_184, %add3A_185 : i32
        %add3A_187 = arith.constant 0 : i32
        %add3A_188 = arith.addi %add3A_186, %add3A_187 : i32
        %dma_start3A_189 = arith.constant 0 : i32
        %dma_start3A_190 = tpu.memref_slice %arg13[%add3A_188, %dma_start3A_189] : memref<62x128xi32, #tpu.memory_space<vmem>> -> memref<1x128xi32, #tpu.memory_space<vmem>>
        %dma_start3A_191 = tpu.memref_squeeze %dma_start3A_190 : memref<1x128xi32, #tpu.memory_space<vmem>> -> memref<128xi32, #tpu.memory_space<vmem>>
        %dma_start3A_192 = arith.constant 0 : i32
        %dma_start3A_193 = arith.constant 0 : i32
        %dma_start3A_194 = tpu.memref_slice %arg5[%dma_start3A_192, %dma_start3A_193] : memref<10000x128xf32, #tpu.memory_space<hbm>> -> memref<10000x128xf32, #tpu.memory_space<hbm>>
        tpu.enqueue_indirect_dma source(%dma_start3A_194 : memref<10000x128xf32, #tpu.memory_space<hbm>>) target(%arg15 : memref<128x128xf32, #tpu.memory_space<vmem>>) offsets(%dma_start3A_191 : memref<128xi32, #tpu.memory_space<vmem>>) semaphore(%arg18 : memref<!tpu.dma_semaphore, #tpu.memory_space<semaphore_mem>>)
      } else {
      }
      %dma_wait3A_171 = arith.constant 0 : i32
      %dma_wait3A_172 = tpu.memref_slice %arg14[%add3A_156, %dma_wait3A_171] : memref<62x128xi32, #tpu.memory_space<vmem>> -> memref<1x128xi32, #tpu.memory_space<vmem>>
      %dma_wait3A_173 = tpu.memref_squeeze %dma_wait3A_172 : memref<1x128xi32, #tpu.memory_space<vmem>> -> memref<128xi32, #tpu.memory_space<vmem>>
      %dma_wait3A_174 = arith.constant 0 : i32
      %dma_wait3A_175 = arith.constant 0 : i32
      %dma_wait3A_176 = tpu.memref_slice %arg17[%dma_wait3A_174, %dma_wait3A_175] : memref<10112x128xf32, #tpu.memory_space<vmem_shared>> -> memref<10112x128xf32, #tpu.memory_space<vmem_shared>>
      tpu.wait_indirect_dma semaphore(%arg21 : memref<!tpu.dma_semaphore, #tpu.memory_space<semaphore_mem>>) src(%arg16 : memref<128x128xf32, #tpu.memory_space<vmem>>) dst(%dma_wait3A_176 : memref<10112x128xf32, #tpu.memory_space<vmem_shared>>)
      %sub3A_177 = arith.constant 1 : i32
      %sub3A_178 = arith.subi %select_n3A, %sub3A_177 : i32
      %lt3A_179 = arith.cmpi slt, %while3A_130, %sub3A_178 : i32
      %convert_element_type3A_180 = arith.extui %lt3A_179 : i1 to i32
      %cond3A_181 = arith.constant 0 : i32
      %cond3A_182 = arith.cmpi ne, %convert_element_type3A_180, %cond3A_181 : i32
      scf.if %cond3A_182 {
        %mul3A_183 = arith.constant 2 : i32
        %mul3A_184 = arith.muli %while3A_130, %mul3A_183 : i32
        %add3A_185 = arith.constant 2 : i32
        %add3A_186 = arith.addi %mul3A_184, %add3A_185 : i32
        %add3A_187 = arith.constant 1 : i32
        %add3A_188 = arith.addi %add3A_186, %add3A_187 : i32
        %dma_start3A_189 = arith.constant 0 : i32
        %dma_start3A_190 = tpu.memref_slice %arg13[%add3A_188, %dma_start3A_189] : memref<62x128xi32, #tpu.memory_space<vmem>> -> memref<1x128xi32, #tpu.memory_space<vmem>>
        %dma_start3A_191 = tpu.memref_squeeze %dma_start3A_190 : memref<1x128xi32, #tpu.memory_space<vmem>> -> memref<128xi32, #tpu.memory_space<vmem>>
        %dma_start3A_192 = arith.constant 0 : i32
        %dma_start3A_193 = arith.constant 0 : i32
        %dma_start3A_194 = tpu.memref_slice %arg5[%dma_start3A_192, %dma_start3A_193] : memref<10000x128xf32, #tpu.memory_space<hbm>> -> memref<10000x128xf32, #tpu.memory_space<hbm>>
        tpu.enqueue_indirect_dma source(%dma_start3A_194 : memref<10000x128xf32, #tpu.memory_space<hbm>>) target(%arg16 : memref<128x128xf32, #tpu.memory_space<vmem>>) offsets(%dma_start3A_191 : memref<128xi32, #tpu.memory_space<vmem>>) semaphore(%arg19 : memref<!tpu.dma_semaphore, #tpu.memory_space<semaphore_mem>>)
      } else {
      }
    }
    %barrier3A_58 = arith.constant 0 : index
    tpu.barrier barrier_id(%barrier3A_58)
    %mul3A_59 = arith.constant 632 : i32
    %mul3A_60 = arith.muli %arg1, %mul3A_59 : i32
    %mul3A_61 = arith.constant 632 : i32
    %mul3A_62 = arith.muli %arg1, %mul3A_61 : i32
    "tpu.region"() ({
      %run_scoped3A = tpu.sem_alloc : memref<!tpu.dma_semaphore, #tpu.memory_space<semaphore_mem>>
      %dma_start3A_130 = arith.constant 0 : i32
      %dma_start3A_131 = tpu.memref_slice %arg10[%arg0, %mul3A_62, %dma_start3A_130] : memref<2x10112x128xf32, #tpu.memory_space<hbm>> -> memref<1x632x128xf32, #tpu.memory_space<hbm>>
      %dma_start3A_132 = tpu.memref_squeeze %dma_start3A_131 : memref<1x632x128xf32, #tpu.memory_space<hbm>> -> memref<632x128xf32, #tpu.memory_space<hbm>>
      %dma_start3A_133 = arith.constant 0 : i32
      %dma_start3A_134 = tpu.memref_slice %arg17[%mul3A_60, %dma_start3A_133] : memref<10112x128xf32, #tpu.memory_space<vmem_shared>> -> memref<632x128xf32, #tpu.memory_space<vmem_shared>>
      tpu.enqueue_dma source(%dma_start3A_134 : memref<632x128xf32, #tpu.memory_space<vmem_shared>>) target(%dma_start3A_132 : memref<632x128xf32, #tpu.memory_space<hbm>>) target_semaphore(%run_scoped3A : memref<!tpu.dma_semaphore, #tpu.memory_space<semaphore_mem>>)
      %dma_wait3A = arith.constant 0 : i32
      %dma_wait3A_135 = tpu.memref_slice %arg10[%arg0, %mul3A_62, %dma_wait3A] : memref<2x10112x128xf32, #tpu.memory_space<hbm>> -> memref<1x632x128xf32, #tpu.memory_space<hbm>>
      %dma_wait3A_136 = tpu.memref_squeeze %dma_wait3A_135 : memref<1x632x128xf32, #tpu.memory_space<hbm>> -> memref<632x128xf32, #tpu.memory_space<hbm>>
      %dma_wait3A_137 = arith.constant 0 : i32
      %dma_wait3A_138 = tpu.memref_slice %arg17[%mul3A_60, %dma_wait3A_137] : memref<10112x128xf32, #tpu.memory_space<vmem_shared>> -> memref<632x128xf32, #tpu.memory_space<vmem_shared>>
      tpu.wait_dma2 semaphore(%run_scoped3A : memref<!tpu.dma_semaphore, #tpu.memory_space<semaphore_mem>>) src(%dma_wait3A_138 : memref<632x128xf32, #tpu.memory_space<vmem_shared>>) dst(%dma_wait3A_136 : memref<632x128xf32, #tpu.memory_space<hbm>>)
      tpu.yield
    }) : () -> ()
    %barrier3A_63 = arith.constant 0 : index
    tpu.barrier barrier_id(%barrier3A_63)
    %mul3A_64 = arith.constant 632 : i32
    %mul3A_65 = arith.muli %arg1, %mul3A_64 : i32
    "tpu.region"() ({
      %run_scoped3A = tpu.sem_alloc : memref<!tpu.dma_semaphore, #tpu.memory_space<semaphore_mem>>
      %dma_start3A_130 = arith.constant 0 : i32
      %dma_start3A_131 = tpu.memref_slice %arg17[%mul3A_65, %dma_start3A_130] : memref<10112x128xf32, #tpu.memory_space<vmem_shared>> -> memref<632x128xf32, #tpu.memory_space<vmem_shared>>
      tpu.enqueue_dma source(%arg8 : memref<632x128xf32, #tpu.memory_space<hbm>>) target(%dma_start3A_131 : memref<632x128xf32, #tpu.memory_space<vmem_shared>>) target_semaphore(%run_scoped3A : memref<!tpu.dma_semaphore, #tpu.memory_space<semaphore_mem>>)
      %dma_wait3A = arith.constant 0 : i32
      %dma_wait3A_132 = tpu.memref_slice %arg17[%mul3A_65, %dma_wait3A] : memref<10112x128xf32, #tpu.memory_space<vmem_shared>> -> memref<632x128xf32, #tpu.memory_space<vmem_shared>>
      tpu.wait_dma2 semaphore(%run_scoped3A : memref<!tpu.dma_semaphore, #tpu.memory_space<semaphore_mem>>) src(%arg8 : memref<632x128xf32, #tpu.memory_space<hbm>>) dst(%dma_wait3A_132 : memref<632x128xf32, #tpu.memory_space<vmem_shared>>)
      tpu.yield
    }) : () -> ()
    %barrier3A_66 = arith.constant 0 : index
    tpu.barrier barrier_id(%barrier3A_66)
    %dma_start3A_67 = arith.constant 0 : i32
    %dma_start3A_68 = arith.constant 0 : i32
    %dma_start3A_69 = tpu.memref_slice %arg13[%dma_start3A_67, %dma_start3A_68] : memref<62x128xi32, #tpu.memory_space<vmem>> -> memref<1x128xi32, #tpu.memory_space<vmem>>
    %dma_start3A_70 = tpu.memref_squeeze %dma_start3A_69 : memref<1x128xi32, #tpu.memory_space<vmem>> -> memref<128xi32, #tpu.memory_space<vmem>>
    %dma_start3A_71 = arith.constant 0 : i32
    %dma_start3A_72 = arith.constant 0 : i32
    %dma_start3A_73 = tpu.memref_slice %arg6[%dma_start3A_71, %dma_start3A_72] : memref<10000x128xf32, #tpu.memory_space<hbm>> -> memref<10000x128xf32, #tpu.memory_space<hbm>>
    tpu.enqueue_indirect_dma source(%dma_start3A_73 : memref<10000x128xf32, #tpu.memory_space<hbm>>) target(%arg15 : memref<128x128xf32, #tpu.memory_space<vmem>>) offsets(%dma_start3A_70 : memref<128xi32, #tpu.memory_space<vmem>>) semaphore(%arg18 : memref<!tpu.dma_semaphore, #tpu.memory_space<semaphore_mem>>)
    %dma_start3A_74 = arith.constant 1 : i32
    %dma_start3A_75 = arith.constant 0 : i32
    %dma_start3A_76 = tpu.memref_slice %arg13[%dma_start3A_74, %dma_start3A_75] : memref<62x128xi32, #tpu.memory_space<vmem>> -> memref<1x128xi32, #tpu.memory_space<vmem>>
    %dma_start3A_77 = tpu.memref_squeeze %dma_start3A_76 : memref<1x128xi32, #tpu.memory_space<vmem>> -> memref<128xi32, #tpu.memory_space<vmem>>
    %dma_start3A_78 = arith.constant 0 : i32
    %dma_start3A_79 = arith.constant 0 : i32
    %dma_start3A_80 = tpu.memref_slice %arg6[%dma_start3A_78, %dma_start3A_79] : memref<10000x128xf32, #tpu.memory_space<hbm>> -> memref<10000x128xf32, #tpu.memory_space<hbm>>
    tpu.enqueue_indirect_dma source(%dma_start3A_80 : memref<10000x128xf32, #tpu.memory_space<hbm>>) target(%arg16 : memref<128x128xf32, #tpu.memory_space<vmem>>) offsets(%dma_start3A_77 : memref<128xi32, #tpu.memory_space<vmem>>) semaphore(%arg19 : memref<!tpu.dma_semaphore, #tpu.memory_space<semaphore_mem>>)
    %while3A_81 = arith.constant 0 : i32
    %while3A_82 = arith.constant 0 : i32
    %while3A_83 = arith.subi %select_n3A, %while3A_82 : i32
    %while3A_84 = arith.addi %while3A_82, %while3A_83 : i32
    %while3A_85 = arith.constant 1 : i32
    %while3A_86 = arith.divsi %while3A_83, %while3A_85 : i32
    %while3A_87 = arith.muli %while3A_86, %while3A_85 : i32
    %while3A_88 = arith.addi %while3A_82, %while3A_87 : i32
    %while3A_89 = arith.constant 1 : i32
    scf.for %while3A_130 = %while3A_82 to %while3A_88 step %while3A_89  : i32 {
      %dma_wait3A = arith.constant 0 : i32
      %dma_wait3A_131 = arith.constant 0 : i32
      %dma_wait3A_132 = tpu.memref_slice %arg13[%dma_wait3A, %dma_wait3A_131] : memref<62x128xi32, #tpu.memory_space<vmem>> -> memref<1x128xi32, #tpu.memory_space<vmem>>
      %dma_wait3A_133 = tpu.memref_squeeze %dma_wait3A_132 : memref<1x128xi32, #tpu.memory_space<vmem>> -> memref<128xi32, #tpu.memory_space<vmem>>
      %dma_wait3A_134 = arith.constant 0 : i32
      %dma_wait3A_135 = arith.constant 0 : i32
      %dma_wait3A_136 = tpu.memref_slice %arg6[%dma_wait3A_134, %dma_wait3A_135] : memref<10000x128xf32, #tpu.memory_space<hbm>> -> memref<10000x128xf32, #tpu.memory_space<hbm>>
      tpu.wait_indirect_dma semaphore(%arg18 : memref<!tpu.dma_semaphore, #tpu.memory_space<semaphore_mem>>) src(%dma_wait3A_136 : memref<10000x128xf32, #tpu.memory_space<hbm>>) dst(%arg15 : memref<128x128xf32, #tpu.memory_space<vmem>>)
      %mul3A_137 = arith.constant 2 : i32
      %mul3A_138 = arith.muli %while3A_130, %mul3A_137 : i32
      %add3A = arith.constant 0 : i32
      %add3A_139 = arith.addi %mul3A_138, %add3A : i32
      %dma_start3A_140 = arith.constant 0 : i32
      %dma_start3A_141 = tpu.memref_slice %arg14[%add3A_139, %dma_start3A_140] : memref<62x128xi32, #tpu.memory_space<vmem>> -> memref<1x128xi32, #tpu.memory_space<vmem>>
      %dma_start3A_142 = tpu.memref_squeeze %dma_start3A_141 : memref<1x128xi32, #tpu.memory_space<vmem>> -> memref<128xi32, #tpu.memory_space<vmem>>
      %dma_start3A_143 = arith.constant 0 : i32
      %dma_start3A_144 = arith.constant 0 : i32
      %dma_start3A_145 = tpu.memref_slice %arg17[%dma_start3A_143, %dma_start3A_144] : memref<10112x128xf32, #tpu.memory_space<vmem_shared>> -> memref<10112x128xf32, #tpu.memory_space<vmem_shared>>
      tpu.enqueue_indirect_dma source(%arg15 : memref<128x128xf32, #tpu.memory_space<vmem>>) target(%dma_start3A_145 : memref<10112x128xf32, #tpu.memory_space<vmem_shared>>) offsets(%dma_start3A_142 : memref<128xi32, #tpu.memory_space<vmem>>) semaphore(%arg20 : memref<!tpu.dma_semaphore, #tpu.memory_space<semaphore_mem>>) {add = true}
      %dma_wait3A_146 = arith.constant 1 : i32
      %dma_wait3A_147 = arith.constant 0 : i32
      %dma_wait3A_148 = tpu.memref_slice %arg13[%dma_wait3A_146, %dma_wait3A_147] : memref<62x128xi32, #tpu.memory_space<vmem>> -> memref<1x128xi32, #tpu.memory_space<vmem>>
      %dma_wait3A_149 = tpu.memref_squeeze %dma_wait3A_148 : memref<1x128xi32, #tpu.memory_space<vmem>> -> memref<128xi32, #tpu.memory_space<vmem>>
      %dma_wait3A_150 = arith.constant 0 : i32
      %dma_wait3A_151 = arith.constant 0 : i32
      %dma_wait3A_152 = tpu.memref_slice %arg6[%dma_wait3A_150, %dma_wait3A_151] : memref<10000x128xf32, #tpu.memory_space<hbm>> -> memref<10000x128xf32, #tpu.memory_space<hbm>>
      tpu.wait_indirect_dma semaphore(%arg19 : memref<!tpu.dma_semaphore, #tpu.memory_space<semaphore_mem>>) src(%dma_wait3A_152 : memref<10000x128xf32, #tpu.memory_space<hbm>>) dst(%arg16 : memref<128x128xf32, #tpu.memory_space<vmem>>)
      %mul3A_153 = arith.constant 2 : i32
      %mul3A_154 = arith.muli %while3A_130, %mul3A_153 : i32
      %add3A_155 = arith.constant 1 : i32
      %add3A_156 = arith.addi %mul3A_154, %add3A_155 : i32
      %dma_start3A_157 = arith.constant 0 : i32
      %dma_start3A_158 = tpu.memref_slice %arg14[%add3A_156, %dma_start3A_157] : memref<62x128xi32, #tpu.memory_space<vmem>> -> memref<1x128xi32, #tpu.memory_space<vmem>>
      %dma_start3A_159 = tpu.memref_squeeze %dma_start3A_158 : memref<1x128xi32, #tpu.memory_space<vmem>> -> memref<128xi32, #tpu.memory_space<vmem>>
      %dma_start3A_160 = arith.constant 0 : i32
      %dma_start3A_161 = arith.constant 0 : i32
      %dma_start3A_162 = tpu.memref_slice %arg17[%dma_start3A_160, %dma_start3A_161] : memref<10112x128xf32, #tpu.memory_space<vmem_shared>> -> memref<10112x128xf32, #tpu.memory_space<vmem_shared>>
      tpu.enqueue_indirect_dma source(%arg16 : memref<128x128xf32, #tpu.memory_space<vmem>>) target(%dma_start3A_162 : memref<10112x128xf32, #tpu.memory_space<vmem_shared>>) offsets(%dma_start3A_159 : memref<128xi32, #tpu.memory_space<vmem>>) semaphore(%arg21 : memref<!tpu.dma_semaphore, #tpu.memory_space<semaphore_mem>>) {add = true}
      %dma_wait3A_163 = arith.constant 0 : i32
      %dma_wait3A_164 = tpu.memref_slice %arg14[%add3A_139, %dma_wait3A_163] : memref<62x128xi32, #tpu.memory_space<vmem>> -> memref<1x128xi32, #tpu.memory_space<vmem>>
      %dma_wait3A_165 = tpu.memref_squeeze %dma_wait3A_164 : memref<1x128xi32, #tpu.memory_space<vmem>> -> memref<128xi32, #tpu.memory_space<vmem>>
      %dma_wait3A_166 = arith.constant 0 : i32
      %dma_wait3A_167 = arith.constant 0 : i32
      %dma_wait3A_168 = tpu.memref_slice %arg17[%dma_wait3A_166, %dma_wait3A_167] : memref<10112x128xf32, #tpu.memory_space<vmem_shared>> -> memref<10112x128xf32, #tpu.memory_space<vmem_shared>>
      tpu.wait_indirect_dma semaphore(%arg20 : memref<!tpu.dma_semaphore, #tpu.memory_space<semaphore_mem>>) src(%arg15 : memref<128x128xf32, #tpu.memory_space<vmem>>) dst(%dma_wait3A_168 : memref<10112x128xf32, #tpu.memory_space<vmem_shared>>)
      %sub3A = arith.constant 1 : i32
      %sub3A_169 = arith.subi %select_n3A, %sub3A : i32
      %lt3A = arith.cmpi slt, %while3A_130, %sub3A_169 : i32
      %convert_element_type3A = arith.extui %lt3A : i1 to i32
      %cond3A = arith.constant 0 : i32
      %cond3A_170 = arith.cmpi ne, %convert_element_type3A, %cond3A : i32
      scf.if %cond3A_170 {
        %mul3A_183 = arith.constant 2 : i32
        %mul3A_184 = arith.muli %while3A_130, %mul3A_183 : i32
        %add3A_185 = arith.constant 2 : i32
        %add3A_186 = arith.addi %mul3A_184, %add3A_185 : i32
        %add3A_187 = arith.constant 0 : i32
        %add3A_188 = arith.addi %add3A_186, %add3A_187 : i32
        %dma_start3A_189 = arith.constant 0 : i32
        %dma_start3A_190 = tpu.memref_slice %arg13[%add3A_188, %dma_start3A_189] : memref<62x128xi32, #tpu.memory_space<vmem>> -> memref<1x128xi32, #tpu.memory_space<vmem>>
        %dma_start3A_191 = tpu.memref_squeeze %dma_start3A_190 : memref<1x128xi32, #tpu.memory_space<vmem>> -> memref<128xi32, #tpu.memory_space<vmem>>
        %dma_start3A_192 = arith.constant 0 : i32
        %dma_start3A_193 = arith.constant 0 : i32
        %dma_start3A_194 = tpu.memref_slice %arg6[%dma_start3A_192, %dma_start3A_193] : memref<10000x128xf32, #tpu.memory_space<hbm>> -> memref<10000x128xf32, #tpu.memory_space<hbm>>
        tpu.enqueue_indirect_dma source(%dma_start3A_194 : memref<10000x128xf32, #tpu.memory_space<hbm>>) target(%arg15 : memref<128x128xf32, #tpu.memory_space<vmem>>) offsets(%dma_start3A_191 : memref<128xi32, #tpu.memory_space<vmem>>) semaphore(%arg18 : memref<!tpu.dma_semaphore, #tpu.memory_space<semaphore_mem>>)
      } else {
      }
      %dma_wait3A_171 = arith.constant 0 : i32
      %dma_wait3A_172 = tpu.memref_slice %arg14[%add3A_156, %dma_wait3A_171] : memref<62x128xi32, #tpu.memory_space<vmem>> -> memref<1x128xi32, #tpu.memory_space<vmem>>
      %dma_wait3A_173 = tpu.memref_squeeze %dma_wait3A_172 : memref<1x128xi32, #tpu.memory_space<vmem>> -> memref<128xi32, #tpu.memory_space<vmem>>
      %dma_wait3A_174 = arith.constant 0 : i32
      %dma_wait3A_175 = arith.constant 0 : i32
      %dma_wait3A_176 = tpu.memref_slice %arg17[%dma_wait3A_174, %dma_wait3A_175] : memref<10112x128xf32, #tpu.memory_space<vmem_shared>> -> memref<10112x128xf32, #tpu.memory_space<vmem_shared>>
      tpu.wait_indirect_dma semaphore(%arg21 : memref<!tpu.dma_semaphore, #tpu.memory_space<semaphore_mem>>) src(%arg16 : memref<128x128xf32, #tpu.memory_space<vmem>>) dst(%dma_wait3A_176 : memref<10112x128xf32, #tpu.memory_space<vmem_shared>>)
      %sub3A_177 = arith.constant 1 : i32
      %sub3A_178 = arith.subi %select_n3A, %sub3A_177 : i32
      %lt3A_179 = arith.cmpi slt, %while3A_130, %sub3A_178 : i32
      %convert_element_type3A_180 = arith.extui %lt3A_179 : i1 to i32
      %cond3A_181 = arith.constant 0 : i32
      %cond3A_182 = arith.cmpi ne, %convert_element_type3A_180, %cond3A_181 : i32
      scf.if %cond3A_182 {
        %mul3A_183 = arith.constant 2 : i32
        %mul3A_184 = arith.muli %while3A_130, %mul3A_183 : i32
        %add3A_185 = arith.constant 2 : i32
        %add3A_186 = arith.addi %mul3A_184, %add3A_185 : i32
        %add3A_187 = arith.constant 1 : i32
        %add3A_188 = arith.addi %add3A_186, %add3A_187 : i32
        %dma_start3A_189 = arith.constant 0 : i32
        %dma_start3A_190 = tpu.memref_slice %arg13[%add3A_188, %dma_start3A_189] : memref<62x128xi32, #tpu.memory_space<vmem>> -> memref<1x128xi32, #tpu.memory_space<vmem>>
        %dma_start3A_191 = tpu.memref_squeeze %dma_start3A_190 : memref<1x128xi32, #tpu.memory_space<vmem>> -> memref<128xi32, #tpu.memory_space<vmem>>
        %dma_start3A_192 = arith.constant 0 : i32
        %dma_start3A_193 = arith.constant 0 : i32
        %dma_start3A_194 = tpu.memref_slice %arg6[%dma_start3A_192, %dma_start3A_193] : memref<10000x128xf32, #tpu.memory_space<hbm>> -> memref<10000x128xf32, #tpu.memory_space<hbm>>
        tpu.enqueue_indirect_dma source(%dma_start3A_194 : memref<10000x128xf32, #tpu.memory_space<hbm>>) target(%arg16 : memref<128x128xf32, #tpu.memory_space<vmem>>) offsets(%dma_start3A_191 : memref<128xi32, #tpu.memory_space<vmem>>) semaphore(%arg19 : memref<!tpu.dma_semaphore, #tpu.memory_space<semaphore_mem>>)
      } else {
      }
    }
    %while3A_90 = arith.constant 1 : i32
    scf.for %while3A_130 = %while3A_88 to %while3A_84 step %while3A_90  : i32 {
      %dma_wait3A = arith.constant 0 : i32
      %dma_wait3A_131 = arith.constant 0 : i32
      %dma_wait3A_132 = tpu.memref_slice %arg13[%dma_wait3A, %dma_wait3A_131] : memref<62x128xi32, #tpu.memory_space<vmem>> -> memref<1x128xi32, #tpu.memory_space<vmem>>
      %dma_wait3A_133 = tpu.memref_squeeze %dma_wait3A_132 : memref<1x128xi32, #tpu.memory_space<vmem>> -> memref<128xi32, #tpu.memory_space<vmem>>
      %dma_wait3A_134 = arith.constant 0 : i32
      %dma_wait3A_135 = arith.constant 0 : i32
      %dma_wait3A_136 = tpu.memref_slice %arg6[%dma_wait3A_134, %dma_wait3A_135] : memref<10000x128xf32, #tpu.memory_space<hbm>> -> memref<10000x128xf32, #tpu.memory_space<hbm>>
      tpu.wait_indirect_dma semaphore(%arg18 : memref<!tpu.dma_semaphore, #tpu.memory_space<semaphore_mem>>) src(%dma_wait3A_136 : memref<10000x128xf32, #tpu.memory_space<hbm>>) dst(%arg15 : memref<128x128xf32, #tpu.memory_space<vmem>>)
      %mul3A_137 = arith.constant 2 : i32
      %mul3A_138 = arith.muli %while3A_130, %mul3A_137 : i32
      %add3A = arith.constant 0 : i32
      %add3A_139 = arith.addi %mul3A_138, %add3A : i32
      %dma_start3A_140 = arith.constant 0 : i32
      %dma_start3A_141 = tpu.memref_slice %arg14[%add3A_139, %dma_start3A_140] : memref<62x128xi32, #tpu.memory_space<vmem>> -> memref<1x128xi32, #tpu.memory_space<vmem>>
      %dma_start3A_142 = tpu.memref_squeeze %dma_start3A_141 : memref<1x128xi32, #tpu.memory_space<vmem>> -> memref<128xi32, #tpu.memory_space<vmem>>
      %dma_start3A_143 = arith.constant 0 : i32
      %dma_start3A_144 = arith.constant 0 : i32
      %dma_start3A_145 = tpu.memref_slice %arg17[%dma_start3A_143, %dma_start3A_144] : memref<10112x128xf32, #tpu.memory_space<vmem_shared>> -> memref<10112x128xf32, #tpu.memory_space<vmem_shared>>
      tpu.enqueue_indirect_dma source(%arg15 : memref<128x128xf32, #tpu.memory_space<vmem>>) target(%dma_start3A_145 : memref<10112x128xf32, #tpu.memory_space<vmem_shared>>) offsets(%dma_start3A_142 : memref<128xi32, #tpu.memory_space<vmem>>) semaphore(%arg20 : memref<!tpu.dma_semaphore, #tpu.memory_space<semaphore_mem>>) {add = true}
      %dma_wait3A_146 = arith.constant 1 : i32
      %dma_wait3A_147 = arith.constant 0 : i32
      %dma_wait3A_148 = tpu.memref_slice %arg13[%dma_wait3A_146, %dma_wait3A_147] : memref<62x128xi32, #tpu.memory_space<vmem>> -> memref<1x128xi32, #tpu.memory_space<vmem>>
      %dma_wait3A_149 = tpu.memref_squeeze %dma_wait3A_148 : memref<1x128xi32, #tpu.memory_space<vmem>> -> memref<128xi32, #tpu.memory_space<vmem>>
      %dma_wait3A_150 = arith.constant 0 : i32
      %dma_wait3A_151 = arith.constant 0 : i32
      %dma_wait3A_152 = tpu.memref_slice %arg6[%dma_wait3A_150, %dma_wait3A_151] : memref<10000x128xf32, #tpu.memory_space<hbm>> -> memref<10000x128xf32, #tpu.memory_space<hbm>>
      tpu.wait_indirect_dma semaphore(%arg19 : memref<!tpu.dma_semaphore, #tpu.memory_space<semaphore_mem>>) src(%dma_wait3A_152 : memref<10000x128xf32, #tpu.memory_space<hbm>>) dst(%arg16 : memref<128x128xf32, #tpu.memory_space<vmem>>)
      %mul3A_153 = arith.constant 2 : i32
      %mul3A_154 = arith.muli %while3A_130, %mul3A_153 : i32
      %add3A_155 = arith.constant 1 : i32
      %add3A_156 = arith.addi %mul3A_154, %add3A_155 : i32
      %dma_start3A_157 = arith.constant 0 : i32
      %dma_start3A_158 = tpu.memref_slice %arg14[%add3A_156, %dma_start3A_157] : memref<62x128xi32, #tpu.memory_space<vmem>> -> memref<1x128xi32, #tpu.memory_space<vmem>>
      %dma_start3A_159 = tpu.memref_squeeze %dma_start3A_158 : memref<1x128xi32, #tpu.memory_space<vmem>> -> memref<128xi32, #tpu.memory_space<vmem>>
      %dma_start3A_160 = arith.constant 0 : i32
      %dma_start3A_161 = arith.constant 0 : i32
      %dma_start3A_162 = tpu.memref_slice %arg17[%dma_start3A_160, %dma_start3A_161] : memref<10112x128xf32, #tpu.memory_space<vmem_shared>> -> memref<10112x128xf32, #tpu.memory_space<vmem_shared>>
      tpu.enqueue_indirect_dma source(%arg16 : memref<128x128xf32, #tpu.memory_space<vmem>>) target(%dma_start3A_162 : memref<10112x128xf32, #tpu.memory_space<vmem_shared>>) offsets(%dma_start3A_159 : memref<128xi32, #tpu.memory_space<vmem>>) semaphore(%arg21 : memref<!tpu.dma_semaphore, #tpu.memory_space<semaphore_mem>>) {add = true}
      %dma_wait3A_163 = arith.constant 0 : i32
      %dma_wait3A_164 = tpu.memref_slice %arg14[%add3A_139, %dma_wait3A_163] : memref<62x128xi32, #tpu.memory_space<vmem>> -> memref<1x128xi32, #tpu.memory_space<vmem>>
      %dma_wait3A_165 = tpu.memref_squeeze %dma_wait3A_164 : memref<1x128xi32, #tpu.memory_space<vmem>> -> memref<128xi32, #tpu.memory_space<vmem>>
      %dma_wait3A_166 = arith.constant 0 : i32
      %dma_wait3A_167 = arith.constant 0 : i32
      %dma_wait3A_168 = tpu.memref_slice %arg17[%dma_wait3A_166, %dma_wait3A_167] : memref<10112x128xf32, #tpu.memory_space<vmem_shared>> -> memref<10112x128xf32, #tpu.memory_space<vmem_shared>>
      tpu.wait_indirect_dma semaphore(%arg20 : memref<!tpu.dma_semaphore, #tpu.memory_space<semaphore_mem>>) src(%arg15 : memref<128x128xf32, #tpu.memory_space<vmem>>) dst(%dma_wait3A_168 : memref<10112x128xf32, #tpu.memory_space<vmem_shared>>)
      %sub3A = arith.constant 1 : i32
      %sub3A_169 = arith.subi %select_n3A, %sub3A : i32
      %lt3A = arith.cmpi slt, %while3A_130, %sub3A_169 : i32
      %convert_element_type3A = arith.extui %lt3A : i1 to i32
      %cond3A = arith.constant 0 : i32
      %cond3A_170 = arith.cmpi ne, %convert_element_type3A, %cond3A : i32
      scf.if %cond3A_170 {
        %mul3A_183 = arith.constant 2 : i32
        %mul3A_184 = arith.muli %while3A_130, %mul3A_183 : i32
        %add3A_185 = arith.constant 2 : i32
        %add3A_186 = arith.addi %mul3A_184, %add3A_185 : i32
        %add3A_187 = arith.constant 0 : i32
        %add3A_188 = arith.addi %add3A_186, %add3A_187 : i32
        %dma_start3A_189 = arith.constant 0 : i32
        %dma_start3A_190 = tpu.memref_slice %arg13[%add3A_188, %dma_start3A_189] : memref<62x128xi32, #tpu.memory_space<vmem>> -> memref<1x128xi32, #tpu.memory_space<vmem>>
        %dma_start3A_191 = tpu.memref_squeeze %dma_start3A_190 : memref<1x128xi32, #tpu.memory_space<vmem>> -> memref<128xi32, #tpu.memory_space<vmem>>
        %dma_start3A_192 = arith.constant 0 : i32
        %dma_start3A_193 = arith.constant 0 : i32
        %dma_start3A_194 = tpu.memref_slice %arg6[%dma_start3A_192, %dma_start3A_193] : memref<10000x128xf32, #tpu.memory_space<hbm>> -> memref<10000x128xf32, #tpu.memory_space<hbm>>
        tpu.enqueue_indirect_dma source(%dma_start3A_194 : memref<10000x128xf32, #tpu.memory_space<hbm>>) target(%arg15 : memref<128x128xf32, #tpu.memory_space<vmem>>) offsets(%dma_start3A_191 : memref<128xi32, #tpu.memory_space<vmem>>) semaphore(%arg18 : memref<!tpu.dma_semaphore, #tpu.memory_space<semaphore_mem>>)
      } else {
      }
      %dma_wait3A_171 = arith.constant 0 : i32
      %dma_wait3A_172 = tpu.memref_slice %arg14[%add3A_156, %dma_wait3A_171] : memref<62x128xi32, #tpu.memory_space<vmem>> -> memref<1x128xi32, #tpu.memory_space<vmem>>
      %dma_wait3A_173 = tpu.memref_squeeze %dma_wait3A_172 : memref<1x128xi32, #tpu.memory_space<vmem>> -> memref<128xi32, #tpu.memory_space<vmem>>
      %dma_wait3A_174 = arith.constant 0 : i32
      %dma_wait3A_175 = arith.constant 0 : i32
      %dma_wait3A_176 = tpu.memref_slice %arg17[%dma_wait3A_174, %dma_wait3A_175] : memref<10112x128xf32, #tpu.memory_space<vmem_shared>> -> memref<10112x128xf32, #tpu.memory_space<vmem_shared>>
      tpu.wait_indirect_dma semaphore(%arg21 : memref<!tpu.dma_semaphore, #tpu.memory_space<semaphore_mem>>) src(%arg16 : memref<128x128xf32, #tpu.memory_space<vmem>>) dst(%dma_wait3A_176 : memref<10112x128xf32, #tpu.memory_space<vmem_shared>>)
      %sub3A_177 = arith.constant 1 : i32
      %sub3A_178 = arith.subi %select_n3A, %sub3A_177 : i32
      %lt3A_179 = arith.cmpi slt, %while3A_130, %sub3A_178 : i32
      %convert_element_type3A_180 = arith.extui %lt3A_179 : i1 to i32
      %cond3A_181 = arith.constant 0 : i32
      %cond3A_182 = arith.cmpi ne, %convert_element_type3A_180, %cond3A_181 : i32
      scf.if %cond3A_182 {
        %mul3A_183 = arith.constant 2 : i32
        %mul3A_184 = arith.muli %while3A_130, %mul3A_183 : i32
        %add3A_185 = arith.constant 2 : i32
        %add3A_186 = arith.addi %mul3A_184, %add3A_185 : i32
        %add3A_187 = arith.constant 1 : i32
        %add3A_188 = arith.addi %add3A_186, %add3A_187 : i32
        %dma_start3A_189 = arith.constant 0 : i32
        %dma_start3A_190 = tpu.memref_slice %arg13[%add3A_188, %dma_start3A_189] : memref<62x128xi32, #tpu.memory_space<vmem>> -> memref<1x128xi32, #tpu.memory_space<vmem>>
        %dma_start3A_191 = tpu.memref_squeeze %dma_start3A_190 : memref<1x128xi32, #tpu.memory_space<vmem>> -> memref<128xi32, #tpu.memory_space<vmem>>
        %dma_start3A_192 = arith.constant 0 : i32
        %dma_start3A_193 = arith.constant 0 : i32
        %dma_start3A_194 = tpu.memref_slice %arg6[%dma_start3A_192, %dma_start3A_193] : memref<10000x128xf32, #tpu.memory_space<hbm>> -> memref<10000x128xf32, #tpu.memory_space<hbm>>
        tpu.enqueue_indirect_dma source(%dma_start3A_194 : memref<10000x128xf32, #tpu.memory_space<hbm>>) target(%arg16 : memref<128x128xf32, #tpu.memory_space<vmem>>) offsets(%dma_start3A_191 : memref<128xi32, #tpu.memory_space<vmem>>) semaphore(%arg19 : memref<!tpu.dma_semaphore, #tpu.memory_space<semaphore_mem>>)
      } else {
      }
    }
    %barrier3A_91 = arith.constant 0 : index
    tpu.barrier barrier_id(%barrier3A_91)
    %mul3A_92 = arith.constant 632 : i32
    %mul3A_93 = arith.muli %arg1, %mul3A_92 : i32
    %mul3A_94 = arith.constant 632 : i32
    %mul3A_95 = arith.muli %arg1, %mul3A_94 : i32
    "tpu.region"() ({
      %run_scoped3A = tpu.sem_alloc : memref<!tpu.dma_semaphore, #tpu.memory_space<semaphore_mem>>
      %dma_start3A_130 = arith.constant 0 : i32
      %dma_start3A_131 = tpu.memref_slice %arg11[%arg0, %mul3A_95, %dma_start3A_130] : memref<2x10112x128xf32, #tpu.memory_space<hbm>> -> memref<1x632x128xf32, #tpu.memory_space<hbm>>
      %dma_start3A_132 = tpu.memref_squeeze %dma_start3A_131 : memref<1x632x128xf32, #tpu.memory_space<hbm>> -> memref<632x128xf32, #tpu.memory_space<hbm>>
      %dma_start3A_133 = arith.constant 0 : i32
      %dma_start3A_134 = tpu.memref_slice %arg17[%mul3A_93, %dma_start3A_133] : memref<10112x128xf32, #tpu.memory_space<vmem_shared>> -> memref<632x128xf32, #tpu.memory_space<vmem_shared>>
      tpu.enqueue_dma source(%dma_start3A_134 : memref<632x128xf32, #tpu.memory_space<vmem_shared>>) target(%dma_start3A_132 : memref<632x128xf32, #tpu.memory_space<hbm>>) target_semaphore(%run_scoped3A : memref<!tpu.dma_semaphore, #tpu.memory_space<semaphore_mem>>)
      %dma_wait3A = arith.constant 0 : i32
      %dma_wait3A_135 = tpu.memref_slice %arg11[%arg0, %mul3A_95, %dma_wait3A] : memref<2x10112x128xf32, #tpu.memory_space<hbm>> -> memref<1x632x128xf32, #tpu.memory_space<hbm>>
      %dma_wait3A_136 = tpu.memref_squeeze %dma_wait3A_135 : memref<1x632x128xf32, #tpu.memory_space<hbm>> -> memref<632x128xf32, #tpu.memory_space<hbm>>
      %dma_wait3A_137 = arith.constant 0 : i32
      %dma_wait3A_138 = tpu.memref_slice %arg17[%mul3A_93, %dma_wait3A_137] : memref<10112x128xf32, #tpu.memory_space<vmem_shared>> -> memref<632x128xf32, #tpu.memory_space<vmem_shared>>
      tpu.wait_dma2 semaphore(%run_scoped3A : memref<!tpu.dma_semaphore, #tpu.memory_space<semaphore_mem>>) src(%dma_wait3A_138 : memref<632x128xf32, #tpu.memory_space<vmem_shared>>) dst(%dma_wait3A_136 : memref<632x128xf32, #tpu.memory_space<hbm>>)
      tpu.yield
    }) : () -> ()
    %barrier3A_96 = arith.constant 0 : index
    tpu.barrier barrier_id(%barrier3A_96)
    %mul3A_97 = arith.constant 632 : i32
    %mul3A_98 = arith.muli %arg1, %mul3A_97 : i32
    "tpu.region"() ({
      %run_scoped3A = tpu.sem_alloc : memref<!tpu.dma_semaphore, #tpu.memory_space<semaphore_mem>>
      %dma_start3A_130 = arith.constant 0 : i32
      %dma_start3A_131 = tpu.memref_slice %arg17[%mul3A_98, %dma_start3A_130] : memref<10112x128xf32, #tpu.memory_space<vmem_shared>> -> memref<632x128xf32, #tpu.memory_space<vmem_shared>>
      tpu.enqueue_dma source(%arg8 : memref<632x128xf32, #tpu.memory_space<hbm>>) target(%dma_start3A_131 : memref<632x128xf32, #tpu.memory_space<vmem_shared>>) target_semaphore(%run_scoped3A : memref<!tpu.dma_semaphore, #tpu.memory_space<semaphore_mem>>)
      %dma_wait3A = arith.constant 0 : i32
      %dma_wait3A_132 = tpu.memref_slice %arg17[%mul3A_98, %dma_wait3A] : memref<10112x128xf32, #tpu.memory_space<vmem_shared>> -> memref<632x128xf32, #tpu.memory_space<vmem_shared>>
      tpu.wait_dma2 semaphore(%run_scoped3A : memref<!tpu.dma_semaphore, #tpu.memory_space<semaphore_mem>>) src(%arg8 : memref<632x128xf32, #tpu.memory_space<hbm>>) dst(%dma_wait3A_132 : memref<632x128xf32, #tpu.memory_space<vmem_shared>>)
      tpu.yield
    }) : () -> ()
    %barrier3A_99 = arith.constant 0 : index
    tpu.barrier barrier_id(%barrier3A_99)
    %dma_start3A_100 = arith.constant 0 : i32
    %dma_start3A_101 = arith.constant 0 : i32
    %dma_start3A_102 = tpu.memref_slice %arg13[%dma_start3A_100, %dma_start3A_101] : memref<62x128xi32, #tpu.memory_space<vmem>> -> memref<1x128xi32, #tpu.memory_space<vmem>>
    %dma_start3A_103 = tpu.memref_squeeze %dma_start3A_102 : memref<1x128xi32, #tpu.memory_space<vmem>> -> memref<128xi32, #tpu.memory_space<vmem>>
    %dma_start3A_104 = arith.constant 0 : i32
    %dma_start3A_105 = arith.constant 0 : i32
    %dma_start3A_106 = tpu.memref_slice %arg7[%dma_start3A_104, %dma_start3A_105] : memref<10000x128xf32, #tpu.memory_space<hbm>> -> memref<10000x128xf32, #tpu.memory_space<hbm>>
    tpu.enqueue_indirect_dma source(%dma_start3A_106 : memref<10000x128xf32, #tpu.memory_space<hbm>>) target(%arg15 : memref<128x128xf32, #tpu.memory_space<vmem>>) offsets(%dma_start3A_103 : memref<128xi32, #tpu.memory_space<vmem>>) semaphore(%arg18 : memref<!tpu.dma_semaphore, #tpu.memory_space<semaphore_mem>>)
    %dma_start3A_107 = arith.constant 1 : i32
    %dma_start3A_108 = arith.constant 0 : i32
    %dma_start3A_109 = tpu.memref_slice %arg13[%dma_start3A_107, %dma_start3A_108] : memref<62x128xi32, #tpu.memory_space<vmem>> -> memref<1x128xi32, #tpu.memory_space<vmem>>
    %dma_start3A_110 = tpu.memref_squeeze %dma_start3A_109 : memref<1x128xi32, #tpu.memory_space<vmem>> -> memref<128xi32, #tpu.memory_space<vmem>>
    %dma_start3A_111 = arith.constant 0 : i32
    %dma_start3A_112 = arith.constant 0 : i32
    %dma_start3A_113 = tpu.memref_slice %arg7[%dma_start3A_111, %dma_start3A_112] : memref<10000x128xf32, #tpu.memory_space<hbm>> -> memref<10000x128xf32, #tpu.memory_space<hbm>>
    tpu.enqueue_indirect_dma source(%dma_start3A_113 : memref<10000x128xf32, #tpu.memory_space<hbm>>) target(%arg16 : memref<128x128xf32, #tpu.memory_space<vmem>>) offsets(%dma_start3A_110 : memref<128xi32, #tpu.memory_space<vmem>>) semaphore(%arg19 : memref<!tpu.dma_semaphore, #tpu.memory_space<semaphore_mem>>)
    %while3A_114 = arith.constant 0 : i32
    %while3A_115 = arith.constant 0 : i32
    %while3A_116 = arith.subi %select_n3A, %while3A_115 : i32
    %while3A_117 = arith.addi %while3A_115, %while3A_116 : i32
    %while3A_118 = arith.constant 1 : i32
    %while3A_119 = arith.divsi %while3A_116, %while3A_118 : i32
    %while3A_120 = arith.muli %while3A_119, %while3A_118 : i32
    %while3A_121 = arith.addi %while3A_115, %while3A_120 : i32
    %while3A_122 = arith.constant 1 : i32
    scf.for %while3A_130 = %while3A_115 to %while3A_121 step %while3A_122  : i32 {
      %dma_wait3A = arith.constant 0 : i32
      %dma_wait3A_131 = arith.constant 0 : i32
      %dma_wait3A_132 = tpu.memref_slice %arg13[%dma_wait3A, %dma_wait3A_131] : memref<62x128xi32, #tpu.memory_space<vmem>> -> memref<1x128xi32, #tpu.memory_space<vmem>>
      %dma_wait3A_133 = tpu.memref_squeeze %dma_wait3A_132 : memref<1x128xi32, #tpu.memory_space<vmem>> -> memref<128xi32, #tpu.memory_space<vmem>>
      %dma_wait3A_134 = arith.constant 0 : i32
      %dma_wait3A_135 = arith.constant 0 : i32
      %dma_wait3A_136 = tpu.memref_slice %arg7[%dma_wait3A_134, %dma_wait3A_135] : memref<10000x128xf32, #tpu.memory_space<hbm>> -> memref<10000x128xf32, #tpu.memory_space<hbm>>
      tpu.wait_indirect_dma semaphore(%arg18 : memref<!tpu.dma_semaphore, #tpu.memory_space<semaphore_mem>>) src(%dma_wait3A_136 : memref<10000x128xf32, #tpu.memory_space<hbm>>) dst(%arg15 : memref<128x128xf32, #tpu.memory_space<vmem>>)
      %mul3A_137 = arith.constant 2 : i32
      %mul3A_138 = arith.muli %while3A_130, %mul3A_137 : i32
      %add3A = arith.constant 0 : i32
      %add3A_139 = arith.addi %mul3A_138, %add3A : i32
      %dma_start3A_140 = arith.constant 0 : i32
      %dma_start3A_141 = tpu.memref_slice %arg14[%add3A_139, %dma_start3A_140] : memref<62x128xi32, #tpu.memory_space<vmem>> -> memref<1x128xi32, #tpu.memory_space<vmem>>
      %dma_start3A_142 = tpu.memref_squeeze %dma_start3A_141 : memref<1x128xi32, #tpu.memory_space<vmem>> -> memref<128xi32, #tpu.memory_space<vmem>>
      %dma_start3A_143 = arith.constant 0 : i32
      %dma_start3A_144 = arith.constant 0 : i32
      %dma_start3A_145 = tpu.memref_slice %arg17[%dma_start3A_143, %dma_start3A_144] : memref<10112x128xf32, #tpu.memory_space<vmem_shared>> -> memref<10112x128xf32, #tpu.memory_space<vmem_shared>>
      tpu.enqueue_indirect_dma source(%arg15 : memref<128x128xf32, #tpu.memory_space<vmem>>) target(%dma_start3A_145 : memref<10112x128xf32, #tpu.memory_space<vmem_shared>>) offsets(%dma_start3A_142 : memref<128xi32, #tpu.memory_space<vmem>>) semaphore(%arg20 : memref<!tpu.dma_semaphore, #tpu.memory_space<semaphore_mem>>) {add = true}
      %dma_wait3A_146 = arith.constant 1 : i32
      %dma_wait3A_147 = arith.constant 0 : i32
      %dma_wait3A_148 = tpu.memref_slice %arg13[%dma_wait3A_146, %dma_wait3A_147] : memref<62x128xi32, #tpu.memory_space<vmem>> -> memref<1x128xi32, #tpu.memory_space<vmem>>
      %dma_wait3A_149 = tpu.memref_squeeze %dma_wait3A_148 : memref<1x128xi32, #tpu.memory_space<vmem>> -> memref<128xi32, #tpu.memory_space<vmem>>
      %dma_wait3A_150 = arith.constant 0 : i32
      %dma_wait3A_151 = arith.constant 0 : i32
      %dma_wait3A_152 = tpu.memref_slice %arg7[%dma_wait3A_150, %dma_wait3A_151] : memref<10000x128xf32, #tpu.memory_space<hbm>> -> memref<10000x128xf32, #tpu.memory_space<hbm>>
      tpu.wait_indirect_dma semaphore(%arg19 : memref<!tpu.dma_semaphore, #tpu.memory_space<semaphore_mem>>) src(%dma_wait3A_152 : memref<10000x128xf32, #tpu.memory_space<hbm>>) dst(%arg16 : memref<128x128xf32, #tpu.memory_space<vmem>>)
      %mul3A_153 = arith.constant 2 : i32
      %mul3A_154 = arith.muli %while3A_130, %mul3A_153 : i32
      %add3A_155 = arith.constant 1 : i32
      %add3A_156 = arith.addi %mul3A_154, %add3A_155 : i32
      %dma_start3A_157 = arith.constant 0 : i32
      %dma_start3A_158 = tpu.memref_slice %arg14[%add3A_156, %dma_start3A_157] : memref<62x128xi32, #tpu.memory_space<vmem>> -> memref<1x128xi32, #tpu.memory_space<vmem>>
      %dma_start3A_159 = tpu.memref_squeeze %dma_start3A_158 : memref<1x128xi32, #tpu.memory_space<vmem>> -> memref<128xi32, #tpu.memory_space<vmem>>
      %dma_start3A_160 = arith.constant 0 : i32
      %dma_start3A_161 = arith.constant 0 : i32
      %dma_start3A_162 = tpu.memref_slice %arg17[%dma_start3A_160, %dma_start3A_161] : memref<10112x128xf32, #tpu.memory_space<vmem_shared>> -> memref<10112x128xf32, #tpu.memory_space<vmem_shared>>
      tpu.enqueue_indirect_dma source(%arg16 : memref<128x128xf32, #tpu.memory_space<vmem>>) target(%dma_start3A_162 : memref<10112x128xf32, #tpu.memory_space<vmem_shared>>) offsets(%dma_start3A_159 : memref<128xi32, #tpu.memory_space<vmem>>) semaphore(%arg21 : memref<!tpu.dma_semaphore, #tpu.memory_space<semaphore_mem>>) {add = true}
      %dma_wait3A_163 = arith.constant 0 : i32
      %dma_wait3A_164 = tpu.memref_slice %arg14[%add3A_139, %dma_wait3A_163] : memref<62x128xi32, #tpu.memory_space<vmem>> -> memref<1x128xi32, #tpu.memory_space<vmem>>
      %dma_wait3A_165 = tpu.memref_squeeze %dma_wait3A_164 : memref<1x128xi32, #tpu.memory_space<vmem>> -> memref<128xi32, #tpu.memory_space<vmem>>
      %dma_wait3A_166 = arith.constant 0 : i32
      %dma_wait3A_167 = arith.constant 0 : i32
      %dma_wait3A_168 = tpu.memref_slice %arg17[%dma_wait3A_166, %dma_wait3A_167] : memref<10112x128xf32, #tpu.memory_space<vmem_shared>> -> memref<10112x128xf32, #tpu.memory_space<vmem_shared>>
      tpu.wait_indirect_dma semaphore(%arg20 : memref<!tpu.dma_semaphore, #tpu.memory_space<semaphore_mem>>) src(%arg15 : memref<128x128xf32, #tpu.memory_space<vmem>>) dst(%dma_wait3A_168 : memref<10112x128xf32, #tpu.memory_space<vmem_shared>>)
      %sub3A = arith.constant 1 : i32
      %sub3A_169 = arith.subi %select_n3A, %sub3A : i32
      %lt3A = arith.cmpi slt, %while3A_130, %sub3A_169 : i32
      %convert_element_type3A = arith.extui %lt3A : i1 to i32
      %cond3A = arith.constant 0 : i32
      %cond3A_170 = arith.cmpi ne, %convert_element_type3A, %cond3A : i32
      scf.if %cond3A_170 {
        %mul3A_183 = arith.constant 2 : i32
        %mul3A_184 = arith.muli %while3A_130, %mul3A_183 : i32
        %add3A_185 = arith.constant 2 : i32
        %add3A_186 = arith.addi %mul3A_184, %add3A_185 : i32
        %add3A_187 = arith.constant 0 : i32
        %add3A_188 = arith.addi %add3A_186, %add3A_187 : i32
        %dma_start3A_189 = arith.constant 0 : i32
        %dma_start3A_190 = tpu.memref_slice %arg13[%add3A_188, %dma_start3A_189] : memref<62x128xi32, #tpu.memory_space<vmem>> -> memref<1x128xi32, #tpu.memory_space<vmem>>
        %dma_start3A_191 = tpu.memref_squeeze %dma_start3A_190 : memref<1x128xi32, #tpu.memory_space<vmem>> -> memref<128xi32, #tpu.memory_space<vmem>>
        %dma_start3A_192 = arith.constant 0 : i32
        %dma_start3A_193 = arith.constant 0 : i32
        %dma_start3A_194 = tpu.memref_slice %arg7[%dma_start3A_192, %dma_start3A_193] : memref<10000x128xf32, #tpu.memory_space<hbm>> -> memref<10000x128xf32, #tpu.memory_space<hbm>>
        tpu.enqueue_indirect_dma source(%dma_start3A_194 : memref<10000x128xf32, #tpu.memory_space<hbm>>) target(%arg15 : memref<128x128xf32, #tpu.memory_space<vmem>>) offsets(%dma_start3A_191 : memref<128xi32, #tpu.memory_space<vmem>>) semaphore(%arg18 : memref<!tpu.dma_semaphore, #tpu.memory_space<semaphore_mem>>)
      } else {
      }
      %dma_wait3A_171 = arith.constant 0 : i32
      %dma_wait3A_172 = tpu.memref_slice %arg14[%add3A_156, %dma_wait3A_171] : memref<62x128xi32, #tpu.memory_space<vmem>> -> memref<1x128xi32, #tpu.memory_space<vmem>>
      %dma_wait3A_173 = tpu.memref_squeeze %dma_wait3A_172 : memref<1x128xi32, #tpu.memory_space<vmem>> -> memref<128xi32, #tpu.memory_space<vmem>>
      %dma_wait3A_174 = arith.constant 0 : i32
      %dma_wait3A_175 = arith.constant 0 : i32
      %dma_wait3A_176 = tpu.memref_slice %arg17[%dma_wait3A_174, %dma_wait3A_175] : memref<10112x128xf32, #tpu.memory_space<vmem_shared>> -> memref<10112x128xf32, #tpu.memory_space<vmem_shared>>
      tpu.wait_indirect_dma semaphore(%arg21 : memref<!tpu.dma_semaphore, #tpu.memory_space<semaphore_mem>>) src(%arg16 : memref<128x128xf32, #tpu.memory_space<vmem>>) dst(%dma_wait3A_176 : memref<10112x128xf32, #tpu.memory_space<vmem_shared>>)
      %sub3A_177 = arith.constant 1 : i32
      %sub3A_178 = arith.subi %select_n3A, %sub3A_177 : i32
      %lt3A_179 = arith.cmpi slt, %while3A_130, %sub3A_178 : i32
      %convert_element_type3A_180 = arith.extui %lt3A_179 : i1 to i32
      %cond3A_181 = arith.constant 0 : i32
      %cond3A_182 = arith.cmpi ne, %convert_element_type3A_180, %cond3A_181 : i32
      scf.if %cond3A_182 {
        %mul3A_183 = arith.constant 2 : i32
        %mul3A_184 = arith.muli %while3A_130, %mul3A_183 : i32
        %add3A_185 = arith.constant 2 : i32
        %add3A_186 = arith.addi %mul3A_184, %add3A_185 : i32
        %add3A_187 = arith.constant 1 : i32
        %add3A_188 = arith.addi %add3A_186, %add3A_187 : i32
        %dma_start3A_189 = arith.constant 0 : i32
        %dma_start3A_190 = tpu.memref_slice %arg13[%add3A_188, %dma_start3A_189] : memref<62x128xi32, #tpu.memory_space<vmem>> -> memref<1x128xi32, #tpu.memory_space<vmem>>
        %dma_start3A_191 = tpu.memref_squeeze %dma_start3A_190 : memref<1x128xi32, #tpu.memory_space<vmem>> -> memref<128xi32, #tpu.memory_space<vmem>>
        %dma_start3A_192 = arith.constant 0 : i32
        %dma_start3A_193 = arith.constant 0 : i32
        %dma_start3A_194 = tpu.memref_slice %arg7[%dma_start3A_192, %dma_start3A_193] : memref<10000x128xf32, #tpu.memory_space<hbm>> -> memref<10000x128xf32, #tpu.memory_space<hbm>>
        tpu.enqueue_indirect_dma source(%dma_start3A_194 : memref<10000x128xf32, #tpu.memory_space<hbm>>) target(%arg16 : memref<128x128xf32, #tpu.memory_space<vmem>>) offsets(%dma_start3A_191 : memref<128xi32, #tpu.memory_space<vmem>>) semaphore(%arg19 : memref<!tpu.dma_semaphore, #tpu.memory_space<semaphore_mem>>)
      } else {
      }
    }
    %while3A_123 = arith.constant 1 : i32
    scf.for %while3A_130 = %while3A_121 to %while3A_117 step %while3A_123  : i32 {
      %dma_wait3A = arith.constant 0 : i32
      %dma_wait3A_131 = arith.constant 0 : i32
      %dma_wait3A_132 = tpu.memref_slice %arg13[%dma_wait3A, %dma_wait3A_131] : memref<62x128xi32, #tpu.memory_space<vmem>> -> memref<1x128xi32, #tpu.memory_space<vmem>>
      %dma_wait3A_133 = tpu.memref_squeeze %dma_wait3A_132 : memref<1x128xi32, #tpu.memory_space<vmem>> -> memref<128xi32, #tpu.memory_space<vmem>>
      %dma_wait3A_134 = arith.constant 0 : i32
      %dma_wait3A_135 = arith.constant 0 : i32
      %dma_wait3A_136 = tpu.memref_slice %arg7[%dma_wait3A_134, %dma_wait3A_135] : memref<10000x128xf32, #tpu.memory_space<hbm>> -> memref<10000x128xf32, #tpu.memory_space<hbm>>
      tpu.wait_indirect_dma semaphore(%arg18 : memref<!tpu.dma_semaphore, #tpu.memory_space<semaphore_mem>>) src(%dma_wait3A_136 : memref<10000x128xf32, #tpu.memory_space<hbm>>) dst(%arg15 : memref<128x128xf32, #tpu.memory_space<vmem>>)
      %mul3A_137 = arith.constant 2 : i32
      %mul3A_138 = arith.muli %while3A_130, %mul3A_137 : i32
      %add3A = arith.constant 0 : i32
      %add3A_139 = arith.addi %mul3A_138, %add3A : i32
      %dma_start3A_140 = arith.constant 0 : i32
      %dma_start3A_141 = tpu.memref_slice %arg14[%add3A_139, %dma_start3A_140] : memref<62x128xi32, #tpu.memory_space<vmem>> -> memref<1x128xi32, #tpu.memory_space<vmem>>
      %dma_start3A_142 = tpu.memref_squeeze %dma_start3A_141 : memref<1x128xi32, #tpu.memory_space<vmem>> -> memref<128xi32, #tpu.memory_space<vmem>>
      %dma_start3A_143 = arith.constant 0 : i32
      %dma_start3A_144 = arith.constant 0 : i32
      %dma_start3A_145 = tpu.memref_slice %arg17[%dma_start3A_143, %dma_start3A_144] : memref<10112x128xf32, #tpu.memory_space<vmem_shared>> -> memref<10112x128xf32, #tpu.memory_space<vmem_shared>>
      tpu.enqueue_indirect_dma source(%arg15 : memref<128x128xf32, #tpu.memory_space<vmem>>) target(%dma_start3A_145 : memref<10112x128xf32, #tpu.memory_space<vmem_shared>>) offsets(%dma_start3A_142 : memref<128xi32, #tpu.memory_space<vmem>>) semaphore(%arg20 : memref<!tpu.dma_semaphore, #tpu.memory_space<semaphore_mem>>) {add = true}
      %dma_wait3A_146 = arith.constant 1 : i32
      %dma_wait3A_147 = arith.constant 0 : i32
      %dma_wait3A_148 = tpu.memref_slice %arg13[%dma_wait3A_146, %dma_wait3A_147] : memref<62x128xi32, #tpu.memory_space<vmem>> -> memref<1x128xi32, #tpu.memory_space<vmem>>
      %dma_wait3A_149 = tpu.memref_squeeze %dma_wait3A_148 : memref<1x128xi32, #tpu.memory_space<vmem>> -> memref<128xi32, #tpu.memory_space<vmem>>
      %dma_wait3A_150 = arith.constant 0 : i32
      %dma_wait3A_151 = arith.constant 0 : i32
      %dma_wait3A_152 = tpu.memref_slice %arg7[%dma_wait3A_150, %dma_wait3A_151] : memref<10000x128xf32, #tpu.memory_space<hbm>> -> memref<10000x128xf32, #tpu.memory_space<hbm>>
      tpu.wait_indirect_dma semaphore(%arg19 : memref<!tpu.dma_semaphore, #tpu.memory_space<semaphore_mem>>) src(%dma_wait3A_152 : memref<10000x128xf32, #tpu.memory_space<hbm>>) dst(%arg16 : memref<128x128xf32, #tpu.memory_space<vmem>>)
      %mul3A_153 = arith.constant 2 : i32
      %mul3A_154 = arith.muli %while3A_130, %mul3A_153 : i32
      %add3A_155 = arith.constant 1 : i32
      %add3A_156 = arith.addi %mul3A_154, %add3A_155 : i32
      %dma_start3A_157 = arith.constant 0 : i32
      %dma_start3A_158 = tpu.memref_slice %arg14[%add3A_156, %dma_start3A_157] : memref<62x128xi32, #tpu.memory_space<vmem>> -> memref<1x128xi32, #tpu.memory_space<vmem>>
      %dma_start3A_159 = tpu.memref_squeeze %dma_start3A_158 : memref<1x128xi32, #tpu.memory_space<vmem>> -> memref<128xi32, #tpu.memory_space<vmem>>
      %dma_start3A_160 = arith.constant 0 : i32
      %dma_start3A_161 = arith.constant 0 : i32
      %dma_start3A_162 = tpu.memref_slice %arg17[%dma_start3A_160, %dma_start3A_161] : memref<10112x128xf32, #tpu.memory_space<vmem_shared>> -> memref<10112x128xf32, #tpu.memory_space<vmem_shared>>
      tpu.enqueue_indirect_dma source(%arg16 : memref<128x128xf32, #tpu.memory_space<vmem>>) target(%dma_start3A_162 : memref<10112x128xf32, #tpu.memory_space<vmem_shared>>) offsets(%dma_start3A_159 : memref<128xi32, #tpu.memory_space<vmem>>) semaphore(%arg21 : memref<!tpu.dma_semaphore, #tpu.memory_space<semaphore_mem>>) {add = true}
      %dma_wait3A_163 = arith.constant 0 : i32
      %dma_wait3A_164 = tpu.memref_slice %arg14[%add3A_139, %dma_wait3A_163] : memref<62x128xi32, #tpu.memory_space<vmem>> -> memref<1x128xi32, #tpu.memory_space<vmem>>
      %dma_wait3A_165 = tpu.memref_squeeze %dma_wait3A_164 : memref<1x128xi32, #tpu.memory_space<vmem>> -> memref<128xi32, #tpu.memory_space<vmem>>
      %dma_wait3A_166 = arith.constant 0 : i32
      %dma_wait3A_167 = arith.constant 0 : i32
      %dma_wait3A_168 = tpu.memref_slice %arg17[%dma_wait3A_166, %dma_wait3A_167] : memref<10112x128xf32, #tpu.memory_space<vmem_shared>> -> memref<10112x128xf32, #tpu.memory_space<vmem_shared>>
      tpu.wait_indirect_dma semaphore(%arg20 : memref<!tpu.dma_semaphore, #tpu.memory_space<semaphore_mem>>) src(%arg15 : memref<128x128xf32, #tpu.memory_space<vmem>>) dst(%dma_wait3A_168 : memref<10112x128xf32, #tpu.memory_space<vmem_shared>>)
      %sub3A = arith.constant 1 : i32
      %sub3A_169 = arith.subi %select_n3A, %sub3A : i32
      %lt3A = arith.cmpi slt, %while3A_130, %sub3A_169 : i32
      %convert_element_type3A = arith.extui %lt3A : i1 to i32
      %cond3A = arith.constant 0 : i32
      %cond3A_170 = arith.cmpi ne, %convert_element_type3A, %cond3A : i32
      scf.if %cond3A_170 {
        %mul3A_183 = arith.constant 2 : i32
        %mul3A_184 = arith.muli %while3A_130, %mul3A_183 : i32
        %add3A_185 = arith.constant 2 : i32
        %add3A_186 = arith.addi %mul3A_184, %add3A_185 : i32
        %add3A_187 = arith.constant 0 : i32
        %add3A_188 = arith.addi %add3A_186, %add3A_187 : i32
        %dma_start3A_189 = arith.constant 0 : i32
        %dma_start3A_190 = tpu.memref_slice %arg13[%add3A_188, %dma_start3A_189] : memref<62x128xi32, #tpu.memory_space<vmem>> -> memref<1x128xi32, #tpu.memory_space<vmem>>
        %dma_start3A_191 = tpu.memref_squeeze %dma_start3A_190 : memref<1x128xi32, #tpu.memory_space<vmem>> -> memref<128xi32, #tpu.memory_space<vmem>>
        %dma_start3A_192 = arith.constant 0 : i32
        %dma_start3A_193 = arith.constant 0 : i32
        %dma_start3A_194 = tpu.memref_slice %arg7[%dma_start3A_192, %dma_start3A_193] : memref<10000x128xf32, #tpu.memory_space<hbm>> -> memref<10000x128xf32, #tpu.memory_space<hbm>>
        tpu.enqueue_indirect_dma source(%dma_start3A_194 : memref<10000x128xf32, #tpu.memory_space<hbm>>) target(%arg15 : memref<128x128xf32, #tpu.memory_space<vmem>>) offsets(%dma_start3A_191 : memref<128xi32, #tpu.memory_space<vmem>>) semaphore(%arg18 : memref<!tpu.dma_semaphore, #tpu.memory_space<semaphore_mem>>)
      } else {
      }
      %dma_wait3A_171 = arith.constant 0 : i32
      %dma_wait3A_172 = tpu.memref_slice %arg14[%add3A_156, %dma_wait3A_171] : memref<62x128xi32, #tpu.memory_space<vmem>> -> memref<1x128xi32, #tpu.memory_space<vmem>>
      %dma_wait3A_173 = tpu.memref_squeeze %dma_wait3A_172 : memref<1x128xi32, #tpu.memory_space<vmem>> -> memref<128xi32, #tpu.memory_space<vmem>>
      %dma_wait3A_174 = arith.constant 0 : i32
      %dma_wait3A_175 = arith.constant 0 : i32
      %dma_wait3A_176 = tpu.memref_slice %arg17[%dma_wait3A_174, %dma_wait3A_175] : memref<10112x128xf32, #tpu.memory_space<vmem_shared>> -> memref<10112x128xf32, #tpu.memory_space<vmem_shared>>
      tpu.wait_indirect_dma semaphore(%arg21 : memref<!tpu.dma_semaphore, #tpu.memory_space<semaphore_mem>>) src(%arg16 : memref<128x128xf32, #tpu.memory_space<vmem>>) dst(%dma_wait3A_176 : memref<10112x128xf32, #tpu.memory_space<vmem_shared>>)
      %sub3A_177 = arith.constant 1 : i32
      %sub3A_178 = arith.subi %select_n3A, %sub3A_177 : i32
      %lt3A_179 = arith.cmpi slt, %while3A_130, %sub3A_178 : i32
      %convert_element_type3A_180 = arith.extui %lt3A_179 : i1 to i32
      %cond3A_181 = arith.constant 0 : i32
      %cond3A_182 = arith.cmpi ne, %convert_element_type3A_180, %cond3A_181 : i32
      scf.if %cond3A_182 {
        %mul3A_183 = arith.constant 2 : i32
        %mul3A_184 = arith.muli %while3A_130, %mul3A_183 : i32
        %add3A_185 = arith.constant 2 : i32
        %add3A_186 = arith.addi %mul3A_184, %add3A_185 : i32
        %add3A_187 = arith.constant 1 : i32
        %add3A_188 = arith.addi %add3A_186, %add3A_187 : i32
        %dma_start3A_189 = arith.constant 0 : i32
        %dma_start3A_190 = tpu.memref_slice %arg13[%add3A_188, %dma_start3A_189] : memref<62x128xi32, #tpu.memory_space<vmem>> -> memref<1x128xi32, #tpu.memory_space<vmem>>
        %dma_start3A_191 = tpu.memref_squeeze %dma_start3A_190 : memref<1x128xi32, #tpu.memory_space<vmem>> -> memref<128xi32, #tpu.memory_space<vmem>>
        %dma_start3A_192 = arith.constant 0 : i32
        %dma_start3A_193 = arith.constant 0 : i32
        %dma_start3A_194 = tpu.memref_slice %arg7[%dma_start3A_192, %dma_start3A_193] : memref<10000x128xf32, #tpu.memory_space<hbm>> -> memref<10000x128xf32, #tpu.memory_space<hbm>>
        tpu.enqueue_indirect_dma source(%dma_start3A_194 : memref<10000x128xf32, #tpu.memory_space<hbm>>) target(%arg16 : memref<128x128xf32, #tpu.memory_space<vmem>>) offsets(%dma_start3A_191 : memref<128xi32, #tpu.memory_space<vmem>>) semaphore(%arg19 : memref<!tpu.dma_semaphore, #tpu.memory_space<semaphore_mem>>)
      } else {
      }
    }
    %barrier3A_124 = arith.constant 0 : index
    tpu.barrier barrier_id(%barrier3A_124)
    %mul3A_125 = arith.constant 632 : i32
    %mul3A_126 = arith.muli %arg1, %mul3A_125 : i32
    %mul3A_127 = arith.constant 632 : i32
    %mul3A_128 = arith.muli %arg1, %mul3A_127 : i32
    "tpu.region"() ({
      %run_scoped3A = tpu.sem_alloc : memref<!tpu.dma_semaphore, #tpu.memory_space<semaphore_mem>>
      %dma_start3A_130 = arith.constant 0 : i32
      %dma_start3A_131 = tpu.memref_slice %arg12[%arg0, %mul3A_128, %dma_start3A_130] : memref<2x10112x128xf32, #tpu.memory_space<hbm>> -> memref<1x632x128xf32, #tpu.memory_space<hbm>>
      %dma_start3A_132 = tpu.memref_squeeze %dma_start3A_131 : memref<1x632x128xf32, #tpu.memory_space<hbm>> -> memref<632x128xf32, #tpu.memory_space<hbm>>
      %dma_start3A_133 = arith.constant 0 : i32
      %dma_start3A_134 = tpu.memref_slice %arg17[%mul3A_126, %dma_start3A_133] : memref<10112x128xf32, #tpu.memory_space<vmem_shared>> -> memref<632x128xf32, #tpu.memory_space<vmem_shared>>
      tpu.enqueue_dma source(%dma_start3A_134 : memref<632x128xf32, #tpu.memory_space<vmem_shared>>) target(%dma_start3A_132 : memref<632x128xf32, #tpu.memory_space<hbm>>) target_semaphore(%run_scoped3A : memref<!tpu.dma_semaphore, #tpu.memory_space<semaphore_mem>>)
      %dma_wait3A = arith.constant 0 : i32
      %dma_wait3A_135 = tpu.memref_slice %arg12[%arg0, %mul3A_128, %dma_wait3A] : memref<2x10112x128xf32, #tpu.memory_space<hbm>> -> memref<1x632x128xf32, #tpu.memory_space<hbm>>
      %dma_wait3A_136 = tpu.memref_squeeze %dma_wait3A_135 : memref<1x632x128xf32, #tpu.memory_space<hbm>> -> memref<632x128xf32, #tpu.memory_space<hbm>>
      %dma_wait3A_137 = arith.constant 0 : i32
      %dma_wait3A_138 = tpu.memref_slice %arg17[%mul3A_126, %dma_wait3A_137] : memref<10112x128xf32, #tpu.memory_space<vmem_shared>> -> memref<632x128xf32, #tpu.memory_space<vmem_shared>>
      tpu.wait_dma2 semaphore(%run_scoped3A : memref<!tpu.dma_semaphore, #tpu.memory_space<semaphore_mem>>) src(%dma_wait3A_138 : memref<632x128xf32, #tpu.memory_space<vmem_shared>>) dst(%dma_wait3A_136 : memref<632x128xf32, #tpu.memory_space<hbm>>)
      tpu.yield
    }) : () -> ()
    %barrier3A_129 = arith.constant 0 : index
    tpu.barrier barrier_id(%barrier3A_129)
    return
  }
}

#map = affine_map<(d0, d1) -> (0, 0, 0, 0)>
#map1 = affine_map<(d0, d1) -> (0, 0)>
#map2 = affine_map<(d0, d1) -> (0, 0, 0)>
module attributes {stable_mosaic.version = 14 : i64} {
  func.func @body(%arg0: i32, %arg1: i32, %arg2: memref<2x16x62x128xi32, #tpu.memory_space<hbm>>, %arg3: memref<128x128xf32, #tpu.memory_space<hbm>>, %arg4: memref<632x128xf32, #tpu.memory_space<hbm>>, %arg5: memref<2x10112x128xf32, #tpu.memory_space<hbm>>, %arg6: memref<62x128xi32, #tpu.memory_space<vmem>>, %arg7: memref<128x128xf32, #tpu.memory_space<vmem>>, %arg8: memref<10112x128xf32, #tpu.memory_space<vmem_shared>>) attributes {dimension_semantics = [#tpu.dimension_semantics<core_parallel>, #tpu.dimension_semantics<subcore_parallel>], iteration_bounds = array<i64: 2, 16>, scalar_prefetch = 0 : i64, scratch_operands = 3 : i64, tpu.core_type = #tpu.core_type<sc_vector_subcore>, window_params = [{transform_indices = #map}, {transform_indices = #map1}, {transform_indices = #map1}, {transform_indices = #map2}]} {
    %eq3A = arith.constant 0 : i32
    %eq3A_0 = arith.cmpi eq, %arg0, %eq3A : i32
    %jit3A = arith.constant 62 : i32
    %jit3A_1 = arith.constant 18 : i32
    %select_n3A = arith.select %eq3A_0, %jit3A, %jit3A_1 : i32
    %mul3A = arith.constant 632 : i32
    %mul3A_2 = arith.muli %arg1, %mul3A : i32
    "tpu.region"() ({
      %run_scoped3A = tpu.sem_alloc : memref<!tpu.dma_semaphore, #tpu.memory_space<semaphore_mem>>
      %dma_start3A = arith.constant 0 : i32
      %dma_start3A_17 = tpu.memref_slice %arg8[%mul3A_2, %dma_start3A] : memref<10112x128xf32, #tpu.memory_space<vmem_shared>> -> memref<632x128xf32, #tpu.memory_space<vmem_shared>>
      tpu.enqueue_dma source(%arg4 : memref<632x128xf32, #tpu.memory_space<hbm>>) target(%dma_start3A_17 : memref<632x128xf32, #tpu.memory_space<vmem_shared>>) target_semaphore(%run_scoped3A : memref<!tpu.dma_semaphore, #tpu.memory_space<semaphore_mem>>)
      %dma_wait3A = arith.constant 0 : i32
      %dma_wait3A_18 = tpu.memref_slice %arg8[%mul3A_2, %dma_wait3A] : memref<10112x128xf32, #tpu.memory_space<vmem_shared>> -> memref<632x128xf32, #tpu.memory_space<vmem_shared>>
      tpu.wait_dma2 semaphore(%run_scoped3A : memref<!tpu.dma_semaphore, #tpu.memory_space<semaphore_mem>>) src(%arg4 : memref<632x128xf32, #tpu.memory_space<hbm>>) dst(%dma_wait3A_18 : memref<632x128xf32, #tpu.memory_space<vmem_shared>>)
      tpu.yield
    }) : () -> ()
    "tpu.region"() ({
      %run_scoped3A = tpu.sem_alloc : memref<!tpu.dma_semaphore, #tpu.memory_space<semaphore_mem>>
      tpu.enqueue_dma source(%arg3 : memref<128x128xf32, #tpu.memory_space<hbm>>) target(%arg7 : memref<128x128xf32, #tpu.memory_space<vmem>>) target_semaphore(%run_scoped3A : memref<!tpu.dma_semaphore, #tpu.memory_space<semaphore_mem>>)
      tpu.wait_dma2 semaphore(%run_scoped3A : memref<!tpu.dma_semaphore, #tpu.memory_space<semaphore_mem>>) src(%arg3 : memref<128x128xf32, #tpu.memory_space<hbm>>) dst(%arg7 : memref<128x128xf32, #tpu.memory_space<vmem>>)
      tpu.yield
    }) : () -> ()
    "tpu.region"() ({
      %run_scoped3A = tpu.sem_alloc : memref<!tpu.dma_semaphore, #tpu.memory_space<semaphore_mem>>
      %dma_start3A = arith.constant 0 : i32
      %dma_start3A_17 = arith.constant 0 : i32
      %dma_start3A_18 = tpu.memref_slice %arg2[%arg0, %arg1, %dma_start3A, %dma_start3A_17] : memref<2x16x62x128xi32, #tpu.memory_space<hbm>> -> memref<1x1x62x128xi32, #tpu.memory_space<hbm>>
      %dma_start3A_19 = tpu.memref_squeeze %dma_start3A_18 : memref<1x1x62x128xi32, #tpu.memory_space<hbm>> -> memref<62x128xi32, #tpu.memory_space<hbm>>
      %dma_start3A_20 = arith.constant 0 : i32
      %dma_start3A_21 = arith.constant 0 : i32
      %dma_start3A_22 = tpu.memref_slice %arg2[%arg0, %arg1, %dma_start3A_20, %dma_start3A_21] : memref<2x16x62x128xi32, #tpu.memory_space<hbm>> -> memref<1x1x62x128xi32, #tpu.memory_space<hbm>>
      %dma_start3A_23 = tpu.memref_squeeze %dma_start3A_22 : memref<1x1x62x128xi32, #tpu.memory_space<hbm>> -> memref<62x128xi32, #tpu.memory_space<hbm>>
      tpu.enqueue_dma source(%dma_start3A_23 : memref<62x128xi32, #tpu.memory_space<hbm>>) target(%arg6 : memref<62x128xi32, #tpu.memory_space<vmem>>) target_semaphore(%run_scoped3A : memref<!tpu.dma_semaphore, #tpu.memory_space<semaphore_mem>>)
      %dma_wait3A = arith.constant 0 : i32
      %dma_wait3A_24 = arith.constant 0 : i32
      %dma_wait3A_25 = tpu.memref_slice %arg2[%arg0, %arg1, %dma_wait3A, %dma_wait3A_24] : memref<2x16x62x128xi32, #tpu.memory_space<hbm>> -> memref<1x1x62x128xi32, #tpu.memory_space<hbm>>
      %dma_wait3A_26 = tpu.memref_squeeze %dma_wait3A_25 : memref<1x1x62x128xi32, #tpu.memory_space<hbm>> -> memref<62x128xi32, #tpu.memory_space<hbm>>
      %dma_wait3A_27 = arith.constant 0 : i32
      %dma_wait3A_28 = arith.constant 0 : i32
      %dma_wait3A_29 = tpu.memref_slice %arg2[%arg0, %arg1, %dma_wait3A_27, %dma_wait3A_28] : memref<2x16x62x128xi32, #tpu.memory_space<hbm>> -> memref<1x1x62x128xi32, #tpu.memory_space<hbm>>
      %dma_wait3A_30 = tpu.memref_squeeze %dma_wait3A_29 : memref<1x1x62x128xi32, #tpu.memory_space<hbm>> -> memref<62x128xi32, #tpu.memory_space<hbm>>
      tpu.wait_dma2 semaphore(%run_scoped3A : memref<!tpu.dma_semaphore, #tpu.memory_space<semaphore_mem>>) src(%dma_wait3A_30 : memref<62x128xi32, #tpu.memory_space<hbm>>) dst(%arg6 : memref<62x128xi32, #tpu.memory_space<vmem>>)
      tpu.yield
    }) : () -> ()
    %barrier3A = arith.constant 0 : index
    tpu.barrier barrier_id(%barrier3A)
    %while3A = arith.constant 0 : i32
    %while3A_3 = arith.constant 0 : i32
    %while3A_4 = arith.subi %select_n3A, %while3A_3 : i32
    %while3A_5 = arith.addi %while3A_3, %while3A_4 : i32
    %while3A_6 = arith.constant 1 : i32
    %while3A_7 = arith.divsi %while3A_4, %while3A_6 : i32
    %while3A_8 = arith.muli %while3A_7, %while3A_6 : i32
    %while3A_9 = arith.addi %while3A_3, %while3A_8 : i32
    %while3A_10 = arith.constant 1 : i32
    scf.for %while3A_17 = %while3A_3 to %while3A_9 step %while3A_10  : i32 {
      "tpu.region"() ({
        %run_scoped3A = tpu.sem_alloc : memref<!tpu.dma_semaphore, #tpu.memory_space<semaphore_mem>>
        %dma_start3A = arith.constant 0 : i32
        %dma_start3A_18 = tpu.memref_slice %arg6[%while3A_17, %dma_start3A] : memref<62x128xi32, #tpu.memory_space<vmem>> -> memref<1x128xi32, #tpu.memory_space<vmem>>
        %dma_start3A_19 = tpu.memref_squeeze %dma_start3A_18 : memref<1x128xi32, #tpu.memory_space<vmem>> -> memref<128xi32, #tpu.memory_space<vmem>>
        %dma_start3A_20 = arith.constant 0 : i32
        %dma_start3A_21 = arith.constant 0 : i32
        %dma_start3A_22 = tpu.memref_slice %arg8[%dma_start3A_20, %dma_start3A_21] : memref<10112x128xf32, #tpu.memory_space<vmem_shared>> -> memref<10112x128xf32, #tpu.memory_space<vmem_shared>>
        tpu.enqueue_indirect_dma source(%arg7 : memref<128x128xf32, #tpu.memory_space<vmem>>) target(%dma_start3A_22 : memref<10112x128xf32, #tpu.memory_space<vmem_shared>>) offsets(%dma_start3A_19 : memref<128xi32, #tpu.memory_space<vmem>>) semaphore(%run_scoped3A : memref<!tpu.dma_semaphore, #tpu.memory_space<semaphore_mem>>) {add = true}
        %dma_wait3A = arith.constant 0 : i32
        %dma_wait3A_23 = tpu.memref_slice %arg6[%while3A_17, %dma_wait3A] : memref<62x128xi32, #tpu.memory_space<vmem>> -> memref<1x128xi32, #tpu.memory_space<vmem>>
        %dma_wait3A_24 = tpu.memref_squeeze %dma_wait3A_23 : memref<1x128xi32, #tpu.memory_space<vmem>> -> memref<128xi32, #tpu.memory_space<vmem>>
        %dma_wait3A_25 = arith.constant 0 : i32
        %dma_wait3A_26 = arith.constant 0 : i32
        %dma_wait3A_27 = tpu.memref_slice %arg8[%dma_wait3A_25, %dma_wait3A_26] : memref<10112x128xf32, #tpu.memory_space<vmem_shared>> -> memref<10112x128xf32, #tpu.memory_space<vmem_shared>>
        tpu.wait_indirect_dma semaphore(%run_scoped3A : memref<!tpu.dma_semaphore, #tpu.memory_space<semaphore_mem>>) src(%arg7 : memref<128x128xf32, #tpu.memory_space<vmem>>) dst(%dma_wait3A_27 : memref<10112x128xf32, #tpu.memory_space<vmem_shared>>)
        tpu.yield
      }) : () -> ()
    }
    %while3A_11 = arith.constant 1 : i32
    scf.for %while3A_17 = %while3A_9 to %while3A_5 step %while3A_11  : i32 {
      "tpu.region"() ({
        %run_scoped3A = tpu.sem_alloc : memref<!tpu.dma_semaphore, #tpu.memory_space<semaphore_mem>>
        %dma_start3A = arith.constant 0 : i32
        %dma_start3A_18 = tpu.memref_slice %arg6[%while3A_17, %dma_start3A] : memref<62x128xi32, #tpu.memory_space<vmem>> -> memref<1x128xi32, #tpu.memory_space<vmem>>
        %dma_start3A_19 = tpu.memref_squeeze %dma_start3A_18 : memref<1x128xi32, #tpu.memory_space<vmem>> -> memref<128xi32, #tpu.memory_space<vmem>>
        %dma_start3A_20 = arith.constant 0 : i32
        %dma_start3A_21 = arith.constant 0 : i32
        %dma_start3A_22 = tpu.memref_slice %arg8[%dma_start3A_20, %dma_start3A_21] : memref<10112x128xf32, #tpu.memory_space<vmem_shared>> -> memref<10112x128xf32, #tpu.memory_space<vmem_shared>>
        tpu.enqueue_indirect_dma source(%arg7 : memref<128x128xf32, #tpu.memory_space<vmem>>) target(%dma_start3A_22 : memref<10112x128xf32, #tpu.memory_space<vmem_shared>>) offsets(%dma_start3A_19 : memref<128xi32, #tpu.memory_space<vmem>>) semaphore(%run_scoped3A : memref<!tpu.dma_semaphore, #tpu.memory_space<semaphore_mem>>) {add = true}
        %dma_wait3A = arith.constant 0 : i32
        %dma_wait3A_23 = tpu.memref_slice %arg6[%while3A_17, %dma_wait3A] : memref<62x128xi32, #tpu.memory_space<vmem>> -> memref<1x128xi32, #tpu.memory_space<vmem>>
        %dma_wait3A_24 = tpu.memref_squeeze %dma_wait3A_23 : memref<1x128xi32, #tpu.memory_space<vmem>> -> memref<128xi32, #tpu.memory_space<vmem>>
        %dma_wait3A_25 = arith.constant 0 : i32
        %dma_wait3A_26 = arith.constant 0 : i32
        %dma_wait3A_27 = tpu.memref_slice %arg8[%dma_wait3A_25, %dma_wait3A_26] : memref<10112x128xf32, #tpu.memory_space<vmem_shared>> -> memref<10112x128xf32, #tpu.memory_space<vmem_shared>>
        tpu.wait_indirect_dma semaphore(%run_scoped3A : memref<!tpu.dma_semaphore, #tpu.memory_space<semaphore_mem>>) src(%arg7 : memref<128x128xf32, #tpu.memory_space<vmem>>) dst(%dma_wait3A_27 : memref<10112x128xf32, #tpu.memory_space<vmem_shared>>)
        tpu.yield
      }) : () -> ()
    }
    %barrier3A_12 = arith.constant 0 : index
    tpu.barrier barrier_id(%barrier3A_12)
    %mul3A_13 = arith.constant 632 : i32
    %mul3A_14 = arith.muli %arg1, %mul3A_13 : i32
    %mul3A_15 = arith.constant 632 : i32
    %mul3A_16 = arith.muli %arg1, %mul3A_15 : i32
    "tpu.region"() ({
      %run_scoped3A = tpu.sem_alloc : memref<!tpu.dma_semaphore, #tpu.memory_space<semaphore_mem>>
      %dma_start3A = arith.constant 0 : i32
      %dma_start3A_17 = tpu.memref_slice %arg5[%arg0, %mul3A_16, %dma_start3A] : memref<2x10112x128xf32, #tpu.memory_space<hbm>> -> memref<1x632x128xf32, #tpu.memory_space<hbm>>
      %dma_start3A_18 = tpu.memref_squeeze %dma_start3A_17 : memref<1x632x128xf32, #tpu.memory_space<hbm>> -> memref<632x128xf32, #tpu.memory_space<hbm>>
      %dma_start3A_19 = arith.constant 0 : i32
      %dma_start3A_20 = tpu.memref_slice %arg8[%mul3A_14, %dma_start3A_19] : memref<10112x128xf32, #tpu.memory_space<vmem_shared>> -> memref<632x128xf32, #tpu.memory_space<vmem_shared>>
      tpu.enqueue_dma source(%dma_start3A_20 : memref<632x128xf32, #tpu.memory_space<vmem_shared>>) target(%dma_start3A_18 : memref<632x128xf32, #tpu.memory_space<hbm>>) target_semaphore(%run_scoped3A : memref<!tpu.dma_semaphore, #tpu.memory_space<semaphore_mem>>)
      %dma_wait3A = arith.constant 0 : i32
      %dma_wait3A_21 = tpu.memref_slice %arg5[%arg0, %mul3A_16, %dma_wait3A] : memref<2x10112x128xf32, #tpu.memory_space<hbm>> -> memref<1x632x128xf32, #tpu.memory_space<hbm>>
      %dma_wait3A_22 = tpu.memref_squeeze %dma_wait3A_21 : memref<1x632x128xf32, #tpu.memory_space<hbm>> -> memref<632x128xf32, #tpu.memory_space<hbm>>
      %dma_wait3A_23 = arith.constant 0 : i32
      %dma_wait3A_24 = tpu.memref_slice %arg8[%mul3A_14, %dma_wait3A_23] : memref<10112x128xf32, #tpu.memory_space<vmem_shared>> -> memref<632x128xf32, #tpu.memory_space<vmem_shared>>
      tpu.wait_dma2 semaphore(%run_scoped3A : memref<!tpu.dma_semaphore, #tpu.memory_space<semaphore_mem>>) src(%dma_wait3A_24 : memref<632x128xf32, #tpu.memory_space<vmem_shared>>) dst(%dma_wait3A_22 : memref<632x128xf32, #tpu.memory_space<hbm>>)
      tpu.yield
    }) : () -> ()
    return
  }
}

#map = affine_map<(d0, d1) -> (0, 0, 0, 0)>
#map1 = affine_map<(d0, d1) -> (0, 0)>
#map2 = affine_map<(d0, d1) -> (0, 0, 0)>
module attributes {stable_mosaic.version = 14 : i64} {
  func.func @body(%arg0: i32, %arg1: i32, %arg2: memref<2x16x62x128xi32, #tpu.memory_space<hbm>>, %arg3: memref<2x16x62x128xi32, #tpu.memory_space<hbm>>, %arg4: memref<10000x128xf32, #tpu.memory_space<hbm>>, %arg5: memref<632x128xf32, #tpu.memory_space<hbm>>, %arg6: memref<2x10112x128xf32, #tpu.memory_space<hbm>>, %arg7: memref<62x128xi32, #tpu.memory_space<vmem>>, %arg8: memref<62x128xi32, #tpu.memory_space<vmem>>, %arg9: memref<128x128xf32, #tpu.memory_space<vmem>>, %arg10: memref<128x128xf32, #tpu.memory_space<vmem>>, %arg11: memref<10112x128xf32, #tpu.memory_space<vmem_shared>>, %arg12: memref<!tpu.dma_semaphore, #tpu.memory_space<semaphore_mem>>, %arg13: memref<!tpu.dma_semaphore, #tpu.memory_space<semaphore_mem>>, %arg14: memref<!tpu.dma_semaphore, #tpu.memory_space<semaphore_mem>>, %arg15: memref<!tpu.dma_semaphore, #tpu.memory_space<semaphore_mem>>) attributes {dimension_semantics = [#tpu.dimension_semantics<core_parallel>, #tpu.dimension_semantics<subcore_parallel>], iteration_bounds = array<i64: 2, 16>, scalar_prefetch = 0 : i64, scratch_operands = 9 : i64, tpu.core_type = #tpu.core_type<sc_vector_subcore>, window_params = [{transform_indices = #map}, {transform_indices = #map}, {transform_indices = #map1}, {transform_indices = #map1}, {transform_indices = #map2}]} {
    %eq3A = arith.constant 0 : i32
    %eq3A_0 = arith.cmpi eq, %arg0, %eq3A : i32
    %jit3A = arith.constant 31 : i32
    %jit3A_1 = arith.constant 9 : i32
    %select_n3A = arith.select %eq3A_0, %jit3A, %jit3A_1 : i32
    "tpu.region"() ({
      %run_scoped3A = tpu.sem_alloc : memref<!tpu.dma_semaphore, #tpu.memory_space<semaphore_mem>>
      %dma_start3A_31 = arith.constant 0 : i32
      %dma_start3A_32 = arith.constant 0 : i32
      %dma_start3A_33 = tpu.memref_slice %arg2[%arg0, %arg1, %dma_start3A_31, %dma_start3A_32] : memref<2x16x62x128xi32, #tpu.memory_space<hbm>> -> memref<1x1x62x128xi32, #tpu.memory_space<hbm>>
      %dma_start3A_34 = tpu.memref_squeeze %dma_start3A_33 : memref<1x1x62x128xi32, #tpu.memory_space<hbm>> -> memref<62x128xi32, #tpu.memory_space<hbm>>
      %dma_start3A_35 = arith.constant 0 : i32
      %dma_start3A_36 = arith.constant 0 : i32
      %dma_start3A_37 = tpu.memref_slice %arg2[%arg0, %arg1, %dma_start3A_35, %dma_start3A_36] : memref<2x16x62x128xi32, #tpu.memory_space<hbm>> -> memref<1x1x62x128xi32, #tpu.memory_space<hbm>>
      %dma_start3A_38 = tpu.memref_squeeze %dma_start3A_37 : memref<1x1x62x128xi32, #tpu.memory_space<hbm>> -> memref<62x128xi32, #tpu.memory_space<hbm>>
      tpu.enqueue_dma source(%dma_start3A_38 : memref<62x128xi32, #tpu.memory_space<hbm>>) target(%arg7 : memref<62x128xi32, #tpu.memory_space<vmem>>) target_semaphore(%run_scoped3A : memref<!tpu.dma_semaphore, #tpu.memory_space<semaphore_mem>>)
      %dma_wait3A = arith.constant 0 : i32
      %dma_wait3A_39 = arith.constant 0 : i32
      %dma_wait3A_40 = tpu.memref_slice %arg2[%arg0, %arg1, %dma_wait3A, %dma_wait3A_39] : memref<2x16x62x128xi32, #tpu.memory_space<hbm>> -> memref<1x1x62x128xi32, #tpu.memory_space<hbm>>
      %dma_wait3A_41 = tpu.memref_squeeze %dma_wait3A_40 : memref<1x1x62x128xi32, #tpu.memory_space<hbm>> -> memref<62x128xi32, #tpu.memory_space<hbm>>
      %dma_wait3A_42 = arith.constant 0 : i32
      %dma_wait3A_43 = arith.constant 0 : i32
      %dma_wait3A_44 = tpu.memref_slice %arg2[%arg0, %arg1, %dma_wait3A_42, %dma_wait3A_43] : memref<2x16x62x128xi32, #tpu.memory_space<hbm>> -> memref<1x1x62x128xi32, #tpu.memory_space<hbm>>
      %dma_wait3A_45 = tpu.memref_squeeze %dma_wait3A_44 : memref<1x1x62x128xi32, #tpu.memory_space<hbm>> -> memref<62x128xi32, #tpu.memory_space<hbm>>
      tpu.wait_dma2 semaphore(%run_scoped3A : memref<!tpu.dma_semaphore, #tpu.memory_space<semaphore_mem>>) src(%dma_wait3A_45 : memref<62x128xi32, #tpu.memory_space<hbm>>) dst(%arg7 : memref<62x128xi32, #tpu.memory_space<vmem>>)
      tpu.yield
    }) : () -> ()
    "tpu.region"() ({
      %run_scoped3A = tpu.sem_alloc : memref<!tpu.dma_semaphore, #tpu.memory_space<semaphore_mem>>
      %dma_start3A_31 = arith.constant 0 : i32
      %dma_start3A_32 = arith.constant 0 : i32
      %dma_start3A_33 = tpu.memref_slice %arg3[%arg0, %arg1, %dma_start3A_31, %dma_start3A_32] : memref<2x16x62x128xi32, #tpu.memory_space<hbm>> -> memref<1x1x62x128xi32, #tpu.memory_space<hbm>>
      %dma_start3A_34 = tpu.memref_squeeze %dma_start3A_33 : memref<1x1x62x128xi32, #tpu.memory_space<hbm>> -> memref<62x128xi32, #tpu.memory_space<hbm>>
      %dma_start3A_35 = arith.constant 0 : i32
      %dma_start3A_36 = arith.constant 0 : i32
      %dma_start3A_37 = tpu.memref_slice %arg3[%arg0, %arg1, %dma_start3A_35, %dma_start3A_36] : memref<2x16x62x128xi32, #tpu.memory_space<hbm>> -> memref<1x1x62x128xi32, #tpu.memory_space<hbm>>
      %dma_start3A_38 = tpu.memref_squeeze %dma_start3A_37 : memref<1x1x62x128xi32, #tpu.memory_space<hbm>> -> memref<62x128xi32, #tpu.memory_space<hbm>>
      tpu.enqueue_dma source(%dma_start3A_38 : memref<62x128xi32, #tpu.memory_space<hbm>>) target(%arg8 : memref<62x128xi32, #tpu.memory_space<vmem>>) target_semaphore(%run_scoped3A : memref<!tpu.dma_semaphore, #tpu.memory_space<semaphore_mem>>)
      %dma_wait3A = arith.constant 0 : i32
      %dma_wait3A_39 = arith.constant 0 : i32
      %dma_wait3A_40 = tpu.memref_slice %arg3[%arg0, %arg1, %dma_wait3A, %dma_wait3A_39] : memref<2x16x62x128xi32, #tpu.memory_space<hbm>> -> memref<1x1x62x128xi32, #tpu.memory_space<hbm>>
      %dma_wait3A_41 = tpu.memref_squeeze %dma_wait3A_40 : memref<1x1x62x128xi32, #tpu.memory_space<hbm>> -> memref<62x128xi32, #tpu.memory_space<hbm>>
      %dma_wait3A_42 = arith.constant 0 : i32
      %dma_wait3A_43 = arith.constant 0 : i32
      %dma_wait3A_44 = tpu.memref_slice %arg3[%arg0, %arg1, %dma_wait3A_42, %dma_wait3A_43] : memref<2x16x62x128xi32, #tpu.memory_space<hbm>> -> memref<1x1x62x128xi32, #tpu.memory_space<hbm>>
      %dma_wait3A_45 = tpu.memref_squeeze %dma_wait3A_44 : memref<1x1x62x128xi32, #tpu.memory_space<hbm>> -> memref<62x128xi32, #tpu.memory_space<hbm>>
      tpu.wait_dma2 semaphore(%run_scoped3A : memref<!tpu.dma_semaphore, #tpu.memory_space<semaphore_mem>>) src(%dma_wait3A_45 : memref<62x128xi32, #tpu.memory_space<hbm>>) dst(%arg8 : memref<62x128xi32, #tpu.memory_space<vmem>>)
      tpu.yield
    }) : () -> ()
    %mul3A = arith.constant 632 : i32
    %mul3A_2 = arith.muli %arg1, %mul3A : i32
    "tpu.region"() ({
      %run_scoped3A = tpu.sem_alloc : memref<!tpu.dma_semaphore, #tpu.memory_space<semaphore_mem>>
      %dma_start3A_31 = arith.constant 0 : i32
      %dma_start3A_32 = tpu.memref_slice %arg11[%mul3A_2, %dma_start3A_31] : memref<10112x128xf32, #tpu.memory_space<vmem_shared>> -> memref<632x128xf32, #tpu.memory_space<vmem_shared>>
      tpu.enqueue_dma source(%arg5 : memref<632x128xf32, #tpu.memory_space<hbm>>) target(%dma_start3A_32 : memref<632x128xf32, #tpu.memory_space<vmem_shared>>) target_semaphore(%run_scoped3A : memref<!tpu.dma_semaphore, #tpu.memory_space<semaphore_mem>>)
      %dma_wait3A = arith.constant 0 : i32
      %dma_wait3A_33 = tpu.memref_slice %arg11[%mul3A_2, %dma_wait3A] : memref<10112x128xf32, #tpu.memory_space<vmem_shared>> -> memref<632x128xf32, #tpu.memory_space<vmem_shared>>
      tpu.wait_dma2 semaphore(%run_scoped3A : memref<!tpu.dma_semaphore, #tpu.memory_space<semaphore_mem>>) src(%arg5 : memref<632x128xf32, #tpu.memory_space<hbm>>) dst(%dma_wait3A_33 : memref<632x128xf32, #tpu.memory_space<vmem_shared>>)
      tpu.yield
    }) : () -> ()
    %barrier3A = arith.constant 0 : index
    tpu.barrier barrier_id(%barrier3A)
    %dma_start3A = arith.constant 0 : i32
    %dma_start3A_3 = arith.constant 0 : i32
    %dma_start3A_4 = tpu.memref_slice %arg7[%dma_start3A, %dma_start3A_3] : memref<62x128xi32, #tpu.memory_space<vmem>> -> memref<1x128xi32, #tpu.memory_space<vmem>>
    %dma_start3A_5 = tpu.memref_squeeze %dma_start3A_4 : memref<1x128xi32, #tpu.memory_space<vmem>> -> memref<128xi32, #tpu.memory_space<vmem>>
    %dma_start3A_6 = arith.constant 0 : i32
    %dma_start3A_7 = arith.constant 0 : i32
    %dma_start3A_8 = tpu.memref_slice %arg4[%dma_start3A_6, %dma_start3A_7] : memref<10000x128xf32, #tpu.memory_space<hbm>> -> memref<10000x128xf32, #tpu.memory_space<hbm>>
    tpu.enqueue_indirect_dma source(%dma_start3A_8 : memref<10000x128xf32, #tpu.memory_space<hbm>>) target(%arg9 : memref<128x128xf32, #tpu.memory_space<vmem>>) offsets(%dma_start3A_5 : memref<128xi32, #tpu.memory_space<vmem>>) semaphore(%arg12 : memref<!tpu.dma_semaphore, #tpu.memory_space<semaphore_mem>>)
    %dma_start3A_9 = arith.constant 1 : i32
    %dma_start3A_10 = arith.constant 0 : i32
    %dma_start3A_11 = tpu.memref_slice %arg7[%dma_start3A_9, %dma_start3A_10] : memref<62x128xi32, #tpu.memory_space<vmem>> -> memref<1x128xi32, #tpu.memory_space<vmem>>
    %dma_start3A_12 = tpu.memref_squeeze %dma_start3A_11 : memref<1x128xi32, #tpu.memory_space<vmem>> -> memref<128xi32, #tpu.memory_space<vmem>>
    %dma_start3A_13 = arith.constant 0 : i32
    %dma_start3A_14 = arith.constant 0 : i32
    %dma_start3A_15 = tpu.memref_slice %arg4[%dma_start3A_13, %dma_start3A_14] : memref<10000x128xf32, #tpu.memory_space<hbm>> -> memref<10000x128xf32, #tpu.memory_space<hbm>>
    tpu.enqueue_indirect_dma source(%dma_start3A_15 : memref<10000x128xf32, #tpu.memory_space<hbm>>) target(%arg10 : memref<128x128xf32, #tpu.memory_space<vmem>>) offsets(%dma_start3A_12 : memref<128xi32, #tpu.memory_space<vmem>>) semaphore(%arg13 : memref<!tpu.dma_semaphore, #tpu.memory_space<semaphore_mem>>)
    %while3A = arith.constant 0 : i32
    %while3A_16 = arith.constant 0 : i32
    %while3A_17 = arith.subi %select_n3A, %while3A_16 : i32
    %while3A_18 = arith.addi %while3A_16, %while3A_17 : i32
    %while3A_19 = arith.constant 1 : i32
    %while3A_20 = arith.divsi %while3A_17, %while3A_19 : i32
    %while3A_21 = arith.muli %while3A_20, %while3A_19 : i32
    %while3A_22 = arith.addi %while3A_16, %while3A_21 : i32
    %while3A_23 = arith.constant 1 : i32
    scf.for %while3A_31 = %while3A_16 to %while3A_22 step %while3A_23  : i32 {
      %dma_wait3A = arith.constant 0 : i32
      %dma_wait3A_32 = arith.constant 0 : i32
      %dma_wait3A_33 = tpu.memref_slice %arg7[%dma_wait3A, %dma_wait3A_32] : memref<62x128xi32, #tpu.memory_space<vmem>> -> memref<1x128xi32, #tpu.memory_space<vmem>>
      %dma_wait3A_34 = tpu.memref_squeeze %dma_wait3A_33 : memref<1x128xi32, #tpu.memory_space<vmem>> -> memref<128xi32, #tpu.memory_space<vmem>>
      %dma_wait3A_35 = arith.constant 0 : i32
      %dma_wait3A_36 = arith.constant 0 : i32
      %dma_wait3A_37 = tpu.memref_slice %arg4[%dma_wait3A_35, %dma_wait3A_36] : memref<10000x128xf32, #tpu.memory_space<hbm>> -> memref<10000x128xf32, #tpu.memory_space<hbm>>
      tpu.wait_indirect_dma semaphore(%arg12 : memref<!tpu.dma_semaphore, #tpu.memory_space<semaphore_mem>>) src(%dma_wait3A_37 : memref<10000x128xf32, #tpu.memory_space<hbm>>) dst(%arg9 : memref<128x128xf32, #tpu.memory_space<vmem>>)
      %mul3A_38 = arith.constant 2 : i32
      %mul3A_39 = arith.muli %while3A_31, %mul3A_38 : i32
      %add3A = arith.constant 0 : i32
      %add3A_40 = arith.addi %mul3A_39, %add3A : i32
      %dma_start3A_41 = arith.constant 0 : i32
      %dma_start3A_42 = tpu.memref_slice %arg8[%add3A_40, %dma_start3A_41] : memref<62x128xi32, #tpu.memory_space<vmem>> -> memref<1x128xi32, #tpu.memory_space<vmem>>
      %dma_start3A_43 = tpu.memref_squeeze %dma_start3A_42 : memref<1x128xi32, #tpu.memory_space<vmem>> -> memref<128xi32, #tpu.memory_space<vmem>>
      %dma_start3A_44 = arith.constant 0 : i32
      %dma_start3A_45 = arith.constant 0 : i32
      %dma_start3A_46 = tpu.memref_slice %arg11[%dma_start3A_44, %dma_start3A_45] : memref<10112x128xf32, #tpu.memory_space<vmem_shared>> -> memref<10112x128xf32, #tpu.memory_space<vmem_shared>>
      tpu.enqueue_indirect_dma source(%arg9 : memref<128x128xf32, #tpu.memory_space<vmem>>) target(%dma_start3A_46 : memref<10112x128xf32, #tpu.memory_space<vmem_shared>>) offsets(%dma_start3A_43 : memref<128xi32, #tpu.memory_space<vmem>>) semaphore(%arg14 : memref<!tpu.dma_semaphore, #tpu.memory_space<semaphore_mem>>) {add = true}
      %dma_wait3A_47 = arith.constant 1 : i32
      %dma_wait3A_48 = arith.constant 0 : i32
      %dma_wait3A_49 = tpu.memref_slice %arg7[%dma_wait3A_47, %dma_wait3A_48] : memref<62x128xi32, #tpu.memory_space<vmem>> -> memref<1x128xi32, #tpu.memory_space<vmem>>
      %dma_wait3A_50 = tpu.memref_squeeze %dma_wait3A_49 : memref<1x128xi32, #tpu.memory_space<vmem>> -> memref<128xi32, #tpu.memory_space<vmem>>
      %dma_wait3A_51 = arith.constant 0 : i32
      %dma_wait3A_52 = arith.constant 0 : i32
      %dma_wait3A_53 = tpu.memref_slice %arg4[%dma_wait3A_51, %dma_wait3A_52] : memref<10000x128xf32, #tpu.memory_space<hbm>> -> memref<10000x128xf32, #tpu.memory_space<hbm>>
      tpu.wait_indirect_dma semaphore(%arg13 : memref<!tpu.dma_semaphore, #tpu.memory_space<semaphore_mem>>) src(%dma_wait3A_53 : memref<10000x128xf32, #tpu.memory_space<hbm>>) dst(%arg10 : memref<128x128xf32, #tpu.memory_space<vmem>>)
      %mul3A_54 = arith.constant 2 : i32
      %mul3A_55 = arith.muli %while3A_31, %mul3A_54 : i32
      %add3A_56 = arith.constant 1 : i32
      %add3A_57 = arith.addi %mul3A_55, %add3A_56 : i32
      %dma_start3A_58 = arith.constant 0 : i32
      %dma_start3A_59 = tpu.memref_slice %arg8[%add3A_57, %dma_start3A_58] : memref<62x128xi32, #tpu.memory_space<vmem>> -> memref<1x128xi32, #tpu.memory_space<vmem>>
      %dma_start3A_60 = tpu.memref_squeeze %dma_start3A_59 : memref<1x128xi32, #tpu.memory_space<vmem>> -> memref<128xi32, #tpu.memory_space<vmem>>
      %dma_start3A_61 = arith.constant 0 : i32
      %dma_start3A_62 = arith.constant 0 : i32
      %dma_start3A_63 = tpu.memref_slice %arg11[%dma_start3A_61, %dma_start3A_62] : memref<10112x128xf32, #tpu.memory_space<vmem_shared>> -> memref<10112x128xf32, #tpu.memory_space<vmem_shared>>
      tpu.enqueue_indirect_dma source(%arg10 : memref<128x128xf32, #tpu.memory_space<vmem>>) target(%dma_start3A_63 : memref<10112x128xf32, #tpu.memory_space<vmem_shared>>) offsets(%dma_start3A_60 : memref<128xi32, #tpu.memory_space<vmem>>) semaphore(%arg15 : memref<!tpu.dma_semaphore, #tpu.memory_space<semaphore_mem>>) {add = true}
      %dma_wait3A_64 = arith.constant 0 : i32
      %dma_wait3A_65 = tpu.memref_slice %arg8[%add3A_40, %dma_wait3A_64] : memref<62x128xi32, #tpu.memory_space<vmem>> -> memref<1x128xi32, #tpu.memory_space<vmem>>
      %dma_wait3A_66 = tpu.memref_squeeze %dma_wait3A_65 : memref<1x128xi32, #tpu.memory_space<vmem>> -> memref<128xi32, #tpu.memory_space<vmem>>
      %dma_wait3A_67 = arith.constant 0 : i32
      %dma_wait3A_68 = arith.constant 0 : i32
      %dma_wait3A_69 = tpu.memref_slice %arg11[%dma_wait3A_67, %dma_wait3A_68] : memref<10112x128xf32, #tpu.memory_space<vmem_shared>> -> memref<10112x128xf32, #tpu.memory_space<vmem_shared>>
      tpu.wait_indirect_dma semaphore(%arg14 : memref<!tpu.dma_semaphore, #tpu.memory_space<semaphore_mem>>) src(%arg9 : memref<128x128xf32, #tpu.memory_space<vmem>>) dst(%dma_wait3A_69 : memref<10112x128xf32, #tpu.memory_space<vmem_shared>>)
      %sub3A = arith.constant 1 : i32
      %sub3A_70 = arith.subi %select_n3A, %sub3A : i32
      %lt3A = arith.cmpi slt, %while3A_31, %sub3A_70 : i32
      %convert_element_type3A = arith.extui %lt3A : i1 to i32
      %cond3A = arith.constant 0 : i32
      %cond3A_71 = arith.cmpi ne, %convert_element_type3A, %cond3A : i32
      scf.if %cond3A_71 {
        %mul3A_84 = arith.constant 2 : i32
        %mul3A_85 = arith.muli %while3A_31, %mul3A_84 : i32
        %add3A_86 = arith.constant 2 : i32
        %add3A_87 = arith.addi %mul3A_85, %add3A_86 : i32
        %add3A_88 = arith.constant 0 : i32
        %add3A_89 = arith.addi %add3A_87, %add3A_88 : i32
        %dma_start3A_90 = arith.constant 0 : i32
        %dma_start3A_91 = tpu.memref_slice %arg7[%add3A_89, %dma_start3A_90] : memref<62x128xi32, #tpu.memory_space<vmem>> -> memref<1x128xi32, #tpu.memory_space<vmem>>
        %dma_start3A_92 = tpu.memref_squeeze %dma_start3A_91 : memref<1x128xi32, #tpu.memory_space<vmem>> -> memref<128xi32, #tpu.memory_space<vmem>>
        %dma_start3A_93 = arith.constant 0 : i32
        %dma_start3A_94 = arith.constant 0 : i32
        %dma_start3A_95 = tpu.memref_slice %arg4[%dma_start3A_93, %dma_start3A_94] : memref<10000x128xf32, #tpu.memory_space<hbm>> -> memref<10000x128xf32, #tpu.memory_space<hbm>>
        tpu.enqueue_indirect_dma source(%dma_start3A_95 : memref<10000x128xf32, #tpu.memory_space<hbm>>) target(%arg9 : memref<128x128xf32, #tpu.memory_space<vmem>>) offsets(%dma_start3A_92 : memref<128xi32, #tpu.memory_space<vmem>>) semaphore(%arg12 : memref<!tpu.dma_semaphore, #tpu.memory_space<semaphore_mem>>)
      } else {
      }
      %dma_wait3A_72 = arith.constant 0 : i32
      %dma_wait3A_73 = tpu.memref_slice %arg8[%add3A_57, %dma_wait3A_72] : memref<62x128xi32, #tpu.memory_space<vmem>> -> memref<1x128xi32, #tpu.memory_space<vmem>>
      %dma_wait3A_74 = tpu.memref_squeeze %dma_wait3A_73 : memref<1x128xi32, #tpu.memory_space<vmem>> -> memref<128xi32, #tpu.memory_space<vmem>>
      %dma_wait3A_75 = arith.constant 0 : i32
      %dma_wait3A_76 = arith.constant 0 : i32
      %dma_wait3A_77 = tpu.memref_slice %arg11[%dma_wait3A_75, %dma_wait3A_76] : memref<10112x128xf32, #tpu.memory_space<vmem_shared>> -> memref<10112x128xf32, #tpu.memory_space<vmem_shared>>
      tpu.wait_indirect_dma semaphore(%arg15 : memref<!tpu.dma_semaphore, #tpu.memory_space<semaphore_mem>>) src(%arg10 : memref<128x128xf32, #tpu.memory_space<vmem>>) dst(%dma_wait3A_77 : memref<10112x128xf32, #tpu.memory_space<vmem_shared>>)
      %sub3A_78 = arith.constant 1 : i32
      %sub3A_79 = arith.subi %select_n3A, %sub3A_78 : i32
      %lt3A_80 = arith.cmpi slt, %while3A_31, %sub3A_79 : i32
      %convert_element_type3A_81 = arith.extui %lt3A_80 : i1 to i32
      %cond3A_82 = arith.constant 0 : i32
      %cond3A_83 = arith.cmpi ne, %convert_element_type3A_81, %cond3A_82 : i32
      scf.if %cond3A_83 {
        %mul3A_84 = arith.constant 2 : i32
        %mul3A_85 = arith.muli %while3A_31, %mul3A_84 : i32
        %add3A_86 = arith.constant 2 : i32
        %add3A_87 = arith.addi %mul3A_85, %add3A_86 : i32
        %add3A_88 = arith.constant 1 : i32
        %add3A_89 = arith.addi %add3A_87, %add3A_88 : i32
        %dma_start3A_90 = arith.constant 0 : i32
        %dma_start3A_91 = tpu.memref_slice %arg7[%add3A_89, %dma_start3A_90] : memref<62x128xi32, #tpu.memory_space<vmem>> -> memref<1x128xi32, #tpu.memory_space<vmem>>
        %dma_start3A_92 = tpu.memref_squeeze %dma_start3A_91 : memref<1x128xi32, #tpu.memory_space<vmem>> -> memref<128xi32, #tpu.memory_space<vmem>>
        %dma_start3A_93 = arith.constant 0 : i32
        %dma_start3A_94 = arith.constant 0 : i32
        %dma_start3A_95 = tpu.memref_slice %arg4[%dma_start3A_93, %dma_start3A_94] : memref<10000x128xf32, #tpu.memory_space<hbm>> -> memref<10000x128xf32, #tpu.memory_space<hbm>>
        tpu.enqueue_indirect_dma source(%dma_start3A_95 : memref<10000x128xf32, #tpu.memory_space<hbm>>) target(%arg10 : memref<128x128xf32, #tpu.memory_space<vmem>>) offsets(%dma_start3A_92 : memref<128xi32, #tpu.memory_space<vmem>>) semaphore(%arg13 : memref<!tpu.dma_semaphore, #tpu.memory_space<semaphore_mem>>)
      } else {
      }
    }
    %while3A_24 = arith.constant 1 : i32
    scf.for %while3A_31 = %while3A_22 to %while3A_18 step %while3A_24  : i32 {
      %dma_wait3A = arith.constant 0 : i32
      %dma_wait3A_32 = arith.constant 0 : i32
      %dma_wait3A_33 = tpu.memref_slice %arg7[%dma_wait3A, %dma_wait3A_32] : memref<62x128xi32, #tpu.memory_space<vmem>> -> memref<1x128xi32, #tpu.memory_space<vmem>>
      %dma_wait3A_34 = tpu.memref_squeeze %dma_wait3A_33 : memref<1x128xi32, #tpu.memory_space<vmem>> -> memref<128xi32, #tpu.memory_space<vmem>>
      %dma_wait3A_35 = arith.constant 0 : i32
      %dma_wait3A_36 = arith.constant 0 : i32
      %dma_wait3A_37 = tpu.memref_slice %arg4[%dma_wait3A_35, %dma_wait3A_36] : memref<10000x128xf32, #tpu.memory_space<hbm>> -> memref<10000x128xf32, #tpu.memory_space<hbm>>
      tpu.wait_indirect_dma semaphore(%arg12 : memref<!tpu.dma_semaphore, #tpu.memory_space<semaphore_mem>>) src(%dma_wait3A_37 : memref<10000x128xf32, #tpu.memory_space<hbm>>) dst(%arg9 : memref<128x128xf32, #tpu.memory_space<vmem>>)
      %mul3A_38 = arith.constant 2 : i32
      %mul3A_39 = arith.muli %while3A_31, %mul3A_38 : i32
      %add3A = arith.constant 0 : i32
      %add3A_40 = arith.addi %mul3A_39, %add3A : i32
      %dma_start3A_41 = arith.constant 0 : i32
      %dma_start3A_42 = tpu.memref_slice %arg8[%add3A_40, %dma_start3A_41] : memref<62x128xi32, #tpu.memory_space<vmem>> -> memref<1x128xi32, #tpu.memory_space<vmem>>
      %dma_start3A_43 = tpu.memref_squeeze %dma_start3A_42 : memref<1x128xi32, #tpu.memory_space<vmem>> -> memref<128xi32, #tpu.memory_space<vmem>>
      %dma_start3A_44 = arith.constant 0 : i32
      %dma_start3A_45 = arith.constant 0 : i32
      %dma_start3A_46 = tpu.memref_slice %arg11[%dma_start3A_44, %dma_start3A_45] : memref<10112x128xf32, #tpu.memory_space<vmem_shared>> -> memref<10112x128xf32, #tpu.memory_space<vmem_shared>>
      tpu.enqueue_indirect_dma source(%arg9 : memref<128x128xf32, #tpu.memory_space<vmem>>) target(%dma_start3A_46 : memref<10112x128xf32, #tpu.memory_space<vmem_shared>>) offsets(%dma_start3A_43 : memref<128xi32, #tpu.memory_space<vmem>>) semaphore(%arg14 : memref<!tpu.dma_semaphore, #tpu.memory_space<semaphore_mem>>) {add = true}
      %dma_wait3A_47 = arith.constant 1 : i32
      %dma_wait3A_48 = arith.constant 0 : i32
      %dma_wait3A_49 = tpu.memref_slice %arg7[%dma_wait3A_47, %dma_wait3A_48] : memref<62x128xi32, #tpu.memory_space<vmem>> -> memref<1x128xi32, #tpu.memory_space<vmem>>
      %dma_wait3A_50 = tpu.memref_squeeze %dma_wait3A_49 : memref<1x128xi32, #tpu.memory_space<vmem>> -> memref<128xi32, #tpu.memory_space<vmem>>
      %dma_wait3A_51 = arith.constant 0 : i32
      %dma_wait3A_52 = arith.constant 0 : i32
      %dma_wait3A_53 = tpu.memref_slice %arg4[%dma_wait3A_51, %dma_wait3A_52] : memref<10000x128xf32, #tpu.memory_space<hbm>> -> memref<10000x128xf32, #tpu.memory_space<hbm>>
      tpu.wait_indirect_dma semaphore(%arg13 : memref<!tpu.dma_semaphore, #tpu.memory_space<semaphore_mem>>) src(%dma_wait3A_53 : memref<10000x128xf32, #tpu.memory_space<hbm>>) dst(%arg10 : memref<128x128xf32, #tpu.memory_space<vmem>>)
      %mul3A_54 = arith.constant 2 : i32
      %mul3A_55 = arith.muli %while3A_31, %mul3A_54 : i32
      %add3A_56 = arith.constant 1 : i32
      %add3A_57 = arith.addi %mul3A_55, %add3A_56 : i32
      %dma_start3A_58 = arith.constant 0 : i32
      %dma_start3A_59 = tpu.memref_slice %arg8[%add3A_57, %dma_start3A_58] : memref<62x128xi32, #tpu.memory_space<vmem>> -> memref<1x128xi32, #tpu.memory_space<vmem>>
      %dma_start3A_60 = tpu.memref_squeeze %dma_start3A_59 : memref<1x128xi32, #tpu.memory_space<vmem>> -> memref<128xi32, #tpu.memory_space<vmem>>
      %dma_start3A_61 = arith.constant 0 : i32
      %dma_start3A_62 = arith.constant 0 : i32
      %dma_start3A_63 = tpu.memref_slice %arg11[%dma_start3A_61, %dma_start3A_62] : memref<10112x128xf32, #tpu.memory_space<vmem_shared>> -> memref<10112x128xf32, #tpu.memory_space<vmem_shared>>
      tpu.enqueue_indirect_dma source(%arg10 : memref<128x128xf32, #tpu.memory_space<vmem>>) target(%dma_start3A_63 : memref<10112x128xf32, #tpu.memory_space<vmem_shared>>) offsets(%dma_start3A_60 : memref<128xi32, #tpu.memory_space<vmem>>) semaphore(%arg15 : memref<!tpu.dma_semaphore, #tpu.memory_space<semaphore_mem>>) {add = true}
      %dma_wait3A_64 = arith.constant 0 : i32
      %dma_wait3A_65 = tpu.memref_slice %arg8[%add3A_40, %dma_wait3A_64] : memref<62x128xi32, #tpu.memory_space<vmem>> -> memref<1x128xi32, #tpu.memory_space<vmem>>
      %dma_wait3A_66 = tpu.memref_squeeze %dma_wait3A_65 : memref<1x128xi32, #tpu.memory_space<vmem>> -> memref<128xi32, #tpu.memory_space<vmem>>
      %dma_wait3A_67 = arith.constant 0 : i32
      %dma_wait3A_68 = arith.constant 0 : i32
      %dma_wait3A_69 = tpu.memref_slice %arg11[%dma_wait3A_67, %dma_wait3A_68] : memref<10112x128xf32, #tpu.memory_space<vmem_shared>> -> memref<10112x128xf32, #tpu.memory_space<vmem_shared>>
      tpu.wait_indirect_dma semaphore(%arg14 : memref<!tpu.dma_semaphore, #tpu.memory_space<semaphore_mem>>) src(%arg9 : memref<128x128xf32, #tpu.memory_space<vmem>>) dst(%dma_wait3A_69 : memref<10112x128xf32, #tpu.memory_space<vmem_shared>>)
      %sub3A = arith.constant 1 : i32
      %sub3A_70 = arith.subi %select_n3A, %sub3A : i32
      %lt3A = arith.cmpi slt, %while3A_31, %sub3A_70 : i32
      %convert_element_type3A = arith.extui %lt3A : i1 to i32
      %cond3A = arith.constant 0 : i32
      %cond3A_71 = arith.cmpi ne, %convert_element_type3A, %cond3A : i32
      scf.if %cond3A_71 {
        %mul3A_84 = arith.constant 2 : i32
        %mul3A_85 = arith.muli %while3A_31, %mul3A_84 : i32
        %add3A_86 = arith.constant 2 : i32
        %add3A_87 = arith.addi %mul3A_85, %add3A_86 : i32
        %add3A_88 = arith.constant 0 : i32
        %add3A_89 = arith.addi %add3A_87, %add3A_88 : i32
        %dma_start3A_90 = arith.constant 0 : i32
        %dma_start3A_91 = tpu.memref_slice %arg7[%add3A_89, %dma_start3A_90] : memref<62x128xi32, #tpu.memory_space<vmem>> -> memref<1x128xi32, #tpu.memory_space<vmem>>
        %dma_start3A_92 = tpu.memref_squeeze %dma_start3A_91 : memref<1x128xi32, #tpu.memory_space<vmem>> -> memref<128xi32, #tpu.memory_space<vmem>>
        %dma_start3A_93 = arith.constant 0 : i32
        %dma_start3A_94 = arith.constant 0 : i32
        %dma_start3A_95 = tpu.memref_slice %arg4[%dma_start3A_93, %dma_start3A_94] : memref<10000x128xf32, #tpu.memory_space<hbm>> -> memref<10000x128xf32, #tpu.memory_space<hbm>>
        tpu.enqueue_indirect_dma source(%dma_start3A_95 : memref<10000x128xf32, #tpu.memory_space<hbm>>) target(%arg9 : memref<128x128xf32, #tpu.memory_space<vmem>>) offsets(%dma_start3A_92 : memref<128xi32, #tpu.memory_space<vmem>>) semaphore(%arg12 : memref<!tpu.dma_semaphore, #tpu.memory_space<semaphore_mem>>)
      } else {
      }
      %dma_wait3A_72 = arith.constant 0 : i32
      %dma_wait3A_73 = tpu.memref_slice %arg8[%add3A_57, %dma_wait3A_72] : memref<62x128xi32, #tpu.memory_space<vmem>> -> memref<1x128xi32, #tpu.memory_space<vmem>>
      %dma_wait3A_74 = tpu.memref_squeeze %dma_wait3A_73 : memref<1x128xi32, #tpu.memory_space<vmem>> -> memref<128xi32, #tpu.memory_space<vmem>>
      %dma_wait3A_75 = arith.constant 0 : i32
      %dma_wait3A_76 = arith.constant 0 : i32
      %dma_wait3A_77 = tpu.memref_slice %arg11[%dma_wait3A_75, %dma_wait3A_76] : memref<10112x128xf32, #tpu.memory_space<vmem_shared>> -> memref<10112x128xf32, #tpu.memory_space<vmem_shared>>
      tpu.wait_indirect_dma semaphore(%arg15 : memref<!tpu.dma_semaphore, #tpu.memory_space<semaphore_mem>>) src(%arg10 : memref<128x128xf32, #tpu.memory_space<vmem>>) dst(%dma_wait3A_77 : memref<10112x128xf32, #tpu.memory_space<vmem_shared>>)
      %sub3A_78 = arith.constant 1 : i32
      %sub3A_79 = arith.subi %select_n3A, %sub3A_78 : i32
      %lt3A_80 = arith.cmpi slt, %while3A_31, %sub3A_79 : i32
      %convert_element_type3A_81 = arith.extui %lt3A_80 : i1 to i32
      %cond3A_82 = arith.constant 0 : i32
      %cond3A_83 = arith.cmpi ne, %convert_element_type3A_81, %cond3A_82 : i32
      scf.if %cond3A_83 {
        %mul3A_84 = arith.constant 2 : i32
        %mul3A_85 = arith.muli %while3A_31, %mul3A_84 : i32
        %add3A_86 = arith.constant 2 : i32
        %add3A_87 = arith.addi %mul3A_85, %add3A_86 : i32
        %add3A_88 = arith.constant 1 : i32
        %add3A_89 = arith.addi %add3A_87, %add3A_88 : i32
        %dma_start3A_90 = arith.constant 0 : i32
        %dma_start3A_91 = tpu.memref_slice %arg7[%add3A_89, %dma_start3A_90] : memref<62x128xi32, #tpu.memory_space<vmem>> -> memref<1x128xi32, #tpu.memory_space<vmem>>
        %dma_start3A_92 = tpu.memref_squeeze %dma_start3A_91 : memref<1x128xi32, #tpu.memory_space<vmem>> -> memref<128xi32, #tpu.memory_space<vmem>>
        %dma_start3A_93 = arith.constant 0 : i32
        %dma_start3A_94 = arith.constant 0 : i32
        %dma_start3A_95 = tpu.memref_slice %arg4[%dma_start3A_93, %dma_start3A_94] : memref<10000x128xf32, #tpu.memory_space<hbm>> -> memref<10000x128xf32, #tpu.memory_space<hbm>>
        tpu.enqueue_indirect_dma source(%dma_start3A_95 : memref<10000x128xf32, #tpu.memory_space<hbm>>) target(%arg10 : memref<128x128xf32, #tpu.memory_space<vmem>>) offsets(%dma_start3A_92 : memref<128xi32, #tpu.memory_space<vmem>>) semaphore(%arg13 : memref<!tpu.dma_semaphore, #tpu.memory_space<semaphore_mem>>)
      } else {
      }
    }
    %barrier3A_25 = arith.constant 0 : index
    tpu.barrier barrier_id(%barrier3A_25)
    %mul3A_26 = arith.constant 632 : i32
    %mul3A_27 = arith.muli %arg1, %mul3A_26 : i32
    %mul3A_28 = arith.constant 632 : i32
    %mul3A_29 = arith.muli %arg1, %mul3A_28 : i32
    "tpu.region"() ({
      %run_scoped3A = tpu.sem_alloc : memref<!tpu.dma_semaphore, #tpu.memory_space<semaphore_mem>>
      %dma_start3A_31 = arith.constant 0 : i32
      %dma_start3A_32 = tpu.memref_slice %arg6[%arg0, %mul3A_29, %dma_start3A_31] : memref<2x10112x128xf32, #tpu.memory_space<hbm>> -> memref<1x632x128xf32, #tpu.memory_space<hbm>>
      %dma_start3A_33 = tpu.memref_squeeze %dma_start3A_32 : memref<1x632x128xf32, #tpu.memory_space<hbm>> -> memref<632x128xf32, #tpu.memory_space<hbm>>
      %dma_start3A_34 = arith.constant 0 : i32
      %dma_start3A_35 = tpu.memref_slice %arg11[%mul3A_27, %dma_start3A_34] : memref<10112x128xf32, #tpu.memory_space<vmem_shared>> -> memref<632x128xf32, #tpu.memory_space<vmem_shared>>
      tpu.enqueue_dma source(%dma_start3A_35 : memref<632x128xf32, #tpu.memory_space<vmem_shared>>) target(%dma_start3A_33 : memref<632x128xf32, #tpu.memory_space<hbm>>) target_semaphore(%run_scoped3A : memref<!tpu.dma_semaphore, #tpu.memory_space<semaphore_mem>>)
      %dma_wait3A = arith.constant 0 : i32
      %dma_wait3A_36 = tpu.memref_slice %arg6[%arg0, %mul3A_29, %dma_wait3A] : memref<2x10112x128xf32, #tpu.memory_space<hbm>> -> memref<1x632x128xf32, #tpu.memory_space<hbm>>
      %dma_wait3A_37 = tpu.memref_squeeze %dma_wait3A_36 : memref<1x632x128xf32, #tpu.memory_space<hbm>> -> memref<632x128xf32, #tpu.memory_space<hbm>>
      %dma_wait3A_38 = arith.constant 0 : i32
      %dma_wait3A_39 = tpu.memref_slice %arg11[%mul3A_27, %dma_wait3A_38] : memref<10112x128xf32, #tpu.memory_space<vmem_shared>> -> memref<632x128xf32, #tpu.memory_space<vmem_shared>>
      tpu.wait_dma2 semaphore(%run_scoped3A : memref<!tpu.dma_semaphore, #tpu.memory_space<semaphore_mem>>) src(%dma_wait3A_39 : memref<632x128xf32, #tpu.memory_space<vmem_shared>>) dst(%dma_wait3A_37 : memref<632x128xf32, #tpu.memory_space<hbm>>)
      tpu.yield
    }) : () -> ()
    %barrier3A_30 = arith.constant 0 : index
    tpu.barrier barrier_id(%barrier3A_30)
    return
  }
}

#map = affine_map<(d0, d1) -> (0, 0, 0, 0)>
#map1 = affine_map<(d0, d1) -> (0, 0)>
#map2 = affine_map<(d0, d1) -> (0, 0, 0)>
module attributes {stable_mosaic.version = 14 : i64} {
  func.func @body(%arg0: i32, %arg1: i32, %arg2: memref<2x16x62x128xi32, #tpu.memory_space<hbm>>, %arg3: memref<2x16x62x128xi32, #tpu.memory_space<hbm>>, %arg4: memref<10000x128xf32, #tpu.memory_space<hbm>>, %arg5: memref<10000x128xf32, #tpu.memory_space<hbm>>, %arg6: memref<10000x128xf32, #tpu.memory_space<hbm>>, %arg7: memref<10000x128xf32, #tpu.memory_space<hbm>>, %arg8: memref<632x128xf32, #tpu.memory_space<hbm>>, %arg9: memref<2x10112x128xf32, #tpu.memory_space<hbm>>, %arg10: memref<2x10112x128xf32, #tpu.memory_space<hbm>>, %arg11: memref<2x10112x128xf32, #tpu.memory_space<hbm>>, %arg12: memref<2x10112x128xf32, #tpu.memory_space<hbm>>, %arg13: memref<62x128xi32, #tpu.memory_space<vmem>>, %arg14: memref<62x128xi32, #tpu.memory_space<vmem>>, %arg15: memref<128x128xf32, #tpu.memory_space<vmem>>, %arg16: memref<128x128xf32, #tpu.memory_space<vmem>>, %arg17: memref<10112x128xf32, #tpu.memory_space<vmem_shared>>, %arg18: memref<!tpu.dma_semaphore, #tpu.memory_space<semaphore_mem>>, %arg19: memref<!tpu.dma_semaphore, #tpu.memory_space<semaphore_mem>>, %arg20: memref<!tpu.dma_semaphore, #tpu.memory_space<semaphore_mem>>, %arg21: memref<!tpu.dma_semaphore, #tpu.memory_space<semaphore_mem>>) attributes {dimension_semantics = [#tpu.dimension_semantics<core_parallel>, #tpu.dimension_semantics<subcore_parallel>], iteration_bounds = array<i64: 2, 16>, scalar_prefetch = 0 : i64, scratch_operands = 9 : i64, tpu.core_type = #tpu.core_type<sc_vector_subcore>, window_params = [{transform_indices = #map}, {transform_indices = #map}, {transform_indices = #map1}, {transform_indices = #map1}, {transform_indices = #map1}, {transform_indices = #map1}, {transform_indices = #map1}, {transform_indices = #map2}, {transform_indices = #map2}, {transform_indices = #map2}, {transform_indices = #map2}]} {
    %eq3A = arith.constant 0 : i32
    %eq3A_0 = arith.cmpi eq, %arg0, %eq3A : i32
    %jit3A = arith.constant 31 : i32
    %jit3A_1 = arith.constant 9 : i32
    %select_n3A = arith.select %eq3A_0, %jit3A, %jit3A_1 : i32
    "tpu.region"() ({
      %run_scoped3A = tpu.sem_alloc : memref<!tpu.dma_semaphore, #tpu.memory_space<semaphore_mem>>
      %dma_start3A_130 = arith.constant 0 : i32
      %dma_start3A_131 = arith.constant 0 : i32
      %dma_start3A_132 = tpu.memref_slice %arg2[%arg0, %arg1, %dma_start3A_130, %dma_start3A_131] : memref<2x16x62x128xi32, #tpu.memory_space<hbm>> -> memref<1x1x62x128xi32, #tpu.memory_space<hbm>>
      %dma_start3A_133 = tpu.memref_squeeze %dma_start3A_132 : memref<1x1x62x128xi32, #tpu.memory_space<hbm>> -> memref<62x128xi32, #tpu.memory_space<hbm>>
      %dma_start3A_134 = arith.constant 0 : i32
      %dma_start3A_135 = arith.constant 0 : i32
      %dma_start3A_136 = tpu.memref_slice %arg2[%arg0, %arg1, %dma_start3A_134, %dma_start3A_135] : memref<2x16x62x128xi32, #tpu.memory_space<hbm>> -> memref<1x1x62x128xi32, #tpu.memory_space<hbm>>
      %dma_start3A_137 = tpu.memref_squeeze %dma_start3A_136 : memref<1x1x62x128xi32, #tpu.memory_space<hbm>> -> memref<62x128xi32, #tpu.memory_space<hbm>>
      tpu.enqueue_dma source(%dma_start3A_137 : memref<62x128xi32, #tpu.memory_space<hbm>>) target(%arg13 : memref<62x128xi32, #tpu.memory_space<vmem>>) target_semaphore(%run_scoped3A : memref<!tpu.dma_semaphore, #tpu.memory_space<semaphore_mem>>)
      %dma_wait3A = arith.constant 0 : i32
      %dma_wait3A_138 = arith.constant 0 : i32
      %dma_wait3A_139 = tpu.memref_slice %arg2[%arg0, %arg1, %dma_wait3A, %dma_wait3A_138] : memref<2x16x62x128xi32, #tpu.memory_space<hbm>> -> memref<1x1x62x128xi32, #tpu.memory_space<hbm>>
      %dma_wait3A_140 = tpu.memref_squeeze %dma_wait3A_139 : memref<1x1x62x128xi32, #tpu.memory_space<hbm>> -> memref<62x128xi32, #tpu.memory_space<hbm>>
      %dma_wait3A_141 = arith.constant 0 : i32
      %dma_wait3A_142 = arith.constant 0 : i32
      %dma_wait3A_143 = tpu.memref_slice %arg2[%arg0, %arg1, %dma_wait3A_141, %dma_wait3A_142] : memref<2x16x62x128xi32, #tpu.memory_space<hbm>> -> memref<1x1x62x128xi32, #tpu.memory_space<hbm>>
      %dma_wait3A_144 = tpu.memref_squeeze %dma_wait3A_143 : memref<1x1x62x128xi32, #tpu.memory_space<hbm>> -> memref<62x128xi32, #tpu.memory_space<hbm>>
      tpu.wait_dma2 semaphore(%run_scoped3A : memref<!tpu.dma_semaphore, #tpu.memory_space<semaphore_mem>>) src(%dma_wait3A_144 : memref<62x128xi32, #tpu.memory_space<hbm>>) dst(%arg13 : memref<62x128xi32, #tpu.memory_space<vmem>>)
      tpu.yield
    }) : () -> ()
    "tpu.region"() ({
      %run_scoped3A = tpu.sem_alloc : memref<!tpu.dma_semaphore, #tpu.memory_space<semaphore_mem>>
      %dma_start3A_130 = arith.constant 0 : i32
      %dma_start3A_131 = arith.constant 0 : i32
      %dma_start3A_132 = tpu.memref_slice %arg3[%arg0, %arg1, %dma_start3A_130, %dma_start3A_131] : memref<2x16x62x128xi32, #tpu.memory_space<hbm>> -> memref<1x1x62x128xi32, #tpu.memory_space<hbm>>
      %dma_start3A_133 = tpu.memref_squeeze %dma_start3A_132 : memref<1x1x62x128xi32, #tpu.memory_space<hbm>> -> memref<62x128xi32, #tpu.memory_space<hbm>>
      %dma_start3A_134 = arith.constant 0 : i32
      %dma_start3A_135 = arith.constant 0 : i32
      %dma_start3A_136 = tpu.memref_slice %arg3[%arg0, %arg1, %dma_start3A_134, %dma_start3A_135] : memref<2x16x62x128xi32, #tpu.memory_space<hbm>> -> memref<1x1x62x128xi32, #tpu.memory_space<hbm>>
      %dma_start3A_137 = tpu.memref_squeeze %dma_start3A_136 : memref<1x1x62x128xi32, #tpu.memory_space<hbm>> -> memref<62x128xi32, #tpu.memory_space<hbm>>
      tpu.enqueue_dma source(%dma_start3A_137 : memref<62x128xi32, #tpu.memory_space<hbm>>) target(%arg14 : memref<62x128xi32, #tpu.memory_space<vmem>>) target_semaphore(%run_scoped3A : memref<!tpu.dma_semaphore, #tpu.memory_space<semaphore_mem>>)
      %dma_wait3A = arith.constant 0 : i32
      %dma_wait3A_138 = arith.constant 0 : i32
      %dma_wait3A_139 = tpu.memref_slice %arg3[%arg0, %arg1, %dma_wait3A, %dma_wait3A_138] : memref<2x16x62x128xi32, #tpu.memory_space<hbm>> -> memref<1x1x62x128xi32, #tpu.memory_space<hbm>>
      %dma_wait3A_140 = tpu.memref_squeeze %dma_wait3A_139 : memref<1x1x62x128xi32, #tpu.memory_space<hbm>> -> memref<62x128xi32, #tpu.memory_space<hbm>>
      %dma_wait3A_141 = arith.constant 0 : i32
      %dma_wait3A_142 = arith.constant 0 : i32
      %dma_wait3A_143 = tpu.memref_slice %arg3[%arg0, %arg1, %dma_wait3A_141, %dma_wait3A_142] : memref<2x16x62x128xi32, #tpu.memory_space<hbm>> -> memref<1x1x62x128xi32, #tpu.memory_space<hbm>>
      %dma_wait3A_144 = tpu.memref_squeeze %dma_wait3A_143 : memref<1x1x62x128xi32, #tpu.memory_space<hbm>> -> memref<62x128xi32, #tpu.memory_space<hbm>>
      tpu.wait_dma2 semaphore(%run_scoped3A : memref<!tpu.dma_semaphore, #tpu.memory_space<semaphore_mem>>) src(%dma_wait3A_144 : memref<62x128xi32, #tpu.memory_space<hbm>>) dst(%arg14 : memref<62x128xi32, #tpu.memory_space<vmem>>)
      tpu.yield
    }) : () -> ()
    %mul3A = arith.constant 632 : i32
    %mul3A_2 = arith.muli %arg1, %mul3A : i32
    "tpu.region"() ({
      %run_scoped3A = tpu.sem_alloc : memref<!tpu.dma_semaphore, #tpu.memory_space<semaphore_mem>>
      %dma_start3A_130 = arith.constant 0 : i32
      %dma_start3A_131 = tpu.memref_slice %arg17[%mul3A_2, %dma_start3A_130] : memref<10112x128xf32, #tpu.memory_space<vmem_shared>> -> memref<632x128xf32, #tpu.memory_space<vmem_shared>>
      tpu.enqueue_dma source(%arg8 : memref<632x128xf32, #tpu.memory_space<hbm>>) target(%dma_start3A_131 : memref<632x128xf32, #tpu.memory_space<vmem_shared>>) target_semaphore(%run_scoped3A : memref<!tpu.dma_semaphore, #tpu.memory_space<semaphore_mem>>)
      %dma_wait3A = arith.constant 0 : i32
      %dma_wait3A_132 = tpu.memref_slice %arg17[%mul3A_2, %dma_wait3A] : memref<10112x128xf32, #tpu.memory_space<vmem_shared>> -> memref<632x128xf32, #tpu.memory_space<vmem_shared>>
      tpu.wait_dma2 semaphore(%run_scoped3A : memref<!tpu.dma_semaphore, #tpu.memory_space<semaphore_mem>>) src(%arg8 : memref<632x128xf32, #tpu.memory_space<hbm>>) dst(%dma_wait3A_132 : memref<632x128xf32, #tpu.memory_space<vmem_shared>>)
      tpu.yield
    }) : () -> ()
    %barrier3A = arith.constant 0 : index
    tpu.barrier barrier_id(%barrier3A)
    %dma_start3A = arith.constant 0 : i32
    %dma_start3A_3 = arith.constant 0 : i32
    %dma_start3A_4 = tpu.memref_slice %arg13[%dma_start3A, %dma_start3A_3] : memref<62x128xi32, #tpu.memory_space<vmem>> -> memref<1x128xi32, #tpu.memory_space<vmem>>
    %dma_start3A_5 = tpu.memref_squeeze %dma_start3A_4 : memref<1x128xi32, #tpu.memory_space<vmem>> -> memref<128xi32, #tpu.memory_space<vmem>>
    %dma_start3A_6 = arith.constant 0 : i32
    %dma_start3A_7 = arith.constant 0 : i32
    %dma_start3A_8 = tpu.memref_slice %arg4[%dma_start3A_6, %dma_start3A_7] : memref<10000x128xf32, #tpu.memory_space<hbm>> -> memref<10000x128xf32, #tpu.memory_space<hbm>>
    tpu.enqueue_indirect_dma source(%dma_start3A_8 : memref<10000x128xf32, #tpu.memory_space<hbm>>) target(%arg15 : memref<128x128xf32, #tpu.memory_space<vmem>>) offsets(%dma_start3A_5 : memref<128xi32, #tpu.memory_space<vmem>>) semaphore(%arg18 : memref<!tpu.dma_semaphore, #tpu.memory_space<semaphore_mem>>)
    %dma_start3A_9 = arith.constant 1 : i32
    %dma_start3A_10 = arith.constant 0 : i32
    %dma_start3A_11 = tpu.memref_slice %arg13[%dma_start3A_9, %dma_start3A_10] : memref<62x128xi32, #tpu.memory_space<vmem>> -> memref<1x128xi32, #tpu.memory_space<vmem>>
    %dma_start3A_12 = tpu.memref_squeeze %dma_start3A_11 : memref<1x128xi32, #tpu.memory_space<vmem>> -> memref<128xi32, #tpu.memory_space<vmem>>
    %dma_start3A_13 = arith.constant 0 : i32
    %dma_start3A_14 = arith.constant 0 : i32
    %dma_start3A_15 = tpu.memref_slice %arg4[%dma_start3A_13, %dma_start3A_14] : memref<10000x128xf32, #tpu.memory_space<hbm>> -> memref<10000x128xf32, #tpu.memory_space<hbm>>
    tpu.enqueue_indirect_dma source(%dma_start3A_15 : memref<10000x128xf32, #tpu.memory_space<hbm>>) target(%arg16 : memref<128x128xf32, #tpu.memory_space<vmem>>) offsets(%dma_start3A_12 : memref<128xi32, #tpu.memory_space<vmem>>) semaphore(%arg19 : memref<!tpu.dma_semaphore, #tpu.memory_space<semaphore_mem>>)
    %while3A = arith.constant 0 : i32
    %while3A_16 = arith.constant 0 : i32
    %while3A_17 = arith.subi %select_n3A, %while3A_16 : i32
    %while3A_18 = arith.addi %while3A_16, %while3A_17 : i32
    %while3A_19 = arith.constant 1 : i32
    %while3A_20 = arith.divsi %while3A_17, %while3A_19 : i32
    %while3A_21 = arith.muli %while3A_20, %while3A_19 : i32
    %while3A_22 = arith.addi %while3A_16, %while3A_21 : i32
    %while3A_23 = arith.constant 1 : i32
    scf.for %while3A_130 = %while3A_16 to %while3A_22 step %while3A_23  : i32 {
      %dma_wait3A = arith.constant 0 : i32
      %dma_wait3A_131 = arith.constant 0 : i32
      %dma_wait3A_132 = tpu.memref_slice %arg13[%dma_wait3A, %dma_wait3A_131] : memref<62x128xi32, #tpu.memory_space<vmem>> -> memref<1x128xi32, #tpu.memory_space<vmem>>
      %dma_wait3A_133 = tpu.memref_squeeze %dma_wait3A_132 : memref<1x128xi32, #tpu.memory_space<vmem>> -> memref<128xi32, #tpu.memory_space<vmem>>
      %dma_wait3A_134 = arith.constant 0 : i32
      %dma_wait3A_135 = arith.constant 0 : i32
      %dma_wait3A_136 = tpu.memref_slice %arg4[%dma_wait3A_134, %dma_wait3A_135] : memref<10000x128xf32, #tpu.memory_space<hbm>> -> memref<10000x128xf32, #tpu.memory_space<hbm>>
      tpu.wait_indirect_dma semaphore(%arg18 : memref<!tpu.dma_semaphore, #tpu.memory_space<semaphore_mem>>) src(%dma_wait3A_136 : memref<10000x128xf32, #tpu.memory_space<hbm>>) dst(%arg15 : memref<128x128xf32, #tpu.memory_space<vmem>>)
      %mul3A_137 = arith.constant 2 : i32
      %mul3A_138 = arith.muli %while3A_130, %mul3A_137 : i32
      %add3A = arith.constant 0 : i32
      %add3A_139 = arith.addi %mul3A_138, %add3A : i32
      %dma_start3A_140 = arith.constant 0 : i32
      %dma_start3A_141 = tpu.memref_slice %arg14[%add3A_139, %dma_start3A_140] : memref<62x128xi32, #tpu.memory_space<vmem>> -> memref<1x128xi32, #tpu.memory_space<vmem>>
      %dma_start3A_142 = tpu.memref_squeeze %dma_start3A_141 : memref<1x128xi32, #tpu.memory_space<vmem>> -> memref<128xi32, #tpu.memory_space<vmem>>
      %dma_start3A_143 = arith.constant 0 : i32
      %dma_start3A_144 = arith.constant 0 : i32
      %dma_start3A_145 = tpu.memref_slice %arg17[%dma_start3A_143, %dma_start3A_144] : memref<10112x128xf32, #tpu.memory_space<vmem_shared>> -> memref<10112x128xf32, #tpu.memory_space<vmem_shared>>
      tpu.enqueue_indirect_dma source(%arg15 : memref<128x128xf32, #tpu.memory_space<vmem>>) target(%dma_start3A_145 : memref<10112x128xf32, #tpu.memory_space<vmem_shared>>) offsets(%dma_start3A_142 : memref<128xi32, #tpu.memory_space<vmem>>) semaphore(%arg20 : memref<!tpu.dma_semaphore, #tpu.memory_space<semaphore_mem>>) {add = true}
      %dma_wait3A_146 = arith.constant 1 : i32
      %dma_wait3A_147 = arith.constant 0 : i32
      %dma_wait3A_148 = tpu.memref_slice %arg13[%dma_wait3A_146, %dma_wait3A_147] : memref<62x128xi32, #tpu.memory_space<vmem>> -> memref<1x128xi32, #tpu.memory_space<vmem>>
      %dma_wait3A_149 = tpu.memref_squeeze %dma_wait3A_148 : memref<1x128xi32, #tpu.memory_space<vmem>> -> memref<128xi32, #tpu.memory_space<vmem>>
      %dma_wait3A_150 = arith.constant 0 : i32
      %dma_wait3A_151 = arith.constant 0 : i32
      %dma_wait3A_152 = tpu.memref_slice %arg4[%dma_wait3A_150, %dma_wait3A_151] : memref<10000x128xf32, #tpu.memory_space<hbm>> -> memref<10000x128xf32, #tpu.memory_space<hbm>>
      tpu.wait_indirect_dma semaphore(%arg19 : memref<!tpu.dma_semaphore, #tpu.memory_space<semaphore_mem>>) src(%dma_wait3A_152 : memref<10000x128xf32, #tpu.memory_space<hbm>>) dst(%arg16 : memref<128x128xf32, #tpu.memory_space<vmem>>)
      %mul3A_153 = arith.constant 2 : i32
      %mul3A_154 = arith.muli %while3A_130, %mul3A_153 : i32
      %add3A_155 = arith.constant 1 : i32
      %add3A_156 = arith.addi %mul3A_154, %add3A_155 : i32
      %dma_start3A_157 = arith.constant 0 : i32
      %dma_start3A_158 = tpu.memref_slice %arg14[%add3A_156, %dma_start3A_157] : memref<62x128xi32, #tpu.memory_space<vmem>> -> memref<1x128xi32, #tpu.memory_space<vmem>>
      %dma_start3A_159 = tpu.memref_squeeze %dma_start3A_158 : memref<1x128xi32, #tpu.memory_space<vmem>> -> memref<128xi32, #tpu.memory_space<vmem>>
      %dma_start3A_160 = arith.constant 0 : i32
      %dma_start3A_161 = arith.constant 0 : i32
      %dma_start3A_162 = tpu.memref_slice %arg17[%dma_start3A_160, %dma_start3A_161] : memref<10112x128xf32, #tpu.memory_space<vmem_shared>> -> memref<10112x128xf32, #tpu.memory_space<vmem_shared>>
      tpu.enqueue_indirect_dma source(%arg16 : memref<128x128xf32, #tpu.memory_space<vmem>>) target(%dma_start3A_162 : memref<10112x128xf32, #tpu.memory_space<vmem_shared>>) offsets(%dma_start3A_159 : memref<128xi32, #tpu.memory_space<vmem>>) semaphore(%arg21 : memref<!tpu.dma_semaphore, #tpu.memory_space<semaphore_mem>>) {add = true}
      %dma_wait3A_163 = arith.constant 0 : i32
      %dma_wait3A_164 = tpu.memref_slice %arg14[%add3A_139, %dma_wait3A_163] : memref<62x128xi32, #tpu.memory_space<vmem>> -> memref<1x128xi32, #tpu.memory_space<vmem>>
      %dma_wait3A_165 = tpu.memref_squeeze %dma_wait3A_164 : memref<1x128xi32, #tpu.memory_space<vmem>> -> memref<128xi32, #tpu.memory_space<vmem>>
      %dma_wait3A_166 = arith.constant 0 : i32
      %dma_wait3A_167 = arith.constant 0 : i32
      %dma_wait3A_168 = tpu.memref_slice %arg17[%dma_wait3A_166, %dma_wait3A_167] : memref<10112x128xf32, #tpu.memory_space<vmem_shared>> -> memref<10112x128xf32, #tpu.memory_space<vmem_shared>>
      tpu.wait_indirect_dma semaphore(%arg20 : memref<!tpu.dma_semaphore, #tpu.memory_space<semaphore_mem>>) src(%arg15 : memref<128x128xf32, #tpu.memory_space<vmem>>) dst(%dma_wait3A_168 : memref<10112x128xf32, #tpu.memory_space<vmem_shared>>)
      %sub3A = arith.constant 1 : i32
      %sub3A_169 = arith.subi %select_n3A, %sub3A : i32
      %lt3A = arith.cmpi slt, %while3A_130, %sub3A_169 : i32
      %convert_element_type3A = arith.extui %lt3A : i1 to i32
      %cond3A = arith.constant 0 : i32
      %cond3A_170 = arith.cmpi ne, %convert_element_type3A, %cond3A : i32
      scf.if %cond3A_170 {
        %mul3A_183 = arith.constant 2 : i32
        %mul3A_184 = arith.muli %while3A_130, %mul3A_183 : i32
        %add3A_185 = arith.constant 2 : i32
        %add3A_186 = arith.addi %mul3A_184, %add3A_185 : i32
        %add3A_187 = arith.constant 0 : i32
        %add3A_188 = arith.addi %add3A_186, %add3A_187 : i32
        %dma_start3A_189 = arith.constant 0 : i32
        %dma_start3A_190 = tpu.memref_slice %arg13[%add3A_188, %dma_start3A_189] : memref<62x128xi32, #tpu.memory_space<vmem>> -> memref<1x128xi32, #tpu.memory_space<vmem>>
        %dma_start3A_191 = tpu.memref_squeeze %dma_start3A_190 : memref<1x128xi32, #tpu.memory_space<vmem>> -> memref<128xi32, #tpu.memory_space<vmem>>
        %dma_start3A_192 = arith.constant 0 : i32
        %dma_start3A_193 = arith.constant 0 : i32
        %dma_start3A_194 = tpu.memref_slice %arg4[%dma_start3A_192, %dma_start3A_193] : memref<10000x128xf32, #tpu.memory_space<hbm>> -> memref<10000x128xf32, #tpu.memory_space<hbm>>
        tpu.enqueue_indirect_dma source(%dma_start3A_194 : memref<10000x128xf32, #tpu.memory_space<hbm>>) target(%arg15 : memref<128x128xf32, #tpu.memory_space<vmem>>) offsets(%dma_start3A_191 : memref<128xi32, #tpu.memory_space<vmem>>) semaphore(%arg18 : memref<!tpu.dma_semaphore, #tpu.memory_space<semaphore_mem>>)
      } else {
      }
      %dma_wait3A_171 = arith.constant 0 : i32
      %dma_wait3A_172 = tpu.memref_slice %arg14[%add3A_156, %dma_wait3A_171] : memref<62x128xi32, #tpu.memory_space<vmem>> -> memref<1x128xi32, #tpu.memory_space<vmem>>
      %dma_wait3A_173 = tpu.memref_squeeze %dma_wait3A_172 : memref<1x128xi32, #tpu.memory_space<vmem>> -> memref<128xi32, #tpu.memory_space<vmem>>
      %dma_wait3A_174 = arith.constant 0 : i32
      %dma_wait3A_175 = arith.constant 0 : i32
      %dma_wait3A_176 = tpu.memref_slice %arg17[%dma_wait3A_174, %dma_wait3A_175] : memref<10112x128xf32, #tpu.memory_space<vmem_shared>> -> memref<10112x128xf32, #tpu.memory_space<vmem_shared>>
      tpu.wait_indirect_dma semaphore(%arg21 : memref<!tpu.dma_semaphore, #tpu.memory_space<semaphore_mem>>) src(%arg16 : memref<128x128xf32, #tpu.memory_space<vmem>>) dst(%dma_wait3A_176 : memref<10112x128xf32, #tpu.memory_space<vmem_shared>>)
      %sub3A_177 = arith.constant 1 : i32
      %sub3A_178 = arith.subi %select_n3A, %sub3A_177 : i32
      %lt3A_179 = arith.cmpi slt, %while3A_130, %sub3A_178 : i32
      %convert_element_type3A_180 = arith.extui %lt3A_179 : i1 to i32
      %cond3A_181 = arith.constant 0 : i32
      %cond3A_182 = arith.cmpi ne, %convert_element_type3A_180, %cond3A_181 : i32
      scf.if %cond3A_182 {
        %mul3A_183 = arith.constant 2 : i32
        %mul3A_184 = arith.muli %while3A_130, %mul3A_183 : i32
        %add3A_185 = arith.constant 2 : i32
        %add3A_186 = arith.addi %mul3A_184, %add3A_185 : i32
        %add3A_187 = arith.constant 1 : i32
        %add3A_188 = arith.addi %add3A_186, %add3A_187 : i32
        %dma_start3A_189 = arith.constant 0 : i32
        %dma_start3A_190 = tpu.memref_slice %arg13[%add3A_188, %dma_start3A_189] : memref<62x128xi32, #tpu.memory_space<vmem>> -> memref<1x128xi32, #tpu.memory_space<vmem>>
        %dma_start3A_191 = tpu.memref_squeeze %dma_start3A_190 : memref<1x128xi32, #tpu.memory_space<vmem>> -> memref<128xi32, #tpu.memory_space<vmem>>
        %dma_start3A_192 = arith.constant 0 : i32
        %dma_start3A_193 = arith.constant 0 : i32
        %dma_start3A_194 = tpu.memref_slice %arg4[%dma_start3A_192, %dma_start3A_193] : memref<10000x128xf32, #tpu.memory_space<hbm>> -> memref<10000x128xf32, #tpu.memory_space<hbm>>
        tpu.enqueue_indirect_dma source(%dma_start3A_194 : memref<10000x128xf32, #tpu.memory_space<hbm>>) target(%arg16 : memref<128x128xf32, #tpu.memory_space<vmem>>) offsets(%dma_start3A_191 : memref<128xi32, #tpu.memory_space<vmem>>) semaphore(%arg19 : memref<!tpu.dma_semaphore, #tpu.memory_space<semaphore_mem>>)
      } else {
      }
    }
    %while3A_24 = arith.constant 1 : i32
    scf.for %while3A_130 = %while3A_22 to %while3A_18 step %while3A_24  : i32 {
      %dma_wait3A = arith.constant 0 : i32
      %dma_wait3A_131 = arith.constant 0 : i32
      %dma_wait3A_132 = tpu.memref_slice %arg13[%dma_wait3A, %dma_wait3A_131] : memref<62x128xi32, #tpu.memory_space<vmem>> -> memref<1x128xi32, #tpu.memory_space<vmem>>
      %dma_wait3A_133 = tpu.memref_squeeze %dma_wait3A_132 : memref<1x128xi32, #tpu.memory_space<vmem>> -> memref<128xi32, #tpu.memory_space<vmem>>
      %dma_wait3A_134 = arith.constant 0 : i32
      %dma_wait3A_135 = arith.constant 0 : i32
      %dma_wait3A_136 = tpu.memref_slice %arg4[%dma_wait3A_134, %dma_wait3A_135] : memref<10000x128xf32, #tpu.memory_space<hbm>> -> memref<10000x128xf32, #tpu.memory_space<hbm>>
      tpu.wait_indirect_dma semaphore(%arg18 : memref<!tpu.dma_semaphore, #tpu.memory_space<semaphore_mem>>) src(%dma_wait3A_136 : memref<10000x128xf32, #tpu.memory_space<hbm>>) dst(%arg15 : memref<128x128xf32, #tpu.memory_space<vmem>>)
      %mul3A_137 = arith.constant 2 : i32
      %mul3A_138 = arith.muli %while3A_130, %mul3A_137 : i32
      %add3A = arith.constant 0 : i32
      %add3A_139 = arith.addi %mul3A_138, %add3A : i32
      %dma_start3A_140 = arith.constant 0 : i32
      %dma_start3A_141 = tpu.memref_slice %arg14[%add3A_139, %dma_start3A_140] : memref<62x128xi32, #tpu.memory_space<vmem>> -> memref<1x128xi32, #tpu.memory_space<vmem>>
      %dma_start3A_142 = tpu.memref_squeeze %dma_start3A_141 : memref<1x128xi32, #tpu.memory_space<vmem>> -> memref<128xi32, #tpu.memory_space<vmem>>
      %dma_start3A_143 = arith.constant 0 : i32
      %dma_start3A_144 = arith.constant 0 : i32
      %dma_start3A_145 = tpu.memref_slice %arg17[%dma_start3A_143, %dma_start3A_144] : memref<10112x128xf32, #tpu.memory_space<vmem_shared>> -> memref<10112x128xf32, #tpu.memory_space<vmem_shared>>
      tpu.enqueue_indirect_dma source(%arg15 : memref<128x128xf32, #tpu.memory_space<vmem>>) target(%dma_start3A_145 : memref<10112x128xf32, #tpu.memory_space<vmem_shared>>) offsets(%dma_start3A_142 : memref<128xi32, #tpu.memory_space<vmem>>) semaphore(%arg20 : memref<!tpu.dma_semaphore, #tpu.memory_space<semaphore_mem>>) {add = true}
      %dma_wait3A_146 = arith.constant 1 : i32
      %dma_wait3A_147 = arith.constant 0 : i32
      %dma_wait3A_148 = tpu.memref_slice %arg13[%dma_wait3A_146, %dma_wait3A_147] : memref<62x128xi32, #tpu.memory_space<vmem>> -> memref<1x128xi32, #tpu.memory_space<vmem>>
      %dma_wait3A_149 = tpu.memref_squeeze %dma_wait3A_148 : memref<1x128xi32, #tpu.memory_space<vmem>> -> memref<128xi32, #tpu.memory_space<vmem>>
      %dma_wait3A_150 = arith.constant 0 : i32
      %dma_wait3A_151 = arith.constant 0 : i32
      %dma_wait3A_152 = tpu.memref_slice %arg4[%dma_wait3A_150, %dma_wait3A_151] : memref<10000x128xf32, #tpu.memory_space<hbm>> -> memref<10000x128xf32, #tpu.memory_space<hbm>>
      tpu.wait_indirect_dma semaphore(%arg19 : memref<!tpu.dma_semaphore, #tpu.memory_space<semaphore_mem>>) src(%dma_wait3A_152 : memref<10000x128xf32, #tpu.memory_space<hbm>>) dst(%arg16 : memref<128x128xf32, #tpu.memory_space<vmem>>)
      %mul3A_153 = arith.constant 2 : i32
      %mul3A_154 = arith.muli %while3A_130, %mul3A_153 : i32
      %add3A_155 = arith.constant 1 : i32
      %add3A_156 = arith.addi %mul3A_154, %add3A_155 : i32
      %dma_start3A_157 = arith.constant 0 : i32
      %dma_start3A_158 = tpu.memref_slice %arg14[%add3A_156, %dma_start3A_157] : memref<62x128xi32, #tpu.memory_space<vmem>> -> memref<1x128xi32, #tpu.memory_space<vmem>>
      %dma_start3A_159 = tpu.memref_squeeze %dma_start3A_158 : memref<1x128xi32, #tpu.memory_space<vmem>> -> memref<128xi32, #tpu.memory_space<vmem>>
      %dma_start3A_160 = arith.constant 0 : i32
      %dma_start3A_161 = arith.constant 0 : i32
      %dma_start3A_162 = tpu.memref_slice %arg17[%dma_start3A_160, %dma_start3A_161] : memref<10112x128xf32, #tpu.memory_space<vmem_shared>> -> memref<10112x128xf32, #tpu.memory_space<vmem_shared>>
      tpu.enqueue_indirect_dma source(%arg16 : memref<128x128xf32, #tpu.memory_space<vmem>>) target(%dma_start3A_162 : memref<10112x128xf32, #tpu.memory_space<vmem_shared>>) offsets(%dma_start3A_159 : memref<128xi32, #tpu.memory_space<vmem>>) semaphore(%arg21 : memref<!tpu.dma_semaphore, #tpu.memory_space<semaphore_mem>>) {add = true}
      %dma_wait3A_163 = arith.constant 0 : i32
      %dma_wait3A_164 = tpu.memref_slice %arg14[%add3A_139, %dma_wait3A_163] : memref<62x128xi32, #tpu.memory_space<vmem>> -> memref<1x128xi32, #tpu.memory_space<vmem>>
      %dma_wait3A_165 = tpu.memref_squeeze %dma_wait3A_164 : memref<1x128xi32, #tpu.memory_space<vmem>> -> memref<128xi32, #tpu.memory_space<vmem>>
      %dma_wait3A_166 = arith.constant 0 : i32
      %dma_wait3A_167 = arith.constant 0 : i32
      %dma_wait3A_168 = tpu.memref_slice %arg17[%dma_wait3A_166, %dma_wait3A_167] : memref<10112x128xf32, #tpu.memory_space<vmem_shared>> -> memref<10112x128xf32, #tpu.memory_space<vmem_shared>>
      tpu.wait_indirect_dma semaphore(%arg20 : memref<!tpu.dma_semaphore, #tpu.memory_space<semaphore_mem>>) src(%arg15 : memref<128x128xf32, #tpu.memory_space<vmem>>) dst(%dma_wait3A_168 : memref<10112x128xf32, #tpu.memory_space<vmem_shared>>)
      %sub3A = arith.constant 1 : i32
      %sub3A_169 = arith.subi %select_n3A, %sub3A : i32
      %lt3A = arith.cmpi slt, %while3A_130, %sub3A_169 : i32
      %convert_element_type3A = arith.extui %lt3A : i1 to i32
      %cond3A = arith.constant 0 : i32
      %cond3A_170 = arith.cmpi ne, %convert_element_type3A, %cond3A : i32
      scf.if %cond3A_170 {
        %mul3A_183 = arith.constant 2 : i32
        %mul3A_184 = arith.muli %while3A_130, %mul3A_183 : i32
        %add3A_185 = arith.constant 2 : i32
        %add3A_186 = arith.addi %mul3A_184, %add3A_185 : i32
        %add3A_187 = arith.constant 0 : i32
        %add3A_188 = arith.addi %add3A_186, %add3A_187 : i32
        %dma_start3A_189 = arith.constant 0 : i32
        %dma_start3A_190 = tpu.memref_slice %arg13[%add3A_188, %dma_start3A_189] : memref<62x128xi32, #tpu.memory_space<vmem>> -> memref<1x128xi32, #tpu.memory_space<vmem>>
        %dma_start3A_191 = tpu.memref_squeeze %dma_start3A_190 : memref<1x128xi32, #tpu.memory_space<vmem>> -> memref<128xi32, #tpu.memory_space<vmem>>
        %dma_start3A_192 = arith.constant 0 : i32
        %dma_start3A_193 = arith.constant 0 : i32
        %dma_start3A_194 = tpu.memref_slice %arg4[%dma_start3A_192, %dma_start3A_193] : memref<10000x128xf32, #tpu.memory_space<hbm>> -> memref<10000x128xf32, #tpu.memory_space<hbm>>
        tpu.enqueue_indirect_dma source(%dma_start3A_194 : memref<10000x128xf32, #tpu.memory_space<hbm>>) target(%arg15 : memref<128x128xf32, #tpu.memory_space<vmem>>) offsets(%dma_start3A_191 : memref<128xi32, #tpu.memory_space<vmem>>) semaphore(%arg18 : memref<!tpu.dma_semaphore, #tpu.memory_space<semaphore_mem>>)
      } else {
      }
      %dma_wait3A_171 = arith.constant 0 : i32
      %dma_wait3A_172 = tpu.memref_slice %arg14[%add3A_156, %dma_wait3A_171] : memref<62x128xi32, #tpu.memory_space<vmem>> -> memref<1x128xi32, #tpu.memory_space<vmem>>
      %dma_wait3A_173 = tpu.memref_squeeze %dma_wait3A_172 : memref<1x128xi32, #tpu.memory_space<vmem>> -> memref<128xi32, #tpu.memory_space<vmem>>
      %dma_wait3A_174 = arith.constant 0 : i32
      %dma_wait3A_175 = arith.constant 0 : i32
      %dma_wait3A_176 = tpu.memref_slice %arg17[%dma_wait3A_174, %dma_wait3A_175] : memref<10112x128xf32, #tpu.memory_space<vmem_shared>> -> memref<10112x128xf32, #tpu.memory_space<vmem_shared>>
      tpu.wait_indirect_dma semaphore(%arg21 : memref<!tpu.dma_semaphore, #tpu.memory_space<semaphore_mem>>) src(%arg16 : memref<128x128xf32, #tpu.memory_space<vmem>>) dst(%dma_wait3A_176 : memref<10112x128xf32, #tpu.memory_space<vmem_shared>>)
      %sub3A_177 = arith.constant 1 : i32
      %sub3A_178 = arith.subi %select_n3A, %sub3A_177 : i32
      %lt3A_179 = arith.cmpi slt, %while3A_130, %sub3A_178 : i32
      %convert_element_type3A_180 = arith.extui %lt3A_179 : i1 to i32
      %cond3A_181 = arith.constant 0 : i32
      %cond3A_182 = arith.cmpi ne, %convert_element_type3A_180, %cond3A_181 : i32
      scf.if %cond3A_182 {
        %mul3A_183 = arith.constant 2 : i32
        %mul3A_184 = arith.muli %while3A_130, %mul3A_183 : i32
        %add3A_185 = arith.constant 2 : i32
        %add3A_186 = arith.addi %mul3A_184, %add3A_185 : i32
        %add3A_187 = arith.constant 1 : i32
        %add3A_188 = arith.addi %add3A_186, %add3A_187 : i32
        %dma_start3A_189 = arith.constant 0 : i32
        %dma_start3A_190 = tpu.memref_slice %arg13[%add3A_188, %dma_start3A_189] : memref<62x128xi32, #tpu.memory_space<vmem>> -> memref<1x128xi32, #tpu.memory_space<vmem>>
        %dma_start3A_191 = tpu.memref_squeeze %dma_start3A_190 : memref<1x128xi32, #tpu.memory_space<vmem>> -> memref<128xi32, #tpu.memory_space<vmem>>
        %dma_start3A_192 = arith.constant 0 : i32
        %dma_start3A_193 = arith.constant 0 : i32
        %dma_start3A_194 = tpu.memref_slice %arg4[%dma_start3A_192, %dma_start3A_193] : memref<10000x128xf32, #tpu.memory_space<hbm>> -> memref<10000x128xf32, #tpu.memory_space<hbm>>
        tpu.enqueue_indirect_dma source(%dma_start3A_194 : memref<10000x128xf32, #tpu.memory_space<hbm>>) target(%arg16 : memref<128x128xf32, #tpu.memory_space<vmem>>) offsets(%dma_start3A_191 : memref<128xi32, #tpu.memory_space<vmem>>) semaphore(%arg19 : memref<!tpu.dma_semaphore, #tpu.memory_space<semaphore_mem>>)
      } else {
      }
    }
    %barrier3A_25 = arith.constant 0 : index
    tpu.barrier barrier_id(%barrier3A_25)
    %mul3A_26 = arith.constant 632 : i32
    %mul3A_27 = arith.muli %arg1, %mul3A_26 : i32
    %mul3A_28 = arith.constant 632 : i32
    %mul3A_29 = arith.muli %arg1, %mul3A_28 : i32
    "tpu.region"() ({
      %run_scoped3A = tpu.sem_alloc : memref<!tpu.dma_semaphore, #tpu.memory_space<semaphore_mem>>
      %dma_start3A_130 = arith.constant 0 : i32
      %dma_start3A_131 = tpu.memref_slice %arg9[%arg0, %mul3A_29, %dma_start3A_130] : memref<2x10112x128xf32, #tpu.memory_space<hbm>> -> memref<1x632x128xf32, #tpu.memory_space<hbm>>
      %dma_start3A_132 = tpu.memref_squeeze %dma_start3A_131 : memref<1x632x128xf32, #tpu.memory_space<hbm>> -> memref<632x128xf32, #tpu.memory_space<hbm>>
      %dma_start3A_133 = arith.constant 0 : i32
      %dma_start3A_134 = tpu.memref_slice %arg17[%mul3A_27, %dma_start3A_133] : memref<10112x128xf32, #tpu.memory_space<vmem_shared>> -> memref<632x128xf32, #tpu.memory_space<vmem_shared>>
      tpu.enqueue_dma source(%dma_start3A_134 : memref<632x128xf32, #tpu.memory_space<vmem_shared>>) target(%dma_start3A_132 : memref<632x128xf32, #tpu.memory_space<hbm>>) target_semaphore(%run_scoped3A : memref<!tpu.dma_semaphore, #tpu.memory_space<semaphore_mem>>)
      %dma_wait3A = arith.constant 0 : i32
      %dma_wait3A_135 = tpu.memref_slice %arg9[%arg0, %mul3A_29, %dma_wait3A] : memref<2x10112x128xf32, #tpu.memory_space<hbm>> -> memref<1x632x128xf32, #tpu.memory_space<hbm>>
      %dma_wait3A_136 = tpu.memref_squeeze %dma_wait3A_135 : memref<1x632x128xf32, #tpu.memory_space<hbm>> -> memref<632x128xf32, #tpu.memory_space<hbm>>
      %dma_wait3A_137 = arith.constant 0 : i32
      %dma_wait3A_138 = tpu.memref_slice %arg17[%mul3A_27, %dma_wait3A_137] : memref<10112x128xf32, #tpu.memory_space<vmem_shared>> -> memref<632x128xf32, #tpu.memory_space<vmem_shared>>
      tpu.wait_dma2 semaphore(%run_scoped3A : memref<!tpu.dma_semaphore, #tpu.memory_space<semaphore_mem>>) src(%dma_wait3A_138 : memref<632x128xf32, #tpu.memory_space<vmem_shared>>) dst(%dma_wait3A_136 : memref<632x128xf32, #tpu.memory_space<hbm>>)
      tpu.yield
    }) : () -> ()
    %barrier3A_30 = arith.constant 0 : index
    tpu.barrier barrier_id(%barrier3A_30)
    %mul3A_31 = arith.constant 632 : i32
    %mul3A_32 = arith.muli %arg1, %mul3A_31 : i32
    "tpu.region"() ({
      %run_scoped3A = tpu.sem_alloc : memref<!tpu.dma_semaphore, #tpu.memory_space<semaphore_mem>>
      %dma_start3A_130 = arith.constant 0 : i32
      %dma_start3A_131 = tpu.memref_slice %arg17[%mul3A_32, %dma_start3A_130] : memref<10112x128xf32, #tpu.memory_space<vmem_shared>> -> memref<632x128xf32, #tpu.memory_space<vmem_shared>>
      tpu.enqueue_dma source(%arg8 : memref<632x128xf32, #tpu.memory_space<hbm>>) target(%dma_start3A_131 : memref<632x128xf32, #tpu.memory_space<vmem_shared>>) target_semaphore(%run_scoped3A : memref<!tpu.dma_semaphore, #tpu.memory_space<semaphore_mem>>)
      %dma_wait3A = arith.constant 0 : i32
      %dma_wait3A_132 = tpu.memref_slice %arg17[%mul3A_32, %dma_wait3A] : memref<10112x128xf32, #tpu.memory_space<vmem_shared>> -> memref<632x128xf32, #tpu.memory_space<vmem_shared>>
      tpu.wait_dma2 semaphore(%run_scoped3A : memref<!tpu.dma_semaphore, #tpu.memory_space<semaphore_mem>>) src(%arg8 : memref<632x128xf32, #tpu.memory_space<hbm>>) dst(%dma_wait3A_132 : memref<632x128xf32, #tpu.memory_space<vmem_shared>>)
      tpu.yield
    }) : () -> ()
    %barrier3A_33 = arith.constant 0 : index
    tpu.barrier barrier_id(%barrier3A_33)
    %dma_start3A_34 = arith.constant 0 : i32
    %dma_start3A_35 = arith.constant 0 : i32
    %dma_start3A_36 = tpu.memref_slice %arg13[%dma_start3A_34, %dma_start3A_35] : memref<62x128xi32, #tpu.memory_space<vmem>> -> memref<1x128xi32, #tpu.memory_space<vmem>>
    %dma_start3A_37 = tpu.memref_squeeze %dma_start3A_36 : memref<1x128xi32, #tpu.memory_space<vmem>> -> memref<128xi32, #tpu.memory_space<vmem>>
    %dma_start3A_38 = arith.constant 0 : i32
    %dma_start3A_39 = arith.constant 0 : i32
    %dma_start3A_40 = tpu.memref_slice %arg5[%dma_start3A_38, %dma_start3A_39] : memref<10000x128xf32, #tpu.memory_space<hbm>> -> memref<10000x128xf32, #tpu.memory_space<hbm>>
    tpu.enqueue_indirect_dma source(%dma_start3A_40 : memref<10000x128xf32, #tpu.memory_space<hbm>>) target(%arg15 : memref<128x128xf32, #tpu.memory_space<vmem>>) offsets(%dma_start3A_37 : memref<128xi32, #tpu.memory_space<vmem>>) semaphore(%arg18 : memref<!tpu.dma_semaphore, #tpu.memory_space<semaphore_mem>>)
    %dma_start3A_41 = arith.constant 1 : i32
    %dma_start3A_42 = arith.constant 0 : i32
    %dma_start3A_43 = tpu.memref_slice %arg13[%dma_start3A_41, %dma_start3A_42] : memref<62x128xi32, #tpu.memory_space<vmem>> -> memref<1x128xi32, #tpu.memory_space<vmem>>
    %dma_start3A_44 = tpu.memref_squeeze %dma_start3A_43 : memref<1x128xi32, #tpu.memory_space<vmem>> -> memref<128xi32, #tpu.memory_space<vmem>>
    %dma_start3A_45 = arith.constant 0 : i32
    %dma_start3A_46 = arith.constant 0 : i32
    %dma_start3A_47 = tpu.memref_slice %arg5[%dma_start3A_45, %dma_start3A_46] : memref<10000x128xf32, #tpu.memory_space<hbm>> -> memref<10000x128xf32, #tpu.memory_space<hbm>>
    tpu.enqueue_indirect_dma source(%dma_start3A_47 : memref<10000x128xf32, #tpu.memory_space<hbm>>) target(%arg16 : memref<128x128xf32, #tpu.memory_space<vmem>>) offsets(%dma_start3A_44 : memref<128xi32, #tpu.memory_space<vmem>>) semaphore(%arg19 : memref<!tpu.dma_semaphore, #tpu.memory_space<semaphore_mem>>)
    %while3A_48 = arith.constant 0 : i32
    %while3A_49 = arith.constant 0 : i32
    %while3A_50 = arith.subi %select_n3A, %while3A_49 : i32
    %while3A_51 = arith.addi %while3A_49, %while3A_50 : i32
    %while3A_52 = arith.constant 1 : i32
    %while3A_53 = arith.divsi %while3A_50, %while3A_52 : i32
    %while3A_54 = arith.muli %while3A_53, %while3A_52 : i32
    %while3A_55 = arith.addi %while3A_49, %while3A_54 : i32
    %while3A_56 = arith.constant 1 : i32
    scf.for %while3A_130 = %while3A_49 to %while3A_55 step %while3A_56  : i32 {
      %dma_wait3A = arith.constant 0 : i32
      %dma_wait3A_131 = arith.constant 0 : i32
      %dma_wait3A_132 = tpu.memref_slice %arg13[%dma_wait3A, %dma_wait3A_131] : memref<62x128xi32, #tpu.memory_space<vmem>> -> memref<1x128xi32, #tpu.memory_space<vmem>>
      %dma_wait3A_133 = tpu.memref_squeeze %dma_wait3A_132 : memref<1x128xi32, #tpu.memory_space<vmem>> -> memref<128xi32, #tpu.memory_space<vmem>>
      %dma_wait3A_134 = arith.constant 0 : i32
      %dma_wait3A_135 = arith.constant 0 : i32
      %dma_wait3A_136 = tpu.memref_slice %arg5[%dma_wait3A_134, %dma_wait3A_135] : memref<10000x128xf32, #tpu.memory_space<hbm>> -> memref<10000x128xf32, #tpu.memory_space<hbm>>
      tpu.wait_indirect_dma semaphore(%arg18 : memref<!tpu.dma_semaphore, #tpu.memory_space<semaphore_mem>>) src(%dma_wait3A_136 : memref<10000x128xf32, #tpu.memory_space<hbm>>) dst(%arg15 : memref<128x128xf32, #tpu.memory_space<vmem>>)
      %mul3A_137 = arith.constant 2 : i32
      %mul3A_138 = arith.muli %while3A_130, %mul3A_137 : i32
      %add3A = arith.constant 0 : i32
      %add3A_139 = arith.addi %mul3A_138, %add3A : i32
      %dma_start3A_140 = arith.constant 0 : i32
      %dma_start3A_141 = tpu.memref_slice %arg14[%add3A_139, %dma_start3A_140] : memref<62x128xi32, #tpu.memory_space<vmem>> -> memref<1x128xi32, #tpu.memory_space<vmem>>
      %dma_start3A_142 = tpu.memref_squeeze %dma_start3A_141 : memref<1x128xi32, #tpu.memory_space<vmem>> -> memref<128xi32, #tpu.memory_space<vmem>>
      %dma_start3A_143 = arith.constant 0 : i32
      %dma_start3A_144 = arith.constant 0 : i32
      %dma_start3A_145 = tpu.memref_slice %arg17[%dma_start3A_143, %dma_start3A_144] : memref<10112x128xf32, #tpu.memory_space<vmem_shared>> -> memref<10112x128xf32, #tpu.memory_space<vmem_shared>>
      tpu.enqueue_indirect_dma source(%arg15 : memref<128x128xf32, #tpu.memory_space<vmem>>) target(%dma_start3A_145 : memref<10112x128xf32, #tpu.memory_space<vmem_shared>>) offsets(%dma_start3A_142 : memref<128xi32, #tpu.memory_space<vmem>>) semaphore(%arg20 : memref<!tpu.dma_semaphore, #tpu.memory_space<semaphore_mem>>) {add = true}
      %dma_wait3A_146 = arith.constant 1 : i32
      %dma_wait3A_147 = arith.constant 0 : i32
      %dma_wait3A_148 = tpu.memref_slice %arg13[%dma_wait3A_146, %dma_wait3A_147] : memref<62x128xi32, #tpu.memory_space<vmem>> -> memref<1x128xi32, #tpu.memory_space<vmem>>
      %dma_wait3A_149 = tpu.memref_squeeze %dma_wait3A_148 : memref<1x128xi32, #tpu.memory_space<vmem>> -> memref<128xi32, #tpu.memory_space<vmem>>
      %dma_wait3A_150 = arith.constant 0 : i32
      %dma_wait3A_151 = arith.constant 0 : i32
      %dma_wait3A_152 = tpu.memref_slice %arg5[%dma_wait3A_150, %dma_wait3A_151] : memref<10000x128xf32, #tpu.memory_space<hbm>> -> memref<10000x128xf32, #tpu.memory_space<hbm>>
      tpu.wait_indirect_dma semaphore(%arg19 : memref<!tpu.dma_semaphore, #tpu.memory_space<semaphore_mem>>) src(%dma_wait3A_152 : memref<10000x128xf32, #tpu.memory_space<hbm>>) dst(%arg16 : memref<128x128xf32, #tpu.memory_space<vmem>>)
      %mul3A_153 = arith.constant 2 : i32
      %mul3A_154 = arith.muli %while3A_130, %mul3A_153 : i32
      %add3A_155 = arith.constant 1 : i32
      %add3A_156 = arith.addi %mul3A_154, %add3A_155 : i32
      %dma_start3A_157 = arith.constant 0 : i32
      %dma_start3A_158 = tpu.memref_slice %arg14[%add3A_156, %dma_start3A_157] : memref<62x128xi32, #tpu.memory_space<vmem>> -> memref<1x128xi32, #tpu.memory_space<vmem>>
      %dma_start3A_159 = tpu.memref_squeeze %dma_start3A_158 : memref<1x128xi32, #tpu.memory_space<vmem>> -> memref<128xi32, #tpu.memory_space<vmem>>
      %dma_start3A_160 = arith.constant 0 : i32
      %dma_start3A_161 = arith.constant 0 : i32
      %dma_start3A_162 = tpu.memref_slice %arg17[%dma_start3A_160, %dma_start3A_161] : memref<10112x128xf32, #tpu.memory_space<vmem_shared>> -> memref<10112x128xf32, #tpu.memory_space<vmem_shared>>
      tpu.enqueue_indirect_dma source(%arg16 : memref<128x128xf32, #tpu.memory_space<vmem>>) target(%dma_start3A_162 : memref<10112x128xf32, #tpu.memory_space<vmem_shared>>) offsets(%dma_start3A_159 : memref<128xi32, #tpu.memory_space<vmem>>) semaphore(%arg21 : memref<!tpu.dma_semaphore, #tpu.memory_space<semaphore_mem>>) {add = true}
      %dma_wait3A_163 = arith.constant 0 : i32
      %dma_wait3A_164 = tpu.memref_slice %arg14[%add3A_139, %dma_wait3A_163] : memref<62x128xi32, #tpu.memory_space<vmem>> -> memref<1x128xi32, #tpu.memory_space<vmem>>
      %dma_wait3A_165 = tpu.memref_squeeze %dma_wait3A_164 : memref<1x128xi32, #tpu.memory_space<vmem>> -> memref<128xi32, #tpu.memory_space<vmem>>
      %dma_wait3A_166 = arith.constant 0 : i32
      %dma_wait3A_167 = arith.constant 0 : i32
      %dma_wait3A_168 = tpu.memref_slice %arg17[%dma_wait3A_166, %dma_wait3A_167] : memref<10112x128xf32, #tpu.memory_space<vmem_shared>> -> memref<10112x128xf32, #tpu.memory_space<vmem_shared>>
      tpu.wait_indirect_dma semaphore(%arg20 : memref<!tpu.dma_semaphore, #tpu.memory_space<semaphore_mem>>) src(%arg15 : memref<128x128xf32, #tpu.memory_space<vmem>>) dst(%dma_wait3A_168 : memref<10112x128xf32, #tpu.memory_space<vmem_shared>>)
      %sub3A = arith.constant 1 : i32
      %sub3A_169 = arith.subi %select_n3A, %sub3A : i32
      %lt3A = arith.cmpi slt, %while3A_130, %sub3A_169 : i32
      %convert_element_type3A = arith.extui %lt3A : i1 to i32
      %cond3A = arith.constant 0 : i32
      %cond3A_170 = arith.cmpi ne, %convert_element_type3A, %cond3A : i32
      scf.if %cond3A_170 {
        %mul3A_183 = arith.constant 2 : i32
        %mul3A_184 = arith.muli %while3A_130, %mul3A_183 : i32
        %add3A_185 = arith.constant 2 : i32
        %add3A_186 = arith.addi %mul3A_184, %add3A_185 : i32
        %add3A_187 = arith.constant 0 : i32
        %add3A_188 = arith.addi %add3A_186, %add3A_187 : i32
        %dma_start3A_189 = arith.constant 0 : i32
        %dma_start3A_190 = tpu.memref_slice %arg13[%add3A_188, %dma_start3A_189] : memref<62x128xi32, #tpu.memory_space<vmem>> -> memref<1x128xi32, #tpu.memory_space<vmem>>
        %dma_start3A_191 = tpu.memref_squeeze %dma_start3A_190 : memref<1x128xi32, #tpu.memory_space<vmem>> -> memref<128xi32, #tpu.memory_space<vmem>>
        %dma_start3A_192 = arith.constant 0 : i32
        %dma_start3A_193 = arith.constant 0 : i32
        %dma_start3A_194 = tpu.memref_slice %arg5[%dma_start3A_192, %dma_start3A_193] : memref<10000x128xf32, #tpu.memory_space<hbm>> -> memref<10000x128xf32, #tpu.memory_space<hbm>>
        tpu.enqueue_indirect_dma source(%dma_start3A_194 : memref<10000x128xf32, #tpu.memory_space<hbm>>) target(%arg15 : memref<128x128xf32, #tpu.memory_space<vmem>>) offsets(%dma_start3A_191 : memref<128xi32, #tpu.memory_space<vmem>>) semaphore(%arg18 : memref<!tpu.dma_semaphore, #tpu.memory_space<semaphore_mem>>)
      } else {
      }
      %dma_wait3A_171 = arith.constant 0 : i32
      %dma_wait3A_172 = tpu.memref_slice %arg14[%add3A_156, %dma_wait3A_171] : memref<62x128xi32, #tpu.memory_space<vmem>> -> memref<1x128xi32, #tpu.memory_space<vmem>>
      %dma_wait3A_173 = tpu.memref_squeeze %dma_wait3A_172 : memref<1x128xi32, #tpu.memory_space<vmem>> -> memref<128xi32, #tpu.memory_space<vmem>>
      %dma_wait3A_174 = arith.constant 0 : i32
      %dma_wait3A_175 = arith.constant 0 : i32
      %dma_wait3A_176 = tpu.memref_slice %arg17[%dma_wait3A_174, %dma_wait3A_175] : memref<10112x128xf32, #tpu.memory_space<vmem_shared>> -> memref<10112x128xf32, #tpu.memory_space<vmem_shared>>
      tpu.wait_indirect_dma semaphore(%arg21 : memref<!tpu.dma_semaphore, #tpu.memory_space<semaphore_mem>>) src(%arg16 : memref<128x128xf32, #tpu.memory_space<vmem>>) dst(%dma_wait3A_176 : memref<10112x128xf32, #tpu.memory_space<vmem_shared>>)
      %sub3A_177 = arith.constant 1 : i32
      %sub3A_178 = arith.subi %select_n3A, %sub3A_177 : i32
      %lt3A_179 = arith.cmpi slt, %while3A_130, %sub3A_178 : i32
      %convert_element_type3A_180 = arith.extui %lt3A_179 : i1 to i32
      %cond3A_181 = arith.constant 0 : i32
      %cond3A_182 = arith.cmpi ne, %convert_element_type3A_180, %cond3A_181 : i32
      scf.if %cond3A_182 {
        %mul3A_183 = arith.constant 2 : i32
        %mul3A_184 = arith.muli %while3A_130, %mul3A_183 : i32
        %add3A_185 = arith.constant 2 : i32
        %add3A_186 = arith.addi %mul3A_184, %add3A_185 : i32
        %add3A_187 = arith.constant 1 : i32
        %add3A_188 = arith.addi %add3A_186, %add3A_187 : i32
        %dma_start3A_189 = arith.constant 0 : i32
        %dma_start3A_190 = tpu.memref_slice %arg13[%add3A_188, %dma_start3A_189] : memref<62x128xi32, #tpu.memory_space<vmem>> -> memref<1x128xi32, #tpu.memory_space<vmem>>
        %dma_start3A_191 = tpu.memref_squeeze %dma_start3A_190 : memref<1x128xi32, #tpu.memory_space<vmem>> -> memref<128xi32, #tpu.memory_space<vmem>>
        %dma_start3A_192 = arith.constant 0 : i32
        %dma_start3A_193 = arith.constant 0 : i32
        %dma_start3A_194 = tpu.memref_slice %arg5[%dma_start3A_192, %dma_start3A_193] : memref<10000x128xf32, #tpu.memory_space<hbm>> -> memref<10000x128xf32, #tpu.memory_space<hbm>>
        tpu.enqueue_indirect_dma source(%dma_start3A_194 : memref<10000x128xf32, #tpu.memory_space<hbm>>) target(%arg16 : memref<128x128xf32, #tpu.memory_space<vmem>>) offsets(%dma_start3A_191 : memref<128xi32, #tpu.memory_space<vmem>>) semaphore(%arg19 : memref<!tpu.dma_semaphore, #tpu.memory_space<semaphore_mem>>)
      } else {
      }
    }
    %while3A_57 = arith.constant 1 : i32
    scf.for %while3A_130 = %while3A_55 to %while3A_51 step %while3A_57  : i32 {
      %dma_wait3A = arith.constant 0 : i32
      %dma_wait3A_131 = arith.constant 0 : i32
      %dma_wait3A_132 = tpu.memref_slice %arg13[%dma_wait3A, %dma_wait3A_131] : memref<62x128xi32, #tpu.memory_space<vmem>> -> memref<1x128xi32, #tpu.memory_space<vmem>>
      %dma_wait3A_133 = tpu.memref_squeeze %dma_wait3A_132 : memref<1x128xi32, #tpu.memory_space<vmem>> -> memref<128xi32, #tpu.memory_space<vmem>>
      %dma_wait3A_134 = arith.constant 0 : i32
      %dma_wait3A_135 = arith.constant 0 : i32
      %dma_wait3A_136 = tpu.memref_slice %arg5[%dma_wait3A_134, %dma_wait3A_135] : memref<10000x128xf32, #tpu.memory_space<hbm>> -> memref<10000x128xf32, #tpu.memory_space<hbm>>
      tpu.wait_indirect_dma semaphore(%arg18 : memref<!tpu.dma_semaphore, #tpu.memory_space<semaphore_mem>>) src(%dma_wait3A_136 : memref<10000x128xf32, #tpu.memory_space<hbm>>) dst(%arg15 : memref<128x128xf32, #tpu.memory_space<vmem>>)
      %mul3A_137 = arith.constant 2 : i32
      %mul3A_138 = arith.muli %while3A_130, %mul3A_137 : i32
      %add3A = arith.constant 0 : i32
      %add3A_139 = arith.addi %mul3A_138, %add3A : i32
      %dma_start3A_140 = arith.constant 0 : i32
      %dma_start3A_141 = tpu.memref_slice %arg14[%add3A_139, %dma_start3A_140] : memref<62x128xi32, #tpu.memory_space<vmem>> -> memref<1x128xi32, #tpu.memory_space<vmem>>
      %dma_start3A_142 = tpu.memref_squeeze %dma_start3A_141 : memref<1x128xi32, #tpu.memory_space<vmem>> -> memref<128xi32, #tpu.memory_space<vmem>>
      %dma_start3A_143 = arith.constant 0 : i32
      %dma_start3A_144 = arith.constant 0 : i32
      %dma_start3A_145 = tpu.memref_slice %arg17[%dma_start3A_143, %dma_start3A_144] : memref<10112x128xf32, #tpu.memory_space<vmem_shared>> -> memref<10112x128xf32, #tpu.memory_space<vmem_shared>>
      tpu.enqueue_indirect_dma source(%arg15 : memref<128x128xf32, #tpu.memory_space<vmem>>) target(%dma_start3A_145 : memref<10112x128xf32, #tpu.memory_space<vmem_shared>>) offsets(%dma_start3A_142 : memref<128xi32, #tpu.memory_space<vmem>>) semaphore(%arg20 : memref<!tpu.dma_semaphore, #tpu.memory_space<semaphore_mem>>) {add = true}
      %dma_wait3A_146 = arith.constant 1 : i32
      %dma_wait3A_147 = arith.constant 0 : i32
      %dma_wait3A_148 = tpu.memref_slice %arg13[%dma_wait3A_146, %dma_wait3A_147] : memref<62x128xi32, #tpu.memory_space<vmem>> -> memref<1x128xi32, #tpu.memory_space<vmem>>
      %dma_wait3A_149 = tpu.memref_squeeze %dma_wait3A_148 : memref<1x128xi32, #tpu.memory_space<vmem>> -> memref<128xi32, #tpu.memory_space<vmem>>
      %dma_wait3A_150 = arith.constant 0 : i32
      %dma_wait3A_151 = arith.constant 0 : i32
      %dma_wait3A_152 = tpu.memref_slice %arg5[%dma_wait3A_150, %dma_wait3A_151] : memref<10000x128xf32, #tpu.memory_space<hbm>> -> memref<10000x128xf32, #tpu.memory_space<hbm>>
      tpu.wait_indirect_dma semaphore(%arg19 : memref<!tpu.dma_semaphore, #tpu.memory_space<semaphore_mem>>) src(%dma_wait3A_152 : memref<10000x128xf32, #tpu.memory_space<hbm>>) dst(%arg16 : memref<128x128xf32, #tpu.memory_space<vmem>>)
      %mul3A_153 = arith.constant 2 : i32
      %mul3A_154 = arith.muli %while3A_130, %mul3A_153 : i32
      %add3A_155 = arith.constant 1 : i32
      %add3A_156 = arith.addi %mul3A_154, %add3A_155 : i32
      %dma_start3A_157 = arith.constant 0 : i32
      %dma_start3A_158 = tpu.memref_slice %arg14[%add3A_156, %dma_start3A_157] : memref<62x128xi32, #tpu.memory_space<vmem>> -> memref<1x128xi32, #tpu.memory_space<vmem>>
      %dma_start3A_159 = tpu.memref_squeeze %dma_start3A_158 : memref<1x128xi32, #tpu.memory_space<vmem>> -> memref<128xi32, #tpu.memory_space<vmem>>
      %dma_start3A_160 = arith.constant 0 : i32
      %dma_start3A_161 = arith.constant 0 : i32
      %dma_start3A_162 = tpu.memref_slice %arg17[%dma_start3A_160, %dma_start3A_161] : memref<10112x128xf32, #tpu.memory_space<vmem_shared>> -> memref<10112x128xf32, #tpu.memory_space<vmem_shared>>
      tpu.enqueue_indirect_dma source(%arg16 : memref<128x128xf32, #tpu.memory_space<vmem>>) target(%dma_start3A_162 : memref<10112x128xf32, #tpu.memory_space<vmem_shared>>) offsets(%dma_start3A_159 : memref<128xi32, #tpu.memory_space<vmem>>) semaphore(%arg21 : memref<!tpu.dma_semaphore, #tpu.memory_space<semaphore_mem>>) {add = true}
      %dma_wait3A_163 = arith.constant 0 : i32
      %dma_wait3A_164 = tpu.memref_slice %arg14[%add3A_139, %dma_wait3A_163] : memref<62x128xi32, #tpu.memory_space<vmem>> -> memref<1x128xi32, #tpu.memory_space<vmem>>
      %dma_wait3A_165 = tpu.memref_squeeze %dma_wait3A_164 : memref<1x128xi32, #tpu.memory_space<vmem>> -> memref<128xi32, #tpu.memory_space<vmem>>
      %dma_wait3A_166 = arith.constant 0 : i32
      %dma_wait3A_167 = arith.constant 0 : i32
      %dma_wait3A_168 = tpu.memref_slice %arg17[%dma_wait3A_166, %dma_wait3A_167] : memref<10112x128xf32, #tpu.memory_space<vmem_shared>> -> memref<10112x128xf32, #tpu.memory_space<vmem_shared>>
      tpu.wait_indirect_dma semaphore(%arg20 : memref<!tpu.dma_semaphore, #tpu.memory_space<semaphore_mem>>) src(%arg15 : memref<128x128xf32, #tpu.memory_space<vmem>>) dst(%dma_wait3A_168 : memref<10112x128xf32, #tpu.memory_space<vmem_shared>>)
      %sub3A = arith.constant 1 : i32
      %sub3A_169 = arith.subi %select_n3A, %sub3A : i32
      %lt3A = arith.cmpi slt, %while3A_130, %sub3A_169 : i32
      %convert_element_type3A = arith.extui %lt3A : i1 to i32
      %cond3A = arith.constant 0 : i32
      %cond3A_170 = arith.cmpi ne, %convert_element_type3A, %cond3A : i32
      scf.if %cond3A_170 {
        %mul3A_183 = arith.constant 2 : i32
        %mul3A_184 = arith.muli %while3A_130, %mul3A_183 : i32
        %add3A_185 = arith.constant 2 : i32
        %add3A_186 = arith.addi %mul3A_184, %add3A_185 : i32
        %add3A_187 = arith.constant 0 : i32
        %add3A_188 = arith.addi %add3A_186, %add3A_187 : i32
        %dma_start3A_189 = arith.constant 0 : i32
        %dma_start3A_190 = tpu.memref_slice %arg13[%add3A_188, %dma_start3A_189] : memref<62x128xi32, #tpu.memory_space<vmem>> -> memref<1x128xi32, #tpu.memory_space<vmem>>
        %dma_start3A_191 = tpu.memref_squeeze %dma_start3A_190 : memref<1x128xi32, #tpu.memory_space<vmem>> -> memref<128xi32, #tpu.memory_space<vmem>>
        %dma_start3A_192 = arith.constant 0 : i32
        %dma_start3A_193 = arith.constant 0 : i32
        %dma_start3A_194 = tpu.memref_slice %arg5[%dma_start3A_192, %dma_start3A_193] : memref<10000x128xf32, #tpu.memory_space<hbm>> -> memref<10000x128xf32, #tpu.memory_space<hbm>>
        tpu.enqueue_indirect_dma source(%dma_start3A_194 : memref<10000x128xf32, #tpu.memory_space<hbm>>) target(%arg15 : memref<128x128xf32, #tpu.memory_space<vmem>>) offsets(%dma_start3A_191 : memref<128xi32, #tpu.memory_space<vmem>>) semaphore(%arg18 : memref<!tpu.dma_semaphore, #tpu.memory_space<semaphore_mem>>)
      } else {
      }
      %dma_wait3A_171 = arith.constant 0 : i32
      %dma_wait3A_172 = tpu.memref_slice %arg14[%add3A_156, %dma_wait3A_171] : memref<62x128xi32, #tpu.memory_space<vmem>> -> memref<1x128xi32, #tpu.memory_space<vmem>>
      %dma_wait3A_173 = tpu.memref_squeeze %dma_wait3A_172 : memref<1x128xi32, #tpu.memory_space<vmem>> -> memref<128xi32, #tpu.memory_space<vmem>>
      %dma_wait3A_174 = arith.constant 0 : i32
      %dma_wait3A_175 = arith.constant 0 : i32
      %dma_wait3A_176 = tpu.memref_slice %arg17[%dma_wait3A_174, %dma_wait3A_175] : memref<10112x128xf32, #tpu.memory_space<vmem_shared>> -> memref<10112x128xf32, #tpu.memory_space<vmem_shared>>
      tpu.wait_indirect_dma semaphore(%arg21 : memref<!tpu.dma_semaphore, #tpu.memory_space<semaphore_mem>>) src(%arg16 : memref<128x128xf32, #tpu.memory_space<vmem>>) dst(%dma_wait3A_176 : memref<10112x128xf32, #tpu.memory_space<vmem_shared>>)
      %sub3A_177 = arith.constant 1 : i32
      %sub3A_178 = arith.subi %select_n3A, %sub3A_177 : i32
      %lt3A_179 = arith.cmpi slt, %while3A_130, %sub3A_178 : i32
      %convert_element_type3A_180 = arith.extui %lt3A_179 : i1 to i32
      %cond3A_181 = arith.constant 0 : i32
      %cond3A_182 = arith.cmpi ne, %convert_element_type3A_180, %cond3A_181 : i32
      scf.if %cond3A_182 {
        %mul3A_183 = arith.constant 2 : i32
        %mul3A_184 = arith.muli %while3A_130, %mul3A_183 : i32
        %add3A_185 = arith.constant 2 : i32
        %add3A_186 = arith.addi %mul3A_184, %add3A_185 : i32
        %add3A_187 = arith.constant 1 : i32
        %add3A_188 = arith.addi %add3A_186, %add3A_187 : i32
        %dma_start3A_189 = arith.constant 0 : i32
        %dma_start3A_190 = tpu.memref_slice %arg13[%add3A_188, %dma_start3A_189] : memref<62x128xi32, #tpu.memory_space<vmem>> -> memref<1x128xi32, #tpu.memory_space<vmem>>
        %dma_start3A_191 = tpu.memref_squeeze %dma_start3A_190 : memref<1x128xi32, #tpu.memory_space<vmem>> -> memref<128xi32, #tpu.memory_space<vmem>>
        %dma_start3A_192 = arith.constant 0 : i32
        %dma_start3A_193 = arith.constant 0 : i32
        %dma_start3A_194 = tpu.memref_slice %arg5[%dma_start3A_192, %dma_start3A_193] : memref<10000x128xf32, #tpu.memory_space<hbm>> -> memref<10000x128xf32, #tpu.memory_space<hbm>>
        tpu.enqueue_indirect_dma source(%dma_start3A_194 : memref<10000x128xf32, #tpu.memory_space<hbm>>) target(%arg16 : memref<128x128xf32, #tpu.memory_space<vmem>>) offsets(%dma_start3A_191 : memref<128xi32, #tpu.memory_space<vmem>>) semaphore(%arg19 : memref<!tpu.dma_semaphore, #tpu.memory_space<semaphore_mem>>)
      } else {
      }
    }
    %barrier3A_58 = arith.constant 0 : index
    tpu.barrier barrier_id(%barrier3A_58)
    %mul3A_59 = arith.constant 632 : i32
    %mul3A_60 = arith.muli %arg1, %mul3A_59 : i32
    %mul3A_61 = arith.constant 632 : i32
    %mul3A_62 = arith.muli %arg1, %mul3A_61 : i32
    "tpu.region"() ({
      %run_scoped3A = tpu.sem_alloc : memref<!tpu.dma_semaphore, #tpu.memory_space<semaphore_mem>>
      %dma_start3A_130 = arith.constant 0 : i32
      %dma_start3A_131 = tpu.memref_slice %arg10[%arg0, %mul3A_62, %dma_start3A_130] : memref<2x10112x128xf32, #tpu.memory_space<hbm>> -> memref<1x632x128xf32, #tpu.memory_space<hbm>>
      %dma_start3A_132 = tpu.memref_squeeze %dma_start3A_131 : memref<1x632x128xf32, #tpu.memory_space<hbm>> -> memref<632x128xf32, #tpu.memory_space<hbm>>
      %dma_start3A_133 = arith.constant 0 : i32
      %dma_start3A_134 = tpu.memref_slice %arg17[%mul3A_60, %dma_start3A_133] : memref<10112x128xf32, #tpu.memory_space<vmem_shared>> -> memref<632x128xf32, #tpu.memory_space<vmem_shared>>
      tpu.enqueue_dma source(%dma_start3A_134 : memref<632x128xf32, #tpu.memory_space<vmem_shared>>) target(%dma_start3A_132 : memref<632x128xf32, #tpu.memory_space<hbm>>) target_semaphore(%run_scoped3A : memref<!tpu.dma_semaphore, #tpu.memory_space<semaphore_mem>>)
      %dma_wait3A = arith.constant 0 : i32
      %dma_wait3A_135 = tpu.memref_slice %arg10[%arg0, %mul3A_62, %dma_wait3A] : memref<2x10112x128xf32, #tpu.memory_space<hbm>> -> memref<1x632x128xf32, #tpu.memory_space<hbm>>
      %dma_wait3A_136 = tpu.memref_squeeze %dma_wait3A_135 : memref<1x632x128xf32, #tpu.memory_space<hbm>> -> memref<632x128xf32, #tpu.memory_space<hbm>>
      %dma_wait3A_137 = arith.constant 0 : i32
      %dma_wait3A_138 = tpu.memref_slice %arg17[%mul3A_60, %dma_wait3A_137] : memref<10112x128xf32, #tpu.memory_space<vmem_shared>> -> memref<632x128xf32, #tpu.memory_space<vmem_shared>>
      tpu.wait_dma2 semaphore(%run_scoped3A : memref<!tpu.dma_semaphore, #tpu.memory_space<semaphore_mem>>) src(%dma_wait3A_138 : memref<632x128xf32, #tpu.memory_space<vmem_shared>>) dst(%dma_wait3A_136 : memref<632x128xf32, #tpu.memory_space<hbm>>)
      tpu.yield
    }) : () -> ()
    %barrier3A_63 = arith.constant 0 : index
    tpu.barrier barrier_id(%barrier3A_63)
    %mul3A_64 = arith.constant 632 : i32
    %mul3A_65 = arith.muli %arg1, %mul3A_64 : i32
    "tpu.region"() ({
      %run_scoped3A = tpu.sem_alloc : memref<!tpu.dma_semaphore, #tpu.memory_space<semaphore_mem>>
      %dma_start3A_130 = arith.constant 0 : i32
      %dma_start3A_131 = tpu.memref_slice %arg17[%mul3A_65, %dma_start3A_130] : memref<10112x128xf32, #tpu.memory_space<vmem_shared>> -> memref<632x128xf32, #tpu.memory_space<vmem_shared>>
      tpu.enqueue_dma source(%arg8 : memref<632x128xf32, #tpu.memory_space<hbm>>) target(%dma_start3A_131 : memref<632x128xf32, #tpu.memory_space<vmem_shared>>) target_semaphore(%run_scoped3A : memref<!tpu.dma_semaphore, #tpu.memory_space<semaphore_mem>>)
      %dma_wait3A = arith.constant 0 : i32
      %dma_wait3A_132 = tpu.memref_slice %arg17[%mul3A_65, %dma_wait3A] : memref<10112x128xf32, #tpu.memory_space<vmem_shared>> -> memref<632x128xf32, #tpu.memory_space<vmem_shared>>
      tpu.wait_dma2 semaphore(%run_scoped3A : memref<!tpu.dma_semaphore, #tpu.memory_space<semaphore_mem>>) src(%arg8 : memref<632x128xf32, #tpu.memory_space<hbm>>) dst(%dma_wait3A_132 : memref<632x128xf32, #tpu.memory_space<vmem_shared>>)
      tpu.yield
    }) : () -> ()
    %barrier3A_66 = arith.constant 0 : index
    tpu.barrier barrier_id(%barrier3A_66)
    %dma_start3A_67 = arith.constant 0 : i32
    %dma_start3A_68 = arith.constant 0 : i32
    %dma_start3A_69 = tpu.memref_slice %arg13[%dma_start3A_67, %dma_start3A_68] : memref<62x128xi32, #tpu.memory_space<vmem>> -> memref<1x128xi32, #tpu.memory_space<vmem>>
    %dma_start3A_70 = tpu.memref_squeeze %dma_start3A_69 : memref<1x128xi32, #tpu.memory_space<vmem>> -> memref<128xi32, #tpu.memory_space<vmem>>
    %dma_start3A_71 = arith.constant 0 : i32
    %dma_start3A_72 = arith.constant 0 : i32
    %dma_start3A_73 = tpu.memref_slice %arg6[%dma_start3A_71, %dma_start3A_72] : memref<10000x128xf32, #tpu.memory_space<hbm>> -> memref<10000x128xf32, #tpu.memory_space<hbm>>
    tpu.enqueue_indirect_dma source(%dma_start3A_73 : memref<10000x128xf32, #tpu.memory_space<hbm>>) target(%arg15 : memref<128x128xf32, #tpu.memory_space<vmem>>) offsets(%dma_start3A_70 : memref<128xi32, #tpu.memory_space<vmem>>) semaphore(%arg18 : memref<!tpu.dma_semaphore, #tpu.memory_space<semaphore_mem>>)
    %dma_start3A_74 = arith.constant 1 : i32
    %dma_start3A_75 = arith.constant 0 : i32
    %dma_start3A_76 = tpu.memref_slice %arg13[%dma_start3A_74, %dma_start3A_75] : memref<62x128xi32, #tpu.memory_space<vmem>> -> memref<1x128xi32, #tpu.memory_space<vmem>>
    %dma_start3A_77 = tpu.memref_squeeze %dma_start3A_76 : memref<1x128xi32, #tpu.memory_space<vmem>> -> memref<128xi32, #tpu.memory_space<vmem>>
    %dma_start3A_78 = arith.constant 0 : i32
    %dma_start3A_79 = arith.constant 0 : i32
    %dma_start3A_80 = tpu.memref_slice %arg6[%dma_start3A_78, %dma_start3A_79] : memref<10000x128xf32, #tpu.memory_space<hbm>> -> memref<10000x128xf32, #tpu.memory_space<hbm>>
    tpu.enqueue_indirect_dma source(%dma_start3A_80 : memref<10000x128xf32, #tpu.memory_space<hbm>>) target(%arg16 : memref<128x128xf32, #tpu.memory_space<vmem>>) offsets(%dma_start3A_77 : memref<128xi32, #tpu.memory_space<vmem>>) semaphore(%arg19 : memref<!tpu.dma_semaphore, #tpu.memory_space<semaphore_mem>>)
    %while3A_81 = arith.constant 0 : i32
    %while3A_82 = arith.constant 0 : i32
    %while3A_83 = arith.subi %select_n3A, %while3A_82 : i32
    %while3A_84 = arith.addi %while3A_82, %while3A_83 : i32
    %while3A_85 = arith.constant 1 : i32
    %while3A_86 = arith.divsi %while3A_83, %while3A_85 : i32
    %while3A_87 = arith.muli %while3A_86, %while3A_85 : i32
    %while3A_88 = arith.addi %while3A_82, %while3A_87 : i32
    %while3A_89 = arith.constant 1 : i32
    scf.for %while3A_130 = %while3A_82 to %while3A_88 step %while3A_89  : i32 {
      %dma_wait3A = arith.constant 0 : i32
      %dma_wait3A_131 = arith.constant 0 : i32
      %dma_wait3A_132 = tpu.memref_slice %arg13[%dma_wait3A, %dma_wait3A_131] : memref<62x128xi32, #tpu.memory_space<vmem>> -> memref<1x128xi32, #tpu.memory_space<vmem>>
      %dma_wait3A_133 = tpu.memref_squeeze %dma_wait3A_132 : memref<1x128xi32, #tpu.memory_space<vmem>> -> memref<128xi32, #tpu.memory_space<vmem>>
      %dma_wait3A_134 = arith.constant 0 : i32
      %dma_wait3A_135 = arith.constant 0 : i32
      %dma_wait3A_136 = tpu.memref_slice %arg6[%dma_wait3A_134, %dma_wait3A_135] : memref<10000x128xf32, #tpu.memory_space<hbm>> -> memref<10000x128xf32, #tpu.memory_space<hbm>>
      tpu.wait_indirect_dma semaphore(%arg18 : memref<!tpu.dma_semaphore, #tpu.memory_space<semaphore_mem>>) src(%dma_wait3A_136 : memref<10000x128xf32, #tpu.memory_space<hbm>>) dst(%arg15 : memref<128x128xf32, #tpu.memory_space<vmem>>)
      %mul3A_137 = arith.constant 2 : i32
      %mul3A_138 = arith.muli %while3A_130, %mul3A_137 : i32
      %add3A = arith.constant 0 : i32
      %add3A_139 = arith.addi %mul3A_138, %add3A : i32
      %dma_start3A_140 = arith.constant 0 : i32
      %dma_start3A_141 = tpu.memref_slice %arg14[%add3A_139, %dma_start3A_140] : memref<62x128xi32, #tpu.memory_space<vmem>> -> memref<1x128xi32, #tpu.memory_space<vmem>>
      %dma_start3A_142 = tpu.memref_squeeze %dma_start3A_141 : memref<1x128xi32, #tpu.memory_space<vmem>> -> memref<128xi32, #tpu.memory_space<vmem>>
      %dma_start3A_143 = arith.constant 0 : i32
      %dma_start3A_144 = arith.constant 0 : i32
      %dma_start3A_145 = tpu.memref_slice %arg17[%dma_start3A_143, %dma_start3A_144] : memref<10112x128xf32, #tpu.memory_space<vmem_shared>> -> memref<10112x128xf32, #tpu.memory_space<vmem_shared>>
      tpu.enqueue_indirect_dma source(%arg15 : memref<128x128xf32, #tpu.memory_space<vmem>>) target(%dma_start3A_145 : memref<10112x128xf32, #tpu.memory_space<vmem_shared>>) offsets(%dma_start3A_142 : memref<128xi32, #tpu.memory_space<vmem>>) semaphore(%arg20 : memref<!tpu.dma_semaphore, #tpu.memory_space<semaphore_mem>>) {add = true}
      %dma_wait3A_146 = arith.constant 1 : i32
      %dma_wait3A_147 = arith.constant 0 : i32
      %dma_wait3A_148 = tpu.memref_slice %arg13[%dma_wait3A_146, %dma_wait3A_147] : memref<62x128xi32, #tpu.memory_space<vmem>> -> memref<1x128xi32, #tpu.memory_space<vmem>>
      %dma_wait3A_149 = tpu.memref_squeeze %dma_wait3A_148 : memref<1x128xi32, #tpu.memory_space<vmem>> -> memref<128xi32, #tpu.memory_space<vmem>>
      %dma_wait3A_150 = arith.constant 0 : i32
      %dma_wait3A_151 = arith.constant 0 : i32
      %dma_wait3A_152 = tpu.memref_slice %arg6[%dma_wait3A_150, %dma_wait3A_151] : memref<10000x128xf32, #tpu.memory_space<hbm>> -> memref<10000x128xf32, #tpu.memory_space<hbm>>
      tpu.wait_indirect_dma semaphore(%arg19 : memref<!tpu.dma_semaphore, #tpu.memory_space<semaphore_mem>>) src(%dma_wait3A_152 : memref<10000x128xf32, #tpu.memory_space<hbm>>) dst(%arg16 : memref<128x128xf32, #tpu.memory_space<vmem>>)
      %mul3A_153 = arith.constant 2 : i32
      %mul3A_154 = arith.muli %while3A_130, %mul3A_153 : i32
      %add3A_155 = arith.constant 1 : i32
      %add3A_156 = arith.addi %mul3A_154, %add3A_155 : i32
      %dma_start3A_157 = arith.constant 0 : i32
      %dma_start3A_158 = tpu.memref_slice %arg14[%add3A_156, %dma_start3A_157] : memref<62x128xi32, #tpu.memory_space<vmem>> -> memref<1x128xi32, #tpu.memory_space<vmem>>
      %dma_start3A_159 = tpu.memref_squeeze %dma_start3A_158 : memref<1x128xi32, #tpu.memory_space<vmem>> -> memref<128xi32, #tpu.memory_space<vmem>>
      %dma_start3A_160 = arith.constant 0 : i32
      %dma_start3A_161 = arith.constant 0 : i32
      %dma_start3A_162 = tpu.memref_slice %arg17[%dma_start3A_160, %dma_start3A_161] : memref<10112x128xf32, #tpu.memory_space<vmem_shared>> -> memref<10112x128xf32, #tpu.memory_space<vmem_shared>>
      tpu.enqueue_indirect_dma source(%arg16 : memref<128x128xf32, #tpu.memory_space<vmem>>) target(%dma_start3A_162 : memref<10112x128xf32, #tpu.memory_space<vmem_shared>>) offsets(%dma_start3A_159 : memref<128xi32, #tpu.memory_space<vmem>>) semaphore(%arg21 : memref<!tpu.dma_semaphore, #tpu.memory_space<semaphore_mem>>) {add = true}
      %dma_wait3A_163 = arith.constant 0 : i32
      %dma_wait3A_164 = tpu.memref_slice %arg14[%add3A_139, %dma_wait3A_163] : memref<62x128xi32, #tpu.memory_space<vmem>> -> memref<1x128xi32, #tpu.memory_space<vmem>>
      %dma_wait3A_165 = tpu.memref_squeeze %dma_wait3A_164 : memref<1x128xi32, #tpu.memory_space<vmem>> -> memref<128xi32, #tpu.memory_space<vmem>>
      %dma_wait3A_166 = arith.constant 0 : i32
      %dma_wait3A_167 = arith.constant 0 : i32
      %dma_wait3A_168 = tpu.memref_slice %arg17[%dma_wait3A_166, %dma_wait3A_167] : memref<10112x128xf32, #tpu.memory_space<vmem_shared>> -> memref<10112x128xf32, #tpu.memory_space<vmem_shared>>
      tpu.wait_indirect_dma semaphore(%arg20 : memref<!tpu.dma_semaphore, #tpu.memory_space<semaphore_mem>>) src(%arg15 : memref<128x128xf32, #tpu.memory_space<vmem>>) dst(%dma_wait3A_168 : memref<10112x128xf32, #tpu.memory_space<vmem_shared>>)
      %sub3A = arith.constant 1 : i32
      %sub3A_169 = arith.subi %select_n3A, %sub3A : i32
      %lt3A = arith.cmpi slt, %while3A_130, %sub3A_169 : i32
      %convert_element_type3A = arith.extui %lt3A : i1 to i32
      %cond3A = arith.constant 0 : i32
      %cond3A_170 = arith.cmpi ne, %convert_element_type3A, %cond3A : i32
      scf.if %cond3A_170 {
        %mul3A_183 = arith.constant 2 : i32
        %mul3A_184 = arith.muli %while3A_130, %mul3A_183 : i32
        %add3A_185 = arith.constant 2 : i32
        %add3A_186 = arith.addi %mul3A_184, %add3A_185 : i32
        %add3A_187 = arith.constant 0 : i32
        %add3A_188 = arith.addi %add3A_186, %add3A_187 : i32
        %dma_start3A_189 = arith.constant 0 : i32
        %dma_start3A_190 = tpu.memref_slice %arg13[%add3A_188, %dma_start3A_189] : memref<62x128xi32, #tpu.memory_space<vmem>> -> memref<1x128xi32, #tpu.memory_space<vmem>>
        %dma_start3A_191 = tpu.memref_squeeze %dma_start3A_190 : memref<1x128xi32, #tpu.memory_space<vmem>> -> memref<128xi32, #tpu.memory_space<vmem>>
        %dma_start3A_192 = arith.constant 0 : i32
        %dma_start3A_193 = arith.constant 0 : i32
        %dma_start3A_194 = tpu.memref_slice %arg6[%dma_start3A_192, %dma_start3A_193] : memref<10000x128xf32, #tpu.memory_space<hbm>> -> memref<10000x128xf32, #tpu.memory_space<hbm>>
        tpu.enqueue_indirect_dma source(%dma_start3A_194 : memref<10000x128xf32, #tpu.memory_space<hbm>>) target(%arg15 : memref<128x128xf32, #tpu.memory_space<vmem>>) offsets(%dma_start3A_191 : memref<128xi32, #tpu.memory_space<vmem>>) semaphore(%arg18 : memref<!tpu.dma_semaphore, #tpu.memory_space<semaphore_mem>>)
      } else {
      }
      %dma_wait3A_171 = arith.constant 0 : i32
      %dma_wait3A_172 = tpu.memref_slice %arg14[%add3A_156, %dma_wait3A_171] : memref<62x128xi32, #tpu.memory_space<vmem>> -> memref<1x128xi32, #tpu.memory_space<vmem>>
      %dma_wait3A_173 = tpu.memref_squeeze %dma_wait3A_172 : memref<1x128xi32, #tpu.memory_space<vmem>> -> memref<128xi32, #tpu.memory_space<vmem>>
      %dma_wait3A_174 = arith.constant 0 : i32
      %dma_wait3A_175 = arith.constant 0 : i32
      %dma_wait3A_176 = tpu.memref_slice %arg17[%dma_wait3A_174, %dma_wait3A_175] : memref<10112x128xf32, #tpu.memory_space<vmem_shared>> -> memref<10112x128xf32, #tpu.memory_space<vmem_shared>>
      tpu.wait_indirect_dma semaphore(%arg21 : memref<!tpu.dma_semaphore, #tpu.memory_space<semaphore_mem>>) src(%arg16 : memref<128x128xf32, #tpu.memory_space<vmem>>) dst(%dma_wait3A_176 : memref<10112x128xf32, #tpu.memory_space<vmem_shared>>)
      %sub3A_177 = arith.constant 1 : i32
      %sub3A_178 = arith.subi %select_n3A, %sub3A_177 : i32
      %lt3A_179 = arith.cmpi slt, %while3A_130, %sub3A_178 : i32
      %convert_element_type3A_180 = arith.extui %lt3A_179 : i1 to i32
      %cond3A_181 = arith.constant 0 : i32
      %cond3A_182 = arith.cmpi ne, %convert_element_type3A_180, %cond3A_181 : i32
      scf.if %cond3A_182 {
        %mul3A_183 = arith.constant 2 : i32
        %mul3A_184 = arith.muli %while3A_130, %mul3A_183 : i32
        %add3A_185 = arith.constant 2 : i32
        %add3A_186 = arith.addi %mul3A_184, %add3A_185 : i32
        %add3A_187 = arith.constant 1 : i32
        %add3A_188 = arith.addi %add3A_186, %add3A_187 : i32
        %dma_start3A_189 = arith.constant 0 : i32
        %dma_start3A_190 = tpu.memref_slice %arg13[%add3A_188, %dma_start3A_189] : memref<62x128xi32, #tpu.memory_space<vmem>> -> memref<1x128xi32, #tpu.memory_space<vmem>>
        %dma_start3A_191 = tpu.memref_squeeze %dma_start3A_190 : memref<1x128xi32, #tpu.memory_space<vmem>> -> memref<128xi32, #tpu.memory_space<vmem>>
        %dma_start3A_192 = arith.constant 0 : i32
        %dma_start3A_193 = arith.constant 0 : i32
        %dma_start3A_194 = tpu.memref_slice %arg6[%dma_start3A_192, %dma_start3A_193] : memref<10000x128xf32, #tpu.memory_space<hbm>> -> memref<10000x128xf32, #tpu.memory_space<hbm>>
        tpu.enqueue_indirect_dma source(%dma_start3A_194 : memref<10000x128xf32, #tpu.memory_space<hbm>>) target(%arg16 : memref<128x128xf32, #tpu.memory_space<vmem>>) offsets(%dma_start3A_191 : memref<128xi32, #tpu.memory_space<vmem>>) semaphore(%arg19 : memref<!tpu.dma_semaphore, #tpu.memory_space<semaphore_mem>>)
      } else {
      }
    }
    %while3A_90 = arith.constant 1 : i32
    scf.for %while3A_130 = %while3A_88 to %while3A_84 step %while3A_90  : i32 {
      %dma_wait3A = arith.constant 0 : i32
      %dma_wait3A_131 = arith.constant 0 : i32
      %dma_wait3A_132 = tpu.memref_slice %arg13[%dma_wait3A, %dma_wait3A_131] : memref<62x128xi32, #tpu.memory_space<vmem>> -> memref<1x128xi32, #tpu.memory_space<vmem>>
      %dma_wait3A_133 = tpu.memref_squeeze %dma_wait3A_132 : memref<1x128xi32, #tpu.memory_space<vmem>> -> memref<128xi32, #tpu.memory_space<vmem>>
      %dma_wait3A_134 = arith.constant 0 : i32
      %dma_wait3A_135 = arith.constant 0 : i32
      %dma_wait3A_136 = tpu.memref_slice %arg6[%dma_wait3A_134, %dma_wait3A_135] : memref<10000x128xf32, #tpu.memory_space<hbm>> -> memref<10000x128xf32, #tpu.memory_space<hbm>>
      tpu.wait_indirect_dma semaphore(%arg18 : memref<!tpu.dma_semaphore, #tpu.memory_space<semaphore_mem>>) src(%dma_wait3A_136 : memref<10000x128xf32, #tpu.memory_space<hbm>>) dst(%arg15 : memref<128x128xf32, #tpu.memory_space<vmem>>)
      %mul3A_137 = arith.constant 2 : i32
      %mul3A_138 = arith.muli %while3A_130, %mul3A_137 : i32
      %add3A = arith.constant 0 : i32
      %add3A_139 = arith.addi %mul3A_138, %add3A : i32
      %dma_start3A_140 = arith.constant 0 : i32
      %dma_start3A_141 = tpu.memref_slice %arg14[%add3A_139, %dma_start3A_140] : memref<62x128xi32, #tpu.memory_space<vmem>> -> memref<1x128xi32, #tpu.memory_space<vmem>>
      %dma_start3A_142 = tpu.memref_squeeze %dma_start3A_141 : memref<1x128xi32, #tpu.memory_space<vmem>> -> memref<128xi32, #tpu.memory_space<vmem>>
      %dma_start3A_143 = arith.constant 0 : i32
      %dma_start3A_144 = arith.constant 0 : i32
      %dma_start3A_145 = tpu.memref_slice %arg17[%dma_start3A_143, %dma_start3A_144] : memref<10112x128xf32, #tpu.memory_space<vmem_shared>> -> memref<10112x128xf32, #tpu.memory_space<vmem_shared>>
      tpu.enqueue_indirect_dma source(%arg15 : memref<128x128xf32, #tpu.memory_space<vmem>>) target(%dma_start3A_145 : memref<10112x128xf32, #tpu.memory_space<vmem_shared>>) offsets(%dma_start3A_142 : memref<128xi32, #tpu.memory_space<vmem>>) semaphore(%arg20 : memref<!tpu.dma_semaphore, #tpu.memory_space<semaphore_mem>>) {add = true}
      %dma_wait3A_146 = arith.constant 1 : i32
      %dma_wait3A_147 = arith.constant 0 : i32
      %dma_wait3A_148 = tpu.memref_slice %arg13[%dma_wait3A_146, %dma_wait3A_147] : memref<62x128xi32, #tpu.memory_space<vmem>> -> memref<1x128xi32, #tpu.memory_space<vmem>>
      %dma_wait3A_149 = tpu.memref_squeeze %dma_wait3A_148 : memref<1x128xi32, #tpu.memory_space<vmem>> -> memref<128xi32, #tpu.memory_space<vmem>>
      %dma_wait3A_150 = arith.constant 0 : i32
      %dma_wait3A_151 = arith.constant 0 : i32
      %dma_wait3A_152 = tpu.memref_slice %arg6[%dma_wait3A_150, %dma_wait3A_151] : memref<10000x128xf32, #tpu.memory_space<hbm>> -> memref<10000x128xf32, #tpu.memory_space<hbm>>
      tpu.wait_indirect_dma semaphore(%arg19 : memref<!tpu.dma_semaphore, #tpu.memory_space<semaphore_mem>>) src(%dma_wait3A_152 : memref<10000x128xf32, #tpu.memory_space<hbm>>) dst(%arg16 : memref<128x128xf32, #tpu.memory_space<vmem>>)
      %mul3A_153 = arith.constant 2 : i32
      %mul3A_154 = arith.muli %while3A_130, %mul3A_153 : i32
      %add3A_155 = arith.constant 1 : i32
      %add3A_156 = arith.addi %mul3A_154, %add3A_155 : i32
      %dma_start3A_157 = arith.constant 0 : i32
      %dma_start3A_158 = tpu.memref_slice %arg14[%add3A_156, %dma_start3A_157] : memref<62x128xi32, #tpu.memory_space<vmem>> -> memref<1x128xi32, #tpu.memory_space<vmem>>
      %dma_start3A_159 = tpu.memref_squeeze %dma_start3A_158 : memref<1x128xi32, #tpu.memory_space<vmem>> -> memref<128xi32, #tpu.memory_space<vmem>>
      %dma_start3A_160 = arith.constant 0 : i32
      %dma_start3A_161 = arith.constant 0 : i32
      %dma_start3A_162 = tpu.memref_slice %arg17[%dma_start3A_160, %dma_start3A_161] : memref<10112x128xf32, #tpu.memory_space<vmem_shared>> -> memref<10112x128xf32, #tpu.memory_space<vmem_shared>>
      tpu.enqueue_indirect_dma source(%arg16 : memref<128x128xf32, #tpu.memory_space<vmem>>) target(%dma_start3A_162 : memref<10112x128xf32, #tpu.memory_space<vmem_shared>>) offsets(%dma_start3A_159 : memref<128xi32, #tpu.memory_space<vmem>>) semaphore(%arg21 : memref<!tpu.dma_semaphore, #tpu.memory_space<semaphore_mem>>) {add = true}
      %dma_wait3A_163 = arith.constant 0 : i32
      %dma_wait3A_164 = tpu.memref_slice %arg14[%add3A_139, %dma_wait3A_163] : memref<62x128xi32, #tpu.memory_space<vmem>> -> memref<1x128xi32, #tpu.memory_space<vmem>>
      %dma_wait3A_165 = tpu.memref_squeeze %dma_wait3A_164 : memref<1x128xi32, #tpu.memory_space<vmem>> -> memref<128xi32, #tpu.memory_space<vmem>>
      %dma_wait3A_166 = arith.constant 0 : i32
      %dma_wait3A_167 = arith.constant 0 : i32
      %dma_wait3A_168 = tpu.memref_slice %arg17[%dma_wait3A_166, %dma_wait3A_167] : memref<10112x128xf32, #tpu.memory_space<vmem_shared>> -> memref<10112x128xf32, #tpu.memory_space<vmem_shared>>
      tpu.wait_indirect_dma semaphore(%arg20 : memref<!tpu.dma_semaphore, #tpu.memory_space<semaphore_mem>>) src(%arg15 : memref<128x128xf32, #tpu.memory_space<vmem>>) dst(%dma_wait3A_168 : memref<10112x128xf32, #tpu.memory_space<vmem_shared>>)
      %sub3A = arith.constant 1 : i32
      %sub3A_169 = arith.subi %select_n3A, %sub3A : i32
      %lt3A = arith.cmpi slt, %while3A_130, %sub3A_169 : i32
      %convert_element_type3A = arith.extui %lt3A : i1 to i32
      %cond3A = arith.constant 0 : i32
      %cond3A_170 = arith.cmpi ne, %convert_element_type3A, %cond3A : i32
      scf.if %cond3A_170 {
        %mul3A_183 = arith.constant 2 : i32
        %mul3A_184 = arith.muli %while3A_130, %mul3A_183 : i32
        %add3A_185 = arith.constant 2 : i32
        %add3A_186 = arith.addi %mul3A_184, %add3A_185 : i32
        %add3A_187 = arith.constant 0 : i32
        %add3A_188 = arith.addi %add3A_186, %add3A_187 : i32
        %dma_start3A_189 = arith.constant 0 : i32
        %dma_start3A_190 = tpu.memref_slice %arg13[%add3A_188, %dma_start3A_189] : memref<62x128xi32, #tpu.memory_space<vmem>> -> memref<1x128xi32, #tpu.memory_space<vmem>>
        %dma_start3A_191 = tpu.memref_squeeze %dma_start3A_190 : memref<1x128xi32, #tpu.memory_space<vmem>> -> memref<128xi32, #tpu.memory_space<vmem>>
        %dma_start3A_192 = arith.constant 0 : i32
        %dma_start3A_193 = arith.constant 0 : i32
        %dma_start3A_194 = tpu.memref_slice %arg6[%dma_start3A_192, %dma_start3A_193] : memref<10000x128xf32, #tpu.memory_space<hbm>> -> memref<10000x128xf32, #tpu.memory_space<hbm>>
        tpu.enqueue_indirect_dma source(%dma_start3A_194 : memref<10000x128xf32, #tpu.memory_space<hbm>>) target(%arg15 : memref<128x128xf32, #tpu.memory_space<vmem>>) offsets(%dma_start3A_191 : memref<128xi32, #tpu.memory_space<vmem>>) semaphore(%arg18 : memref<!tpu.dma_semaphore, #tpu.memory_space<semaphore_mem>>)
      } else {
      }
      %dma_wait3A_171 = arith.constant 0 : i32
      %dma_wait3A_172 = tpu.memref_slice %arg14[%add3A_156, %dma_wait3A_171] : memref<62x128xi32, #tpu.memory_space<vmem>> -> memref<1x128xi32, #tpu.memory_space<vmem>>
      %dma_wait3A_173 = tpu.memref_squeeze %dma_wait3A_172 : memref<1x128xi32, #tpu.memory_space<vmem>> -> memref<128xi32, #tpu.memory_space<vmem>>
      %dma_wait3A_174 = arith.constant 0 : i32
      %dma_wait3A_175 = arith.constant 0 : i32
      %dma_wait3A_176 = tpu.memref_slice %arg17[%dma_wait3A_174, %dma_wait3A_175] : memref<10112x128xf32, #tpu.memory_space<vmem_shared>> -> memref<10112x128xf32, #tpu.memory_space<vmem_shared>>
      tpu.wait_indirect_dma semaphore(%arg21 : memref<!tpu.dma_semaphore, #tpu.memory_space<semaphore_mem>>) src(%arg16 : memref<128x128xf32, #tpu.memory_space<vmem>>) dst(%dma_wait3A_176 : memref<10112x128xf32, #tpu.memory_space<vmem_shared>>)
      %sub3A_177 = arith.constant 1 : i32
      %sub3A_178 = arith.subi %select_n3A, %sub3A_177 : i32
      %lt3A_179 = arith.cmpi slt, %while3A_130, %sub3A_178 : i32
      %convert_element_type3A_180 = arith.extui %lt3A_179 : i1 to i32
      %cond3A_181 = arith.constant 0 : i32
      %cond3A_182 = arith.cmpi ne, %convert_element_type3A_180, %cond3A_181 : i32
      scf.if %cond3A_182 {
        %mul3A_183 = arith.constant 2 : i32
        %mul3A_184 = arith.muli %while3A_130, %mul3A_183 : i32
        %add3A_185 = arith.constant 2 : i32
        %add3A_186 = arith.addi %mul3A_184, %add3A_185 : i32
        %add3A_187 = arith.constant 1 : i32
        %add3A_188 = arith.addi %add3A_186, %add3A_187 : i32
        %dma_start3A_189 = arith.constant 0 : i32
        %dma_start3A_190 = tpu.memref_slice %arg13[%add3A_188, %dma_start3A_189] : memref<62x128xi32, #tpu.memory_space<vmem>> -> memref<1x128xi32, #tpu.memory_space<vmem>>
        %dma_start3A_191 = tpu.memref_squeeze %dma_start3A_190 : memref<1x128xi32, #tpu.memory_space<vmem>> -> memref<128xi32, #tpu.memory_space<vmem>>
        %dma_start3A_192 = arith.constant 0 : i32
        %dma_start3A_193 = arith.constant 0 : i32
        %dma_start3A_194 = tpu.memref_slice %arg6[%dma_start3A_192, %dma_start3A_193] : memref<10000x128xf32, #tpu.memory_space<hbm>> -> memref<10000x128xf32, #tpu.memory_space<hbm>>
        tpu.enqueue_indirect_dma source(%dma_start3A_194 : memref<10000x128xf32, #tpu.memory_space<hbm>>) target(%arg16 : memref<128x128xf32, #tpu.memory_space<vmem>>) offsets(%dma_start3A_191 : memref<128xi32, #tpu.memory_space<vmem>>) semaphore(%arg19 : memref<!tpu.dma_semaphore, #tpu.memory_space<semaphore_mem>>)
      } else {
      }
    }
    %barrier3A_91 = arith.constant 0 : index
    tpu.barrier barrier_id(%barrier3A_91)
    %mul3A_92 = arith.constant 632 : i32
    %mul3A_93 = arith.muli %arg1, %mul3A_92 : i32
    %mul3A_94 = arith.constant 632 : i32
    %mul3A_95 = arith.muli %arg1, %mul3A_94 : i32
    "tpu.region"() ({
      %run_scoped3A = tpu.sem_alloc : memref<!tpu.dma_semaphore, #tpu.memory_space<semaphore_mem>>
      %dma_start3A_130 = arith.constant 0 : i32
      %dma_start3A_131 = tpu.memref_slice %arg11[%arg0, %mul3A_95, %dma_start3A_130] : memref<2x10112x128xf32, #tpu.memory_space<hbm>> -> memref<1x632x128xf32, #tpu.memory_space<hbm>>
      %dma_start3A_132 = tpu.memref_squeeze %dma_start3A_131 : memref<1x632x128xf32, #tpu.memory_space<hbm>> -> memref<632x128xf32, #tpu.memory_space<hbm>>
      %dma_start3A_133 = arith.constant 0 : i32
      %dma_start3A_134 = tpu.memref_slice %arg17[%mul3A_93, %dma_start3A_133] : memref<10112x128xf32, #tpu.memory_space<vmem_shared>> -> memref<632x128xf32, #tpu.memory_space<vmem_shared>>
      tpu.enqueue_dma source(%dma_start3A_134 : memref<632x128xf32, #tpu.memory_space<vmem_shared>>) target(%dma_start3A_132 : memref<632x128xf32, #tpu.memory_space<hbm>>) target_semaphore(%run_scoped3A : memref<!tpu.dma_semaphore, #tpu.memory_space<semaphore_mem>>)
      %dma_wait3A = arith.constant 0 : i32
      %dma_wait3A_135 = tpu.memref_slice %arg11[%arg0, %mul3A_95, %dma_wait3A] : memref<2x10112x128xf32, #tpu.memory_space<hbm>> -> memref<1x632x128xf32, #tpu.memory_space<hbm>>
      %dma_wait3A_136 = tpu.memref_squeeze %dma_wait3A_135 : memref<1x632x128xf32, #tpu.memory_space<hbm>> -> memref<632x128xf32, #tpu.memory_space<hbm>>
      %dma_wait3A_137 = arith.constant 0 : i32
      %dma_wait3A_138 = tpu.memref_slice %arg17[%mul3A_93, %dma_wait3A_137] : memref<10112x128xf32, #tpu.memory_space<vmem_shared>> -> memref<632x128xf32, #tpu.memory_space<vmem_shared>>
      tpu.wait_dma2 semaphore(%run_scoped3A : memref<!tpu.dma_semaphore, #tpu.memory_space<semaphore_mem>>) src(%dma_wait3A_138 : memref<632x128xf32, #tpu.memory_space<vmem_shared>>) dst(%dma_wait3A_136 : memref<632x128xf32, #tpu.memory_space<hbm>>)
      tpu.yield
    }) : () -> ()
    %barrier3A_96 = arith.constant 0 : index
    tpu.barrier barrier_id(%barrier3A_96)
    %mul3A_97 = arith.constant 632 : i32
    %mul3A_98 = arith.muli %arg1, %mul3A_97 : i32
    "tpu.region"() ({
      %run_scoped3A = tpu.sem_alloc : memref<!tpu.dma_semaphore, #tpu.memory_space<semaphore_mem>>
      %dma_start3A_130 = arith.constant 0 : i32
      %dma_start3A_131 = tpu.memref_slice %arg17[%mul3A_98, %dma_start3A_130] : memref<10112x128xf32, #tpu.memory_space<vmem_shared>> -> memref<632x128xf32, #tpu.memory_space<vmem_shared>>
      tpu.enqueue_dma source(%arg8 : memref<632x128xf32, #tpu.memory_space<hbm>>) target(%dma_start3A_131 : memref<632x128xf32, #tpu.memory_space<vmem_shared>>) target_semaphore(%run_scoped3A : memref<!tpu.dma_semaphore, #tpu.memory_space<semaphore_mem>>)
      %dma_wait3A = arith.constant 0 : i32
      %dma_wait3A_132 = tpu.memref_slice %arg17[%mul3A_98, %dma_wait3A] : memref<10112x128xf32, #tpu.memory_space<vmem_shared>> -> memref<632x128xf32, #tpu.memory_space<vmem_shared>>
      tpu.wait_dma2 semaphore(%run_scoped3A : memref<!tpu.dma_semaphore, #tpu.memory_space<semaphore_mem>>) src(%arg8 : memref<632x128xf32, #tpu.memory_space<hbm>>) dst(%dma_wait3A_132 : memref<632x128xf32, #tpu.memory_space<vmem_shared>>)
      tpu.yield
    }) : () -> ()
    %barrier3A_99 = arith.constant 0 : index
    tpu.barrier barrier_id(%barrier3A_99)
    %dma_start3A_100 = arith.constant 0 : i32
    %dma_start3A_101 = arith.constant 0 : i32
    %dma_start3A_102 = tpu.memref_slice %arg13[%dma_start3A_100, %dma_start3A_101] : memref<62x128xi32, #tpu.memory_space<vmem>> -> memref<1x128xi32, #tpu.memory_space<vmem>>
    %dma_start3A_103 = tpu.memref_squeeze %dma_start3A_102 : memref<1x128xi32, #tpu.memory_space<vmem>> -> memref<128xi32, #tpu.memory_space<vmem>>
    %dma_start3A_104 = arith.constant 0 : i32
    %dma_start3A_105 = arith.constant 0 : i32
    %dma_start3A_106 = tpu.memref_slice %arg7[%dma_start3A_104, %dma_start3A_105] : memref<10000x128xf32, #tpu.memory_space<hbm>> -> memref<10000x128xf32, #tpu.memory_space<hbm>>
    tpu.enqueue_indirect_dma source(%dma_start3A_106 : memref<10000x128xf32, #tpu.memory_space<hbm>>) target(%arg15 : memref<128x128xf32, #tpu.memory_space<vmem>>) offsets(%dma_start3A_103 : memref<128xi32, #tpu.memory_space<vmem>>) semaphore(%arg18 : memref<!tpu.dma_semaphore, #tpu.memory_space<semaphore_mem>>)
    %dma_start3A_107 = arith.constant 1 : i32
    %dma_start3A_108 = arith.constant 0 : i32
    %dma_start3A_109 = tpu.memref_slice %arg13[%dma_start3A_107, %dma_start3A_108] : memref<62x128xi32, #tpu.memory_space<vmem>> -> memref<1x128xi32, #tpu.memory_space<vmem>>
    %dma_start3A_110 = tpu.memref_squeeze %dma_start3A_109 : memref<1x128xi32, #tpu.memory_space<vmem>> -> memref<128xi32, #tpu.memory_space<vmem>>
    %dma_start3A_111 = arith.constant 0 : i32
    %dma_start3A_112 = arith.constant 0 : i32
    %dma_start3A_113 = tpu.memref_slice %arg7[%dma_start3A_111, %dma_start3A_112] : memref<10000x128xf32, #tpu.memory_space<hbm>> -> memref<10000x128xf32, #tpu.memory_space<hbm>>
    tpu.enqueue_indirect_dma source(%dma_start3A_113 : memref<10000x128xf32, #tpu.memory_space<hbm>>) target(%arg16 : memref<128x128xf32, #tpu.memory_space<vmem>>) offsets(%dma_start3A_110 : memref<128xi32, #tpu.memory_space<vmem>>) semaphore(%arg19 : memref<!tpu.dma_semaphore, #tpu.memory_space<semaphore_mem>>)
    %while3A_114 = arith.constant 0 : i32
    %while3A_115 = arith.constant 0 : i32
    %while3A_116 = arith.subi %select_n3A, %while3A_115 : i32
    %while3A_117 = arith.addi %while3A_115, %while3A_116 : i32
    %while3A_118 = arith.constant 1 : i32
    %while3A_119 = arith.divsi %while3A_116, %while3A_118 : i32
    %while3A_120 = arith.muli %while3A_119, %while3A_118 : i32
    %while3A_121 = arith.addi %while3A_115, %while3A_120 : i32
    %while3A_122 = arith.constant 1 : i32
    scf.for %while3A_130 = %while3A_115 to %while3A_121 step %while3A_122  : i32 {
      %dma_wait3A = arith.constant 0 : i32
      %dma_wait3A_131 = arith.constant 0 : i32
      %dma_wait3A_132 = tpu.memref_slice %arg13[%dma_wait3A, %dma_wait3A_131] : memref<62x128xi32, #tpu.memory_space<vmem>> -> memref<1x128xi32, #tpu.memory_space<vmem>>
      %dma_wait3A_133 = tpu.memref_squeeze %dma_wait3A_132 : memref<1x128xi32, #tpu.memory_space<vmem>> -> memref<128xi32, #tpu.memory_space<vmem>>
      %dma_wait3A_134 = arith.constant 0 : i32
      %dma_wait3A_135 = arith.constant 0 : i32
      %dma_wait3A_136 = tpu.memref_slice %arg7[%dma_wait3A_134, %dma_wait3A_135] : memref<10000x128xf32, #tpu.memory_space<hbm>> -> memref<10000x128xf32, #tpu.memory_space<hbm>>
      tpu.wait_indirect_dma semaphore(%arg18 : memref<!tpu.dma_semaphore, #tpu.memory_space<semaphore_mem>>) src(%dma_wait3A_136 : memref<10000x128xf32, #tpu.memory_space<hbm>>) dst(%arg15 : memref<128x128xf32, #tpu.memory_space<vmem>>)
      %mul3A_137 = arith.constant 2 : i32
      %mul3A_138 = arith.muli %while3A_130, %mul3A_137 : i32
      %add3A = arith.constant 0 : i32
      %add3A_139 = arith.addi %mul3A_138, %add3A : i32
      %dma_start3A_140 = arith.constant 0 : i32
      %dma_start3A_141 = tpu.memref_slice %arg14[%add3A_139, %dma_start3A_140] : memref<62x128xi32, #tpu.memory_space<vmem>> -> memref<1x128xi32, #tpu.memory_space<vmem>>
      %dma_start3A_142 = tpu.memref_squeeze %dma_start3A_141 : memref<1x128xi32, #tpu.memory_space<vmem>> -> memref<128xi32, #tpu.memory_space<vmem>>
      %dma_start3A_143 = arith.constant 0 : i32
      %dma_start3A_144 = arith.constant 0 : i32
      %dma_start3A_145 = tpu.memref_slice %arg17[%dma_start3A_143, %dma_start3A_144] : memref<10112x128xf32, #tpu.memory_space<vmem_shared>> -> memref<10112x128xf32, #tpu.memory_space<vmem_shared>>
      tpu.enqueue_indirect_dma source(%arg15 : memref<128x128xf32, #tpu.memory_space<vmem>>) target(%dma_start3A_145 : memref<10112x128xf32, #tpu.memory_space<vmem_shared>>) offsets(%dma_start3A_142 : memref<128xi32, #tpu.memory_space<vmem>>) semaphore(%arg20 : memref<!tpu.dma_semaphore, #tpu.memory_space<semaphore_mem>>) {add = true}
      %dma_wait3A_146 = arith.constant 1 : i32
      %dma_wait3A_147 = arith.constant 0 : i32
      %dma_wait3A_148 = tpu.memref_slice %arg13[%dma_wait3A_146, %dma_wait3A_147] : memref<62x128xi32, #tpu.memory_space<vmem>> -> memref<1x128xi32, #tpu.memory_space<vmem>>
      %dma_wait3A_149 = tpu.memref_squeeze %dma_wait3A_148 : memref<1x128xi32, #tpu.memory_space<vmem>> -> memref<128xi32, #tpu.memory_space<vmem>>
      %dma_wait3A_150 = arith.constant 0 : i32
      %dma_wait3A_151 = arith.constant 0 : i32
      %dma_wait3A_152 = tpu.memref_slice %arg7[%dma_wait3A_150, %dma_wait3A_151] : memref<10000x128xf32, #tpu.memory_space<hbm>> -> memref<10000x128xf32, #tpu.memory_space<hbm>>
      tpu.wait_indirect_dma semaphore(%arg19 : memref<!tpu.dma_semaphore, #tpu.memory_space<semaphore_mem>>) src(%dma_wait3A_152 : memref<10000x128xf32, #tpu.memory_space<hbm>>) dst(%arg16 : memref<128x128xf32, #tpu.memory_space<vmem>>)
      %mul3A_153 = arith.constant 2 : i32
      %mul3A_154 = arith.muli %while3A_130, %mul3A_153 : i32
      %add3A_155 = arith.constant 1 : i32
      %add3A_156 = arith.addi %mul3A_154, %add3A_155 : i32
      %dma_start3A_157 = arith.constant 0 : i32
      %dma_start3A_158 = tpu.memref_slice %arg14[%add3A_156, %dma_start3A_157] : memref<62x128xi32, #tpu.memory_space<vmem>> -> memref<1x128xi32, #tpu.memory_space<vmem>>
      %dma_start3A_159 = tpu.memref_squeeze %dma_start3A_158 : memref<1x128xi32, #tpu.memory_space<vmem>> -> memref<128xi32, #tpu.memory_space<vmem>>
      %dma_start3A_160 = arith.constant 0 : i32
      %dma_start3A_161 = arith.constant 0 : i32
      %dma_start3A_162 = tpu.memref_slice %arg17[%dma_start3A_160, %dma_start3A_161] : memref<10112x128xf32, #tpu.memory_space<vmem_shared>> -> memref<10112x128xf32, #tpu.memory_space<vmem_shared>>
      tpu.enqueue_indirect_dma source(%arg16 : memref<128x128xf32, #tpu.memory_space<vmem>>) target(%dma_start3A_162 : memref<10112x128xf32, #tpu.memory_space<vmem_shared>>) offsets(%dma_start3A_159 : memref<128xi32, #tpu.memory_space<vmem>>) semaphore(%arg21 : memref<!tpu.dma_semaphore, #tpu.memory_space<semaphore_mem>>) {add = true}
      %dma_wait3A_163 = arith.constant 0 : i32
      %dma_wait3A_164 = tpu.memref_slice %arg14[%add3A_139, %dma_wait3A_163] : memref<62x128xi32, #tpu.memory_space<vmem>> -> memref<1x128xi32, #tpu.memory_space<vmem>>
      %dma_wait3A_165 = tpu.memref_squeeze %dma_wait3A_164 : memref<1x128xi32, #tpu.memory_space<vmem>> -> memref<128xi32, #tpu.memory_space<vmem>>
      %dma_wait3A_166 = arith.constant 0 : i32
      %dma_wait3A_167 = arith.constant 0 : i32
      %dma_wait3A_168 = tpu.memref_slice %arg17[%dma_wait3A_166, %dma_wait3A_167] : memref<10112x128xf32, #tpu.memory_space<vmem_shared>> -> memref<10112x128xf32, #tpu.memory_space<vmem_shared>>
      tpu.wait_indirect_dma semaphore(%arg20 : memref<!tpu.dma_semaphore, #tpu.memory_space<semaphore_mem>>) src(%arg15 : memref<128x128xf32, #tpu.memory_space<vmem>>) dst(%dma_wait3A_168 : memref<10112x128xf32, #tpu.memory_space<vmem_shared>>)
      %sub3A = arith.constant 1 : i32
      %sub3A_169 = arith.subi %select_n3A, %sub3A : i32
      %lt3A = arith.cmpi slt, %while3A_130, %sub3A_169 : i32
      %convert_element_type3A = arith.extui %lt3A : i1 to i32
      %cond3A = arith.constant 0 : i32
      %cond3A_170 = arith.cmpi ne, %convert_element_type3A, %cond3A : i32
      scf.if %cond3A_170 {
        %mul3A_183 = arith.constant 2 : i32
        %mul3A_184 = arith.muli %while3A_130, %mul3A_183 : i32
        %add3A_185 = arith.constant 2 : i32
        %add3A_186 = arith.addi %mul3A_184, %add3A_185 : i32
        %add3A_187 = arith.constant 0 : i32
        %add3A_188 = arith.addi %add3A_186, %add3A_187 : i32
        %dma_start3A_189 = arith.constant 0 : i32
        %dma_start3A_190 = tpu.memref_slice %arg13[%add3A_188, %dma_start3A_189] : memref<62x128xi32, #tpu.memory_space<vmem>> -> memref<1x128xi32, #tpu.memory_space<vmem>>
        %dma_start3A_191 = tpu.memref_squeeze %dma_start3A_190 : memref<1x128xi32, #tpu.memory_space<vmem>> -> memref<128xi32, #tpu.memory_space<vmem>>
        %dma_start3A_192 = arith.constant 0 : i32
        %dma_start3A_193 = arith.constant 0 : i32
        %dma_start3A_194 = tpu.memref_slice %arg7[%dma_start3A_192, %dma_start3A_193] : memref<10000x128xf32, #tpu.memory_space<hbm>> -> memref<10000x128xf32, #tpu.memory_space<hbm>>
        tpu.enqueue_indirect_dma source(%dma_start3A_194 : memref<10000x128xf32, #tpu.memory_space<hbm>>) target(%arg15 : memref<128x128xf32, #tpu.memory_space<vmem>>) offsets(%dma_start3A_191 : memref<128xi32, #tpu.memory_space<vmem>>) semaphore(%arg18 : memref<!tpu.dma_semaphore, #tpu.memory_space<semaphore_mem>>)
      } else {
      }
      %dma_wait3A_171 = arith.constant 0 : i32
      %dma_wait3A_172 = tpu.memref_slice %arg14[%add3A_156, %dma_wait3A_171] : memref<62x128xi32, #tpu.memory_space<vmem>> -> memref<1x128xi32, #tpu.memory_space<vmem>>
      %dma_wait3A_173 = tpu.memref_squeeze %dma_wait3A_172 : memref<1x128xi32, #tpu.memory_space<vmem>> -> memref<128xi32, #tpu.memory_space<vmem>>
      %dma_wait3A_174 = arith.constant 0 : i32
      %dma_wait3A_175 = arith.constant 0 : i32
      %dma_wait3A_176 = tpu.memref_slice %arg17[%dma_wait3A_174, %dma_wait3A_175] : memref<10112x128xf32, #tpu.memory_space<vmem_shared>> -> memref<10112x128xf32, #tpu.memory_space<vmem_shared>>
      tpu.wait_indirect_dma semaphore(%arg21 : memref<!tpu.dma_semaphore, #tpu.memory_space<semaphore_mem>>) src(%arg16 : memref<128x128xf32, #tpu.memory_space<vmem>>) dst(%dma_wait3A_176 : memref<10112x128xf32, #tpu.memory_space<vmem_shared>>)
      %sub3A_177 = arith.constant 1 : i32
      %sub3A_178 = arith.subi %select_n3A, %sub3A_177 : i32
      %lt3A_179 = arith.cmpi slt, %while3A_130, %sub3A_178 : i32
      %convert_element_type3A_180 = arith.extui %lt3A_179 : i1 to i32
      %cond3A_181 = arith.constant 0 : i32
      %cond3A_182 = arith.cmpi ne, %convert_element_type3A_180, %cond3A_181 : i32
      scf.if %cond3A_182 {
        %mul3A_183 = arith.constant 2 : i32
        %mul3A_184 = arith.muli %while3A_130, %mul3A_183 : i32
        %add3A_185 = arith.constant 2 : i32
        %add3A_186 = arith.addi %mul3A_184, %add3A_185 : i32
        %add3A_187 = arith.constant 1 : i32
        %add3A_188 = arith.addi %add3A_186, %add3A_187 : i32
        %dma_start3A_189 = arith.constant 0 : i32
        %dma_start3A_190 = tpu.memref_slice %arg13[%add3A_188, %dma_start3A_189] : memref<62x128xi32, #tpu.memory_space<vmem>> -> memref<1x128xi32, #tpu.memory_space<vmem>>
        %dma_start3A_191 = tpu.memref_squeeze %dma_start3A_190 : memref<1x128xi32, #tpu.memory_space<vmem>> -> memref<128xi32, #tpu.memory_space<vmem>>
        %dma_start3A_192 = arith.constant 0 : i32
        %dma_start3A_193 = arith.constant 0 : i32
        %dma_start3A_194 = tpu.memref_slice %arg7[%dma_start3A_192, %dma_start3A_193] : memref<10000x128xf32, #tpu.memory_space<hbm>> -> memref<10000x128xf32, #tpu.memory_space<hbm>>
        tpu.enqueue_indirect_dma source(%dma_start3A_194 : memref<10000x128xf32, #tpu.memory_space<hbm>>) target(%arg16 : memref<128x128xf32, #tpu.memory_space<vmem>>) offsets(%dma_start3A_191 : memref<128xi32, #tpu.memory_space<vmem>>) semaphore(%arg19 : memref<!tpu.dma_semaphore, #tpu.memory_space<semaphore_mem>>)
      } else {
      }
    }
    %while3A_123 = arith.constant 1 : i32
    scf.for %while3A_130 = %while3A_121 to %while3A_117 step %while3A_123  : i32 {
      %dma_wait3A = arith.constant 0 : i32
      %dma_wait3A_131 = arith.constant 0 : i32
      %dma_wait3A_132 = tpu.memref_slice %arg13[%dma_wait3A, %dma_wait3A_131] : memref<62x128xi32, #tpu.memory_space<vmem>> -> memref<1x128xi32, #tpu.memory_space<vmem>>
      %dma_wait3A_133 = tpu.memref_squeeze %dma_wait3A_132 : memref<1x128xi32, #tpu.memory_space<vmem>> -> memref<128xi32, #tpu.memory_space<vmem>>
      %dma_wait3A_134 = arith.constant 0 : i32
      %dma_wait3A_135 = arith.constant 0 : i32
      %dma_wait3A_136 = tpu.memref_slice %arg7[%dma_wait3A_134, %dma_wait3A_135] : memref<10000x128xf32, #tpu.memory_space<hbm>> -> memref<10000x128xf32, #tpu.memory_space<hbm>>
      tpu.wait_indirect_dma semaphore(%arg18 : memref<!tpu.dma_semaphore, #tpu.memory_space<semaphore_mem>>) src(%dma_wait3A_136 : memref<10000x128xf32, #tpu.memory_space<hbm>>) dst(%arg15 : memref<128x128xf32, #tpu.memory_space<vmem>>)
      %mul3A_137 = arith.constant 2 : i32
      %mul3A_138 = arith.muli %while3A_130, %mul3A_137 : i32
      %add3A = arith.constant 0 : i32
      %add3A_139 = arith.addi %mul3A_138, %add3A : i32
      %dma_start3A_140 = arith.constant 0 : i32
      %dma_start3A_141 = tpu.memref_slice %arg14[%add3A_139, %dma_start3A_140] : memref<62x128xi32, #tpu.memory_space<vmem>> -> memref<1x128xi32, #tpu.memory_space<vmem>>
      %dma_start3A_142 = tpu.memref_squeeze %dma_start3A_141 : memref<1x128xi32, #tpu.memory_space<vmem>> -> memref<128xi32, #tpu.memory_space<vmem>>
      %dma_start3A_143 = arith.constant 0 : i32
      %dma_start3A_144 = arith.constant 0 : i32
      %dma_start3A_145 = tpu.memref_slice %arg17[%dma_start3A_143, %dma_start3A_144] : memref<10112x128xf32, #tpu.memory_space<vmem_shared>> -> memref<10112x128xf32, #tpu.memory_space<vmem_shared>>
      tpu.enqueue_indirect_dma source(%arg15 : memref<128x128xf32, #tpu.memory_space<vmem>>) target(%dma_start3A_145 : memref<10112x128xf32, #tpu.memory_space<vmem_shared>>) offsets(%dma_start3A_142 : memref<128xi32, #tpu.memory_space<vmem>>) semaphore(%arg20 : memref<!tpu.dma_semaphore, #tpu.memory_space<semaphore_mem>>) {add = true}
      %dma_wait3A_146 = arith.constant 1 : i32
      %dma_wait3A_147 = arith.constant 0 : i32
      %dma_wait3A_148 = tpu.memref_slice %arg13[%dma_wait3A_146, %dma_wait3A_147] : memref<62x128xi32, #tpu.memory_space<vmem>> -> memref<1x128xi32, #tpu.memory_space<vmem>>
      %dma_wait3A_149 = tpu.memref_squeeze %dma_wait3A_148 : memref<1x128xi32, #tpu.memory_space<vmem>> -> memref<128xi32, #tpu.memory_space<vmem>>
      %dma_wait3A_150 = arith.constant 0 : i32
      %dma_wait3A_151 = arith.constant 0 : i32
      %dma_wait3A_152 = tpu.memref_slice %arg7[%dma_wait3A_150, %dma_wait3A_151] : memref<10000x128xf32, #tpu.memory_space<hbm>> -> memref<10000x128xf32, #tpu.memory_space<hbm>>
      tpu.wait_indirect_dma semaphore(%arg19 : memref<!tpu.dma_semaphore, #tpu.memory_space<semaphore_mem>>) src(%dma_wait3A_152 : memref<10000x128xf32, #tpu.memory_space<hbm>>) dst(%arg16 : memref<128x128xf32, #tpu.memory_space<vmem>>)
      %mul3A_153 = arith.constant 2 : i32
      %mul3A_154 = arith.muli %while3A_130, %mul3A_153 : i32
      %add3A_155 = arith.constant 1 : i32
      %add3A_156 = arith.addi %mul3A_154, %add3A_155 : i32
      %dma_start3A_157 = arith.constant 0 : i32
      %dma_start3A_158 = tpu.memref_slice %arg14[%add3A_156, %dma_start3A_157] : memref<62x128xi32, #tpu.memory_space<vmem>> -> memref<1x128xi32, #tpu.memory_space<vmem>>
      %dma_start3A_159 = tpu.memref_squeeze %dma_start3A_158 : memref<1x128xi32, #tpu.memory_space<vmem>> -> memref<128xi32, #tpu.memory_space<vmem>>
      %dma_start3A_160 = arith.constant 0 : i32
      %dma_start3A_161 = arith.constant 0 : i32
      %dma_start3A_162 = tpu.memref_slice %arg17[%dma_start3A_160, %dma_start3A_161] : memref<10112x128xf32, #tpu.memory_space<vmem_shared>> -> memref<10112x128xf32, #tpu.memory_space<vmem_shared>>
      tpu.enqueue_indirect_dma source(%arg16 : memref<128x128xf32, #tpu.memory_space<vmem>>) target(%dma_start3A_162 : memref<10112x128xf32, #tpu.memory_space<vmem_shared>>) offsets(%dma_start3A_159 : memref<128xi32, #tpu.memory_space<vmem>>) semaphore(%arg21 : memref<!tpu.dma_semaphore, #tpu.memory_space<semaphore_mem>>) {add = true}
      %dma_wait3A_163 = arith.constant 0 : i32
      %dma_wait3A_164 = tpu.memref_slice %arg14[%add3A_139, %dma_wait3A_163] : memref<62x128xi32, #tpu.memory_space<vmem>> -> memref<1x128xi32, #tpu.memory_space<vmem>>
      %dma_wait3A_165 = tpu.memref_squeeze %dma_wait3A_164 : memref<1x128xi32, #tpu.memory_space<vmem>> -> memref<128xi32, #tpu.memory_space<vmem>>
      %dma_wait3A_166 = arith.constant 0 : i32
      %dma_wait3A_167 = arith.constant 0 : i32
      %dma_wait3A_168 = tpu.memref_slice %arg17[%dma_wait3A_166, %dma_wait3A_167] : memref<10112x128xf32, #tpu.memory_space<vmem_shared>> -> memref<10112x128xf32, #tpu.memory_space<vmem_shared>>
      tpu.wait_indirect_dma semaphore(%arg20 : memref<!tpu.dma_semaphore, #tpu.memory_space<semaphore_mem>>) src(%arg15 : memref<128x128xf32, #tpu.memory_space<vmem>>) dst(%dma_wait3A_168 : memref<10112x128xf32, #tpu.memory_space<vmem_shared>>)
      %sub3A = arith.constant 1 : i32
      %sub3A_169 = arith.subi %select_n3A, %sub3A : i32
      %lt3A = arith.cmpi slt, %while3A_130, %sub3A_169 : i32
      %convert_element_type3A = arith.extui %lt3A : i1 to i32
      %cond3A = arith.constant 0 : i32
      %cond3A_170 = arith.cmpi ne, %convert_element_type3A, %cond3A : i32
      scf.if %cond3A_170 {
        %mul3A_183 = arith.constant 2 : i32
        %mul3A_184 = arith.muli %while3A_130, %mul3A_183 : i32
        %add3A_185 = arith.constant 2 : i32
        %add3A_186 = arith.addi %mul3A_184, %add3A_185 : i32
        %add3A_187 = arith.constant 0 : i32
        %add3A_188 = arith.addi %add3A_186, %add3A_187 : i32
        %dma_start3A_189 = arith.constant 0 : i32
        %dma_start3A_190 = tpu.memref_slice %arg13[%add3A_188, %dma_start3A_189] : memref<62x128xi32, #tpu.memory_space<vmem>> -> memref<1x128xi32, #tpu.memory_space<vmem>>
        %dma_start3A_191 = tpu.memref_squeeze %dma_start3A_190 : memref<1x128xi32, #tpu.memory_space<vmem>> -> memref<128xi32, #tpu.memory_space<vmem>>
        %dma_start3A_192 = arith.constant 0 : i32
        %dma_start3A_193 = arith.constant 0 : i32
        %dma_start3A_194 = tpu.memref_slice %arg7[%dma_start3A_192, %dma_start3A_193] : memref<10000x128xf32, #tpu.memory_space<hbm>> -> memref<10000x128xf32, #tpu.memory_space<hbm>>
        tpu.enqueue_indirect_dma source(%dma_start3A_194 : memref<10000x128xf32, #tpu.memory_space<hbm>>) target(%arg15 : memref<128x128xf32, #tpu.memory_space<vmem>>) offsets(%dma_start3A_191 : memref<128xi32, #tpu.memory_space<vmem>>) semaphore(%arg18 : memref<!tpu.dma_semaphore, #tpu.memory_space<semaphore_mem>>)
      } else {
      }
      %dma_wait3A_171 = arith.constant 0 : i32
      %dma_wait3A_172 = tpu.memref_slice %arg14[%add3A_156, %dma_wait3A_171] : memref<62x128xi32, #tpu.memory_space<vmem>> -> memref<1x128xi32, #tpu.memory_space<vmem>>
      %dma_wait3A_173 = tpu.memref_squeeze %dma_wait3A_172 : memref<1x128xi32, #tpu.memory_space<vmem>> -> memref<128xi32, #tpu.memory_space<vmem>>
      %dma_wait3A_174 = arith.constant 0 : i32
      %dma_wait3A_175 = arith.constant 0 : i32
      %dma_wait3A_176 = tpu.memref_slice %arg17[%dma_wait3A_174, %dma_wait3A_175] : memref<10112x128xf32, #tpu.memory_space<vmem_shared>> -> memref<10112x128xf32, #tpu.memory_space<vmem_shared>>
      tpu.wait_indirect_dma semaphore(%arg21 : memref<!tpu.dma_semaphore, #tpu.memory_space<semaphore_mem>>) src(%arg16 : memref<128x128xf32, #tpu.memory_space<vmem>>) dst(%dma_wait3A_176 : memref<10112x128xf32, #tpu.memory_space<vmem_shared>>)
      %sub3A_177 = arith.constant 1 : i32
      %sub3A_178 = arith.subi %select_n3A, %sub3A_177 : i32
      %lt3A_179 = arith.cmpi slt, %while3A_130, %sub3A_178 : i32
      %convert_element_type3A_180 = arith.extui %lt3A_179 : i1 to i32
      %cond3A_181 = arith.constant 0 : i32
      %cond3A_182 = arith.cmpi ne, %convert_element_type3A_180, %cond3A_181 : i32
      scf.if %cond3A_182 {
        %mul3A_183 = arith.constant 2 : i32
        %mul3A_184 = arith.muli %while3A_130, %mul3A_183 : i32
        %add3A_185 = arith.constant 2 : i32
        %add3A_186 = arith.addi %mul3A_184, %add3A_185 : i32
        %add3A_187 = arith.constant 1 : i32
        %add3A_188 = arith.addi %add3A_186, %add3A_187 : i32
        %dma_start3A_189 = arith.constant 0 : i32
        %dma_start3A_190 = tpu.memref_slice %arg13[%add3A_188, %dma_start3A_189] : memref<62x128xi32, #tpu.memory_space<vmem>> -> memref<1x128xi32, #tpu.memory_space<vmem>>
        %dma_start3A_191 = tpu.memref_squeeze %dma_start3A_190 : memref<1x128xi32, #tpu.memory_space<vmem>> -> memref<128xi32, #tpu.memory_space<vmem>>
        %dma_start3A_192 = arith.constant 0 : i32
        %dma_start3A_193 = arith.constant 0 : i32
        %dma_start3A_194 = tpu.memref_slice %arg7[%dma_start3A_192, %dma_start3A_193] : memref<10000x128xf32, #tpu.memory_space<hbm>> -> memref<10000x128xf32, #tpu.memory_space<hbm>>
        tpu.enqueue_indirect_dma source(%dma_start3A_194 : memref<10000x128xf32, #tpu.memory_space<hbm>>) target(%arg16 : memref<128x128xf32, #tpu.memory_space<vmem>>) offsets(%dma_start3A_191 : memref<128xi32, #tpu.memory_space<vmem>>) semaphore(%arg19 : memref<!tpu.dma_semaphore, #tpu.memory_space<semaphore_mem>>)
      } else {
      }
    }
    %barrier3A_124 = arith.constant 0 : index
    tpu.barrier barrier_id(%barrier3A_124)
    %mul3A_125 = arith.constant 632 : i32
    %mul3A_126 = arith.muli %arg1, %mul3A_125 : i32
    %mul3A_127 = arith.constant 632 : i32
    %mul3A_128 = arith.muli %arg1, %mul3A_127 : i32
    "tpu.region"() ({
      %run_scoped3A = tpu.sem_alloc : memref<!tpu.dma_semaphore, #tpu.memory_space<semaphore_mem>>
      %dma_start3A_130 = arith.constant 0 : i32
      %dma_start3A_131 = tpu.memref_slice %arg12[%arg0, %mul3A_128, %dma_start3A_130] : memref<2x10112x128xf32, #tpu.memory_space<hbm>> -> memref<1x632x128xf32, #tpu.memory_space<hbm>>
      %dma_start3A_132 = tpu.memref_squeeze %dma_start3A_131 : memref<1x632x128xf32, #tpu.memory_space<hbm>> -> memref<632x128xf32, #tpu.memory_space<hbm>>
      %dma_start3A_133 = arith.constant 0 : i32
      %dma_start3A_134 = tpu.memref_slice %arg17[%mul3A_126, %dma_start3A_133] : memref<10112x128xf32, #tpu.memory_space<vmem_shared>> -> memref<632x128xf32, #tpu.memory_space<vmem_shared>>
      tpu.enqueue_dma source(%dma_start3A_134 : memref<632x128xf32, #tpu.memory_space<vmem_shared>>) target(%dma_start3A_132 : memref<632x128xf32, #tpu.memory_space<hbm>>) target_semaphore(%run_scoped3A : memref<!tpu.dma_semaphore, #tpu.memory_space<semaphore_mem>>)
      %dma_wait3A = arith.constant 0 : i32
      %dma_wait3A_135 = tpu.memref_slice %arg12[%arg0, %mul3A_128, %dma_wait3A] : memref<2x10112x128xf32, #tpu.memory_space<hbm>> -> memref<1x632x128xf32, #tpu.memory_space<hbm>>
      %dma_wait3A_136 = tpu.memref_squeeze %dma_wait3A_135 : memref<1x632x128xf32, #tpu.memory_space<hbm>> -> memref<632x128xf32, #tpu.memory_space<hbm>>
      %dma_wait3A_137 = arith.constant 0 : i32
      %dma_wait3A_138 = tpu.memref_slice %arg17[%mul3A_126, %dma_wait3A_137] : memref<10112x128xf32, #tpu.memory_space<vmem_shared>> -> memref<632x128xf32, #tpu.memory_space<vmem_shared>>
      tpu.wait_dma2 semaphore(%run_scoped3A : memref<!tpu.dma_semaphore, #tpu.memory_space<semaphore_mem>>) src(%dma_wait3A_138 : memref<632x128xf32, #tpu.memory_space<vmem_shared>>) dst(%dma_wait3A_136 : memref<632x128xf32, #tpu.memory_space<hbm>>)
      tpu.yield
    }) : () -> ()
    %barrier3A_129 = arith.constant 0 : index
    tpu.barrier barrier_id(%barrier3A_129)
    return
  }
}

module attributes {stable_mosaic.version = 14 : i64} {
  func.func @_stage_a_body(%arg0: i32, %arg1: memref<400x256xf32, #tpu.memory_space<vmem>>, %arg2: memref<256x512xf32, #tpu.memory_space<vmem>>, %arg3: memref<2x400x128xf32, #tpu.memory_space<vmem>>, %arg4: memref<400x1xf32, #tpu.memory_space<vmem>>, %arg5: memref<400x128xf32, #tpu.memory_space<vmem>>, %arg6: memref<400x128xf32, #tpu.memory_space<vmem>>, %arg7: memref<400x128xf32, #tpu.memory_space<vmem>>, %arg8: memref<400x128xf32, #tpu.memory_space<vmem>>) attributes {dimension_semantics = [#tpu.dimension_semantics<arbitrary>], iteration_bounds = array<i64: 25>, scalar_prefetch = 0 : i64, scratch_operands = 0 : i64, tpu.core_type = #tpu.core_type<tc>, window_params = [{transform_indices = @transform_0, window_bounds = array<i64: 400, 256>}, {pipeline_mode = #tpu.pipeline_mode<synchronous>, transform_indices = @transform_1, window_bounds = array<i64: 256, 512>}, {transform_indices = @transform_2, window_bounds = array<i64: 2, 400, 128>}, {transform_indices = @transform_3, window_bounds = array<i64: 400, 1>}, {transform_indices = @transform_4, window_bounds = array<i64: 400, 128>}, {transform_indices = @transform_5, window_bounds = array<i64: 400, 128>}, {transform_indices = @transform_6, window_bounds = array<i64: 400, 128>}, {transform_indices = @transform_7, window_bounds = array<i64: 400, 128>}]} {
    %get3A = arith.constant 0 : index
    %get3A_0 = arith.constant 0 : index
    %get3A_1 = arith.constant 0 : index
    %get3A_2 = vector.load %arg3[%get3A, %get3A_0, %get3A_1] : memref<2x400x128xf32, #tpu.memory_space<vmem>>, vector<1x400x1xf32>
    %get3A_3 = vector.shape_cast %get3A_2 : vector<1x400x1xf32> to vector<400x1xf32>
    %add3A = arith.constant 1.000000e+00 : f32
    %add3A_4 = vector.broadcast %add3A : f32 to vector<400x1xf32>
    %add3A_5 = arith.addf %add3A_4, %get3A_3 : vector<400x1xf32>
    %get3A_6 = arith.constant 1 : index
    %get3A_7 = arith.constant 0 : index
    %get3A_8 = arith.constant 0 : index
    %get3A_9 = vector.load %arg3[%get3A_6, %get3A_7, %get3A_8] : memref<2x400x128xf32, #tpu.memory_space<vmem>>, vector<1x400x1xf32>
    %get3A_10 = vector.shape_cast %get3A_9 : vector<1x400x1xf32> to vector<400x1xf32>
    %add3A_11 = arith.addf %add3A_5, %get3A_10 : vector<400x1xf32>
    %rsqrt3A = math.rsqrt %add3A_11 : vector<400x1xf32>
    %get3A_12 = arith.constant 0 : index
    %get3A_13 = arith.constant 0 : index
    %get3A_14 = vector.load %arg1[%get3A_12, %get3A_13] : memref<400x256xf32, #tpu.memory_space<vmem>>, vector<400x256xf32>
    %get3A_15 = arith.constant 0 : index
    %get3A_16 = arith.constant 0 : index
    %get3A_17 = vector.load %arg2[%get3A_15, %get3A_16] : memref<256x512xf32, #tpu.memory_space<vmem>>, vector<256x512xf32>
    %dot_general3A = arith.constant dense<0.000000e+00> : vector<400x512xf32>
    %dot_general3A_18 = tpu.matmul %get3A_14, %get3A_17, %dot_general3A {dimension_numbers = #tpu.dot_dimension_numbers<[1], [0], [0], [1], [0, 0, 1, 1], [], []>, transpose_lhs_hint = false} : vector<400x256xf32>, vector<256x512xf32>, vector<400x512xf32> -> vector<400x512xf32>
    %mul3A = vector.broadcast %rsqrt3A : vector<400x1xf32> to vector<400x512xf32>
    %mul3A_19 = arith.mulf %dot_general3A_18, %mul3A : vector<400x512xf32>
    %swap3A = arith.constant 0 : index
    %swap3A_20 = arith.constant 0 : index
    %swap3A_21 = vector.load %arg4[%swap3A, %swap3A_20] : memref<400x1xf32, #tpu.memory_space<vmem>>, vector<400x1xf32>
    tpu.vector_store %arg4[%swap3A, %swap3A_20], %rsqrt3A {strides = array<i32>} : memref<400x1xf32, #tpu.memory_space<vmem>>, vector<400x1xf32>,
    %slice3A = vector.extract_strided_slice %mul3A_19 {offsets = [0, 0], sizes = [400, 128], strides = [1, 1]} : vector<400x512xf32> to vector<400x128xf32>
    %swap3A_22 = arith.constant 0 : index
    %swap3A_23 = arith.constant 0 : index
    %swap3A_24 = vector.load %arg5[%swap3A_22, %swap3A_23] : memref<400x128xf32, #tpu.memory_space<vmem>>, vector<400x128xf32>
    tpu.vector_store %arg5[%swap3A_22, %swap3A_23], %slice3A {strides = array<i32>} : memref<400x128xf32, #tpu.memory_space<vmem>>, vector<400x128xf32>,
    %slice3A_25 = vector.extract_strided_slice %mul3A_19 {offsets = [0, 128], sizes = [400, 128], strides = [1, 1]} : vector<400x512xf32> to vector<400x128xf32>
    %swap3A_26 = arith.constant 0 : index
    %swap3A_27 = arith.constant 0 : index
    %swap3A_28 = vector.load %arg6[%swap3A_26, %swap3A_27] : memref<400x128xf32, #tpu.memory_space<vmem>>, vector<400x128xf32>
    tpu.vector_store %arg6[%swap3A_26, %swap3A_27], %slice3A_25 {strides = array<i32>} : memref<400x128xf32, #tpu.memory_space<vmem>>, vector<400x128xf32>,
    %slice3A_29 = vector.extract_strided_slice %mul3A_19 {offsets = [0, 256], sizes = [400, 128], strides = [1, 1]} : vector<400x512xf32> to vector<400x128xf32>
    %swap3A_30 = arith.constant 0 : index
    %swap3A_31 = arith.constant 0 : index
    %swap3A_32 = vector.load %arg7[%swap3A_30, %swap3A_31] : memref<400x128xf32, #tpu.memory_space<vmem>>, vector<400x128xf32>
    tpu.vector_store %arg7[%swap3A_30, %swap3A_31], %slice3A_29 {strides = array<i32>} : memref<400x128xf32, #tpu.memory_space<vmem>>, vector<400x128xf32>,
    %slice3A_33 = vector.extract_strided_slice %mul3A_19 {offsets = [0, 384], sizes = [400, 128], strides = [1, 1]} : vector<400x512xf32> to vector<400x128xf32>
    %swap3A_34 = arith.constant 0 : index
    %swap3A_35 = arith.constant 0 : index
    %swap3A_36 = vector.load %arg8[%swap3A_34, %swap3A_35] : memref<400x128xf32, #tpu.memory_space<vmem>>, vector<400x128xf32>
    tpu.vector_store %arg8[%swap3A_34, %swap3A_35], %slice3A_33 {strides = array<i32>} : memref<400x128xf32, #tpu.memory_space<vmem>>, vector<400x128xf32>,
    return
  }
  func.func @transform_0(%arg0: i32) -> (i32, i32) {
    %c0_i32 = arith.constant 0 : i32
    %c0_i32_0 = arith.constant 0 : i32
    return %arg0, %c0_i32 : i32, i32
  }
  func.func @transform_1(%arg0: i32) -> (i32, i32) {
    %c0_i32 = arith.constant 0 : i32
    %c0_i32_0 = arith.constant 0 : i32
    %c0_i32_1 = arith.constant 0 : i32
    return %c0_i32, %c0_i32_0 : i32, i32
  }
  func.func @transform_2(%arg0: i32) -> (i32, i32, i32) {
    %c0_i32 = arith.constant 0 : i32
    %c0_i32_0 = arith.constant 0 : i32
    %c0_i32_1 = arith.constant 0 : i32
    return %c0_i32, %arg0, %c0_i32_0 : i32, i32, i32
  }
  func.func @transform_3(%arg0: i32) -> (i32, i32) {
    %c0_i32 = arith.constant 0 : i32
    %c0_i32_0 = arith.constant 0 : i32
    return %arg0, %c0_i32 : i32, i32
  }
  func.func @transform_4(%arg0: i32) -> (i32, i32) {
    %c0_i32 = arith.constant 0 : i32
    %c0_i32_0 = arith.constant 0 : i32
    return %arg0, %c0_i32 : i32, i32
  }
  func.func @transform_5(%arg0: i32) -> (i32, i32) {
    %c0_i32 = arith.constant 0 : i32
    %c0_i32_0 = arith.constant 0 : i32
    return %arg0, %c0_i32 : i32, i32
  }
  func.func @transform_6(%arg0: i32) -> (i32, i32) {
    %c0_i32 = arith.constant 0 : i32
    %c0_i32_0 = arith.constant 0 : i32
    return %arg0, %c0_i32 : i32, i32
  }
  func.func @transform_7(%arg0: i32) -> (i32, i32) {
    %c0_i32 = arith.constant 0 : i32
    %c0_i32_0 = arith.constant 0 : i32
    return %arg0, %c0_i32 : i32, i32
  }
}

module attributes {stable_mosaic.version = 14 : i64} {
  func.func @body(%arg0: i32, %arg1: memref<2x400x128xf32, #tpu.memory_space<vmem>>, %arg2: memref<2x400x128xf32, #tpu.memory_space<vmem>>, %arg3: memref<2x400x128xf32, #tpu.memory_space<vmem>>, %arg4: memref<2x400x128xf32, #tpu.memory_space<vmem>>, %arg5: memref<400x128xf32, #tpu.memory_space<vmem>>, %arg6: memref<400x128xf32, #tpu.memory_space<vmem>>, %arg7: memref<400x128xf32, #tpu.memory_space<vmem>>, %arg8: memref<400x128xf32, #tpu.memory_space<vmem>>, %arg9: memref<400x1xf32, #tpu.memory_space<vmem>>, %arg10: memref<4x128xf32, #tpu.memory_space<vmem>>, %arg11: memref<400x128xf32, #tpu.memory_space<vmem>>, %arg12: memref<400x128xf32, #tpu.memory_space<vmem>>, %arg13: memref<400x128xf32, #tpu.memory_space<vmem>>, %arg14: memref<400x128xf32, #tpu.memory_space<vmem>>, %arg15: memref<2x512xf32, #tpu.memory_space<vmem>>) attributes {dimension_semantics = [#tpu.dimension_semantics<arbitrary>], iteration_bounds = array<i64: 25>, scalar_prefetch = 0 : i64, scratch_operands = 0 : i64, tpu.core_type = #tpu.core_type<tc>, window_params = [{transform_indices = @transform_0, window_bounds = array<i64: 2, 400, 128>}, {transform_indices = @transform_1, window_bounds = array<i64: 2, 400, 128>}, {transform_indices = @transform_2, window_bounds = array<i64: 2, 400, 128>}, {transform_indices = @transform_3, window_bounds = array<i64: 2, 400, 128>}, {transform_indices = @transform_4, window_bounds = array<i64: 400, 128>}, {transform_indices = @transform_5, window_bounds = array<i64: 400, 128>}, {transform_indices = @transform_6, window_bounds = array<i64: 400, 128>}, {transform_indices = @transform_7, window_bounds = array<i64: 400, 128>}, {transform_indices = @transform_8, window_bounds = array<i64: 400, 1>}, {pipeline_mode = #tpu.pipeline_mode<synchronous>, transform_indices = @transform_9, window_bounds = array<i64: 4, 128>}, {transform_indices = @transform_10, window_bounds = array<i64: 400, 128>}, {transform_indices = @transform_11, window_bounds = array<i64: 400, 128>}, {transform_indices = @transform_12, window_bounds = array<i64: 400, 128>}, {transform_indices = @transform_13, window_bounds = array<i64: 400, 128>}, {pipeline_mode = #tpu.pipeline_mode<synchronous>, transform_indices = @transform_14, window_bounds = array<i64: 2, 512>}]} {
    %eq3A = arith.constant 0 : i32
    %eq3A_0 = arith.cmpi eq, %arg0, %eq3A : i32
    %convert_element_type3A = arith.extui %eq3A_0 : i1 to i32
    %cond3A = arith.constant 0 : i32
    %cond3A_1 = arith.cmpi ne, %convert_element_type3A, %cond3A : i32
    scf.if %cond3A_1 {
      %broadcast_in_dim3A_191 = arith.constant 0.000000e+00 : f32
      %broadcast_in_dim3A_192 = vector.broadcast %broadcast_in_dim3A_191 : f32 to vector<2x512xf32>
      %swap3A_193 = arith.constant 0 : index
      %swap3A_194 = arith.constant 0 : index
      %swap3A_195 = vector.load %arg15[%swap3A_193, %swap3A_194] : memref<2x512xf32, #tpu.memory_space<vmem>>, vector<2x512xf32>
      tpu.vector_store %arg15[%swap3A_193, %swap3A_194], %broadcast_in_dim3A_192 {strides = array<i32>} : memref<2x512xf32, #tpu.memory_space<vmem>>, vector<2x512xf32>,
    } else {
    }
    %get3A = arith.constant 0 : index
    %get3A_2 = arith.constant 0 : index
    %get3A_3 = vector.load %arg9[%get3A, %get3A_2] : memref<400x1xf32, #tpu.memory_space<vmem>>, vector<400x1xf32>
    %get3A_4 = arith.constant 0 : index
    %get3A_5 = arith.constant 0 : index
    %get3A_6 = arith.constant 0 : index
    %get3A_7 = vector.load %arg1[%get3A_4, %get3A_5, %get3A_6] : memref<2x400x128xf32, #tpu.memory_space<vmem>>, vector<1x400x128xf32>
    %get3A_8 = vector.shape_cast %get3A_7 : vector<1x400x128xf32> to vector<400x128xf32>
    %get3A_9 = arith.constant 1 : index
    %get3A_10 = arith.constant 0 : index
    %get3A_11 = arith.constant 0 : index
    %get3A_12 = vector.load %arg1[%get3A_9, %get3A_10, %get3A_11] : memref<2x400x128xf32, #tpu.memory_space<vmem>>, vector<1x400x128xf32>
    %get3A_13 = vector.shape_cast %get3A_12 : vector<1x400x128xf32> to vector<400x128xf32>
    %add3A = arith.addf %get3A_8, %get3A_13 : vector<400x128xf32>
    %get3A_14 = arith.constant 0 : index
    %get3A_15 = arith.constant 0 : index
    %get3A_16 = vector.load %arg5[%get3A_14, %get3A_15] : memref<400x128xf32, #tpu.memory_space<vmem>>, vector<400x128xf32>
    %add3A_17 = arith.addf %add3A, %get3A_16 : vector<400x128xf32>
    %mul3A = vector.broadcast %get3A_3 : vector<400x1xf32> to vector<400x128xf32>
    %mul3A_18 = arith.mulf %mul3A, %add3A_17 : vector<400x128xf32>
    %get3A_19 = arith.constant 0 : index
    %get3A_20 = arith.constant 0 : index
    %get3A_21 = vector.load %arg10[%get3A_19, %get3A_20] : memref<4x128xf32, #tpu.memory_space<vmem>>, vector<1x128xf32>
    %get3A_22 = vector.shape_cast %get3A_21 : vector<1x128xf32> to vector<128xf32>
    %broadcast_in_dim3A = vector.shape_cast %get3A_22 : vector<128xf32> to vector<1x128xf32>
    %add3A_23 = vector.broadcast %broadcast_in_dim3A : vector<1x128xf32> to vector<400x128xf32>
    %add3A_24 = arith.addf %mul3A_18, %add3A_23 : vector<400x128xf32>
    %swap3A = arith.constant 0 : index
    %swap3A_25 = arith.constant 0 : index
    %swap3A_26 = vector.load %arg11[%swap3A, %swap3A_25] : memref<400x128xf32, #tpu.memory_space<vmem>>, vector<400x128xf32>
    tpu.vector_store %arg11[%swap3A, %swap3A_25], %add3A_24 {strides = array<i32>} : memref<400x128xf32, #tpu.memory_space<vmem>>, vector<400x128xf32>,
    %get3A_27 = arith.constant 0 : index
    %get3A_28 = arith.constant 0 : index
    %get3A_29 = vector.load %arg15[%get3A_27, %get3A_28] : memref<2x512xf32, #tpu.memory_space<vmem>>, vector<1x128xf32>
    %reduce_sum3A = arith.constant dense<0.000000e+00> : vector<128xf32>
    %reduce_sum3A_30 = vector.multi_reduction <add>, %add3A_24, %reduce_sum3A [0] : vector<400x128xf32> to vector<128xf32>
    %broadcast_in_dim3A_31 = vector.shape_cast %reduce_sum3A_30 : vector<128xf32> to vector<1x128xf32>
    %add3A_32 = arith.addf %get3A_29, %broadcast_in_dim3A_31 : vector<1x128xf32>
    %swap3A_33 = arith.constant 0 : index
    %swap3A_34 = arith.constant 0 : index
    %swap3A_35 = vector.load %arg15[%swap3A_33, %swap3A_34] : memref<2x512xf32, #tpu.memory_space<vmem>>, vector<1x128xf32>
    tpu.vector_store %arg15[%swap3A_33, %swap3A_34], %add3A_32 {strides = array<i32>} : memref<2x512xf32, #tpu.memory_space<vmem>>, vector<1x128xf32>,
    %get3A_36 = arith.constant 1 : index
    %get3A_37 = arith.constant 0 : index
    %get3A_38 = vector.load %arg15[%get3A_36, %get3A_37] : memref<2x512xf32, #tpu.memory_space<vmem>>, vector<1x128xf32>
    %mul3A_39 = arith.mulf %add3A_24, %add3A_24 : vector<400x128xf32>
    %reduce_sum3A_40 = arith.constant dense<0.000000e+00> : vector<128xf32>
    %reduce_sum3A_41 = vector.multi_reduction <add>, %mul3A_39, %reduce_sum3A_40 [0] : vector<400x128xf32> to vector<128xf32>
    %broadcast_in_dim3A_42 = vector.shape_cast %reduce_sum3A_41 : vector<128xf32> to vector<1x128xf32>
    %add3A_43 = arith.addf %get3A_38, %broadcast_in_dim3A_42 : vector<1x128xf32>
    %swap3A_44 = arith.constant 1 : index
    %swap3A_45 = arith.constant 0 : index
    %swap3A_46 = vector.load %arg15[%swap3A_44, %swap3A_45] : memref<2x512xf32, #tpu.memory_space<vmem>>, vector<1x128xf32>
    tpu.vector_store %arg15[%swap3A_44, %swap3A_45], %add3A_43 {strides = array<i32>} : memref<2x512xf32, #tpu.memory_space<vmem>>, vector<1x128xf32>,
    %get3A_47 = arith.constant 0 : index
    %get3A_48 = arith.constant 0 : index
    %get3A_49 = arith.constant 0 : index
    %get3A_50 = vector.load %arg2[%get3A_47, %get3A_48, %get3A_49] : memref<2x400x128xf32, #tpu.memory_space<vmem>>, vector<1x400x128xf32>
    %get3A_51 = vector.shape_cast %get3A_50 : vector<1x400x128xf32> to vector<400x128xf32>
    %get3A_52 = arith.constant 1 : index
    %get3A_53 = arith.constant 0 : index
    %get3A_54 = arith.constant 0 : index
    %get3A_55 = vector.load %arg2[%get3A_52, %get3A_53, %get3A_54] : memref<2x400x128xf32, #tpu.memory_space<vmem>>, vector<1x400x128xf32>
    %get3A_56 = vector.shape_cast %get3A_55 : vector<1x400x128xf32> to vector<400x128xf32>
    %add3A_57 = arith.addf %get3A_51, %get3A_56 : vector<400x128xf32>
    %get3A_58 = arith.constant 0 : index
    %get3A_59 = arith.constant 0 : index
    %get3A_60 = vector.load %arg6[%get3A_58, %get3A_59] : memref<400x128xf32, #tpu.memory_space<vmem>>, vector<400x128xf32>
    %add3A_61 = arith.addf %add3A_57, %get3A_60 : vector<400x128xf32>
    %mul3A_62 = vector.broadcast %get3A_3 : vector<400x1xf32> to vector<400x128xf32>
    %mul3A_63 = arith.mulf %mul3A_62, %add3A_61 : vector<400x128xf32>
    %get3A_64 = arith.constant 1 : index
    %get3A_65 = arith.constant 0 : index
    %get3A_66 = vector.load %arg10[%get3A_64, %get3A_65] : memref<4x128xf32, #tpu.memory_space<vmem>>, vector<1x128xf32>
    %get3A_67 = vector.shape_cast %get3A_66 : vector<1x128xf32> to vector<128xf32>
    %broadcast_in_dim3A_68 = vector.shape_cast %get3A_67 : vector<128xf32> to vector<1x128xf32>
    %add3A_69 = vector.broadcast %broadcast_in_dim3A_68 : vector<1x128xf32> to vector<400x128xf32>
    %add3A_70 = arith.addf %mul3A_63, %add3A_69 : vector<400x128xf32>
    %swap3A_71 = arith.constant 0 : index
    %swap3A_72 = arith.constant 0 : index
    %swap3A_73 = vector.load %arg12[%swap3A_71, %swap3A_72] : memref<400x128xf32, #tpu.memory_space<vmem>>, vector<400x128xf32>
    tpu.vector_store %arg12[%swap3A_71, %swap3A_72], %add3A_70 {strides = array<i32>} : memref<400x128xf32, #tpu.memory_space<vmem>>, vector<400x128xf32>,
    %get3A_74 = arith.constant 0 : index
    %get3A_75 = arith.constant 128 : index
    %get3A_76 = vector.load %arg15[%get3A_74, %get3A_75] : memref<2x512xf32, #tpu.memory_space<vmem>>, vector<1x128xf32>
    %reduce_sum3A_77 = arith.constant dense<0.000000e+00> : vector<128xf32>
    %reduce_sum3A_78 = vector.multi_reduction <add>, %add3A_70, %reduce_sum3A_77 [0] : vector<400x128xf32> to vector<128xf32>
    %broadcast_in_dim3A_79 = vector.shape_cast %reduce_sum3A_78 : vector<128xf32> to vector<1x128xf32>
    %add3A_80 = arith.addf %get3A_76, %broadcast_in_dim3A_79 : vector<1x128xf32>
    %swap3A_81 = arith.constant 0 : index
    %swap3A_82 = arith.constant 128 : index
    %swap3A_83 = vector.load %arg15[%swap3A_81, %swap3A_82] : memref<2x512xf32, #tpu.memory_space<vmem>>, vector<1x128xf32>
    tpu.vector_store %arg15[%swap3A_81, %swap3A_82], %add3A_80 {strides = array<i32>} : memref<2x512xf32, #tpu.memory_space<vmem>>, vector<1x128xf32>,
    %get3A_84 = arith.constant 1 : index
    %get3A_85 = arith.constant 128 : index
    %get3A_86 = vector.load %arg15[%get3A_84, %get3A_85] : memref<2x512xf32, #tpu.memory_space<vmem>>, vector<1x128xf32>
    %mul3A_87 = arith.mulf %add3A_70, %add3A_70 : vector<400x128xf32>
    %reduce_sum3A_88 = arith.constant dense<0.000000e+00> : vector<128xf32>
    %reduce_sum3A_89 = vector.multi_reduction <add>, %mul3A_87, %reduce_sum3A_88 [0] : vector<400x128xf32> to vector<128xf32>
    %broadcast_in_dim3A_90 = vector.shape_cast %reduce_sum3A_89 : vector<128xf32> to vector<1x128xf32>
    %add3A_91 = arith.addf %get3A_86, %broadcast_in_dim3A_90 : vector<1x128xf32>
    %swap3A_92 = arith.constant 1 : index
    %swap3A_93 = arith.constant 128 : index
    %swap3A_94 = vector.load %arg15[%swap3A_92, %swap3A_93] : memref<2x512xf32, #tpu.memory_space<vmem>>, vector<1x128xf32>
    tpu.vector_store %arg15[%swap3A_92, %swap3A_93], %add3A_91 {strides = array<i32>} : memref<2x512xf32, #tpu.memory_space<vmem>>, vector<1x128xf32>,
    %get3A_95 = arith.constant 0 : index
    %get3A_96 = arith.constant 0 : index
    %get3A_97 = arith.constant 0 : index
    %get3A_98 = vector.load %arg3[%get3A_95, %get3A_96, %get3A_97] : memref<2x400x128xf32, #tpu.memory_space<vmem>>, vector<1x400x128xf32>
    %get3A_99 = vector.shape_cast %get3A_98 : vector<1x400x128xf32> to vector<400x128xf32>
    %get3A_100 = arith.constant 1 : index
    %get3A_101 = arith.constant 0 : index
    %get3A_102 = arith.constant 0 : index
    %get3A_103 = vector.load %arg3[%get3A_100, %get3A_101, %get3A_102] : memref<2x400x128xf32, #tpu.memory_space<vmem>>, vector<1x400x128xf32>
    %get3A_104 = vector.shape_cast %get3A_103 : vector<1x400x128xf32> to vector<400x128xf32>
    %add3A_105 = arith.addf %get3A_99, %get3A_104 : vector<400x128xf32>
    %get3A_106 = arith.constant 0 : index
    %get3A_107 = arith.constant 0 : index
    %get3A_108 = vector.load %arg7[%get3A_106, %get3A_107] : memref<400x128xf32, #tpu.memory_space<vmem>>, vector<400x128xf32>
    %add3A_109 = arith.addf %add3A_105, %get3A_108 : vector<400x128xf32>
    %mul3A_110 = vector.broadcast %get3A_3 : vector<400x1xf32> to vector<400x128xf32>
    %mul3A_111 = arith.mulf %mul3A_110, %add3A_109 : vector<400x128xf32>
    %get3A_112 = arith.constant 2 : index
    %get3A_113 = arith.constant 0 : index
    %get3A_114 = vector.load %arg10[%get3A_112, %get3A_113] : memref<4x128xf32, #tpu.memory_space<vmem>>, vector<1x128xf32>
    %get3A_115 = vector.shape_cast %get3A_114 : vector<1x128xf32> to vector<128xf32>
    %broadcast_in_dim3A_116 = vector.shape_cast %get3A_115 : vector<128xf32> to vector<1x128xf32>
    %add3A_117 = vector.broadcast %broadcast_in_dim3A_116 : vector<1x128xf32> to vector<400x128xf32>
    %add3A_118 = arith.addf %mul3A_111, %add3A_117 : vector<400x128xf32>
    %swap3A_119 = arith.constant 0 : index
    %swap3A_120 = arith.constant 0 : index
    %swap3A_121 = vector.load %arg13[%swap3A_119, %swap3A_120] : memref<400x128xf32, #tpu.memory_space<vmem>>, vector<400x128xf32>
    tpu.vector_store %arg13[%swap3A_119, %swap3A_120], %add3A_118 {strides = array<i32>} : memref<400x128xf32, #tpu.memory_space<vmem>>, vector<400x128xf32>,
    %get3A_122 = arith.constant 0 : index
    %get3A_123 = arith.constant 256 : index
    %get3A_124 = vector.load %arg15[%get3A_122, %get3A_123] : memref<2x512xf32, #tpu.memory_space<vmem>>, vector<1x128xf32>
    %reduce_sum3A_125 = arith.constant dense<0.000000e+00> : vector<128xf32>
    %reduce_sum3A_126 = vector.multi_reduction <add>, %add3A_118, %reduce_sum3A_125 [0] : vector<400x128xf32> to vector<128xf32>
    %broadcast_in_dim3A_127 = vector.shape_cast %reduce_sum3A_126 : vector<128xf32> to vector<1x128xf32>
    %add3A_128 = arith.addf %get3A_124, %broadcast_in_dim3A_127 : vector<1x128xf32>
    %swap3A_129 = arith.constant 0 : index
    %swap3A_130 = arith.constant 256 : index
    %swap3A_131 = vector.load %arg15[%swap3A_129, %swap3A_130] : memref<2x512xf32, #tpu.memory_space<vmem>>, vector<1x128xf32>
    tpu.vector_store %arg15[%swap3A_129, %swap3A_130], %add3A_128 {strides = array<i32>} : memref<2x512xf32, #tpu.memory_space<vmem>>, vector<1x128xf32>,
    %get3A_132 = arith.constant 1 : index
    %get3A_133 = arith.constant 256 : index
    %get3A_134 = vector.load %arg15[%get3A_132, %get3A_133] : memref<2x512xf32, #tpu.memory_space<vmem>>, vector<1x128xf32>
    %mul3A_135 = arith.mulf %add3A_118, %add3A_118 : vector<400x128xf32>
    %reduce_sum3A_136 = arith.constant dense<0.000000e+00> : vector<128xf32>
    %reduce_sum3A_137 = vector.multi_reduction <add>, %mul3A_135, %reduce_sum3A_136 [0] : vector<400x128xf32> to vector<128xf32>
    %broadcast_in_dim3A_138 = vector.shape_cast %reduce_sum3A_137 : vector<128xf32> to vector<1x128xf32>
    %add3A_139 = arith.addf %get3A_134, %broadcast_in_dim3A_138 : vector<1x128xf32>
    %swap3A_140 = arith.constant 1 : index
    %swap3A_141 = arith.constant 256 : index
    %swap3A_142 = vector.load %arg15[%swap3A_140, %swap3A_141] : memref<2x512xf32, #tpu.memory_space<vmem>>, vector<1x128xf32>
    tpu.vector_store %arg15[%swap3A_140, %swap3A_141], %add3A_139 {strides = array<i32>} : memref<2x512xf32, #tpu.memory_space<vmem>>, vector<1x128xf32>,
    %get3A_143 = arith.constant 0 : index
    %get3A_144 = arith.constant 0 : index
    %get3A_145 = arith.constant 0 : index
    %get3A_146 = vector.load %arg4[%get3A_143, %get3A_144, %get3A_145] : memref<2x400x128xf32, #tpu.memory_space<vmem>>, vector<1x400x128xf32>
    %get3A_147 = vector.shape_cast %get3A_146 : vector<1x400x128xf32> to vector<400x128xf32>
    %get3A_148 = arith.constant 1 : index
    %get3A_149 = arith.constant 0 : index
    %get3A_150 = arith.constant 0 : index
    %get3A_151 = vector.load %arg4[%get3A_148, %get3A_149, %get3A_150] : memref<2x400x128xf32, #tpu.memory_space<vmem>>, vector<1x400x128xf32>
    %get3A_152 = vector.shape_cast %get3A_151 : vector<1x400x128xf32> to vector<400x128xf32>
    %add3A_153 = arith.addf %get3A_147, %get3A_152 : vector<400x128xf32>
    %get3A_154 = arith.constant 0 : index
    %get3A_155 = arith.constant 0 : index
    %get3A_156 = vector.load %arg8[%get3A_154, %get3A_155] : memref<400x128xf32, #tpu.memory_space<vmem>>, vector<400x128xf32>
    %add3A_157 = arith.addf %add3A_153, %get3A_156 : vector<400x128xf32>
    %mul3A_158 = vector.broadcast %get3A_3 : vector<400x1xf32> to vector<400x128xf32>
    %mul3A_159 = arith.mulf %mul3A_158, %add3A_157 : vector<400x128xf32>
    %get3A_160 = arith.constant 3 : index
    %get3A_161 = arith.constant 0 : index
    %get3A_162 = vector.load %arg10[%get3A_160, %get3A_161] : memref<4x128xf32, #tpu.memory_space<vmem>>, vector<1x128xf32>
    %get3A_163 = vector.shape_cast %get3A_162 : vector<1x128xf32> to vector<128xf32>
    %broadcast_in_dim3A_164 = vector.shape_cast %get3A_163 : vector<128xf32> to vector<1x128xf32>
    %add3A_165 = vector.broadcast %broadcast_in_dim3A_164 : vector<1x128xf32> to vector<400x128xf32>
    %add3A_166 = arith.addf %mul3A_159, %add3A_165 : vector<400x128xf32>
    %swap3A_167 = arith.constant 0 : index
    %swap3A_168 = arith.constant 0 : index
    %swap3A_169 = vector.load %arg14[%swap3A_167, %swap3A_168] : memref<400x128xf32, #tpu.memory_space<vmem>>, vector<400x128xf32>
    tpu.vector_store %arg14[%swap3A_167, %swap3A_168], %add3A_166 {strides = array<i32>} : memref<400x128xf32, #tpu.memory_space<vmem>>, vector<400x128xf32>,
    %get3A_170 = arith.constant 0 : index
    %get3A_171 = arith.constant 384 : index
    %get3A_172 = vector.load %arg15[%get3A_170, %get3A_171] : memref<2x512xf32, #tpu.memory_space<vmem>>, vector<1x128xf32>
    %reduce_sum3A_173 = arith.constant dense<0.000000e+00> : vector<128xf32>
    %reduce_sum3A_174 = vector.multi_reduction <add>, %add3A_166, %reduce_sum3A_173 [0] : vector<400x128xf32> to vector<128xf32>
    %broadcast_in_dim3A_175 = vector.shape_cast %reduce_sum3A_174 : vector<128xf32> to vector<1x128xf32>
    %add3A_176 = arith.addf %get3A_172, %broadcast_in_dim3A_175 : vector<1x128xf32>
    %swap3A_177 = arith.constant 0 : index
    %swap3A_178 = arith.constant 384 : index
    %swap3A_179 = vector.load %arg15[%swap3A_177, %swap3A_178] : memref<2x512xf32, #tpu.memory_space<vmem>>, vector<1x128xf32>
    tpu.vector_store %arg15[%swap3A_177, %swap3A_178], %add3A_176 {strides = array<i32>} : memref<2x512xf32, #tpu.memory_space<vmem>>, vector<1x128xf32>,
    %get3A_180 = arith.constant 1 : index
    %get3A_181 = arith.constant 384 : index
    %get3A_182 = vector.load %arg15[%get3A_180, %get3A_181] : memref<2x512xf32, #tpu.memory_space<vmem>>, vector<1x128xf32>
    %mul3A_183 = arith.mulf %add3A_166, %add3A_166 : vector<400x128xf32>
    %reduce_sum3A_184 = arith.constant dense<0.000000e+00> : vector<128xf32>
    %reduce_sum3A_185 = vector.multi_reduction <add>, %mul3A_183, %reduce_sum3A_184 [0] : vector<400x128xf32> to vector<128xf32>
    %broadcast_in_dim3A_186 = vector.shape_cast %reduce_sum3A_185 : vector<128xf32> to vector<1x128xf32>
    %add3A_187 = arith.addf %get3A_182, %broadcast_in_dim3A_186 : vector<1x128xf32>
    %swap3A_188 = arith.constant 1 : index
    %swap3A_189 = arith.constant 384 : index
    %swap3A_190 = vector.load %arg15[%swap3A_188, %swap3A_189] : memref<2x512xf32, #tpu.memory_space<vmem>>, vector<1x128xf32>
    tpu.vector_store %arg15[%swap3A_188, %swap3A_189], %add3A_187 {strides = array<i32>} : memref<2x512xf32, #tpu.memory_space<vmem>>, vector<1x128xf32>,
    return
  }
  func.func @transform_0(%arg0: i32) -> (i32, i32, i32) {
    %c0_i32 = arith.constant 0 : i32
    %c0_i32_0 = arith.constant 0 : i32
    %c0_i32_1 = arith.constant 0 : i32
    return %c0_i32, %arg0, %c0_i32_0 : i32, i32, i32
  }
  func.func @transform_1(%arg0: i32) -> (i32, i32, i32) {
    %c0_i32 = arith.constant 0 : i32
    %c0_i32_0 = arith.constant 0 : i32
    %c0_i32_1 = arith.constant 0 : i32
    return %c0_i32, %arg0, %c0_i32_0 : i32, i32, i32
  }
  func.func @transform_2(%arg0: i32) -> (i32, i32, i32) {
    %c0_i32 = arith.constant 0 : i32
    %c0_i32_0 = arith.constant 0 : i32
    %c0_i32_1 = arith.constant 0 : i32
    return %c0_i32, %arg0, %c0_i32_0 : i32, i32, i32
  }
  func.func @transform_3(%arg0: i32) -> (i32, i32, i32) {
    %c0_i32 = arith.constant 0 : i32
    %c0_i32_0 = arith.constant 0 : i32
    %c0_i32_1 = arith.constant 0 : i32
    return %c0_i32, %arg0, %c0_i32_0 : i32, i32, i32
  }
  func.func @transform_4(%arg0: i32) -> (i32, i32) {
    %c0_i32 = arith.constant 0 : i32
    %c0_i32_0 = arith.constant 0 : i32
    return %arg0, %c0_i32 : i32, i32
  }
  func.func @transform_5(%arg0: i32) -> (i32, i32) {
    %c0_i32 = arith.constant 0 : i32
    %c0_i32_0 = arith.constant 0 : i32
    return %arg0, %c0_i32 : i32, i32
  }
  func.func @transform_6(%arg0: i32) -> (i32, i32) {
    %c0_i32 = arith.constant 0 : i32
    %c0_i32_0 = arith.constant 0 : i32
    return %arg0, %c0_i32 : i32, i32
  }
  func.func @transform_7(%arg0: i32) -> (i32, i32) {
    %c0_i32 = arith.constant 0 : i32
    %c0_i32_0 = arith.constant 0 : i32
    return %arg0, %c0_i32 : i32, i32
  }
  func.func @transform_8(%arg0: i32) -> (i32, i32) {
    %c0_i32 = arith.constant 0 : i32
    %c0_i32_0 = arith.constant 0 : i32
    return %arg0, %c0_i32 : i32, i32
  }
  func.func @transform_9(%arg0: i32) -> (i32, i32) {
    %c0_i32 = arith.constant 0 : i32
    %c0_i32_0 = arith.constant 0 : i32
    %c0_i32_1 = arith.constant 0 : i32
    return %c0_i32, %c0_i32_0 : i32, i32
  }
  func.func @transform_10(%arg0: i32) -> (i32, i32) {
    %c0_i32 = arith.constant 0 : i32
    %c0_i32_0 = arith.constant 0 : i32
    return %arg0, %c0_i32 : i32, i32
  }
  func.func @transform_11(%arg0: i32) -> (i32, i32) {
    %c0_i32 = arith.constant 0 : i32
    %c0_i32_0 = arith.constant 0 : i32
    return %arg0, %c0_i32 : i32, i32
  }
  func.func @transform_12(%arg0: i32) -> (i32, i32) {
    %c0_i32 = arith.constant 0 : i32
    %c0_i32_0 = arith.constant 0 : i32
    return %arg0, %c0_i32 : i32, i32
  }
  func.func @transform_13(%arg0: i32) -> (i32, i32) {
    %c0_i32 = arith.constant 0 : i32
    %c0_i32_0 = arith.constant 0 : i32
    return %arg0, %c0_i32 : i32, i32
  }
  func.func @transform_14(%arg0: i32) -> (i32, i32) {
    %c0_i32 = arith.constant 0 : i32
    %c0_i32_0 = arith.constant 0 : i32
    %c0_i32_1 = arith.constant 0 : i32
    return %c0_i32, %c0_i32_0 : i32, i32
  }
}

module attributes {stable_mosaic.version = 14 : i64} {
  func.func @body(%arg0: i32, %arg1: memref<400x128xf32, #tpu.memory_space<vmem>>, %arg2: memref<400x128xf32, #tpu.memory_space<vmem>>, %arg3: memref<400x128xf32, #tpu.memory_space<vmem>>, %arg4: memref<400x128xf32, #tpu.memory_space<vmem>>, %arg5: memref<2x512xf32, #tpu.memory_space<vmem>>, %arg6: memref<1x512xf32, #tpu.memory_space<vmem>>, %arg7: memref<1x512xf32, #tpu.memory_space<vmem>>, %arg8: memref<512x512xf32, #tpu.memory_space<vmem>>, %arg9: memref<400x1xf32, #tpu.memory_space<vmem>>, %arg10: memref<400x128xf32, #tpu.memory_space<vmem>>, %arg11: memref<400x128xf32, #tpu.memory_space<vmem>>, %arg12: memref<400x128xf32, #tpu.memory_space<vmem>>, %arg13: memref<400x128xf32, #tpu.memory_space<vmem>>) attributes {dimension_semantics = [#tpu.dimension_semantics<arbitrary>], iteration_bounds = array<i64: 25>, scalar_prefetch = 0 : i64, scratch_operands = 0 : i64, tpu.core_type = #tpu.core_type<tc>, window_params = [{transform_indices = @transform_0, window_bounds = array<i64: 400, 128>}, {transform_indices = @transform_1, window_bounds = array<i64: 400, 128>}, {transform_indices = @transform_2, window_bounds = array<i64: 400, 128>}, {transform_indices = @transform_3, window_bounds = array<i64: 400, 128>}, {pipeline_mode = #tpu.pipeline_mode<synchronous>, transform_indices = @transform_4, window_bounds = array<i64: 2, 512>}, {pipeline_mode = #tpu.pipeline_mode<synchronous>, transform_indices = @transform_5, window_bounds = array<i64: 1, 512>}, {pipeline_mode = #tpu.pipeline_mode<synchronous>, transform_indices = @transform_6, window_bounds = array<i64: 1, 512>}, {pipeline_mode = #tpu.pipeline_mode<synchronous>, transform_indices = @transform_7, window_bounds = array<i64: 512, 512>}, {transform_indices = @transform_8, window_bounds = array<i64: 400, 1>}, {transform_indices = @transform_9, window_bounds = array<i64: 400, 128>}, {transform_indices = @transform_10, window_bounds = array<i64: 400, 128>}, {transform_indices = @transform_11, window_bounds = array<i64: 400, 128>}, {transform_indices = @transform_12, window_bounds = array<i64: 400, 128>}]} {
    %get3A = arith.constant 0 : index
    %get3A_0 = arith.constant 0 : index
    %get3A_1 = vector.load %arg5[%get3A, %get3A_0] : memref<2x512xf32, #tpu.memory_space<vmem>>, vector<1x512xf32>
    %mul3A = arith.constant 9.99999974E-5 : f32
    %mul3A_2 = vector.broadcast %mul3A : f32 to vector<1x512xf32>
    %mul3A_3 = arith.mulf %get3A_1, %mul3A_2 : vector<1x512xf32>
    %get3A_4 = arith.constant 1 : index
    %get3A_5 = arith.constant 0 : index
    %get3A_6 = vector.load %arg5[%get3A_4, %get3A_5] : memref<2x512xf32, #tpu.memory_space<vmem>>, vector<1x512xf32>
    %mul3A_7 = arith.constant 9.99999974E-5 : f32
    %mul3A_8 = vector.broadcast %mul3A_7 : f32 to vector<1x512xf32>
    %mul3A_9 = arith.mulf %get3A_6, %mul3A_8 : vector<1x512xf32>
    %mul3A_10 = arith.mulf %mul3A_3, %mul3A_3 : vector<1x512xf32>
    %sub3A = arith.subf %mul3A_9, %mul3A_10 : vector<1x512xf32>
    %get3A_11 = arith.constant 0 : index
    %get3A_12 = arith.constant 0 : index
    %get3A_13 = vector.load %arg6[%get3A_11, %get3A_12] : memref<1x512xf32, #tpu.memory_space<vmem>>, vector<1x512xf32>
    %add3A = arith.constant 9.99999974E-6 : f32
    %add3A_14 = vector.broadcast %add3A : f32 to vector<1x512xf32>
    %add3A_15 = arith.addf %sub3A, %add3A_14 : vector<1x512xf32>
    %rsqrt3A = math.rsqrt %add3A_15 : vector<1x512xf32>
    %mul3A_16 = arith.mulf %get3A_13, %rsqrt3A : vector<1x512xf32>
    %get3A_17 = arith.constant 0 : index
    %get3A_18 = arith.constant 0 : index
    %get3A_19 = vector.load %arg1[%get3A_17, %get3A_18] : memref<400x128xf32, #tpu.memory_space<vmem>>, vector<400x128xf32>
    %get3A_20 = arith.constant 0 : index
    %get3A_21 = arith.constant 0 : index
    %get3A_22 = vector.load %arg2[%get3A_20, %get3A_21] : memref<400x128xf32, #tpu.memory_space<vmem>>, vector<400x128xf32>
    %get3A_23 = arith.constant 0 : index
    %get3A_24 = arith.constant 0 : index
    %get3A_25 = vector.load %arg3[%get3A_23, %get3A_24] : memref<400x128xf32, #tpu.memory_space<vmem>>, vector<400x128xf32>
    %get3A_26 = arith.constant 0 : index
    %get3A_27 = arith.constant 0 : index
    %get3A_28 = vector.load %arg4[%get3A_26, %get3A_27] : memref<400x128xf32, #tpu.memory_space<vmem>>, vector<400x128xf32>
    %concatenate3A = tpu.concatenate %get3A_19, %get3A_22, %get3A_25, %get3A_28 in 1 : vector<400x128xf32>, vector<400x128xf32>, vector<400x128xf32>, vector<400x128xf32> -> vector<400x512xf32>
    %sub3A_29 = vector.broadcast %mul3A_3 : vector<1x512xf32> to vector<400x512xf32>
    %sub3A_30 = arith.subf %concatenate3A, %sub3A_29 : vector<400x512xf32>
    %mul3A_31 = vector.broadcast %mul3A_16 : vector<1x512xf32> to vector<400x512xf32>
    %mul3A_32 = arith.mulf %sub3A_30, %mul3A_31 : vector<400x512xf32>
    %get3A_33 = arith.constant 0 : index
    %get3A_34 = arith.constant 0 : index
    %get3A_35 = vector.load %arg7[%get3A_33, %get3A_34] : memref<1x512xf32, #tpu.memory_space<vmem>>, vector<1x512xf32>
    %add3A_36 = vector.broadcast %get3A_35 : vector<1x512xf32> to vector<400x512xf32>
    %add3A_37 = arith.addf %mul3A_32, %add3A_36 : vector<400x512xf32>
    %max3A = arith.constant 0.000000e+00 : f32
    %max3A_38 = vector.broadcast %max3A : f32 to vector<400x512xf32>
    %max3A_39 = arith.maximumf %add3A_37, %max3A_38 : vector<400x512xf32>
    %get3A_40 = arith.constant 0 : index
    %get3A_41 = arith.constant 0 : index
    %get3A_42 = vector.load %arg8[%get3A_40, %get3A_41] : memref<512x512xf32, #tpu.memory_space<vmem>>, vector<512x512xf32>
    %dot_general3A = arith.constant dense<0.000000e+00> : vector<400x512xf32>
    %dot_general3A_43 = tpu.matmul %max3A_39, %get3A_42, %dot_general3A {dimension_numbers = #tpu.dot_dimension_numbers<[1], [0], [0], [1], [0, 0, 1, 1], [], []>, transpose_lhs_hint = false} : vector<400x512xf32>, vector<512x512xf32>, vector<400x512xf32> -> vector<400x512xf32>
    %get3A_44 = arith.constant 0 : index
    %get3A_45 = arith.constant 0 : index
    %get3A_46 = vector.load %arg9[%get3A_44, %get3A_45] : memref<400x1xf32, #tpu.memory_space<vmem>>, vector<400x1xf32>
    %mul3A_47 = vector.broadcast %get3A_46 : vector<400x1xf32> to vector<400x512xf32>
    %mul3A_48 = arith.mulf %dot_general3A_43, %mul3A_47 : vector<400x512xf32>
    %slice3A = vector.extract_strided_slice %mul3A_48 {offsets = [0, 0], sizes = [400, 128], strides = [1, 1]} : vector<400x512xf32> to vector<400x128xf32>
    %swap3A = arith.constant 0 : index
    %swap3A_49 = arith.constant 0 : index
    %swap3A_50 = vector.load %arg10[%swap3A, %swap3A_49] : memref<400x128xf32, #tpu.memory_space<vmem>>, vector<400x128xf32>
    tpu.vector_store %arg10[%swap3A, %swap3A_49], %slice3A {strides = array<i32>} : memref<400x128xf32, #tpu.memory_space<vmem>>, vector<400x128xf32>,
    %slice3A_51 = vector.extract_strided_slice %mul3A_48 {offsets = [0, 128], sizes = [400, 128], strides = [1, 1]} : vector<400x512xf32> to vector<400x128xf32>
    %swap3A_52 = arith.constant 0 : index
    %swap3A_53 = arith.constant 0 : index
    %swap3A_54 = vector.load %arg11[%swap3A_52, %swap3A_53] : memref<400x128xf32, #tpu.memory_space<vmem>>, vector<400x128xf32>
    tpu.vector_store %arg11[%swap3A_52, %swap3A_53], %slice3A_51 {strides = array<i32>} : memref<400x128xf32, #tpu.memory_space<vmem>>, vector<400x128xf32>,
    %slice3A_55 = vector.extract_strided_slice %mul3A_48 {offsets = [0, 256], sizes = [400, 128], strides = [1, 1]} : vector<400x512xf32> to vector<400x128xf32>
    %swap3A_56 = arith.constant 0 : index
    %swap3A_57 = arith.constant 0 : index
    %swap3A_58 = vector.load %arg12[%swap3A_56, %swap3A_57] : memref<400x128xf32, #tpu.memory_space<vmem>>, vector<400x128xf32>
    tpu.vector_store %arg12[%swap3A_56, %swap3A_57], %slice3A_55 {strides = array<i32>} : memref<400x128xf32, #tpu.memory_space<vmem>>, vector<400x128xf32>,
    %slice3A_59 = vector.extract_strided_slice %mul3A_48 {offsets = [0, 384], sizes = [400, 128], strides = [1, 1]} : vector<400x512xf32> to vector<400x128xf32>
    %swap3A_60 = arith.constant 0 : index
    %swap3A_61 = arith.constant 0 : index
    %swap3A_62 = vector.load %arg13[%swap3A_60, %swap3A_61] : memref<400x128xf32, #tpu.memory_space<vmem>>, vector<400x128xf32>
    tpu.vector_store %arg13[%swap3A_60, %swap3A_61], %slice3A_59 {strides = array<i32>} : memref<400x128xf32, #tpu.memory_space<vmem>>, vector<400x128xf32>,
    return
  }
  func.func @transform_0(%arg0: i32) -> (i32, i32) {
    %c0_i32 = arith.constant 0 : i32
    %c0_i32_0 = arith.constant 0 : i32
    return %arg0, %c0_i32 : i32, i32
  }
  func.func @transform_1(%arg0: i32) -> (i32, i32) {
    %c0_i32 = arith.constant 0 : i32
    %c0_i32_0 = arith.constant 0 : i32
    return %arg0, %c0_i32 : i32, i32
  }
  func.func @transform_2(%arg0: i32) -> (i32, i32) {
    %c0_i32 = arith.constant 0 : i32
    %c0_i32_0 = arith.constant 0 : i32
    return %arg0, %c0_i32 : i32, i32
  }
  func.func @transform_3(%arg0: i32) -> (i32, i32) {
    %c0_i32 = arith.constant 0 : i32
    %c0_i32_0 = arith.constant 0 : i32
    return %arg0, %c0_i32 : i32, i32
  }
  func.func @transform_4(%arg0: i32) -> (i32, i32) {
    %c0_i32 = arith.constant 0 : i32
    %c0_i32_0 = arith.constant 0 : i32
    %c0_i32_1 = arith.constant 0 : i32
    return %c0_i32, %c0_i32_0 : i32, i32
  }
  func.func @transform_5(%arg0: i32) -> (i32, i32) {
    %c0_i32 = arith.constant 0 : i32
    %c0_i32_0 = arith.constant 0 : i32
    %c0_i32_1 = arith.constant 0 : i32
    return %c0_i32, %c0_i32_0 : i32, i32
  }
  func.func @transform_6(%arg0: i32) -> (i32, i32) {
    %c0_i32 = arith.constant 0 : i32
    %c0_i32_0 = arith.constant 0 : i32
    %c0_i32_1 = arith.constant 0 : i32
    return %c0_i32, %c0_i32_0 : i32, i32
  }
  func.func @transform_7(%arg0: i32) -> (i32, i32) {
    %c0_i32 = arith.constant 0 : i32
    %c0_i32_0 = arith.constant 0 : i32
    %c0_i32_1 = arith.constant 0 : i32
    return %c0_i32, %c0_i32_0 : i32, i32
  }
  func.func @transform_8(%arg0: i32) -> (i32, i32) {
    %c0_i32 = arith.constant 0 : i32
    %c0_i32_0 = arith.constant 0 : i32
    return %arg0, %c0_i32 : i32, i32
  }
  func.func @transform_9(%arg0: i32) -> (i32, i32) {
    %c0_i32 = arith.constant 0 : i32
    %c0_i32_0 = arith.constant 0 : i32
    return %arg0, %c0_i32 : i32, i32
  }
  func.func @transform_10(%arg0: i32) -> (i32, i32) {
    %c0_i32 = arith.constant 0 : i32
    %c0_i32_0 = arith.constant 0 : i32
    return %arg0, %c0_i32 : i32, i32
  }
  func.func @transform_11(%arg0: i32) -> (i32, i32) {
    %c0_i32 = arith.constant 0 : i32
    %c0_i32_0 = arith.constant 0 : i32
    return %arg0, %c0_i32 : i32, i32
  }
  func.func @transform_12(%arg0: i32) -> (i32, i32) {
    %c0_i32 = arith.constant 0 : i32
    %c0_i32_0 = arith.constant 0 : i32
    return %arg0, %c0_i32 : i32, i32
  }
}

module attributes {stable_mosaic.version = 14 : i64} {
  func.func @body(%arg0: i32, %arg1: memref<400x128xf32, #tpu.memory_space<vmem>>, %arg2: memref<400x128xf32, #tpu.memory_space<vmem>>, %arg3: memref<400x128xf32, #tpu.memory_space<vmem>>, %arg4: memref<400x128xf32, #tpu.memory_space<vmem>>, %arg5: memref<2x512xf32, #tpu.memory_space<vmem>>, %arg6: memref<1x512xf32, #tpu.memory_space<vmem>>, %arg7: memref<1x512xf32, #tpu.memory_space<vmem>>, %arg8: memref<512x64xf32, #tpu.memory_space<vmem>>, %arg9: memref<400x1xf32, #tpu.memory_space<vmem>>, %arg10: memref<400x128xf32, #tpu.memory_space<vmem>>) attributes {dimension_semantics = [#tpu.dimension_semantics<arbitrary>], iteration_bounds = array<i64: 25>, scalar_prefetch = 0 : i64, scratch_operands = 0 : i64, tpu.core_type = #tpu.core_type<tc>, window_params = [{transform_indices = @transform_0, window_bounds = array<i64: 400, 128>}, {transform_indices = @transform_1, window_bounds = array<i64: 400, 128>}, {transform_indices = @transform_2, window_bounds = array<i64: 400, 128>}, {transform_indices = @transform_3, window_bounds = array<i64: 400, 128>}, {pipeline_mode = #tpu.pipeline_mode<synchronous>, transform_indices = @transform_4, window_bounds = array<i64: 2, 512>}, {pipeline_mode = #tpu.pipeline_mode<synchronous>, transform_indices = @transform_5, window_bounds = array<i64: 1, 512>}, {pipeline_mode = #tpu.pipeline_mode<synchronous>, transform_indices = @transform_6, window_bounds = array<i64: 1, 512>}, {pipeline_mode = #tpu.pipeline_mode<synchronous>, transform_indices = @transform_7, window_bounds = array<i64: 512, 64>}, {transform_indices = @transform_8, window_bounds = array<i64: 400, 1>}, {transform_indices = @transform_9, window_bounds = array<i64: 400, 128>}]} {
    %get3A = arith.constant 0 : index
    %get3A_0 = arith.constant 0 : index
    %get3A_1 = vector.load %arg5[%get3A, %get3A_0] : memref<2x512xf32, #tpu.memory_space<vmem>>, vector<1x512xf32>
    %mul3A = arith.constant 9.99999974E-5 : f32
    %mul3A_2 = vector.broadcast %mul3A : f32 to vector<1x512xf32>
    %mul3A_3 = arith.mulf %get3A_1, %mul3A_2 : vector<1x512xf32>
    %get3A_4 = arith.constant 1 : index
    %get3A_5 = arith.constant 0 : index
    %get3A_6 = vector.load %arg5[%get3A_4, %get3A_5] : memref<2x512xf32, #tpu.memory_space<vmem>>, vector<1x512xf32>
    %mul3A_7 = arith.constant 9.99999974E-5 : f32
    %mul3A_8 = vector.broadcast %mul3A_7 : f32 to vector<1x512xf32>
    %mul3A_9 = arith.mulf %get3A_6, %mul3A_8 : vector<1x512xf32>
    %mul3A_10 = arith.mulf %mul3A_3, %mul3A_3 : vector<1x512xf32>
    %sub3A = arith.subf %mul3A_9, %mul3A_10 : vector<1x512xf32>
    %get3A_11 = arith.constant 0 : index
    %get3A_12 = arith.constant 0 : index
    %get3A_13 = vector.load %arg6[%get3A_11, %get3A_12] : memref<1x512xf32, #tpu.memory_space<vmem>>, vector<1x512xf32>
    %add3A = arith.constant 9.99999974E-6 : f32
    %add3A_14 = vector.broadcast %add3A : f32 to vector<1x512xf32>
    %add3A_15 = arith.addf %sub3A, %add3A_14 : vector<1x512xf32>
    %rsqrt3A = math.rsqrt %add3A_15 : vector<1x512xf32>
    %mul3A_16 = arith.mulf %get3A_13, %rsqrt3A : vector<1x512xf32>
    %get3A_17 = arith.constant 0 : index
    %get3A_18 = arith.constant 0 : index
    %get3A_19 = vector.load %arg1[%get3A_17, %get3A_18] : memref<400x128xf32, #tpu.memory_space<vmem>>, vector<400x128xf32>
    %get3A_20 = arith.constant 0 : index
    %get3A_21 = arith.constant 0 : index
    %get3A_22 = vector.load %arg2[%get3A_20, %get3A_21] : memref<400x128xf32, #tpu.memory_space<vmem>>, vector<400x128xf32>
    %get3A_23 = arith.constant 0 : index
    %get3A_24 = arith.constant 0 : index
    %get3A_25 = vector.load %arg3[%get3A_23, %get3A_24] : memref<400x128xf32, #tpu.memory_space<vmem>>, vector<400x128xf32>
    %get3A_26 = arith.constant 0 : index
    %get3A_27 = arith.constant 0 : index
    %get3A_28 = vector.load %arg4[%get3A_26, %get3A_27] : memref<400x128xf32, #tpu.memory_space<vmem>>, vector<400x128xf32>
    %concatenate3A = tpu.concatenate %get3A_19, %get3A_22, %get3A_25, %get3A_28 in 1 : vector<400x128xf32>, vector<400x128xf32>, vector<400x128xf32>, vector<400x128xf32> -> vector<400x512xf32>
    %sub3A_29 = vector.broadcast %mul3A_3 : vector<1x512xf32> to vector<400x512xf32>
    %sub3A_30 = arith.subf %concatenate3A, %sub3A_29 : vector<400x512xf32>
    %mul3A_31 = vector.broadcast %mul3A_16 : vector<1x512xf32> to vector<400x512xf32>
    %mul3A_32 = arith.mulf %sub3A_30, %mul3A_31 : vector<400x512xf32>
    %get3A_33 = arith.constant 0 : index
    %get3A_34 = arith.constant 0 : index
    %get3A_35 = vector.load %arg7[%get3A_33, %get3A_34] : memref<1x512xf32, #tpu.memory_space<vmem>>, vector<1x512xf32>
    %add3A_36 = vector.broadcast %get3A_35 : vector<1x512xf32> to vector<400x512xf32>
    %add3A_37 = arith.addf %mul3A_32, %add3A_36 : vector<400x512xf32>
    %max3A = arith.constant 0.000000e+00 : f32
    %max3A_38 = vector.broadcast %max3A : f32 to vector<400x512xf32>
    %max3A_39 = arith.maximumf %add3A_37, %max3A_38 : vector<400x512xf32>
    %get3A_40 = arith.constant 0 : index
    %get3A_41 = arith.constant 0 : index
    %get3A_42 = vector.load %arg8[%get3A_40, %get3A_41] : memref<512x64xf32, #tpu.memory_space<vmem>>, vector<512x64xf32>
    %dot_general3A = arith.constant dense<0.000000e+00> : vector<400x64xf32>
    %dot_general3A_43 = tpu.matmul %max3A_39, %get3A_42, %dot_general3A {dimension_numbers = #tpu.dot_dimension_numbers<[1], [0], [0], [1], [0, 0, 1, 1], [], []>, transpose_lhs_hint = false} : vector<400x512xf32>, vector<512x64xf32>, vector<400x64xf32> -> vector<400x64xf32>
    %get3A_44 = arith.constant 0 : index
    %get3A_45 = arith.constant 0 : index
    %get3A_46 = vector.load %arg9[%get3A_44, %get3A_45] : memref<400x1xf32, #tpu.memory_space<vmem>>, vector<400x1xf32>
    %mul3A_47 = vector.broadcast %get3A_46 : vector<400x1xf32> to vector<400x64xf32>
    %mul3A_48 = arith.mulf %dot_general3A_43, %mul3A_47 : vector<400x64xf32>
    %broadcast_in_dim3A = arith.constant 0.000000e+00 : f32
    %broadcast_in_dim3A_49 = vector.broadcast %broadcast_in_dim3A : f32 to vector<400x64xf32>
    %concatenate3A_50 = tpu.concatenate %mul3A_48, %broadcast_in_dim3A_49 in 1 : vector<400x64xf32>, vector<400x64xf32> -> vector<400x128xf32>
    %swap3A = arith.constant 0 : index
    %swap3A_51 = arith.constant 0 : index
    %swap3A_52 = vector.load %arg10[%swap3A, %swap3A_51] : memref<400x128xf32, #tpu.memory_space<vmem>>, vector<400x128xf32>
    tpu.vector_store %arg10[%swap3A, %swap3A_51], %concatenate3A_50 {strides = array<i32>} : memref<400x128xf32, #tpu.memory_space<vmem>>, vector<400x128xf32>,
    return
  }
  func.func @transform_0(%arg0: i32) -> (i32, i32) {
    %c0_i32 = arith.constant 0 : i32
    %c0_i32_0 = arith.constant 0 : i32
    return %arg0, %c0_i32 : i32, i32
  }
  func.func @transform_1(%arg0: i32) -> (i32, i32) {
    %c0_i32 = arith.constant 0 : i32
    %c0_i32_0 = arith.constant 0 : i32
    return %arg0, %c0_i32 : i32, i32
  }
  func.func @transform_2(%arg0: i32) -> (i32, i32) {
    %c0_i32 = arith.constant 0 : i32
    %c0_i32_0 = arith.constant 0 : i32
    return %arg0, %c0_i32 : i32, i32
  }
  func.func @transform_3(%arg0: i32) -> (i32, i32) {
    %c0_i32 = arith.constant 0 : i32
    %c0_i32_0 = arith.constant 0 : i32
    return %arg0, %c0_i32 : i32, i32
  }
  func.func @transform_4(%arg0: i32) -> (i32, i32) {
    %c0_i32 = arith.constant 0 : i32
    %c0_i32_0 = arith.constant 0 : i32
    %c0_i32_1 = arith.constant 0 : i32
    return %c0_i32, %c0_i32_0 : i32, i32
  }
  func.func @transform_5(%arg0: i32) -> (i32, i32) {
    %c0_i32 = arith.constant 0 : i32
    %c0_i32_0 = arith.constant 0 : i32
    %c0_i32_1 = arith.constant 0 : i32
    return %c0_i32, %c0_i32_0 : i32, i32
  }
  func.func @transform_6(%arg0: i32) -> (i32, i32) {
    %c0_i32 = arith.constant 0 : i32
    %c0_i32_0 = arith.constant 0 : i32
    %c0_i32_1 = arith.constant 0 : i32
    return %c0_i32, %c0_i32_0 : i32, i32
  }
  func.func @transform_7(%arg0: i32) -> (i32, i32) {
    %c0_i32 = arith.constant 0 : i32
    %c0_i32_0 = arith.constant 0 : i32
    %c0_i32_1 = arith.constant 0 : i32
    return %c0_i32, %c0_i32_0 : i32, i32
  }
  func.func @transform_8(%arg0: i32) -> (i32, i32) {
    %c0_i32 = arith.constant 0 : i32
    %c0_i32_0 = arith.constant 0 : i32
    return %arg0, %c0_i32 : i32, i32
  }
  func.func @transform_9(%arg0: i32) -> (i32, i32) {
    %c0_i32 = arith.constant 0 : i32
    %c0_i32_0 = arith.constant 0 : i32
    return %arg0, %c0_i32 : i32, i32
  }
}

module attributes {stable_mosaic.version = 14 : i64} {
  func.func @body(%arg0: i32, %arg1: memref<2x400x128xf32, #tpu.memory_space<vmem>>, %arg2: memref<400x128xf32, #tpu.memory_space<vmem>>, %arg3: memref<400x1xf32, #tpu.memory_space<vmem>>, %arg4: memref<1x128xf32, #tpu.memory_space<vmem>>, %arg5: memref<400x128xf32, #tpu.memory_space<vmem>>, %arg6: memref<2x128xf32, #tpu.memory_space<vmem>>) attributes {dimension_semantics = [#tpu.dimension_semantics<arbitrary>], iteration_bounds = array<i64: 25>, scalar_prefetch = 0 : i64, scratch_operands = 0 : i64, tpu.core_type = #tpu.core_type<tc>, window_params = [{transform_indices = @transform_0, window_bounds = array<i64: 2, 400, 128>}, {transform_indices = @transform_1, window_bounds = array<i64: 400, 128>}, {transform_indices = @transform_2, window_bounds = array<i64: 400, 1>}, {pipeline_mode = #tpu.pipeline_mode<synchronous>, transform_indices = @transform_3, window_bounds = array<i64: 1, 128>}, {transform_indices = @transform_4, window_bounds = array<i64: 400, 128>}, {pipeline_mode = #tpu.pipeline_mode<synchronous>, transform_indices = @transform_5, window_bounds = array<i64: 2, 128>}]} {
    %eq3A = arith.constant 0 : i32
    %eq3A_0 = arith.cmpi eq, %arg0, %eq3A : i32
    %convert_element_type3A = arith.extui %eq3A_0 : i1 to i32
    %cond3A = arith.constant 0 : i32
    %cond3A_1 = arith.cmpi ne, %convert_element_type3A, %cond3A : i32
    scf.if %cond3A_1 {
      %broadcast_in_dim3A_47 = arith.constant 0.000000e+00 : f32
      %broadcast_in_dim3A_48 = vector.broadcast %broadcast_in_dim3A_47 : f32 to vector<2x128xf32>
      %swap3A_49 = arith.constant 0 : index
      %swap3A_50 = arith.constant 0 : index
      %swap3A_51 = vector.load %arg6[%swap3A_49, %swap3A_50] : memref<2x128xf32, #tpu.memory_space<vmem>>, vector<2x128xf32>
      tpu.vector_store %arg6[%swap3A_49, %swap3A_50], %broadcast_in_dim3A_48 {strides = array<i32>} : memref<2x128xf32, #tpu.memory_space<vmem>>, vector<2x128xf32>,
    } else {
    }
    %get3A = arith.constant 0 : index
    %get3A_2 = arith.constant 0 : index
    %get3A_3 = vector.load %arg3[%get3A, %get3A_2] : memref<400x1xf32, #tpu.memory_space<vmem>>, vector<400x1xf32>
    %get3A_4 = arith.constant 0 : index
    %get3A_5 = arith.constant 0 : index
    %get3A_6 = arith.constant 0 : index
    %get3A_7 = vector.load %arg1[%get3A_4, %get3A_5, %get3A_6] : memref<2x400x128xf32, #tpu.memory_space<vmem>>, vector<1x400x128xf32>
    %get3A_8 = vector.shape_cast %get3A_7 : vector<1x400x128xf32> to vector<400x128xf32>
    %get3A_9 = arith.constant 1 : index
    %get3A_10 = arith.constant 0 : index
    %get3A_11 = arith.constant 0 : index
    %get3A_12 = vector.load %arg1[%get3A_9, %get3A_10, %get3A_11] : memref<2x400x128xf32, #tpu.memory_space<vmem>>, vector<1x400x128xf32>
    %get3A_13 = vector.shape_cast %get3A_12 : vector<1x400x128xf32> to vector<400x128xf32>
    %add3A = arith.addf %get3A_8, %get3A_13 : vector<400x128xf32>
    %get3A_14 = arith.constant 0 : index
    %get3A_15 = arith.constant 0 : index
    %get3A_16 = vector.load %arg2[%get3A_14, %get3A_15] : memref<400x128xf32, #tpu.memory_space<vmem>>, vector<400x128xf32>
    %add3A_17 = arith.addf %add3A, %get3A_16 : vector<400x128xf32>
    %mul3A = vector.broadcast %get3A_3 : vector<400x1xf32> to vector<400x128xf32>
    %mul3A_18 = arith.mulf %mul3A, %add3A_17 : vector<400x128xf32>
    %get3A_19 = arith.constant 0 : index
    %get3A_20 = arith.constant 0 : index
    %get3A_21 = vector.load %arg4[%get3A_19, %get3A_20] : memref<1x128xf32, #tpu.memory_space<vmem>>, vector<1x128xf32>
    %get3A_22 = vector.shape_cast %get3A_21 : vector<1x128xf32> to vector<128xf32>
    %broadcast_in_dim3A = vector.shape_cast %get3A_22 : vector<128xf32> to vector<1x128xf32>
    %add3A_23 = vector.broadcast %broadcast_in_dim3A : vector<1x128xf32> to vector<400x128xf32>
    %add3A_24 = arith.addf %mul3A_18, %add3A_23 : vector<400x128xf32>
    %swap3A = arith.constant 0 : index
    %swap3A_25 = arith.constant 0 : index
    %swap3A_26 = vector.load %arg5[%swap3A, %swap3A_25] : memref<400x128xf32, #tpu.memory_space<vmem>>, vector<400x128xf32>
    tpu.vector_store %arg5[%swap3A, %swap3A_25], %add3A_24 {strides = array<i32>} : memref<400x128xf32, #tpu.memory_space<vmem>>, vector<400x128xf32>,
    %get3A_27 = arith.constant 0 : index
    %get3A_28 = arith.constant 0 : index
    %get3A_29 = vector.load %arg6[%get3A_27, %get3A_28] : memref<2x128xf32, #tpu.memory_space<vmem>>, vector<1x128xf32>
    %reduce_sum3A = arith.constant dense<0.000000e+00> : vector<128xf32>
    %reduce_sum3A_30 = vector.multi_reduction <add>, %add3A_24, %reduce_sum3A [0] : vector<400x128xf32> to vector<128xf32>
    %broadcast_in_dim3A_31 = vector.shape_cast %reduce_sum3A_30 : vector<128xf32> to vector<1x128xf32>
    %add3A_32 = arith.addf %get3A_29, %broadcast_in_dim3A_31 : vector<1x128xf32>
    %swap3A_33 = arith.constant 0 : index
    %swap3A_34 = arith.constant 0 : index
    %swap3A_35 = vector.load %arg6[%swap3A_33, %swap3A_34] : memref<2x128xf32, #tpu.memory_space<vmem>>, vector<1x128xf32>
    tpu.vector_store %arg6[%swap3A_33, %swap3A_34], %add3A_32 {strides = array<i32>} : memref<2x128xf32, #tpu.memory_space<vmem>>, vector<1x128xf32>,
    %get3A_36 = arith.constant 1 : index
    %get3A_37 = arith.constant 0 : index
    %get3A_38 = vector.load %arg6[%get3A_36, %get3A_37] : memref<2x128xf32, #tpu.memory_space<vmem>>, vector<1x128xf32>
    %mul3A_39 = arith.mulf %add3A_24, %add3A_24 : vector<400x128xf32>
    %reduce_sum3A_40 = arith.constant dense<0.000000e+00> : vector<128xf32>
    %reduce_sum3A_41 = vector.multi_reduction <add>, %mul3A_39, %reduce_sum3A_40 [0] : vector<400x128xf32> to vector<128xf32>
    %broadcast_in_dim3A_42 = vector.shape_cast %reduce_sum3A_41 : vector<128xf32> to vector<1x128xf32>
    %add3A_43 = arith.addf %get3A_38, %broadcast_in_dim3A_42 : vector<1x128xf32>
    %swap3A_44 = arith.constant 1 : index
    %swap3A_45 = arith.constant 0 : index
    %swap3A_46 = vector.load %arg6[%swap3A_44, %swap3A_45] : memref<2x128xf32, #tpu.memory_space<vmem>>, vector<1x128xf32>
    tpu.vector_store %arg6[%swap3A_44, %swap3A_45], %add3A_43 {strides = array<i32>} : memref<2x128xf32, #tpu.memory_space<vmem>>, vector<1x128xf32>,
    return
  }
  func.func @transform_0(%arg0: i32) -> (i32, i32, i32) {
    %c0_i32 = arith.constant 0 : i32
    %c0_i32_0 = arith.constant 0 : i32
    %c0_i32_1 = arith.constant 0 : i32
    return %c0_i32, %arg0, %c0_i32_0 : i32, i32, i32
  }
  func.func @transform_1(%arg0: i32) -> (i32, i32) {
    %c0_i32 = arith.constant 0 : i32
    %c0_i32_0 = arith.constant 0 : i32
    return %arg0, %c0_i32 : i32, i32
  }
  func.func @transform_2(%arg0: i32) -> (i32, i32) {
    %c0_i32 = arith.constant 0 : i32
    %c0_i32_0 = arith.constant 0 : i32
    return %arg0, %c0_i32 : i32, i32
  }
  func.func @transform_3(%arg0: i32) -> (i32, i32) {
    %c0_i32 = arith.constant 0 : i32
    %c0_i32_0 = arith.constant 0 : i32
    %c0_i32_1 = arith.constant 0 : i32
    return %c0_i32, %c0_i32_0 : i32, i32
  }
  func.func @transform_4(%arg0: i32) -> (i32, i32) {
    %c0_i32 = arith.constant 0 : i32
    %c0_i32_0 = arith.constant 0 : i32
    return %arg0, %c0_i32 : i32, i32
  }
  func.func @transform_5(%arg0: i32) -> (i32, i32) {
    %c0_i32 = arith.constant 0 : i32
    %c0_i32_0 = arith.constant 0 : i32
    %c0_i32_1 = arith.constant 0 : i32
    return %c0_i32, %c0_i32_0 : i32, i32
  }
}

module attributes {stable_mosaic.version = 14 : i64} {
  func.func @body(%arg0: i32, %arg1: memref<400x128xf32, #tpu.memory_space<vmem>>, %arg2: memref<2x128xf32, #tpu.memory_space<vmem>>, %arg3: memref<1x128xf32, #tpu.memory_space<vmem>>, %arg4: memref<1x128xf32, #tpu.memory_space<vmem>>, %arg5: memref<1x1x400xi32, #tpu.memory_space<vmem>>, %arg6: memref<64x64xf32, #tpu.memory_space<vmem>>, %arg7: memref<64x128xf32, #tpu.memory_space<vmem>>) attributes {dimension_semantics = [#tpu.dimension_semantics<arbitrary>], iteration_bounds = array<i64: 25>, scalar_prefetch = 0 : i64, scratch_operands = 1 : i64, tpu.core_type = #tpu.core_type<tc>, window_params = [{transform_indices = @transform_0, window_bounds = array<i64: 400, 128>}, {pipeline_mode = #tpu.pipeline_mode<synchronous>, transform_indices = @transform_1, window_bounds = array<i64: 2, 128>}, {pipeline_mode = #tpu.pipeline_mode<synchronous>, transform_indices = @transform_2, window_bounds = array<i64: 1, 128>}, {pipeline_mode = #tpu.pipeline_mode<synchronous>, transform_indices = @transform_3, window_bounds = array<i64: 1, 128>}, {transform_indices = @transform_4, window_bounds = array<i64: 1, 1, 400>}, {pipeline_mode = #tpu.pipeline_mode<synchronous>, transform_indices = @transform_5, window_bounds = array<i64: 64, 64>}]} {
    %eq3A = arith.constant 0 : i32
    %eq3A_0 = arith.cmpi eq, %arg0, %eq3A : i32
    %convert_element_type3A = arith.extui %eq3A_0 : i1 to i32
    %cond3A = arith.constant 0 : i32
    %cond3A_1 = arith.cmpi ne, %convert_element_type3A, %cond3A : i32
    scf.if %cond3A_1 {
      %broadcast_in_dim3A_54 = arith.constant 0.000000e+00 : f32
      %broadcast_in_dim3A_55 = vector.broadcast %broadcast_in_dim3A_54 : f32 to vector<64x128xf32>
      %swap3A_56 = arith.constant 0 : index
      %swap3A_57 = arith.constant 0 : index
      %swap3A_58 = vector.load %arg7[%swap3A_56, %swap3A_57] : memref<64x128xf32, #tpu.memory_space<vmem>>, vector<64x128xf32>
      tpu.vector_store %arg7[%swap3A_56, %swap3A_57], %broadcast_in_dim3A_55 {strides = array<i32>} : memref<64x128xf32, #tpu.memory_space<vmem>>, vector<64x128xf32>,
    } else {
    }
    %get3A = arith.constant 0 : index
    %get3A_2 = arith.constant 0 : index
    %get3A_3 = vector.load %arg2[%get3A, %get3A_2] : memref<2x128xf32, #tpu.memory_space<vmem>>, vector<1x128xf32>
    %mul3A = arith.constant 9.99999974E-5 : f32
    %mul3A_4 = vector.broadcast %mul3A : f32 to vector<1x128xf32>
    %mul3A_5 = arith.mulf %get3A_3, %mul3A_4 : vector<1x128xf32>
    %get3A_6 = arith.constant 1 : index
    %get3A_7 = arith.constant 0 : index
    %get3A_8 = vector.load %arg2[%get3A_6, %get3A_7] : memref<2x128xf32, #tpu.memory_space<vmem>>, vector<1x128xf32>
    %mul3A_9 = arith.constant 9.99999974E-5 : f32
    %mul3A_10 = vector.broadcast %mul3A_9 : f32 to vector<1x128xf32>
    %mul3A_11 = arith.mulf %get3A_8, %mul3A_10 : vector<1x128xf32>
    %mul3A_12 = arith.mulf %mul3A_5, %mul3A_5 : vector<1x128xf32>
    %sub3A = arith.subf %mul3A_11, %mul3A_12 : vector<1x128xf32>
    %get3A_13 = arith.constant 0 : index
    %get3A_14 = arith.constant 0 : index
    %get3A_15 = vector.load %arg3[%get3A_13, %get3A_14] : memref<1x128xf32, #tpu.memory_space<vmem>>, vector<1x128xf32>
    %add3A = arith.constant 9.99999974E-6 : f32
    %add3A_16 = vector.broadcast %add3A : f32 to vector<1x128xf32>
    %add3A_17 = arith.addf %sub3A, %add3A_16 : vector<1x128xf32>
    %rsqrt3A = math.rsqrt %add3A_17 : vector<1x128xf32>
    %mul3A_18 = arith.mulf %get3A_15, %rsqrt3A : vector<1x128xf32>
    %get3A_19 = arith.constant 0 : index
    %get3A_20 = arith.constant 0 : index
    %get3A_21 = vector.load %arg1[%get3A_19, %get3A_20] : memref<400x128xf32, #tpu.memory_space<vmem>>, vector<400x128xf32>
    %sub3A_22 = vector.broadcast %mul3A_5 : vector<1x128xf32> to vector<400x128xf32>
    %sub3A_23 = arith.subf %get3A_21, %sub3A_22 : vector<400x128xf32>
    %mul3A_24 = vector.broadcast %mul3A_18 : vector<1x128xf32> to vector<400x128xf32>
    %mul3A_25 = arith.mulf %sub3A_23, %mul3A_24 : vector<400x128xf32>
    %get3A_26 = arith.constant 0 : index
    %get3A_27 = arith.constant 0 : index
    %get3A_28 = vector.load %arg4[%get3A_26, %get3A_27] : memref<1x128xf32, #tpu.memory_space<vmem>>, vector<1x128xf32>
    %add3A_29 = vector.broadcast %get3A_28 : vector<1x128xf32> to vector<400x128xf32>
    %add3A_30 = arith.addf %mul3A_25, %add3A_29 : vector<400x128xf32>
    %slice3A = vector.extract_strided_slice %add3A_30 {offsets = [0, 0], sizes = [400, 64], strides = [1, 1]} : vector<400x128xf32> to vector<400x64xf32>
    %get3A_31 = arith.constant 0 : index
    %get3A_32 = arith.constant 0 : index
    %get3A_33 = arith.constant 0 : index
    %get3A_34 = vector.load %arg5[%get3A_31, %get3A_32, %get3A_33] : memref<1x1x400xi32, #tpu.memory_space<vmem>>, vector<1x1x400xi32>
    %get3A_35 = vector.shape_cast %get3A_34 : vector<1x1x400xi32> to vector<1x400xi32>
    %broadcast_in_dim3A = vector.shape_cast %get3A_35 : vector<1x400xi32> to vector<1x400xi32>
    %broadcast_in_dim3A_36 = vector.broadcast %broadcast_in_dim3A : vector<1x400xi32> to vector<64x400xi32>
    %iota3A = tpu.iota {dimensions = array<i32: 0>} : vector<64x400xi32>
    %eq3A_37 = arith.cmpi eq, %iota3A, %broadcast_in_dim3A_36 : vector<64x400xi32>
    %convert_element_type3A_38 = arith.extui %eq3A_37 : vector<64x400xi1> to vector<64x400xi32>
    %convert_element_type3A_39 = arith.sitofp %convert_element_type3A_38 : vector<64x400xi32> to vector<64x400xf32>
    %broadcast_in_dim3A_40 = arith.constant 1.000000e+00 : f32
    %broadcast_in_dim3A_41 = vector.broadcast %broadcast_in_dim3A_40 : f32 to vector<400x64xf32>
    %concatenate3A = tpu.concatenate %slice3A, %broadcast_in_dim3A_41 in 1 : vector<400x64xf32>, vector<400x64xf32> -> vector<400x128xf32>
    %get3A_42 = arith.constant 0 : index
    %get3A_43 = arith.constant 0 : index
    %get3A_44 = vector.load %arg7[%get3A_42, %get3A_43] : memref<64x128xf32, #tpu.memory_space<vmem>>, vector<64x128xf32>
    %dot_general3A = arith.constant dense<0.000000e+00> : vector<64x128xf32>
    %dot_general3A_45 = tpu.matmul %convert_element_type3A_39, %concatenate3A, %dot_general3A {dimension_numbers = #tpu.dot_dimension_numbers<[1], [0], [0], [1], [0, 0, 1, 1], [], []>, transpose_lhs_hint = false} : vector<64x400xf32>, vector<400x128xf32>, vector<64x128xf32> -> vector<64x128xf32>
    %add3A_46 = arith.addf %get3A_44, %dot_general3A_45 : vector<64x128xf32>
    %swap3A = arith.constant 0 : index
    %swap3A_47 = arith.constant 0 : index
    %swap3A_48 = vector.load %arg7[%swap3A, %swap3A_47] : memref<64x128xf32, #tpu.memory_space<vmem>>, vector<64x128xf32>
    tpu.vector_store %arg7[%swap3A, %swap3A_47], %add3A_46 {strides = array<i32>} : memref<64x128xf32, #tpu.memory_space<vmem>>, vector<64x128xf32>,
    %eq3A_49 = arith.constant 24 : i32
    %eq3A_50 = arith.cmpi eq, %arg0, %eq3A_49 : i32
    %convert_element_type3A_51 = arith.extui %eq3A_50 : i1 to i32
    %cond3A_52 = arith.constant 0 : i32
    %cond3A_53 = arith.cmpi ne, %convert_element_type3A_51, %cond3A_52 : i32
    scf.if %cond3A_53 {
      %get3A_54 = arith.constant 0 : index
      %get3A_55 = arith.constant 0 : index
      %get3A_56 = vector.load %arg7[%get3A_54, %get3A_55] : memref<64x128xf32, #tpu.memory_space<vmem>>, vector<64x128xf32>
      %slice3A_57 = vector.extract_strided_slice %get3A_56 {offsets = [0, 64], sizes = [64, 1], strides = [1, 1]} : vector<64x128xf32> to vector<64x1xf32>
      %max3A = arith.constant 1.000000e+00 : f32
      %max3A_58 = vector.broadcast %max3A : f32 to vector<64x1xf32>
      %max3A_59 = arith.maximumf %slice3A_57, %max3A_58 : vector<64x1xf32>
      %slice3A_60 = vector.extract_strided_slice %get3A_56 {offsets = [0, 0], sizes = [64, 64], strides = [1, 1]} : vector<64x128xf32> to vector<64x64xf32>
      %div3A = vector.broadcast %max3A_59 : vector<64x1xf32> to vector<64x64xf32>
      %div3A_61 = arith.divf %slice3A_60, %div3A : vector<64x64xf32>
      %reduce_max3A = arith.constant dense<0xFF800000> : vector<64xf32>
      %reduce_max3A_62 = vector.multi_reduction <maximumf>, %div3A_61, %reduce_max3A [1] : vector<64x64xf32> to vector<64xf32>
      %broadcast_in_dim3A_63 = vector.shape_cast %reduce_max3A_62 : vector<64xf32> to vector<64x1xf32>
      %sub3A_64 = vector.broadcast %broadcast_in_dim3A_63 : vector<64x1xf32> to vector<64x64xf32>
      %sub3A_65 = arith.subf %div3A_61, %sub3A_64 : vector<64x64xf32>
      %exp3A = math.exp %sub3A_65 : vector<64x64xf32>
      %sub3A_66 = vector.broadcast %broadcast_in_dim3A_63 : vector<64x1xf32> to vector<64x64xf32>
      %sub3A_67 = arith.subf %div3A_61, %sub3A_66 : vector<64x64xf32>
      %reduce_sum3A = arith.constant dense<0.000000e+00> : vector<64xf32>
      %reduce_sum3A_68 = vector.multi_reduction <add>, %exp3A, %reduce_sum3A [1] : vector<64x64xf32> to vector<64xf32>
      %broadcast_in_dim3A_69 = vector.shape_cast %reduce_sum3A_68 : vector<64xf32> to vector<64x1xf32>
      %log3A = math.log %broadcast_in_dim3A_69 : vector<64x1xf32>
      %sub3A_70 = vector.broadcast %log3A : vector<64x1xf32> to vector<64x64xf32>
      %sub3A_71 = arith.subf %sub3A_67, %sub3A_70 : vector<64x64xf32>
      %swap3A_72 = arith.constant 0 : index
      %swap3A_73 = arith.constant 0 : index
      %swap3A_74 = vector.load %arg6[%swap3A_72, %swap3A_73] : memref<64x64xf32, #tpu.memory_space<vmem>>, vector<64x64xf32>
      tpu.vector_store %arg6[%swap3A_72, %swap3A_73], %sub3A_71 {strides = array<i32>} : memref<64x64xf32, #tpu.memory_space<vmem>>, vector<64x64xf32>,
    } else {
    }
    return
  }
  func.func @transform_0(%arg0: i32) -> (i32, i32) {
    %c0_i32 = arith.constant 0 : i32
    %c0_i32_0 = arith.constant 0 : i32
    return %arg0, %c0_i32 : i32, i32
  }
  func.func @transform_1(%arg0: i32) -> (i32, i32) {
    %c0_i32 = arith.constant 0 : i32
    %c0_i32_0 = arith.constant 0 : i32
    %c0_i32_1 = arith.constant 0 : i32
    return %c0_i32, %c0_i32_0 : i32, i32
  }
  func.func @transform_2(%arg0: i32) -> (i32, i32) {
    %c0_i32 = arith.constant 0 : i32
    %c0_i32_0 = arith.constant 0 : i32
    %c0_i32_1 = arith.constant 0 : i32
    return %c0_i32, %c0_i32_0 : i32, i32
  }
  func.func @transform_3(%arg0: i32) -> (i32, i32) {
    %c0_i32 = arith.constant 0 : i32
    %c0_i32_0 = arith.constant 0 : i32
    %c0_i32_1 = arith.constant 0 : i32
    return %c0_i32, %c0_i32_0 : i32, i32
  }
  func.func @transform_4(%arg0: i32) -> (i32, i32, i32) {
    %c0_i32 = arith.constant 0 : i32
    %c0_i32_0 = arith.constant 0 : i32
    %c0_i32_1 = arith.constant 0 : i32
    return %arg0, %c0_i32, %c0_i32_0 : i32, i32, i32
  }
  func.func @transform_5(%arg0: i32) -> (i32, i32) {
    %c0_i32 = arith.constant 0 : i32
    %c0_i32_0 = arith.constant 0 : i32
    %c0_i32_1 = arith.constant 0 : i32
    return %c0_i32, %c0_i32_0 : i32, i32
  }
}

</mosaic_0001>

<sc_bundles>
// kernel: kernel.13.cloned.1.call-start
scs
__scs_entry_jumppad:
0x0: {  	(pc) =	sbr.rel $0x88, $3  }
0x1: {  	(tag) =	ssettag $0x0;
	lr =	simm.s32 $0x1  }
0x2: {  	[smem:$0x3F92] =	sst lr;
	_ =	strace $0xD0000000  }
0x3: {  	_ = 	snop  }
0x4: {  	_ = 	snop  }
0x5: {  	_ = 	snop  }
0x6: {  	_ = 	snop  }
0x7: {  	_ = 	snop  }
__scs_overlays_trampoline_lowered:
0x8: {  	[smem:$0x3FA1] =	sst s0  }
0x9: {  	[smem:$0x3FA2] =	sst s1  }
0xa: {  	[smem:$0x3FA3] =	sst s2  }
0xb: {  	[smem:$0x3FA4] =	sst s3  }
0xc: {  	[smem:$0x3FA5] =	sst s4  }
0xd: {  	[smem:$0x3FA6] =	sst s5  }
0xe: {  	[smem:$0x3FA7] =	sst s6  }
0xf: {  	[smem:$0x3FA8] =	sst s7  }
0x10: {  	[smem:$0x3FA9] =	sst s8  }
0x11: {  	[smem:$0x3FAA] =	sst s9;
	s0 =	simm.s32 @!p0 $0x0  }
0x12: {  	s1 =	sld [smem:$0x3F90];
	s0 =	simm.s32 @p0 $0x1  }
0x13: {  	[smem:$0x3FAB] =	sst s0;
	s0 =	simm.s32 @!p1 $0x0  }
0x14: {  	s2 =	sld [smem:$0x3F8F];
	s0 =	simm.s32 @p1 $0x1  }
0x15: {  	[smem:$0x3FAC] =	sst s0;
	s0 =	simm.s32 @!p2 $0x0  }
0x16: {  	s3 =	sld [smem:$0x3FDB];
	s0 =	simm.s32 @p2 $0x1  }
0x17: {  	s4 =	simm.s32 $0x1BF5;
	[smem:$0x3FAE] =	sst s0  }
0x18: {  	s0 =	sld [smem:$0x3F91];
	_ =	swait.ge [sflag:s4], $0x0  }
0x19: {  	s7 =	sld [smem:$0x3F92]  }
0x1a: {  	s8 =	sadd.s32 $0xFFFFE003, lr  }
0x1b: {  	s9 =	sadd.s32 $0xFFFFFEF7, lr;
	s5 =	simm.s32 $0xFFFFFFFF;
	p2 =	slt.u32 s8, $0xFFFFF086  }
0x1c: {  	p1 =	slt.u32 s9, $0xF7A;
	s5 =	simm.s32 @!p2 $0x0  }
0x1d: {  	s5 =	simm.s32 @p1 $0x1;
	p0 =	seq.s32 s7, s2  }
0x1e: {  	s7 =	smul.u32 @!p0 $0xF7A, s2;
	p2 =	seq.s32 @!p0 s5, $0x0  }
0x1f: {  	s9 =	smul.u32 $0xF7A, s1;
	s8 =	simm.s32 @!p0 $0x1BF5;
	p2 =	por !p2, p0  }
0x20: {  	[sflag:s8] =	ssyncset.s32 @!p0 $0xFFFFF086;
	s6 =	sadd.s32 @!p0 s3, s7;
	s7 =	simm.s32 @!p0 $0x108  }
0x21: {  	s3 =	sadd.s32 s3, s9;
	s6 =	sadd.s32 @!p0 $0x88, s6;
	s7 =	simm.s32 @p2 $0x1082  }
0x22: {  	[simem:s7], [sflag:s8] =	dma.local @!p0 [hbm:s6], $0xF7A  }
0x23: {  	s9 =	sor.u32 $0xD0000000, s2;
	s6 =	simm.s32 $0x108;
	_ =	swait.ge @!p0 [sflag:s8], $0x0  }
0x24: {  	s3 =	sadd.s32 $0x88, s3;
	s6 =	simm.s32 @!p1 $0x1082;
	[sflag:s4] =	ssyncset.s32 $0xFFFFF086  }
0x25: {  	[simem:s6], [sflag:s4] =	dma.local [hbm:s3], $0xF7A  }
0x26: {  	[smem:$0x3F92] =	sst s1;
	(tag) =	ssettag s2;
	_ =	strace s9  }
0x27: {  	s1 =	sld [smem:$0x3FA2]  }
0x28: {  	s2 =	sld [smem:$0x3FA3]  }
0x29: {  	s4 =	sld [smem:$0x3FA5]  }
0x2a: {  	p0 =	seq.s32 s5, $0x0;
	s5 =	sld [smem:$0x3FA6]  }
0x2b: {  	s6 =	sld [smem:$0x3FA7]  }
0x2c: {  	s7 =	sld [smem:$0x3FA8]  }
0x2d: {  	s3 =	simm.s32 $0x108;
	s8 =	sld [smem:$0x3FA9]  }
0x2e: {  	s3 =	simm.s32 @!p0 $0x1082;
	s9 =	sld [smem:$0x3FAA]  }
0x2f: {  	lr =	sadd.s32 s0, s3;
	s0 =	sld [smem:$0x3FA1]  }
0x30: {  	s3 =	sld [smem:$0x3FA4]  }
0x31: {  	[smem:$0x3FAD] =	sst s10  }
0x32: {  	s10 =	sld [smem:$0x3FAB];
	_ =	sdelay $0x3  }
0x33: {  	p0 =	seq.s32 s10, $0x1;
	s10 =	sld [smem:$0x3FAD];
	_ =	sdelay $0x3  }
0x34: {  	[smem:$0x3FAD] =	sst s10  }
0x35: {  	s10 =	sld [smem:$0x3FAC];
	_ =	sdelay $0x3  }
0x36: {  	p1 =	seq.s32 s10, $0x1;
	s10 =	sld [smem:$0x3FAD];
	_ =	sdelay $0x3  }
0x37: {  	[smem:$0x3FAD] =	sst s10  }
0x38: {  	s10 =	sld [smem:$0x3FAE]  }
0x39: {  	_ = 	snop;
	(pc) =	sbr.ind lr, $3  }
0x3a: {  	_ = 	snop  }
0x3b: {  	_ = 	snop  }
0x3c: {  	p2 =	seq.s32 s10, $0x1;
	s10 =	sld [smem:$0x3FAD]  }
0x3d: {  	_ =	shalt  }
0x3e: {  	_ =	shalt  }
0x3f: {  	_ =	shalt  }
0x40: {  	_ =	shalt  }
0x41: {  	_ =	shalt  }
0x42: {  	_ =	shalt  }
0x43: {  	_ =	shalt  }
0x44: {  	_ =	shalt  }
0x45: {  	_ =	shalt  }
0x46: {  	_ =	shalt  }
0x47: {  	_ =	shalt  }
0x48: {  	_ =	shalt  }
0x49: {  	_ =	shalt  }
0x4a: {  	_ =	shalt  }
0x4b: {  	_ =	shalt  }
0x4c: {  	_ =	shalt  }
0x4d: {  	_ =	shalt  }
0x4e: {  	_ =	shalt  }
0x4f: {  	_ =	shalt  }
0x50: {  	_ =	shalt  }
0x51: {  	_ =	shalt  }
0x52: {  	_ =	shalt  }
0x53: {  	_ =	shalt  }
0x54: {  	_ =	shalt  }
0x55: {  	_ =	shalt  }
0x56: {  	_ =	shalt  }
0x57: {  	_ =	shalt  }
0x58: {  	_ =	shalt  }
0x59: {  	_ =	shalt  }
0x5a: {  	_ =	shalt  }
0x5b: {  	_ =	shalt  }
0x5c: {  	_ =	shalt  }
0x5d: {  	_ =	shalt  }
0x5e: {  	_ =	shalt  }
0x5f: {  	_ =	shalt  }
0x60: {  	_ =	shalt  }
0x61: {  	_ =	shalt  }
0x62: {  	_ =	shalt  }
0x63: {  	_ =	shalt  }
0x64: {  	_ =	shalt  }
0x65: {  	_ =	shalt  }
0x66: {  	_ =	shalt  }
0x67: {  	_ =	shalt  }
0x68: {  	_ =	shalt  }
0x69: {  	_ =	shalt  }
0x6a: {  	_ =	shalt  }
0x6b: {  	_ =	shalt  }
0x6c: {  	_ =	shalt  }
0x6d: {  	_ =	shalt  }
0x6e: {  	_ =	shalt  }
0x6f: {  	_ =	shalt  }
0x70: {  	_ =	shalt  }
0x71: {  	_ =	shalt  }
0x72: {  	_ =	shalt  }
0x73: {  	_ =	shalt  }
0x74: {  	_ =	shalt  }
0x75: {  	_ =	shalt  }
0x76: {  	_ =	shalt  }
0x77: {  	_ =	shalt  }
0x78: {  	_ =	shalt  }
0x79: {  	_ =	shalt  }
0x7a: {  	_ =	shalt  }
0x7b: {  	_ =	shalt  }
0x7c: {  	_ =	shalt  }
0x7d: {  	_ =	shalt  }
0x7e: {  	_ =	shalt  }
0x7f: {  	_ =	shalt  }
0x80: {  	_ =	shalt  }
0x81: {  	_ =	shalt  }
0x82: {  	_ =	shalt  }
0x83: {  	_ =	shalt  }
0x84: {  	_ =	shalt  }
0x85: {  	_ =	shalt  }
0x86: {  	_ =	shalt  }
0x87: {  	_ =	shalt  }
.Lfunc_end0:
.L_simem_size_0:
called_computation_lowered:
.L_overlay_start_0:
0x88: {  	s2 =	sld [smem:$0x3FD9]  }
0x89: {  	s3 =	sld [smem:$0x3FFE];
	_ =	sdelay $0x1  }
0x8a: {  	s1 =	srdreg.scid  }
0x8b: {  	s0 =	sand.u32 $0x1, s1  }
0x8c: {  	s16 =	sshll.u32 s0, $0xA;
	s2 =	sadd.s32 s3, s2  }
0x8d: {  	s2 =	sadd.s32 s2, s16  }
0x8e: {  	[smem:$0x3FB9] =	sst s2  }
0x8f: {  	_ = 	snop  }
0x90: {  	(tm) =	ssettm $0x1  }
0x91: {  	s17 =	sld [smem:$0x3FFB];
	_ =	sdelay $0x3  }
0x92: {  	_ =	strace s17  }
0x93: {  	s2 =	sld [smem:$0x3FFC];
	_ =	sdelay $0x3  }
0x94: {  	_ =	strace s2  }
0x95: {  	s2 =	sld [smem:$0x3FFD];
	_ =	sdelay $0x3  }
0x96: {  	_ =	strace s2  }
0x97: {  	_ =	strace $0x8FFFFFFF  }
0x98: {  	s18 =	sld [smem:$0x3FDB];
	_ =	sdelay $0x1  }
0x99: {  	s19 =	simm.s32 $_scs_section_size  }
0x9a: {  	s4 =	simm.s32 $_size__tile_overlayer_lowered;
	s5 =	simm.s32 $_tile_overlayer_lowered  }
0x9b: {  	s22 =	simm.s32 $0x1BFF;
	s21 =	sshll.u32 s5, $0x1;
	s2 =	sadd.s32 s19, s18  }
0x9c: {  	s6 =	simm.s32 $0x0;
	s20 =	sshll.u32 s4, $0x1;
	s4 =	sadd.s32 s21, s2  }
0x9d: {  	[timem:s6], [sflag:s22] =	dma.local [hbm:s4], s20  }
0x9e: {  	_ =	swait.ge [sflag:s22], s20  }
0x9f: {  	s3 =	ssub.s32 $0x0, s20;
	[sflag:s22] =	ssyncset.done $0x0  }
0xa0: {  	[sflag:s22] =	ssyncadd.s32 s3;
	_ =	sdelay $0x1  }
0xa1: {  	s23 =	simm.s32 $0x1B8B  }
0xa2: {  	_ =	swait.ge [sflag:s23], $0x1  }
0xa3: {  	[sflag:s23] =	ssyncset.done $0x0  }
0xa4: {  	s25 =	simm.s32 $0x1B8E;
	s24 =	sld [smem:$0x3FFE];
	[sflag:s23] =	ssyncadd.s32 $0xFFFFFFFF  }
0xa5: {  	s26 =	simm.s32 $execute0_lowered;
	[smem:$0x3FD2] =	sst s25  }
0xa6: {  	s4 =	sshll.u32 s26, $0x1;
	_ =	strace $0x80000046;
	[dreg:$0x1] =	wrdreg $0xFFFFFFFF  }
0xa7: {  	s28 =	simm.s32 $_size_execute0_lowered;
	s2 =	sadd.s32 s2, s4;
	[dreg:$0x0] =	wrdreg $0x0  }
0xa8: {  	s4 =	sshll.u32 s28, $0x1;
	[dreg:$0x2] =	wrdreg s2  }
0xa9: {  	[dreg:$0x3] =	wrdreg s4  }
0xaa: {  	[dreg:$0x4] =	wrdreg $0xC0  }
0xab: {  	_ =	task [dreg:s6], $0x5FFFF  }
0xac: {  	[dreg:$0x1] =	wrdreg $0xFFFFFFFF  }
0xad: {  	[dreg:$0x0] =	wrdreg $0x60  }
0xae: {  	[dreg:$0x2] =	wrdreg s24  }
0xaf: {  	[dreg:$0x3] =	wrdreg $0x60000  }
0xb0: {  	[dreg:$0x4] =	wrdreg $0x9  }
0xb1: {  	_ =	task.clear_ibuf [dreg:s6], $0x5FFFF;
	_ =	strace $0x90000046  }
0xb2: {  	s29 =	simm.s32 $0x9;
	_ =	strace $0x80000048  }
0xb3: {  	_ =	swait.ge [sflag:s29], $0x1  }
0xb4: {  	[sflag:s29] =	ssyncadd.s32 $0xFFFFFFFF  }
0xb5: {  	_ =	strace $0x90000048  }
0xb6: {  	_ =	sfence  }
0xb7: {  	s30 =	sld [smem:$0x0];
	_ =	sdelay $0x2  }
0xb8: {  	s31 =	sshll.u32 s1, $0xD;
	s1 =	sshrl.u32 s1, $0x2  }
0xb9: {  	s3 =	sand.u32 $0x4000, s31;
	s1 =	sadd.s32 s1, s30  }
0xba: {  	s0 =	sor.u32 s3, s0;
	s1 =	sshll.u32 s1, $0x11  }
0xbb: {  	s0 =	sor.u32 s1, s0  }
0xbc: {  	s0 =	sadd.s32 $0x8F2B, s0  }
0xbd: {  	[sflag:s0] =	ssyncadd.remote.s32 $0x1  }
0xbe: {  	_ =	sfence.sel $0xFFFF  }
0xbf: {  	[dreg:$0x0] =	wrdreg $0xFFFFFFFF;
	(pc) =	sbr.abs _section_cstart, $3  }
0xc0: {  	[dreg:$0x1] =	wrdreg $0xFFFFFFFF  }
0xc1: {  	_ =	task.clear_ibuf [dreg:s6], $0x2FFFF;
	_ =	strace $0x9FFFFFFF  }
0xc2: {  	(tm) =	ssettm $0x7FFFFFFF  }
0xc3: {  	_ =	shalt  }
tec
execute0_lowered:
.L_overlay_start_1:
0x0: {  	(tag) =	ssettag $0x1  }
0x1: {  	s6 =	rddreg [dreg:$0x0]  }
0x2: {  	s1 =	rddreg [dreg:$0x1];
	s2 =	srdreg.scid  }
0x3: {  	s0 =	rddreg [dreg:$0x2];
	s3 =	simm.s32 $0x0;
	s13 =	simm.s32 $0x2000  }
0x4: {  	s14 =	simm.s32 $0x80;
	s7 =	sand.u32 $0x1, s2;
	s2 =	stileid.u32  }
0x5: {  	s15 =	simm.s32 $0x0;
	[smem:$0x7FF] =	sst s3;
	s5 =	smul.u32 $0x13C000, s7  }
0x6: {  	s8 =	smul.u32 $0x13C00, s2;
	_ =	strace $0x80000047;
	s4 =	sshll.u32 s2, $0xA  }
0x7: {  	s10 =	ssub.s32 $0x2, s7;
	s30 =	smul.u32 $0x4F000, s2;
	p0 =	seq.s32 s7, $0x0  }
0x8: {  	s7 =	sshll.u32 s7, $0xE;
	s31 =	sshll.u32 s2, $0x6;
	s9 =	sadd.s32 s4, s6  }
0x9: {  	s4 =	sadd.s32 $0x17C00, s6;
	s29 =	sshrl.u32 s10, $0x1;
	s8 =	sadd.s32 s8, s5  }
0xa: {  	s5 =	sadd.s32 $0x15400, s6;
	s10 =	ssub.s32 s10, s29;
	s9 =	sadd.s32 s7, s9  }
0xb: {  	s7 =	sor.u32 $0x1C01, s31;
	s8 =	sshrl.u32 s8, $0x3;
	s10 =	smax.u32 s10, $0x1  }
0xc: {  	s11 =	sadd.s32 s8, s6;
	s6 =	simm.s32 $0x3E;
	s8 =	sshrl.u32 s30, $0x2  }
0xd: {  	s6 =	simm.s32 @!p0 $0x12;
	s12 =	sadd.s32 s8, s1;
	s8 =	sadd.s32 $0xD400, s9  }
0xe: {  	s9 =	sadd.s32 $0x18400, s11;
	s11 =	sshrl.u32 s12, $0x3;
	s12 =	simm.s32 $0x1  }
.LBB2_1:
0xf: {  	[spmem:s11], [sflag:s7] =	dma.local [hbm:s5], $0x2780  }
0x10: {  	_ =	swait.ge [sflag:s12], $0x2780  }
0x11: {  	[sflag:s12] =	ssyncset.done $0x0  }
0x12: {  	[sflag:s12] =	ssyncadd.s32 $0xFFFFD880  }
0x13: {  	[tilespmem:s13], [sflag:$0x1] =	stream.linear.gather [hbm4b:s4+s3], $0x4000, $0x38;
	[tilespmem:$0x19C00] =	vst v63  }
0x14: {  	_ =	swait.ge [sflag:s12], $0x4000  }
0x15: {  	[sflag:s12] =	ssyncset.done $0x0  }
0x16: {  	[sflag:s12] =	ssyncadd.s32 $0xFFFFC000  }
0x17: {  	[tilespmem:s3], [sflag:$0x1] =	stream.linear.gather [hbm4b:s8+s3], $0x1F00, $0x38;
	[tilespmem:$0x19C00] =	vst v63  }
0x18: {  	_ =	swait.ge [sflag:s12], $0x1F00  }
0x19: {  	p0 =	sne.s32 s6, $0x1;
	[sflag:s12] =	ssyncset.done $0x0  }
.Ltmp0:
0x1a: {  	[sflag:s12] =	ssyncadd.s32 $0xFFFFE100;
	(pc) =	sbr.rel @!p0 .LBB2_3-.Ltmp0, $4  }
0x1b: {  	[bflag:$0x0] =	sbarrier.arrive $0xFFFF  }
0x1c: {  	[spmem:s1] =	stream.indirect.scatter.add.f32 [tilespmem:s13], [sflag:$0x1], $0x80, s3, s14, $0xb8;
	[tilespmem:$0x19C00] =	vst v63  }
0x1d: {  	_ =	swait.ge [sflag:s12], $0x4000  }
0x1e: {  	s16 =	sadd.s32 $0xFFFFFFFF, s6;
	s17 =	simm.s32 $0x0;
	[sflag:s12] =	ssyncset.done $0x0  }
.LBB2_2:
0x1f: {  	p0 =	sne.s32 s16, $0x1;
	[sflag:s12] =	ssyncadd.s32 $0xFFFFC000;
	s17 =	sadd.s32 $0x80, s17  }
.Ltmp1:
0x20: {  	s16 =	sadd.s32 $0xFFFFFFFF, s16;
	(pc) =	sbr.rel @p0 .LBB2_2-.Ltmp1, $4  }
0x21: {  	_ = 	snop  }
0x22: {  	[spmem:s1] =	stream.indirect.scatter.add.f32 [tilespmem:s13], [sflag:$0x1], $0x80, s17, s14, $0xb8;
	[tilespmem:$0x19C00] =	vst v63  }
0x23: {  	_ =	swait.ge [sflag:s12], $0x4000  }
0x24: {  	[sflag:s12] =	ssyncset.done $0x0  }
.LBB2_3:
0x25: {  	s15 =	sadd.s32 $0x1, s15  }
0x26: {  	[sflag:s12] =	ssyncadd.s32 $0xFFFFC000;
	p0 =	sne.s32 s15, s10  }
.Ltmp2:
0x27: {  	[bflag:$0x0] =	sbarrier.arrive $0xFFFF;
	(pc) =	sbr.rel @p0 .LBB2_1-.Ltmp2, $4  }
0x28: {  	[hbm:s9], [sflag:s7] =	dma.local [spmem:s11], $0x2780  }
0x29: {  	_ =	swait.ge [sflag:s12], $0x2780  }
0x2a: {  	[sflag:s12] =	ssyncset.done $0x0  }
0x2b: {  	[sflag:s12] =	ssyncadd.s32 $0xFFFFD880  }
0x2c: {  	_ =	sfence.sel $0x180000  }
0x2d: {  	[bflag:$0x0] =	sbarrier.arrive $0xFFFF  }
0x2e: {  	p0 =	sne.s32 s2, $0x0;
	_ =	strace $0x90000047  }
0x2f: {  	s0 =	sadd.s32 @!p0 $0x100000, s0;
	[bflag:$0x2] =	sbarrier.arrive $0xFFFF  }
0x30: {  	[sflag:s0] =	ssyncadd.tile.s32 @!p0 $0x1;
	_ =	shalt  }
.Lfunc_end2:
_tile_overlayer_lowered:
.L_overlay_start_2:
0x31: {  	(tag) =	ssettag $0x2  }
0x32: {  	s0 =	rddreg [dreg:$0x0];
	s2 =	stileid.u32  }
0x33: {  	s1 =	rddreg [dreg:$0x1];
	p0 =	sne.s32 s2, $0x0  }
0x34: {  	s3 =	rddreg [dreg:$0x2];
	[bflag:$0x3] =	sbarrier.arrive $0xFFFF;
	s2 =	simm.s32 @!p0 $0x1C01  }
0x35: {  	[timem:s3], [sflag:s2] =	dma.local @!p0 [hbm:s0], s1  }
0x36: {  	s0 =	simm.s32 @!p0 $0x1  }
0x37: {  	_ =	swait.ge @!p0 [sflag:s0], s1  }
0x38: {  	s1 =	ssub.s32 @!p0 $0x0, s1;
	[sflag:s0] =	ssyncset.done @!p0 $0x0  }
0x39: {  	[sflag:s0] =	ssyncadd.s32 @!p0 s1  }
0x3a: {  	[bflag:$0x3] =	sbarrier.arrive $0xFFFF  }
0x3b: {  	_ =	shalt  }

// kernel: kernel.16.cloned.1.call-start
scs
__scs_entry_jumppad:
0x0: {  	(pc) =	sbr.rel $0x88, $3  }
0x1: {  	(tag) =	ssettag $0x0;
	lr =	simm.s32 $0x1  }
0x2: {  	[smem:$0x3F92] =	sst lr;
	_ =	strace $0xD0000000  }
0x3: {  	_ = 	snop  }
0x4: {  	_ = 	snop  }
0x5: {  	_ = 	snop  }
0x6: {  	_ = 	snop  }
0x7: {  	_ = 	snop  }
__scs_overlays_trampoline_lowered:
0x8: {  	[smem:$0x3FA1] =	sst s0  }
0x9: {  	[smem:$0x3FA2] =	sst s1  }
0xa: {  	[smem:$0x3FA3] =	sst s2  }
0xb: {  	[smem:$0x3FA4] =	sst s3  }
0xc: {  	[smem:$0x3FA5] =	sst s4  }
0xd: {  	[smem:$0x3FA6] =	sst s5  }
0xe: {  	[smem:$0x3FA7] =	sst s6  }
0xf: {  	[smem:$0x3FA8] =	sst s7  }
0x10: {  	[smem:$0x3FA9] =	sst s8  }
0x11: {  	[smem:$0x3FAA] =	sst s9;
	s0 =	simm.s32 @!p0 $0x0  }
0x12: {  	s1 =	sld [smem:$0x3F90];
	s0 =	simm.s32 @p0 $0x1  }
0x13: {  	[smem:$0x3FAB] =	sst s0;
	s0 =	simm.s32 @!p1 $0x0  }
0x14: {  	s2 =	sld [smem:$0x3F8F];
	s0 =	simm.s32 @p1 $0x1  }
0x15: {  	[smem:$0x3FAC] =	sst s0;
	s0 =	simm.s32 @!p2 $0x0  }
0x16: {  	s3 =	sld [smem:$0x3FDB];
	s0 =	simm.s32 @p2 $0x1  }
0x17: {  	s4 =	simm.s32 $0x1BF5;
	[smem:$0x3FAE] =	sst s0  }
0x18: {  	s0 =	sld [smem:$0x3F91];
	_ =	swait.ge [sflag:s4], $0x0  }
0x19: {  	s7 =	sld [smem:$0x3F92]  }
0x1a: {  	s8 =	sadd.s32 $0xFFFFE003, lr  }
0x1b: {  	s9 =	sadd.s32 $0xFFFFFEF7, lr;
	s5 =	simm.s32 $0xFFFFFFFF;
	p2 =	slt.u32 s8, $0xFFFFF086  }
0x1c: {  	p1 =	slt.u32 s9, $0xF7A;
	s5 =	simm.s32 @!p2 $0x0  }
0x1d: {  	s5 =	simm.s32 @p1 $0x1;
	p0 =	seq.s32 s7, s2  }
0x1e: {  	s7 =	smul.u32 @!p0 $0xF7A, s2;
	p2 =	seq.s32 @!p0 s5, $0x0  }
0x1f: {  	s9 =	smul.u32 $0xF7A, s1;
	s8 =	simm.s32 @!p0 $0x1BF5;
	p2 =	por !p2, p0  }
0x20: {  	[sflag:s8] =	ssyncset.s32 @!p0 $0xFFFFF086;
	s6 =	sadd.s32 @!p0 s3, s7;
	s7 =	simm.s32 @!p0 $0x108  }
0x21: {  	s3 =	sadd.s32 s3, s9;
	s6 =	sadd.s32 @!p0 $0x88, s6;
	s7 =	simm.s32 @p2 $0x1082  }
0x22: {  	[simem:s7], [sflag:s8] =	dma.local @!p0 [hbm:s6], $0xF7A  }
0x23: {  	s9 =	sor.u32 $0xD0000000, s2;
	s6 =	simm.s32 $0x108;
	_ =	swait.ge @!p0 [sflag:s8], $0x0  }
0x24: {  	s3 =	sadd.s32 $0x88, s3;
	s6 =	simm.s32 @!p1 $0x1082;
	[sflag:s4] =	ssyncset.s32 $0xFFFFF086  }
0x25: {  	[simem:s6], [sflag:s4] =	dma.local [hbm:s3], $0xF7A  }
0x26: {  	[smem:$0x3F92] =	sst s1;
	(tag) =	ssettag s2;
	_ =	strace s9  }
0x27: {  	s1 =	sld [smem:$0x3FA2]  }
0x28: {  	s2 =	sld [smem:$0x3FA3]  }
0x29: {  	s4 =	sld [smem:$0x3FA5]  }
0x2a: {  	p0 =	seq.s32 s5, $0x0;
	s5 =	sld [smem:$0x3FA6]  }
0x2b: {  	s6 =	sld [smem:$0x3FA7]  }
0x2c: {  	s7 =	sld [smem:$0x3FA8]  }
0x2d: {  	s3 =	simm.s32 $0x108;
	s8 =	sld [smem:$0x3FA9]  }
0x2e: {  	s3 =	simm.s32 @!p0 $0x1082;
	s9 =	sld [smem:$0x3FAA]  }
0x2f: {  	lr =	sadd.s32 s0, s3;
	s0 =	sld [smem:$0x3FA1]  }
0x30: {  	s3 =	sld [smem:$0x3FA4]  }
0x31: {  	[smem:$0x3FAD] =	sst s10  }
0x32: {  	s10 =	sld [smem:$0x3FAB];
	_ =	sdelay $0x3  }
0x33: {  	p0 =	seq.s32 s10, $0x1;
	s10 =	sld [smem:$0x3FAD];
	_ =	sdelay $0x3  }
0x34: {  	[smem:$0x3FAD] =	sst s10  }
0x35: {  	s10 =	sld [smem:$0x3FAC];
	_ =	sdelay $0x3  }
0x36: {  	p1 =	seq.s32 s10, $0x1;
	s10 =	sld [smem:$0x3FAD];
	_ =	sdelay $0x3  }
0x37: {  	[smem:$0x3FAD] =	sst s10  }
0x38: {  	s10 =	sld [smem:$0x3FAE]  }
0x39: {  	_ = 	snop;
	(pc) =	sbr.ind lr, $3  }
0x3a: {  	_ = 	snop  }
0x3b: {  	_ = 	snop  }
0x3c: {  	p2 =	seq.s32 s10, $0x1;
	s10 =	sld [smem:$0x3FAD]  }
0x3d: {  	_ =	shalt  }
0x3e: {  	_ =	shalt  }
0x3f: {  	_ =	shalt  }
0x40: {  	_ =	shalt  }
0x41: {  	_ =	shalt  }
0x42: {  	_ =	shalt  }
0x43: {  	_ =	shalt  }
0x44: {  	_ =	shalt  }
0x45: {  	_ =	shalt  }
0x46: {  	_ =	shalt  }
0x47: {  	_ =	shalt  }
0x48: {  	_ =	shalt  }
0x49: {  	_ =	shalt  }
0x4a: {  	_ =	shalt  }
0x4b: {  	_ =	shalt  }
0x4c: {  	_ =	shalt  }
0x4d: {  	_ =	shalt  }
0x4e: {  	_ =	shalt  }
0x4f: {  	_ =	shalt  }
0x50: {  	_ =	shalt  }
0x51: {  	_ =	shalt  }
0x52: {  	_ =	shalt  }
0x53: {  	_ =	shalt  }
0x54: {  	_ =	shalt  }
0x55: {  	_ =	shalt  }
0x56: {  	_ =	shalt  }
0x57: {  	_ =	shalt  }
0x58: {  	_ =	shalt  }
0x59: {  	_ =	shalt  }
0x5a: {  	_ =	shalt  }
0x5b: {  	_ =	shalt  }
0x5c: {  	_ =	shalt  }
0x5d: {  	_ =	shalt  }
0x5e: {  	_ =	shalt  }
0x5f: {  	_ =	shalt  }
0x60: {  	_ =	shalt  }
0x61: {  	_ =	shalt  }
0x62: {  	_ =	shalt  }
0x63: {  	_ =	shalt  }
0x64: {  	_ =	shalt  }
0x65: {  	_ =	shalt  }
0x66: {  	_ =	shalt  }
0x67: {  	_ =	shalt  }
0x68: {  	_ =	shalt  }
0x69: {  	_ =	shalt  }
0x6a: {  	_ =	shalt  }
0x6b: {  	_ =	shalt  }
0x6c: {  	_ =	shalt  }
0x6d: {  	_ =	shalt  }
0x6e: {  	_ =	shalt  }
0x6f: {  	_ =	shalt  }
0x70: {  	_ =	shalt  }
0x71: {  	_ =	shalt  }
0x72: {  	_ =	shalt  }
0x73: {  	_ =	shalt  }
0x74: {  	_ =	shalt  }
0x75: {  	_ =	shalt  }
0x76: {  	_ =	shalt  }
0x77: {  	_ =	shalt  }
0x78: {  	_ =	shalt  }
0x79: {  	_ =	shalt  }
0x7a: {  	_ =	shalt  }
0x7b: {  	_ =	shalt  }
0x7c: {  	_ =	shalt  }
0x7d: {  	_ =	shalt  }
0x7e: {  	_ =	shalt  }
0x7f: {  	_ =	shalt  }
0x80: {  	_ =	shalt  }
0x81: {  	_ =	shalt  }
0x82: {  	_ =	shalt  }
0x83: {  	_ =	shalt  }
0x84: {  	_ =	shalt  }
0x85: {  	_ =	shalt  }
0x86: {  	_ =	shalt  }
0x87: {  	_ =	shalt  }
.Lfunc_end0:
.L_simem_size_0:
called_computation.1_lowered:
.L_overlay_start_0:
0x88: {  	s2 =	sld [smem:$0x3FD9]  }
0x89: {  	s3 =	sld [smem:$0x3FFE];
	_ =	sdelay $0x1  }
0x8a: {  	s1 =	srdreg.scid  }
0x8b: {  	s0 =	sand.u32 $0x1, s1  }
0x8c: {  	s16 =	sshll.u32 s0, $0xA;
	s2 =	sadd.s32 s3, s2  }
0x8d: {  	s2 =	sadd.s32 s2, s16  }
0x8e: {  	[smem:$0x3FB9] =	sst s2  }
0x8f: {  	_ = 	snop  }
0x90: {  	(tm) =	ssettm $0x1  }
0x91: {  	s17 =	sld [smem:$0x3FFB];
	_ =	sdelay $0x3  }
0x92: {  	_ =	strace s17  }
0x93: {  	s2 =	sld [smem:$0x3FFC];
	_ =	sdelay $0x3  }
0x94: {  	_ =	strace s2  }
0x95: {  	s2 =	sld [smem:$0x3FFD];
	_ =	sdelay $0x3  }
0x96: {  	_ =	strace s2  }
0x97: {  	_ =	strace $0x8FFFFFFF  }
0x98: {  	s18 =	sld [smem:$0x3FDB];
	_ =	sdelay $0x1  }
0x99: {  	s19 =	simm.s32 $_scs_section_size  }
0x9a: {  	s4 =	simm.s32 $_size__tile_overlayer_lowered;
	s5 =	simm.s32 $_tile_overlayer_lowered  }
0x9b: {  	s22 =	simm.s32 $0x1BFF;
	s21 =	sshll.u32 s5, $0x1;
	s2 =	sadd.s32 s19, s18  }
0x9c: {  	s6 =	simm.s32 $0x0;
	s20 =	sshll.u32 s4, $0x1;
	s4 =	sadd.s32 s21, s2  }
0x9d: {  	[timem:s6], [sflag:s22] =	dma.local [hbm:s4], s20  }
0x9e: {  	_ =	swait.ge [sflag:s22], s20  }
0x9f: {  	s3 =	ssub.s32 $0x0, s20;
	[sflag:s22] =	ssyncset.done $0x0  }
0xa0: {  	[sflag:s22] =	ssyncadd.s32 s3;
	_ =	sdelay $0x1  }
0xa1: {  	s23 =	simm.s32 $0x1B8B  }
0xa2: {  	_ =	swait.ge [sflag:s23], $0x1  }
0xa3: {  	[sflag:s23] =	ssyncset.done $0x0  }
0xa4: {  	s25 =	simm.s32 $0x1B8E;
	s24 =	sld [smem:$0x3FFE];
	[sflag:s23] =	ssyncadd.s32 $0xFFFFFFFF  }
0xa5: {  	s26 =	simm.s32 $execute0_lowered;
	[smem:$0x3FD2] =	sst s25  }
0xa6: {  	s4 =	sshll.u32 s26, $0x1;
	_ =	strace $0x80000049;
	[dreg:$0x1] =	wrdreg $0xFFFFFFFF  }
0xa7: {  	s28 =	simm.s32 $_size_execute0_lowered;
	s2 =	sadd.s32 s2, s4;
	[dreg:$0x0] =	wrdreg $0x0  }
0xa8: {  	s4 =	sshll.u32 s28, $0x1;
	[dreg:$0x2] =	wrdreg s2  }
0xa9: {  	[dreg:$0x3] =	wrdreg s4  }
0xaa: {  	[dreg:$0x4] =	wrdreg $0xC0  }
0xab: {  	_ =	task [dreg:s6], $0x5FFFF  }
0xac: {  	[dreg:$0x1] =	wrdreg $0xFFFFFFFF  }
0xad: {  	[dreg:$0x0] =	wrdreg $0x60  }
0xae: {  	[dreg:$0x2] =	wrdreg s24  }
0xaf: {  	[dreg:$0x3] =	wrdreg $0xC0000  }
0xb0: {  	[dreg:$0x4] =	wrdreg $0x9  }
0xb1: {  	_ =	task.clear_ibuf [dreg:s6], $0x5FFFF;
	_ =	strace $0x90000049  }
0xb2: {  	s29 =	simm.s32 $0x9;
	_ =	strace $0x8000004B  }
0xb3: {  	_ =	swait.ge [sflag:s29], $0x1  }
0xb4: {  	[sflag:s29] =	ssyncadd.s32 $0xFFFFFFFF  }
0xb5: {  	_ =	strace $0x9000004B  }
0xb6: {  	_ =	sfence  }
0xb7: {  	s30 =	sld [smem:$0x0];
	_ =	sdelay $0x2  }
0xb8: {  	s31 =	sshll.u32 s1, $0xD;
	s1 =	sshrl.u32 s1, $0x2  }
0xb9: {  	s3 =	sand.u32 $0x4000, s31;
	s1 =	sadd.s32 s1, s30  }
0xba: {  	s0 =	sor.u32 s3, s0;
	s1 =	sshll.u32 s1, $0x11  }
0xbb: {  	s0 =	sor.u32 s1, s0  }
0xbc: {  	s0 =	sadd.s32 $0x8F2B, s0  }
0xbd: {  	[sflag:s0] =	ssyncadd.remote.s32 $0x1  }
0xbe: {  	_ =	sfence.sel $0xFFFF  }
0xbf: {  	[dreg:$0x0] =	wrdreg $0xFFFFFFFF;
	(pc) =	sbr.abs _section_cstart, $3  }
0xc0: {  	[dreg:$0x1] =	wrdreg $0xFFFFFFFF  }
0xc1: {  	_ =	task.clear_ibuf [dreg:s6], $0x2FFFF;
	_ =	strace $0x9FFFFFFF  }
0xc2: {  	(tm) =	ssettm $0x7FFFFFFF  }
0xc3: {  	_ =	shalt  }
tec
execute0_lowered:
.L_overlay_start_1:
0x0: {  	(tag) =	ssettag $0x1  }
0x1: {  	s0 =	rddreg [dreg:$0x0]  }
0x2: {  	s2 =	rddreg [dreg:$0x1]  }
0x3: {  	s1 =	srdreg.scid;
	s13 =	simm.s32 $0x0;
	s11 =	stileid.u32  }
0x4: {  	s28 =	simm.s32 $0x3;
	s29 =	simm.s32 $0x4;
	s30 =	simm.s32 $0x0  }
0x5: {  	s1 =	sand.u32 $0x1, s1;
	s4 =	sshll.u32 s11, $0xA;
	[smem:$0x7FF] =	sst s13  }
0x6: {  	s8 =	smul.u32 $0x13C00, s11;
	s5 =	sadd.s32 $0x3EE00, s0;
	s6 =	sadd.s32 $0x8E600, s0  }
0x7: {  	s15 =	sadd.s32 $0x15400, s0;
	s9 =	smul.u32 $0x4F000, s11;
	s31 =	sshll.u32 s11, $0x6  }
0x8: {  	s3 =	sshll.u32 s1, $0xE;
	s7 =	smul.u32 $0x13C000, s1;
	_ =	strace $0x8000004A  }
0x9: {  	s17 =	ssub.s32 $0x2, s1;
	p0 =	seq.s32 s1, $0x0;
	s1 =	simm.s32 $0x1F  }
0xa: {  	s20 =	sor.u32 $0x1C05, s31;
	[dreg:$0x3] =	wrdreg s15;
	s3 =	sor.u32 s4, s3  }
0xb: {  	s4 =	sadd.s32 $0x17C00, s0;
	s10 =	sshrl.u32 s17, $0x1;
	s1 =	simm.s32 @!p0 $0x9  }
0xc: {  	s9 =	sshrl.u32 s9, $0x2;
	s3 =	sadd.s32 s3, s0;
	s8 =	sadd.s32 s8, s7  }
0xd: {  	s7 =	sadd.s32 $0x67400, s0;
	s19 =	sadd.s32 s9, s2;
	s21 =	sadd.s32 $0xFFFFFFFF, s1  }
0xe: {  	s8 =	sshrl.u32 s8, $0x3;
	s18 =	sadd.s32 $0x5400, s3;
	[dreg:$0x6] =	wrdreg s21  }
0xf: {  	s3 =	sadd.s32 $0xD400, s3;
	s0 =	sadd.s32 s8, s0;
	[dreg:$0x4] =	wrdreg s18  }
0x10: {  	s25 =	sshll.u32 s1, $0xA;
	[dreg:$0x5] =	wrdreg s3;
	s22 =	sadd.s32 $0x12BA00, s0  }
0x11: {  	s21 =	sshrl.u32 s19, $0x3;
	s23 =	sadd.s32 $0x17AA00, s0;
	[dreg:$0x7] =	wrdreg s22  }
0x12: {  	s8 =	ssub.s32 s17, s10;
	s24 =	sadd.s32 $0xDCA00, s0;
	[dreg:$0x8] =	wrdreg s23  }
0x13: {  	s17 =	sadd.s32 $0xFFFFFC00, s25;
	s0 =	sadd.s32 $0x1C9A00, s0;
	[dreg:$0x9] =	wrdreg s24  }
0x14: {  	s18 =	simm.s32 $0x5;
	s26 =	smax.u32 s8, $0x1;
	[dreg:$0xa] =	wrdreg s0  }
0x15: {  	s25 =	simm.s32 $0x1;
	[dreg:$0xb] =	wrdreg s26;
	s22 =	simm.s32 $0x80  }
0x16: {  	s23 =	simm.s32 $0x4000;
	s24 =	simm.s32 $0x8000;
	s26 =	simm.s32 $0x2  }
.LBB2_1:
0x17: {  	s0 =	rddreg [dreg:$0x4]  }
0x18: {  	[tilespmem:s13], [sflag:$0x5] =	stream.linear.gather [hbm4b:s0+s13], $0x1F00, $0x38;
	[tilespmem:$0x1FC00] =	vst v63  }
0x19: {  	_ =	swait.ge [sflag:s18], $0x1F00  }
0x1a: {  	[sflag:s18] =	ssyncset.done $0x0  }
0x1b: {  	s1 =	simm.s32 $0x2000;
	s14 =	rddreg [dreg:$0x5];
	[sflag:s18] =	ssyncadd.s32 $0xFFFFE100  }
0x1c: {  	[tilespmem:s1], [sflag:$0x5] =	stream.linear.gather [hbm4b:s14+s13], $0x1F00, $0x38;
	[tilespmem:$0x1FC00] =	vst v63  }
0x1d: {  	_ =	swait.ge [sflag:s18], $0x1F00  }
0x1e: {  	[sflag:s18] =	ssyncset.done $0x0  }
0x1f: {  	[sflag:s18] =	ssyncadd.s32 $0xFFFFE100  }
0x20: {  	[spmem:s21], [sflag:s20] =	dma.local [hbm:s15], $0x2780  }
0x21: {  	_ =	swait.ge [sflag:s18], $0x2780  }
0x22: {  	[sflag:s18] =	ssyncset.done $0x0  }
0x23: {  	[sflag:s18] =	ssyncadd.s32 $0xFFFFD880  }
0x24: {  	[bflag:$0x0] =	sbarrier.arrive $0xFFFF  }
0x25: {  	[tilespmem:s23], [sflag:$0x1] =	stream.indirect.gather [hbm4b:s4+s22], $0x80, s13, s22, $0xb8;
	[tilespmem:$0x1FC00] =	vst v63  }
0x26: {  	_ = 	snop  }
0x27: {  	[tilespmem:s24], [sflag:$0x2] =	stream.indirect.gather [hbm4b:s4+s22], $0x80, s22, s22, $0xb8;
	[tilespmem:$0x1FC00] =	vst v63  }
0x28: {  	_ =	swait.ge [sflag:s25], $0x4000  }
0x29: {  	[sflag:s25] =	ssyncset.done $0x0  }
0x2a: {  	s16 =	simm.s32 $0x2000;
	[sflag:s25] =	ssyncadd.s32 $0xFFFFC000  }
0x2b: {  	[spmem:s2] =	stream.indirect.scatter.add.f32 [tilespmem:s23], [sflag:$0x3], $0x80, s16, s22, $0xb8;
	[tilespmem:$0x1FC00] =	vst v63  }
0x2c: {  	_ =	swait.ge [sflag:s26], $0x4000  }
0x2d: {  	[sflag:s26] =	ssyncset.done $0x0  }
0x2e: {  	s19 =	simm.s32 $0x2080;
	[sflag:s26] =	ssyncadd.s32 $0xFFFFC000  }
0x2f: {  	[spmem:s2] =	stream.indirect.scatter.add.f32 [tilespmem:s24], [sflag:$0x4], $0x80, s19, s22, $0xb8;
	[tilespmem:$0x1FC00] =	vst v63  }
0x30: {  	_ =	swait.ge [sflag:s28], $0x4000  }
0x31: {  	p0 =	sne.s32 s17, $0x400;
	[sflag:s28] =	ssyncset.done $0x0  }
.Ltmp0:
0x32: {  	s31 =	simm.s32 $0x100;
	[sflag:s28] =	ssyncadd.s32 $0xFFFFC000;
	(pc) =	sbr.rel @!p0 .LBB2_3-.Ltmp0, $4  }
0x33: {  	[tilespmem:s23], [sflag:$0x1] =	stream.indirect.gather [hbm4b:s4+s22], $0x80, s31, s22, $0xb8;
	[tilespmem:$0x1FC00] =	vst v63  }
0x34: {  	s3 =	simm.s32 $0x400;
	_ =	swait.ge [sflag:s29], $0x4000  }
0x35: {  	s9 =	simm.s32 $0x180;
	s8 =	simm.s32 $0x0;
	[sflag:s29] =	ssyncset.done $0x0  }
0x36: {  	s0 =	simm.s32 $0x1;
	s1 =	simm.s32 $0x2;
	[sflag:s29] =	ssyncadd.s32 $0xFFFFC000  }
.LBB2_2:
0x37: {  	s0 =	smov.u32 s1  }
0x38: {  	[tilespmem:s24], [sflag:$0x2] =	stream.indirect.gather [hbm4b:s4+s22], $0x80, s9, s22, $0xb8;
	[tilespmem:$0x1FC00] =	vst v63  }
0x39: {  	s9 =	smov.u32 s3;
	s3 =	sadd.s32 $0x400, s3;
	_ =	swait.ge [sflag:s25], $0x4000  }
0x3a: {  	s9 =	sshra.s32 s9, $0x2;
	p0 =	sne.s32 s17, s3;
	[sflag:s25] =	ssyncset.done $0x0  }
0x3b: {  	s10 =	sadd.s32 $0x2000, s9;
	[sflag:s25] =	ssyncadd.s32 $0xFFFFC000  }
0x3c: {  	[spmem:s2] =	stream.indirect.scatter.add.f32 [tilespmem:s23], [sflag:$0x3], $0x80, s10, s22, $0xb8;
	[tilespmem:$0x1FC00] =	vst v63  }
0x3d: {  	_ =	swait.ge [sflag:s26], $0x4000  }
0x3e: {  	[sflag:s26] =	ssyncset.done $0x0  }
0x3f: {  	s10 =	sadd.s32 $0x2080, s9;
	[sflag:s26] =	ssyncadd.s32 $0xFFFFC000  }
0x40: {  	[spmem:s2] =	stream.indirect.scatter.add.f32 [tilespmem:s24], [sflag:$0x4], $0x80, s10, s22, $0xb8;
	[tilespmem:$0x1FC00] =	vst v63  }
0x41: {  	_ =	swait.ge [sflag:s28], $0x4000  }
0x42: {  	[sflag:s28] =	ssyncset.done $0x0  }
.Ltmp1:
0x43: {  	s10 =	sadd.s32 $0x100, s9;
	[sflag:s28] =	ssyncadd.s32 $0xFFFFC000;
	(pc) =	sbr.rel @p0 .LBB2_2-.Ltmp1, $4  }
0x44: {  	[tilespmem:s23], [sflag:$0x1] =	stream.indirect.gather [hbm4b:s4+s22], $0x80, s10, s22, $0xb8;
	[tilespmem:$0x1FC00] =	vst v63  }
0x45: {  	_ =	swait.ge [sflag:s29], $0x4000  }
0x46: {  	s1 =	sadd.s32 $0x1, s1;
	[sflag:s29] =	ssyncset.done $0x0  }
0x47: {  	s8 =	sadd.s32 $0x1, s8;
	s9 =	sadd.s32 $0x180, s9;
	[sflag:s29] =	ssyncadd.s32 $0xFFFFC000  }
.LBB2_3:
0x48: {  	[tilespmem:s24], [sflag:$0x2] =	stream.indirect.gather [hbm4b:s4+s22], $0x80, s9, s22, $0xb8;
	[tilespmem:$0x1FC00] =	vst v63  }
0x49: {  	_ =	swait.ge [sflag:s25], $0x4000  }
0x4a: {  	s1 =	sshra.s32 s3, $0x2;
	[sflag:s25] =	ssyncset.done $0x0  }
0x4b: {  	s31 =	sadd.s32 $0x2000, s1;
	[sflag:s25] =	ssyncadd.s32 $0xFFFFC000  }
0x4c: {  	[spmem:s2] =	stream.indirect.scatter.add.f32 [tilespmem:s23], [sflag:$0x3], $0x80, s31, s22, $0xb8;
	[tilespmem:$0x1FC00] =	vst v63  }
0x4d: {  	_ =	swait.ge [sflag:s26], $0x4000  }
0x4e: {  	[sflag:s26] =	ssyncset.done $0x0  }
0x4f: {  	s1 =	sadd.s32 $0x2080, s1;
	[sflag:s26] =	ssyncadd.s32 $0xFFFFC000  }
0x50: {  	[spmem:s2] =	stream.indirect.scatter.add.f32 [tilespmem:s24], [sflag:$0x4], $0x80, s1, s22, $0xb8;
	[tilespmem:$0x1FC00] =	vst v63  }
0x51: {  	_ =	swait.ge [sflag:s28], $0x4000  }
0x52: {  	s8 =	sadd.s32 $0x1, s8;
	s19 =	rddreg [dreg:$0x6]  }
0x53: {  	[sflag:s28] =	ssyncset.done $0x0;
	p0 =	slt.u32 s8, s19  }
0x54: {  	[sflag:s28] =	ssyncadd.s32 $0xFFFFC000;
	s3 =	sshra.s32 @p0 s3, $0x2;
	s11 =	simm.s32 @p0 $0x80  }
0x55: {  	s8 =	simm.s32 @p0 $0x4000;
	s12 =	simm.s32 @p0 $0x4;
	s19 =	sadd.s32 @p0 $0x100, s3  }
0x56: {  	[tilespmem:s8], [sflag:$0x1] =	stream.indirect.gather @p0 [hbm4b:s4+s11], $0x80, s19, s11, $0xb8;
	[tilespmem:$0x1FC00] =	vst v63  }
0x57: {  	_ =	swait.ge @p0 [sflag:s12], $0x4000  }
0x58: {  	s14 =	simm.s32 @!p0 $0x4;
	[sflag:s12] =	ssyncset.done @p0 $0x0  }
0x59: {  	s9 =	sadd.s32 @p0 $0x180, s3;
	s3 =	simm.s32 @p0 $0x8000;
	[sflag:s12] =	ssyncadd.s32 @p0 $0xFFFFC000  }
0x5a: {  	[tilespmem:s3], [sflag:$0x2] =	stream.indirect.gather @p0 [hbm4b:s4+s11], $0x80, s9, s11, $0xb8;
	[tilespmem:$0x1FC00] =	vst v63  }
0x5b: {  	_ =	swait.ge @!p0 [sflag:s14], $0x4000  }
0x5c: {  	[sflag:s14] =	ssyncset.done @!p0 $0x0  }
0x5d: {  	[sflag:s14] =	ssyncadd.s32 @!p0 $0xFFFFC000  }
0x5e: {  	[bflag:$0x0] =	sbarrier.arrive $0xFFFF  }
0x5f: {  	s10 =	rddreg [dreg:$0x9]  }
0x60: {  	[hbm:s10], [sflag:s20] =	dma.local [spmem:s21], $0x2780  }
0x61: {  	_ =	swait.ge [sflag:s18], $0x2780  }
0x62: {  	[sflag:s18] =	ssyncset.done $0x0  }
0x63: {  	[sflag:s18] =	ssyncadd.s32 $0xFFFFD880  }
0x64: {  	[bflag:$0x0] =	sbarrier.arrive $0xFFFF  }
0x65: {  	[spmem:s21], [sflag:s20] =	dma.local [hbm:s15], $0x2780  }
0x66: {  	_ =	swait.ge [sflag:s18], $0x2780  }
0x67: {  	[sflag:s18] =	ssyncset.done $0x0  }
0x68: {  	[sflag:s18] =	ssyncadd.s32 $0xFFFFD880  }
0x69: {  	[bflag:$0x0] =	sbarrier.arrive $0xFFFF  }
0x6a: {  	[tilespmem:s23], [sflag:$0x1] =	stream.indirect.gather [hbm4b:s5+s22], $0x80, s13, s22, $0xb8;
	[tilespmem:$0x1FC00] =	vst v63  }
0x6b: {  	_ = 	snop  }
0x6c: {  	[tilespmem:s24], [sflag:$0x2] =	stream.indirect.gather [hbm4b:s5+s22], $0x80, s22, s22, $0xb8;
	[tilespmem:$0x1FC00] =	vst v63  }
0x6d: {  	_ =	swait.ge [sflag:s25], $0x4000  }
0x6e: {  	[sflag:s25] =	ssyncset.done $0x0  }
0x6f: {  	s13 =	simm.s32 $0x2000;
	[sflag:s25] =	ssyncadd.s32 $0xFFFFC000  }
0x70: {  	[spmem:s2] =	stream.indirect.scatter.add.f32 [tilespmem:s23], [sflag:$0x3], $0x80, s13, s22, $0xb8;
	[tilespmem:$0x1FC00] =	vst v63  }
0x71: {  	_ =	swait.ge [sflag:s26], $0x4000  }
0x72: {  	[sflag:s26] =	ssyncset.done $0x0  }
0x73: {  	s15 =	simm.s32 $0x2080;
	[sflag:s26] =	ssyncadd.s32 $0xFFFFC000  }
0x74: {  	[spmem:s2] =	stream.indirect.scatter.add.f32 [tilespmem:s24], [sflag:$0x4], $0x80, s15, s22, $0xb8;
	[tilespmem:$0x1FC00] =	vst v63  }
0x75: {  	_ =	swait.ge [sflag:s28], $0x4000  }
0x76: {  	p1 =	sne.s32 s0, $0x1;
	[sflag:s28] =	ssyncset.done $0x0  }
.Ltmp2:
0x77: {  	s16 =	simm.s32 $0x100;
	[sflag:s28] =	ssyncadd.s32 $0xFFFFC000;
	(pc) =	sbr.rel @!p1 .LBB2_5-.Ltmp2, $4  }
0x78: {  	[tilespmem:s23], [sflag:$0x1] =	stream.indirect.gather [hbm4b:s5+s22], $0x80, s16, s22, $0xb8;
	[tilespmem:$0x1FC00] =	vst v63  }
0x79: {  	s3 =	simm.s32 $0x2180;
	_ =	swait.ge [sflag:s29], $0x4000  }
0x7a: {  	s10 =	simm.s32 $0x180;
	s13 =	sadd.s32 $0xFFFFFFFF, s0;
	[sflag:s29] =	ssyncset.done $0x0  }
0x7b: {  	s15 =	simm.s32 $0x280;
	s16 =	simm.s32 $0x180;
	[sflag:s29] =	ssyncadd.s32 $0xFFFFC000  }
.LBB2_4:
0x7c: {  	[tilespmem:s24], [sflag:$0x2] =	stream.indirect.gather [hbm4b:s5+s22], $0x80, s16, s22, $0xb8;
	[tilespmem:$0x1FC00] =	vst v63  }
0x7d: {  	p2 =	sne.s32 s13, $0x1;
	s13 =	sadd.s32 $0xFFFFFFFF, s13;
	_ =	swait.ge [sflag:s25], $0x4000  }
0x7e: {  	s16 =	smov.u32 s15;
	[sflag:s25] =	ssyncset.done $0x0  }
0x7f: {  	s8 =	sadd.s32 $0xFFFFFF80, s3;
	[sflag:s25] =	ssyncadd.s32 $0xFFFFC000  }
0x80: {  	[spmem:s2] =	stream.indirect.scatter.add.f32 [tilespmem:s23], [sflag:$0x3], $0x80, s8, s22, $0xb8;
	[tilespmem:$0x1FC00] =	vst v63  }
0x81: {  	_ =	swait.ge [sflag:s26], $0x4000  }
0x82: {  	[sflag:s26] =	ssyncset.done $0x0  }
0x83: {  	[sflag:s26] =	ssyncadd.s32 $0xFFFFC000  }
0x84: {  	[spmem:s2] =	stream.indirect.scatter.add.f32 [tilespmem:s24], [sflag:$0x4], $0x80, s3, s22, $0xb8;
	[tilespmem:$0x1FC00] =	vst v63  }
0x85: {  	_ =	swait.ge [sflag:s28], $0x4000  }
0x86: {  	[sflag:s28] =	ssyncset.done $0x0  }
.Ltmp3:
0x87: {  	s8 =	sadd.s32 $0xFFFFFF80, s15;
	[sflag:s28] =	ssyncadd.s32 $0xFFFFC000;
	(pc) =	sbr.rel @p2 .LBB2_4-.Ltmp3, $4  }
0x88: {  	[tilespmem:s23], [sflag:$0x1] =	stream.indirect.gather [hbm4b:s5+s22], $0x80, s8, s22, $0xb8;
	[tilespmem:$0x1FC00] =	vst v63  }
0x89: {  	_ =	swait.ge [sflag:s29], $0x4000  }
0x8a: {  	[sflag:s29] =	ssyncset.done $0x0  }
0x8b: {  	s15 =	sadd.s32 $0x100, s15;
	s3 =	sadd.s32 $0x100, s3;
	[sflag:s29] =	ssyncadd.s32 $0xFFFFC000  }
.LBB2_5:
0x8c: {  	[tilespmem:s24], [sflag:$0x2] =	stream.indirect.gather [hbm4b:s5+s22], $0x80, s16, s22, $0xb8;
	[tilespmem:$0x1FC00] =	vst v63  }
0x8d: {  	_ =	swait.ge [sflag:s25], $0x4000  }
0x8e: {  	[sflag:s25] =	ssyncset.done $0x0  }
0x8f: {  	[sflag:s25] =	ssyncadd.s32 $0xFFFFC000  }
0x90: {  	[spmem:s2] =	stream.indirect.scatter.add.f32 [tilespmem:s23], [sflag:$0x3], $0x80, s31, s22, $0xb8;
	[tilespmem:$0x1FC00] =	vst v63  }
0x91: {  	_ =	swait.ge [sflag:s26], $0x4000  }
0x92: {  	[sflag:s26] =	ssyncset.done $0x0  }
0x93: {  	[sflag:s26] =	ssyncadd.s32 $0xFFFFC000  }
0x94: {  	[spmem:s2] =	stream.indirect.scatter.add.f32 [tilespmem:s24], [sflag:$0x4], $0x80, s1, s22, $0xb8;
	[tilespmem:$0x1FC00] =	vst v63  }
0x95: {  	_ =	swait.ge [sflag:s28], $0x4000  }
0x96: {  	[sflag:s28] =	ssyncset.done $0x0  }
0x97: {  	s3 =	simm.s32 @p0 $0x4000;
	[sflag:s28] =	ssyncadd.s32 $0xFFFFC000  }
0x98: {  	[tilespmem:s3], [sflag:$0x1] =	stream.indirect.gather @p0 [hbm4b:s5+s11], $0x80, s19, s11, $0xb8;
	[tilespmem:$0x1FC00] =	vst v63  }
0x99: {  	_ =	swait.ge @p0 [sflag:s12], $0x4000  }
0x9a: {  	[sflag:s12] =	ssyncset.done @p0 $0x0  }
0x9b: {  	s3 =	simm.s32 @p0 $0x8000;
	[sflag:s12] =	ssyncadd.s32 @p0 $0xFFFFC000  }
0x9c: {  	[tilespmem:s3], [sflag:$0x2] =	stream.indirect.gather @p0 [hbm4b:s5+s11], $0x80, s9, s11, $0xb8;
	[tilespmem:$0x1FC00] =	vst v63  }
0x9d: {  	_ =	swait.ge @!p0 [sflag:s14], $0x4000  }
0x9e: {  	[sflag:s14] =	ssyncset.done @!p0 $0x0  }
0x9f: {  	[sflag:s14] =	ssyncadd.s32 @!p0 $0xFFFFC000  }
0xa0: {  	[bflag:$0x0] =	sbarrier.arrive $0xFFFF  }
0xa1: {  	s11 =	rddreg [dreg:$0x7]  }
0xa2: {  	[hbm:s11], [sflag:s20] =	dma.local [spmem:s21], $0x2780  }
0xa3: {  	_ =	swait.ge [sflag:s18], $0x2780  }
0xa4: {  	[sflag:s18] =	ssyncset.done $0x0  }
0xa5: {  	[sflag:s18] =	ssyncadd.s32 $0xFFFFD880  }
0xa6: {  	[bflag:$0x0] =	sbarrier.arrive $0xFFFF  }
0xa7: {  	s16 =	rddreg [dreg:$0x3]  }
0xa8: {  	[spmem:s21], [sflag:s20] =	dma.local [hbm:s16], $0x2780  }
0xa9: {  	_ =	swait.ge [sflag:s18], $0x2780  }
0xaa: {  	[sflag:s18] =	ssyncset.done $0x0  }
0xab: {  	[sflag:s18] =	ssyncadd.s32 $0xFFFFD880  }
0xac: {  	s15 =	simm.s32 $0x0;
	[bflag:$0x0] =	sbarrier.arrive $0xFFFF  }
0xad: {  	[tilespmem:s23], [sflag:$0x1] =	stream.indirect.gather [hbm4b:s6+s22], $0x80, s15, s22, $0xb8;
	[tilespmem:$0x1FC00] =	vst v63  }
0xae: {  	_ = 	snop  }
0xaf: {  	[tilespmem:s24], [sflag:$0x2] =	stream.indirect.gather [hbm4b:s6+s22], $0x80, s22, s22, $0xb8;
	[tilespmem:$0x1FC00] =	vst v63  }
0xb0: {  	_ =	swait.ge [sflag:s25], $0x4000  }
0xb1: {  	[sflag:s25] =	ssyncset.done $0x0  }
0xb2: {  	s12 =	simm.s32 $0x2000;
	[sflag:s25] =	ssyncadd.s32 $0xFFFFC000  }
0xb3: {  	[spmem:s2] =	stream.indirect.scatter.add.f32 [tilespmem:s23], [sflag:$0x3], $0x80, s12, s22, $0xb8;
	[tilespmem:$0x1FC00] =	vst v63  }
0xb4: {  	_ =	swait.ge [sflag:s26], $0x4000  }
0xb5: {  	[sflag:s26] =	ssyncset.done $0x0  }
0xb6: {  	s13 =	simm.s32 $0x2080;
	[sflag:s26] =	ssyncadd.s32 $0xFFFFC000  }
0xb7: {  	[spmem:s2] =	stream.indirect.scatter.add.f32 [tilespmem:s24], [sflag:$0x4], $0x80, s13, s22, $0xb8;
	[tilespmem:$0x1FC00] =	vst v63  }
0xb8: {  	_ =	swait.ge [sflag:s28], $0x4000  }
0xb9: {  	[sflag:s28] =	ssyncset.done $0x0  }
.Ltmp4:
0xba: {  	s14 =	simm.s32 $0x100;
	[sflag:s28] =	ssyncadd.s32 $0xFFFFC000;
	(pc) =	sbr.rel @!p1 .LBB2_7-.Ltmp4, $4  }
0xbb: {  	[tilespmem:s23], [sflag:$0x1] =	stream.indirect.gather [hbm4b:s6+s22], $0x80, s14, s22, $0xb8;
	[tilespmem:$0x1FC00] =	vst v63  }
0xbc: {  	_ =	swait.ge [sflag:s29], $0x4000  }
0xbd: {  	s8 =	simm.s32 $0x280;
	[sflag:s29] =	ssyncset.done $0x0  }
0xbe: {  	s3 =	sadd.s32 $0xFFFFFFFF, s0;
	s11 =	simm.s32 $0x2180;
	[sflag:s29] =	ssyncadd.s32 $0xFFFFC000  }
.LBB2_6:
0xbf: {  	[tilespmem:s24], [sflag:$0x2] =	stream.indirect.gather [hbm4b:s6+s22], $0x80, s10, s22, $0xb8;
	[tilespmem:$0x1FC00] =	vst v63  }
0xc0: {  	p2 =	sne.s32 s3, $0x1;
	s3 =	sadd.s32 $0xFFFFFFFF, s3;
	_ =	swait.ge [sflag:s25], $0x4000  }
0xc1: {  	s10 =	smov.u32 s8;
	[sflag:s25] =	ssyncset.done $0x0  }
0xc2: {  	s12 =	sadd.s32 $0xFFFFFF80, s11;
	[sflag:s25] =	ssyncadd.s32 $0xFFFFC000  }
0xc3: {  	[spmem:s2] =	stream.indirect.scatter.add.f32 [tilespmem:s23], [sflag:$0x3], $0x80, s12, s22, $0xb8;
	[tilespmem:$0x1FC00] =	vst v63  }
0xc4: {  	_ =	swait.ge [sflag:s26], $0x4000  }
0xc5: {  	[sflag:s26] =	ssyncset.done $0x0  }
0xc6: {  	[sflag:s26] =	ssyncadd.s32 $0xFFFFC000  }
0xc7: {  	[spmem:s2] =	stream.indirect.scatter.add.f32 [tilespmem:s24], [sflag:$0x4], $0x80, s11, s22, $0xb8;
	[tilespmem:$0x1FC00] =	vst v63  }
0xc8: {  	_ =	swait.ge [sflag:s28], $0x4000  }
0xc9: {  	[sflag:s28] =	ssyncset.done $0x0  }
.Ltmp5:
0xca: {  	s12 =	sadd.s32 $0xFFFFFF80, s8;
	[sflag:s28] =	ssyncadd.s32 $0xFFFFC000;
	(pc) =	sbr.rel @p2 .LBB2_6-.Ltmp5, $4  }
0xcb: {  	[tilespmem:s23], [sflag:$0x1] =	stream.indirect.gather [hbm4b:s6+s22], $0x80, s12, s22, $0xb8;
	[tilespmem:$0x1FC00] =	vst v63  }
0xcc: {  	_ =	swait.ge [sflag:s29], $0x4000  }
0xcd: {  	[sflag:s29] =	ssyncset.done $0x0  }
0xce: {  	s8 =	sadd.s32 $0x100, s8;
	s11 =	sadd.s32 $0x100, s11;
	[sflag:s29] =	ssyncadd.s32 $0xFFFFC000  }
.LBB2_7:
0xcf: {  	[tilespmem:s24], [sflag:$0x2] =	stream.indirect.gather [hbm4b:s6+s22], $0x80, s10, s22, $0xb8;
	[tilespmem:$0x1FC00] =	vst v63  }
0xd0: {  	_ =	swait.ge [sflag:s25], $0x4000  }
0xd1: {  	[sflag:s25] =	ssyncset.done $0x0  }
0xd2: {  	[sflag:s25] =	ssyncadd.s32 $0xFFFFC000  }
0xd3: {  	[spmem:s2] =	stream.indirect.scatter.add.f32 [tilespmem:s23], [sflag:$0x3], $0x80, s31, s22, $0xb8;
	[tilespmem:$0x1FC00] =	vst v63  }
0xd4: {  	_ =	swait.ge [sflag:s26], $0x4000  }
0xd5: {  	[sflag:s26] =	ssyncset.done $0x0  }
0xd6: {  	[sflag:s26] =	ssyncadd.s32 $0xFFFFC000  }
0xd7: {  	[spmem:s2] =	stream.indirect.scatter.add.f32 [tilespmem:s24], [sflag:$0x4], $0x80, s1, s22, $0xb8;
	[tilespmem:$0x1FC00] =	vst v63  }
0xd8: {  	_ =	swait.ge [sflag:s28], $0x4000  }
0xd9: {  	s10 =	simm.s32 @p0 $0x80;
	[sflag:s28] =	ssyncset.done $0x0  }
0xda: {  	s12 =	simm.s32 @p0 $0x4000;
	s11 =	simm.s32 @p0 $0x4;
	[sflag:s28] =	ssyncadd.s32 $0xFFFFC000  }
0xdb: {  	[tilespmem:s12], [sflag:$0x1] =	stream.indirect.gather @p0 [hbm4b:s6+s10], $0x80, s19, s10, $0xb8;
	[tilespmem:$0x1FC00] =	vst v63  }
0xdc: {  	_ =	swait.ge @p0 [sflag:s11], $0x4000  }
0xdd: {  	[sflag:s11] =	ssyncset.done @p0 $0x0  }
0xde: {  	s14 =	simm.s32 @p0 $0x8000;
	s13 =	simm.s32 @!p0 $0x4;
	[sflag:s11] =	ssyncadd.s32 @p0 $0xFFFFC000  }
0xdf: {  	[tilespmem:s14], [sflag:$0x2] =	stream.indirect.gather @p0 [hbm4b:s6+s10], $0x80, s9, s10, $0xb8;
	[tilespmem:$0x1FC00] =	vst v63  }
0xe0: {  	_ =	swait.ge @!p0 [sflag:s13], $0x4000  }
0xe1: {  	[sflag:s13] =	ssyncset.done @!p0 $0x0  }
0xe2: {  	[sflag:s13] =	ssyncadd.s32 @!p0 $0xFFFFC000  }
0xe3: {  	[bflag:$0x0] =	sbarrier.arrive $0xFFFF  }
0xe4: {  	s3 =	rddreg [dreg:$0x8]  }
0xe5: {  	[hbm:s3], [sflag:s20] =	dma.local [spmem:s21], $0x2780  }
0xe6: {  	_ =	swait.ge [sflag:s18], $0x2780  }
0xe7: {  	[sflag:s18] =	ssyncset.done $0x0  }
0xe8: {  	[sflag:s18] =	ssyncadd.s32 $0xFFFFD880  }
0xe9: {  	[bflag:$0x0] =	sbarrier.arrive $0xFFFF  }
0xea: {  	[spmem:s21], [sflag:s20] =	dma.local [hbm:s16], $0x2780  }
0xeb: {  	_ =	swait.ge [sflag:s18], $0x2780  }
0xec: {  	[sflag:s18] =	ssyncset.done $0x0  }
0xed: {  	[sflag:s18] =	ssyncadd.s32 $0xFFFFD880  }
0xee: {  	[bflag:$0x0] =	sbarrier.arrive $0xFFFF  }
0xef: {  	[tilespmem:s23], [sflag:$0x1] =	stream.indirect.gather [hbm4b:s7+s22], $0x80, s15, s22, $0xb8;
	[tilespmem:$0x1FC00] =	vst v63  }
0xf0: {  	_ = 	snop  }
0xf1: {  	[tilespmem:s24], [sflag:$0x2] =	stream.indirect.gather [hbm4b:s7+s22], $0x80, s22, s22, $0xb8;
	[tilespmem:$0x1FC00] =	vst v63  }
0xf2: {  	_ =	swait.ge [sflag:s25], $0x4000  }
0xf3: {  	[sflag:s25] =	ssyncset.done $0x0  }
0xf4: {  	s8 =	simm.s32 $0x2000;
	[sflag:s25] =	ssyncadd.s32 $0xFFFFC000  }
0xf5: {  	[spmem:s2] =	stream.indirect.scatter.add.f32 [tilespmem:s23], [sflag:$0x3], $0x80, s8, s22, $0xb8;
	[tilespmem:$0x1FC00] =	vst v63  }
0xf6: {  	_ =	swait.ge [sflag:s26], $0x4000  }
0xf7: {  	[sflag:s26] =	ssyncset.done $0x0  }
0xf8: {  	s15 =	simm.s32 $0x2080;
	[sflag:s26] =	ssyncadd.s32 $0xFFFFC000  }
0xf9: {  	[spmem:s2] =	stream.indirect.scatter.add.f32 [tilespmem:s24], [sflag:$0x4], $0x80, s15, s22, $0xb8;
	[tilespmem:$0x1FC00] =	vst v63  }
0xfa: {  	_ =	swait.ge [sflag:s28], $0x4000  }
0xfb: {  	[sflag:s28] =	ssyncset.done $0x0  }
.Ltmp6:
0xfc: {  	s16 =	simm.s32 $0x100;
	[sflag:s28] =	ssyncadd.s32 $0xFFFFC000;
	(pc) =	sbr.rel @!p1 .LBB2_9-.Ltmp6, $4  }
0xfd: {  	[tilespmem:s23], [sflag:$0x1] =	stream.indirect.gather [hbm4b:s7+s22], $0x80, s16, s22, $0xb8;
	[tilespmem:$0x1FC00] =	vst v63  }
0xfe: {  	_ =	swait.ge [sflag:s29], $0x4000  }
0xff: {  	s0 =	sadd.s32 $0xFFFFFFFF, s0;
	s3 =	simm.s32 $0x280;
	[sflag:s29] =	ssyncset.done $0x0  }
0x100: {  	s8 =	simm.s32 $0x2180;
	s15 =	simm.s32 $0x180;
	[sflag:s29] =	ssyncadd.s32 $0xFFFFC000  }
.LBB2_8:
0x101: {  	[tilespmem:s24], [sflag:$0x2] =	stream.indirect.gather [hbm4b:s7+s22], $0x80, s15, s22, $0xb8;
	[tilespmem:$0x1FC00] =	vst v63  }
0x102: {  	p1 =	sne.s32 s0, $0x1;
	s0 =	sadd.s32 $0xFFFFFFFF, s0;
	_ =	swait.ge [sflag:s25], $0x4000  }
0x103: {  	s15 =	smov.u32 s3;
	[sflag:s25] =	ssyncset.done $0x0  }
0x104: {  	s16 =	sadd.s32 $0xFFFFFF80, s8;
	[sflag:s25] =	ssyncadd.s32 $0xFFFFC000  }
0x105: {  	[spmem:s2] =	stream.indirect.scatter.add.f32 [tilespmem:s23], [sflag:$0x3], $0x80, s16, s22, $0xb8;
	[tilespmem:$0x1FC00] =	vst v63  }
0x106: {  	_ =	swait.ge [sflag:s26], $0x4000  }
0x107: {  	[sflag:s26] =	ssyncset.done $0x0  }
0x108: {  	[sflag:s26] =	ssyncadd.s32 $0xFFFFC000  }
0x109: {  	[spmem:s2] =	stream.indirect.scatter.add.f32 [tilespmem:s24], [sflag:$0x4], $0x80, s8, s22, $0xb8;
	[tilespmem:$0x1FC00] =	vst v63  }
0x10a: {  	_ =	swait.ge [sflag:s28], $0x4000  }
0x10b: {  	[sflag:s28] =	ssyncset.done $0x0  }
.Ltmp7:
0x10c: {  	s16 =	sadd.s32 $0xFFFFFF80, s3;
	[sflag:s28] =	ssyncadd.s32 $0xFFFFC000;
	(pc) =	sbr.rel @p1 .LBB2_8-.Ltmp7, $4  }
0x10d: {  	[tilespmem:s23], [sflag:$0x1] =	stream.indirect.gather [hbm4b:s7+s22], $0x80, s16, s22, $0xb8;
	[tilespmem:$0x1FC00] =	vst v63  }
0x10e: {  	_ =	swait.ge [sflag:s29], $0x4000  }
0x10f: {  	[sflag:s29] =	ssyncset.done $0x0  }
0x110: {  	s3 =	sadd.s32 $0x100, s3;
	s8 =	sadd.s32 $0x100, s8;
	[sflag:s29] =	ssyncadd.s32 $0xFFFFC000  }
.LBB2_9:
0x111: {  	[tilespmem:s24], [sflag:$0x2] =	stream.indirect.gather [hbm4b:s7+s22], $0x80, s15, s22, $0xb8;
	[tilespmem:$0x1FC00] =	vst v63  }
0x112: {  	_ =	swait.ge [sflag:s25], $0x4000  }
0x113: {  	[sflag:s25] =	ssyncset.done $0x0  }
0x114: {  	[sflag:s25] =	ssyncadd.s32 $0xFFFFC000  }
0x115: {  	[spmem:s2] =	stream.indirect.scatter.add.f32 [tilespmem:s23], [sflag:$0x3], $0x80, s31, s22, $0xb8;
	[tilespmem:$0x1FC00] =	vst v63  }
0x116: {  	_ =	swait.ge [sflag:s26], $0x4000  }
0x117: {  	[sflag:s26] =	ssyncset.done $0x0  }
0x118: {  	[sflag:s26] =	ssyncadd.s32 $0xFFFFC000  }
0x119: {  	[spmem:s2] =	stream.indirect.scatter.add.f32 [tilespmem:s24], [sflag:$0x4], $0x80, s1, s22, $0xb8;
	[tilespmem:$0x1FC00] =	vst v63  }
0x11a: {  	_ =	swait.ge [sflag:s28], $0x4000  }
0x11b: {  	[sflag:s28] =	ssyncset.done $0x0  }
0x11c: {  	[sflag:s28] =	ssyncadd.s32 $0xFFFFC000  }
0x11d: {  	[tilespmem:s12], [sflag:$0x1] =	stream.indirect.gather @p0 [hbm4b:s7+s10], $0x80, s19, s10, $0xb8;
	[tilespmem:$0x1FC00] =	vst v63  }
0x11e: {  	_ =	swait.ge @p0 [sflag:s11], $0x4000  }
0x11f: {  	[sflag:s11] =	ssyncset.done @p0 $0x0  }
0x120: {  	[sflag:s11] =	ssyncadd.s32 @p0 $0xFFFFC000  }
0x121: {  	[tilespmem:s14], [sflag:$0x2] =	stream.indirect.gather @p0 [hbm4b:s7+s10], $0x80, s9, s10, $0xb8;
	[tilespmem:$0x1FC00] =	vst v63  }
0x122: {  	_ =	swait.ge @!p0 [sflag:s13], $0x4000  }
0x123: {  	[sflag:s13] =	ssyncset.done @!p0 $0x0  }
0x124: {  	[sflag:s13] =	ssyncadd.s32 @!p0 $0xFFFFC000  }
0x125: {  	[bflag:$0x0] =	sbarrier.arrive $0xFFFF  }
0x126: {  	s0 =	rddreg [dreg:$0xa]  }
0x127: {  	[hbm:s0], [sflag:s20] =	dma.local [spmem:s21], $0x2780  }
0x128: {  	_ =	swait.ge [sflag:s18], $0x2780  }
0x129: {  	s30 =	sadd.s32 $0x1, s30;
	s31 =	rddreg [dreg:$0xb]  }
0x12a: {  	p0 =	sne.s32 s30, s31  }
.Ltmp8:
0x12b: {  	_ = 	snop;
	(pc) =	sbr.rel @p0 .LBB2_1-.Ltmp8, $4  }
0x12c: {  	[sflag:s18] =	ssyncset.done $0x0  }
0x12d: {  	[sflag:s18] =	ssyncadd.s32 $0xFFFFD880  }
0x12e: {  	[bflag:$0x0] =	sbarrier.arrive $0xFFFF  }
0x12f: {  	s13 =	simm.s32 $0x0;
	s15 =	rddreg [dreg:$0x3]  }
0x130: {  	_ =	sfence.sel $0x180000  }
0x131: {  	[bflag:$0x0] =	sbarrier.arrive $0xFFFF  }
0x132: {  	_ =	strace $0x9000004A  }
0x133: {  	s0 =	stileid.u32;
	[bflag:$0x2] =	sbarrier.arrive $0xFFFF  }
0x134: {  	p0 =	sne.s32 s0, $0x0;
	s0 =	rddreg [dreg:$0x2]  }
0x135: {  	s0 =	sadd.s32 @!p0 $0x100000, s0  }
0x136: {  	[sflag:s0] =	ssyncadd.tile.s32 @!p0 $0x1;
	_ =	shalt  }
.Lfunc_end2:
_tile_overlayer_lowered:
.L_overlay_start_2:
0x137: {  	(tag) =	ssettag $0x2  }
0x138: {  	s0 =	rddreg [dreg:$0x0];
	s2 =	stileid.u32  }
0x139: {  	s1 =	rddreg [dreg:$0x1];
	p0 =	sne.s32 s2, $0x0  }
0x13a: {  	s3 =	rddreg [dreg:$0x2];
	[bflag:$0x3] =	sbarrier.arrive $0xFFFF;
	s2 =	simm.s32 @!p0 $0x1C05  }
0x13b: {  	[timem:s3], [sflag:s2] =	dma.local @!p0 [hbm:s0], s1  }
0x13c: {  	s0 =	simm.s32 @!p0 $0x5  }
0x13d: {  	_ =	swait.ge @!p0 [sflag:s0], s1  }
0x13e: {  	s1 =	ssub.s32 @!p0 $0x0, s1;
	[sflag:s0] =	ssyncset.done @!p0 $0x0  }
0x13f: {  	[sflag:s0] =	ssyncadd.s32 @!p0 s1  }
0x140: {  	[bflag:$0x3] =	sbarrier.arrive $0xFFFF  }
0x141: {  	_ =	shalt  }

// kernel: kernel.19.cloned.1.call-start
scs
__scs_entry_jumppad:
0x0: {  	(pc) =	sbr.rel $0x88, $3  }
0x1: {  	(tag) =	ssettag $0x0;
	lr =	simm.s32 $0x1  }
0x2: {  	[smem:$0x3F92] =	sst lr;
	_ =	strace $0xD0000000  }
0x3: {  	_ = 	snop  }
0x4: {  	_ = 	snop  }
0x5: {  	_ = 	snop  }
0x6: {  	_ = 	snop  }
0x7: {  	_ = 	snop  }
__scs_overlays_trampoline_lowered:
0x8: {  	[smem:$0x3FA1] =	sst s0  }
0x9: {  	[smem:$0x3FA2] =	sst s1  }
0xa: {  	[smem:$0x3FA3] =	sst s2  }
0xb: {  	[smem:$0x3FA4] =	sst s3  }
0xc: {  	[smem:$0x3FA5] =	sst s4  }
0xd: {  	[smem:$0x3FA6] =	sst s5  }
0xe: {  	[smem:$0x3FA7] =	sst s6  }
0xf: {  	[smem:$0x3FA8] =	sst s7  }
0x10: {  	[smem:$0x3FA9] =	sst s8  }
0x11: {  	[smem:$0x3FAA] =	sst s9;
	s0 =	simm.s32 @!p0 $0x0  }
0x12: {  	s1 =	sld [smem:$0x3F90];
	s0 =	simm.s32 @p0 $0x1  }
0x13: {  	[smem:$0x3FAB] =	sst s0;
	s0 =	simm.s32 @!p1 $0x0  }
0x14: {  	s2 =	sld [smem:$0x3F8F];
	s0 =	simm.s32 @p1 $0x1  }
0x15: {  	[smem:$0x3FAC] =	sst s0;
	s0 =	simm.s32 @!p2 $0x0  }
0x16: {  	s3 =	sld [smem:$0x3FDB];
	s0 =	simm.s32 @p2 $0x1  }
0x17: {  	s4 =	simm.s32 $0x1BF5;
	[smem:$0x3FAE] =	sst s0  }
0x18: {  	s0 =	sld [smem:$0x3F91];
	_ =	swait.ge [sflag:s4], $0x0  }
0x19: {  	s7 =	sld [smem:$0x3F92]  }
0x1a: {  	s8 =	sadd.s32 $0xFFFFE003, lr  }
0x1b: {  	s9 =	sadd.s32 $0xFFFFFEF7, lr;
	s5 =	simm.s32 $0xFFFFFFFF;
	p2 =	slt.u32 s8, $0xFFFFF086  }
0x1c: {  	p1 =	slt.u32 s9, $0xF7A;
	s5 =	simm.s32 @!p2 $0x0  }
0x1d: {  	s5 =	simm.s32 @p1 $0x1;
	p0 =	seq.s32 s7, s2  }
0x1e: {  	s7 =	smul.u32 @!p0 $0xF7A, s2;
	p2 =	seq.s32 @!p0 s5, $0x0  }
0x1f: {  	s9 =	smul.u32 $0xF7A, s1;
	s8 =	simm.s32 @!p0 $0x1BF5;
	p2 =	por !p2, p0  }
0x20: {  	[sflag:s8] =	ssyncset.s32 @!p0 $0xFFFFF086;
	s6 =	sadd.s32 @!p0 s3, s7;
	s7 =	simm.s32 @!p0 $0x108  }
0x21: {  	s3 =	sadd.s32 s3, s9;
	s6 =	sadd.s32 @!p0 $0x88, s6;
	s7 =	simm.s32 @p2 $0x1082  }
0x22: {  	[simem:s7], [sflag:s8] =	dma.local @!p0 [hbm:s6], $0xF7A  }
0x23: {  	s9 =	sor.u32 $0xD0000000, s2;
	s6 =	simm.s32 $0x108;
	_ =	swait.ge @!p0 [sflag:s8], $0x0  }
0x24: {  	s3 =	sadd.s32 $0x88, s3;
	s6 =	simm.s32 @!p1 $0x1082;
	[sflag:s4] =	ssyncset.s32 $0xFFFFF086  }
0x25: {  	[simem:s6], [sflag:s4] =	dma.local [hbm:s3], $0xF7A  }
0x26: {  	[smem:$0x3F92] =	sst s1;
	(tag) =	ssettag s2;
	_ =	strace s9  }
0x27: {  	s1 =	sld [smem:$0x3FA2]  }
0x28: {  	s2 =	sld [smem:$0x3FA3]  }
0x29: {  	s4 =	sld [smem:$0x3FA5]  }
0x2a: {  	p0 =	seq.s32 s5, $0x0;
	s5 =	sld [smem:$0x3FA6]  }
0x2b: {  	s6 =	sld [smem:$0x3FA7]  }
0x2c: {  	s7 =	sld [smem:$0x3FA8]  }
0x2d: {  	s3 =	simm.s32 $0x108;
	s8 =	sld [smem:$0x3FA9]  }
0x2e: {  	s3 =	simm.s32 @!p0 $0x1082;
	s9 =	sld [smem:$0x3FAA]  }
0x2f: {  	lr =	sadd.s32 s0, s3;
	s0 =	sld [smem:$0x3FA1]  }
0x30: {  	s3 =	sld [smem:$0x3FA4]  }
0x31: {  	[smem:$0x3FAD] =	sst s10  }
0x32: {  	s10 =	sld [smem:$0x3FAB];
	_ =	sdelay $0x3  }
0x33: {  	p0 =	seq.s32 s10, $0x1;
	s10 =	sld [smem:$0x3FAD];
	_ =	sdelay $0x3  }
0x34: {  	[smem:$0x3FAD] =	sst s10  }
0x35: {  	s10 =	sld [smem:$0x3FAC];
	_ =	sdelay $0x3  }
0x36: {  	p1 =	seq.s32 s10, $0x1;
	s10 =	sld [smem:$0x3FAD];
	_ =	sdelay $0x3  }
0x37: {  	[smem:$0x3FAD] =	sst s10  }
0x38: {  	s10 =	sld [smem:$0x3FAE]  }
0x39: {  	_ = 	snop;
	(pc) =	sbr.ind lr, $3  }
0x3a: {  	_ = 	snop  }
0x3b: {  	_ = 	snop  }
0x3c: {  	p2 =	seq.s32 s10, $0x1;
	s10 =	sld [smem:$0x3FAD]  }
0x3d: {  	_ =	shalt  }
0x3e: {  	_ =	shalt  }
0x3f: {  	_ =	shalt  }
0x40: {  	_ =	shalt  }
0x41: {  	_ =	shalt  }
0x42: {  	_ =	shalt  }
0x43: {  	_ =	shalt  }
0x44: {  	_ =	shalt  }
0x45: {  	_ =	shalt  }
0x46: {  	_ =	shalt  }
0x47: {  	_ =	shalt  }
0x48: {  	_ =	shalt  }
0x49: {  	_ =	shalt  }
0x4a: {  	_ =	shalt  }
0x4b: {  	_ =	shalt  }
0x4c: {  	_ =	shalt  }
0x4d: {  	_ =	shalt  }
0x4e: {  	_ =	shalt  }
0x4f: {  	_ =	shalt  }
0x50: {  	_ =	shalt  }
0x51: {  	_ =	shalt  }
0x52: {  	_ =	shalt  }
0x53: {  	_ =	shalt  }
0x54: {  	_ =	shalt  }
0x55: {  	_ =	shalt  }
0x56: {  	_ =	shalt  }
0x57: {  	_ =	shalt  }
0x58: {  	_ =	shalt  }
0x59: {  	_ =	shalt  }
0x5a: {  	_ =	shalt  }
0x5b: {  	_ =	shalt  }
0x5c: {  	_ =	shalt  }
0x5d: {  	_ =	shalt  }
0x5e: {  	_ =	shalt  }
0x5f: {  	_ =	shalt  }
0x60: {  	_ =	shalt  }
0x61: {  	_ =	shalt  }
0x62: {  	_ =	shalt  }
0x63: {  	_ =	shalt  }
0x64: {  	_ =	shalt  }
0x65: {  	_ =	shalt  }
0x66: {  	_ =	shalt  }
0x67: {  	_ =	shalt  }
0x68: {  	_ =	shalt  }
0x69: {  	_ =	shalt  }
0x6a: {  	_ =	shalt  }
0x6b: {  	_ =	shalt  }
0x6c: {  	_ =	shalt  }
0x6d: {  	_ =	shalt  }
0x6e: {  	_ =	shalt  }
0x6f: {  	_ =	shalt  }
0x70: {  	_ =	shalt  }
0x71: {  	_ =	shalt  }
0x72: {  	_ =	shalt  }
0x73: {  	_ =	shalt  }
0x74: {  	_ =	shalt  }
0x75: {  	_ =	shalt  }
0x76: {  	_ =	shalt  }
0x77: {  	_ =	shalt  }
0x78: {  	_ =	shalt  }
0x79: {  	_ =	shalt  }
0x7a: {  	_ =	shalt  }
0x7b: {  	_ =	shalt  }
0x7c: {  	_ =	shalt  }
0x7d: {  	_ =	shalt  }
0x7e: {  	_ =	shalt  }
0x7f: {  	_ =	shalt  }
0x80: {  	_ =	shalt  }
0x81: {  	_ =	shalt  }
0x82: {  	_ =	shalt  }
0x83: {  	_ =	shalt  }
0x84: {  	_ =	shalt  }
0x85: {  	_ =	shalt  }
0x86: {  	_ =	shalt  }
0x87: {  	_ =	shalt  }
.Lfunc_end0:
.L_simem_size_0:
called_computation.2_lowered:
.L_overlay_start_0:
0x88: {  	s2 =	sld [smem:$0x3FD9]  }
0x89: {  	s3 =	sld [smem:$0x3FFE];
	_ =	sdelay $0x1  }
0x8a: {  	s1 =	srdreg.scid  }
0x8b: {  	s0 =	sand.u32 $0x1, s1  }
0x8c: {  	s16 =	sshll.u32 s0, $0xA;
	s2 =	sadd.s32 s3, s2  }
0x8d: {  	s2 =	sadd.s32 s2, s16  }
0x8e: {  	[smem:$0x3FB9] =	sst s2  }
0x8f: {  	_ = 	snop  }
0x90: {  	(tm) =	ssettm $0x1  }
0x91: {  	s17 =	sld [smem:$0x3FFB];
	_ =	sdelay $0x3  }
0x92: {  	_ =	strace s17  }
0x93: {  	s2 =	sld [smem:$0x3FFC];
	_ =	sdelay $0x3  }
0x94: {  	_ =	strace s2  }
0x95: {  	s2 =	sld [smem:$0x3FFD];
	_ =	sdelay $0x3  }
0x96: {  	_ =	strace s2  }
0x97: {  	_ =	strace $0x8FFFFFFF  }
0x98: {  	s18 =	sld [smem:$0x3FDB];
	_ =	sdelay $0x1  }
0x99: {  	s19 =	simm.s32 $_scs_section_size  }
0x9a: {  	s4 =	simm.s32 $_size__tile_overlayer_lowered;
	s5 =	simm.s32 $_tile_overlayer_lowered  }
0x9b: {  	s22 =	simm.s32 $0x1BFF;
	s21 =	sshll.u32 s5, $0x1;
	s2 =	sadd.s32 s19, s18  }
0x9c: {  	s6 =	simm.s32 $0x0;
	s20 =	sshll.u32 s4, $0x1;
	s4 =	sadd.s32 s21, s2  }
0x9d: {  	[timem:s6], [sflag:s22] =	dma.local [hbm:s4], s20  }
0x9e: {  	_ =	swait.ge [sflag:s22], s20  }
0x9f: {  	s3 =	ssub.s32 $0x0, s20;
	[sflag:s22] =	ssyncset.done $0x0  }
0xa0: {  	[sflag:s22] =	ssyncadd.s32 s3;
	_ =	sdelay $0x1  }
0xa1: {  	s23 =	simm.s32 $0x1B8B  }
0xa2: {  	_ =	swait.ge [sflag:s23], $0x1  }
0xa3: {  	[sflag:s23] =	ssyncset.done $0x0  }
0xa4: {  	s25 =	simm.s32 $0x1B8E;
	s24 =	sld [smem:$0x3FFE];
	[sflag:s23] =	ssyncadd.s32 $0xFFFFFFFF  }
0xa5: {  	s26 =	simm.s32 $execute0_lowered;
	[smem:$0x3FD2] =	sst s25  }
0xa6: {  	s4 =	sshll.u32 s26, $0x1;
	_ =	strace $0x8000004C;
	[dreg:$0x1] =	wrdreg $0xFFFFFFFF  }
0xa7: {  	s28 =	simm.s32 $_size_execute0_lowered;
	s2 =	sadd.s32 s2, s4;
	[dreg:$0x0] =	wrdreg $0x0  }
0xa8: {  	s4 =	sshll.u32 s28, $0x1;
	[dreg:$0x2] =	wrdreg s2  }
0xa9: {  	[dreg:$0x3] =	wrdreg s4  }
0xaa: {  	[dreg:$0x4] =	wrdreg $0xC0  }
0xab: {  	_ =	task [dreg:s6], $0x5FFFF  }
0xac: {  	[dreg:$0x1] =	wrdreg $0xFFFFFFFF  }
0xad: {  	[dreg:$0x0] =	wrdreg $0x60  }
0xae: {  	[dreg:$0x2] =	wrdreg s24  }
0xaf: {  	[dreg:$0x3] =	wrdreg $0xC0000  }
0xb0: {  	[dreg:$0x4] =	wrdreg $0x9  }
0xb1: {  	_ =	task.clear_ibuf [dreg:s6], $0x5FFFF;
	_ =	strace $0x9000004C  }
0xb2: {  	s29 =	simm.s32 $0x9;
	_ =	strace $0x8000004E  }
0xb3: {  	_ =	swait.ge [sflag:s29], $0x1  }
0xb4: {  	[sflag:s29] =	ssyncadd.s32 $0xFFFFFFFF  }
0xb5: {  	_ =	strace $0x9000004E  }
0xb6: {  	_ =	sfence  }
0xb7: {  	s30 =	sld [smem:$0x0];
	_ =	sdelay $0x2  }
0xb8: {  	s31 =	sshll.u32 s1, $0xD;
	s1 =	sshrl.u32 s1, $0x2  }
0xb9: {  	s3 =	sand.u32 $0x4000, s31;
	s1 =	sadd.s32 s1, s30  }
0xba: {  	s0 =	sor.u32 s3, s0;
	s1 =	sshll.u32 s1, $0x11  }
0xbb: {  	s0 =	sor.u32 s1, s0  }
0xbc: {  	s0 =	sadd.s32 $0x8F2B, s0  }
0xbd: {  	[sflag:s0] =	ssyncadd.remote.s32 $0x1  }
0xbe: {  	_ =	sfence.sel $0xFFFF  }
0xbf: {  	[dreg:$0x0] =	wrdreg $0xFFFFFFFF;
	(pc) =	sbr.abs _section_cstart, $3  }
0xc0: {  	[dreg:$0x1] =	wrdreg $0xFFFFFFFF  }
0xc1: {  	_ =	task.clear_ibuf [dreg:s6], $0x2FFFF;
	_ =	strace $0x9FFFFFFF  }
0xc2: {  	(tm) =	ssettm $0x7FFFFFFF  }
0xc3: {  	_ =	shalt  }
tec
execute0_lowered:
.L_overlay_start_1:
0x0: {  	(tag) =	ssettag $0x1  }
0x1: {  	s0 =	rddreg [dreg:$0x0]  }
0x2: {  	s2 =	rddreg [dreg:$0x1]  }
0x3: {  	s1 =	srdreg.scid;
	s13 =	simm.s32 $0x0;
	s11 =	stileid.u32  }
0x4: {  	s28 =	simm.s32 $0x3;
	s29 =	simm.s32 $0x4;
	s30 =	simm.s32 $0x0  }
0x5: {  	s1 =	sand.u32 $0x1, s1;
	s4 =	sshll.u32 s11, $0xA;
	[smem:$0x7FF] =	sst s13  }
0x6: {  	s8 =	smul.u32 $0x13C00, s11;
	s5 =	sadd.s32 $0x3EE00, s0;
	s6 =	sadd.s32 $0x66000, s0  }
0x7: {  	s15 =	sadd.s32 $0x15400, s0;
	s9 =	smul.u32 $0x4F000, s11;
	s31 =	sshll.u32 s11, $0x6  }
0x8: {  	s3 =	sshll.u32 s1, $0xE;
	s7 =	smul.u32 $0x13C000, s1;
	_ =	strace $0x8000004D  }
0x9: {  	s17 =	ssub.s32 $0x2, s1;
	p0 =	seq.s32 s1, $0x0;
	s1 =	simm.s32 $0x1F  }
0xa: {  	s20 =	sor.u32 $0x1C05, s31;
	[dreg:$0x3] =	wrdreg s15;
	s3 =	sor.u32 s4, s3  }
0xb: {  	s4 =	sadd.s32 $0x17C00, s0;
	s10 =	sshrl.u32 s17, $0x1;
	s1 =	simm.s32 @!p0 $0x9  }
0xc: {  	s9 =	sshrl.u32 s9, $0x2;
	s3 =	sadd.s32 s3, s0;
	s8 =	sadd.s32 s8, s7  }
0xd: {  	s7 =	sadd.s32 $0x8D200, s0;
	s19 =	sadd.s32 s9, s2;
	s21 =	sadd.s32 $0xFFFFFFFF, s1  }
0xe: {  	s8 =	sshrl.u32 s8, $0x3;
	s18 =	sadd.s32 $0x5400, s3;
	[dreg:$0x6] =	wrdreg s21  }
0xf: {  	s3 =	sadd.s32 $0xD400, s3;
	s0 =	sadd.s32 s8, s0;
	[dreg:$0x4] =	wrdreg s18  }
0x10: {  	s25 =	sshll.u32 s1, $0xA;
	[dreg:$0x5] =	wrdreg s3;
	s22 =	sadd.s32 $0x12BA00, s0  }
0x11: {  	s21 =	sshrl.u32 s19, $0x3;
	s23 =	sadd.s32 $0x17AA00, s0;
	[dreg:$0x7] =	wrdreg s22  }
0x12: {  	s8 =	ssub.s32 s17, s10;
	s24 =	sadd.s32 $0xDCA00, s0;
	[dreg:$0x8] =	wrdreg s23  }
0x13: {  	s17 =	sadd.s32 $0xFFFFFC00, s25;
	s0 =	sadd.s32 $0x1C9A00, s0;
	[dreg:$0x9] =	wrdreg s24  }
0x14: {  	s18 =	simm.s32 $0x5;
	s26 =	smax.u32 s8, $0x1;
	[dreg:$0xa] =	wrdreg s0  }
0x15: {  	s25 =	simm.s32 $0x1;
	[dreg:$0xb] =	wrdreg s26;
	s22 =	simm.s32 $0x80  }
0x16: {  	s23 =	simm.s32 $0x4000;
	s24 =	simm.s32 $0x8000;
	s26 =	simm.s32 $0x2  }
.LBB2_1:
0x17: {  	s0 =	rddreg [dreg:$0x4]  }
0x18: {  	[tilespmem:s13], [sflag:$0x5] =	stream.linear.gather [hbm4b:s0+s13], $0x1F00, $0x38;
	[tilespmem:$0x1FC00] =	vst v63  }
0x19: {  	_ =	swait.ge [sflag:s18], $0x1F00  }
0x1a: {  	[sflag:s18] =	ssyncset.done $0x0  }
0x1b: {  	s1 =	simm.s32 $0x2000;
	s14 =	rddreg [dreg:$0x5];
	[sflag:s18] =	ssyncadd.s32 $0xFFFFE100  }
0x1c: {  	[tilespmem:s1], [sflag:$0x5] =	stream.linear.gather [hbm4b:s14+s13], $0x1F00, $0x38;
	[tilespmem:$0x1FC00] =	vst v63  }
0x1d: {  	_ =	swait.ge [sflag:s18], $0x1F00  }
0x1e: {  	[sflag:s18] =	ssyncset.done $0x0  }
0x1f: {  	[sflag:s18] =	ssyncadd.s32 $0xFFFFE100  }
0x20: {  	[spmem:s21], [sflag:s20] =	dma.local [hbm:s15], $0x2780  }
0x21: {  	_ =	swait.ge [sflag:s18], $0x2780  }
0x22: {  	[sflag:s18] =	ssyncset.done $0x0  }
0x23: {  	[sflag:s18] =	ssyncadd.s32 $0xFFFFD880  }
0x24: {  	[bflag:$0x0] =	sbarrier.arrive $0xFFFF  }
0x25: {  	[tilespmem:s23], [sflag:$0x1] =	stream.indirect.gather [hbm4b:s4+s22], $0x80, s13, s22, $0xb8;
	[tilespmem:$0x1FC00] =	vst v63  }
0x26: {  	_ = 	snop  }
0x27: {  	[tilespmem:s24], [sflag:$0x2] =	stream.indirect.gather [hbm4b:s4+s22], $0x80, s22, s22, $0xb8;
	[tilespmem:$0x1FC00] =	vst v63  }
0x28: {  	_ =	swait.ge [sflag:s25], $0x4000  }
0x29: {  	[sflag:s25] =	ssyncset.done $0x0  }
0x2a: {  	s16 =	simm.s32 $0x2000;
	[sflag:s25] =	ssyncadd.s32 $0xFFFFC000  }
0x2b: {  	[spmem:s2] =	stream.indirect.scatter.add.f32 [tilespmem:s23], [sflag:$0x3], $0x80, s16, s22, $0xb8;
	[tilespmem:$0x1FC00] =	vst v63  }
0x2c: {  	_ =	swait.ge [sflag:s26], $0x4000  }
0x2d: {  	[sflag:s26] =	ssyncset.done $0x0  }
0x2e: {  	s19 =	simm.s32 $0x2080;
	[sflag:s26] =	ssyncadd.s32 $0xFFFFC000  }
0x2f: {  	[spmem:s2] =	stream.indirect.scatter.add.f32 [tilespmem:s24], [sflag:$0x4], $0x80, s19, s22, $0xb8;
	[tilespmem:$0x1FC00] =	vst v63  }
0x30: {  	_ =	swait.ge [sflag:s28], $0x4000  }
0x31: {  	p0 =	sne.s32 s17, $0x400;
	[sflag:s28] =	ssyncset.done $0x0  }
.Ltmp0:
0x32: {  	s31 =	simm.s32 $0x100;
	[sflag:s28] =	ssyncadd.s32 $0xFFFFC000;
	(pc) =	sbr.rel @!p0 .LBB2_3-.Ltmp0, $4  }
0x33: {  	[tilespmem:s23], [sflag:$0x1] =	stream.indirect.gather [hbm4b:s4+s22], $0x80, s31, s22, $0xb8;
	[tilespmem:$0x1FC00] =	vst v63  }
0x34: {  	s3 =	simm.s32 $0x400;
	_ =	swait.ge [sflag:s29], $0x4000  }
0x35: {  	s9 =	simm.s32 $0x180;
	s8 =	simm.s32 $0x0;
	[sflag:s29] =	ssyncset.done $0x0  }
0x36: {  	s0 =	simm.s32 $0x1;
	s1 =	simm.s32 $0x2;
	[sflag:s29] =	ssyncadd.s32 $0xFFFFC000  }
.LBB2_2:
0x37: {  	s0 =	smov.u32 s1  }
0x38: {  	[tilespmem:s24], [sflag:$0x2] =	stream.indirect.gather [hbm4b:s4+s22], $0x80, s9, s22, $0xb8;
	[tilespmem:$0x1FC00] =	vst v63  }
0x39: {  	s9 =	smov.u32 s3;
	s3 =	sadd.s32 $0x400, s3;
	_ =	swait.ge [sflag:s25], $0x4000  }
0x3a: {  	s9 =	sshra.s32 s9, $0x2;
	p0 =	sne.s32 s17, s3;
	[sflag:s25] =	ssyncset.done $0x0  }
0x3b: {  	s10 =	sadd.s32 $0x2000, s9;
	[sflag:s25] =	ssyncadd.s32 $0xFFFFC000  }
0x3c: {  	[spmem:s2] =	stream.indirect.scatter.add.f32 [tilespmem:s23], [sflag:$0x3], $0x80, s10, s22, $0xb8;
	[tilespmem:$0x1FC00] =	vst v63  }
0x3d: {  	_ =	swait.ge [sflag:s26], $0x4000  }
0x3e: {  	[sflag:s26] =	ssyncset.done $0x0  }
0x3f: {  	s10 =	sadd.s32 $0x2080, s9;
	[sflag:s26] =	ssyncadd.s32 $0xFFFFC000  }
0x40: {  	[spmem:s2] =	stream.indirect.scatter.add.f32 [tilespmem:s24], [sflag:$0x4], $0x80, s10, s22, $0xb8;
	[tilespmem:$0x1FC00] =	vst v63  }
0x41: {  	_ =	swait.ge [sflag:s28], $0x4000  }
0x42: {  	[sflag:s28] =	ssyncset.done $0x0  }
.Ltmp1:
0x43: {  	s10 =	sadd.s32 $0x100, s9;
	[sflag:s28] =	ssyncadd.s32 $0xFFFFC000;
	(pc) =	sbr.rel @p0 .LBB2_2-.Ltmp1, $4  }
0x44: {  	[tilespmem:s23], [sflag:$0x1] =	stream.indirect.gather [hbm4b:s4+s22], $0x80, s10, s22, $0xb8;
	[tilespmem:$0x1FC00] =	vst v63  }
0x45: {  	_ =	swait.ge [sflag:s29], $0x4000  }
0x46: {  	s1 =	sadd.s32 $0x1, s1;
	[sflag:s29] =	ssyncset.done $0x0  }
0x47: {  	s8 =	sadd.s32 $0x1, s8;
	s9 =	sadd.s32 $0x180, s9;
	[sflag:s29] =	ssyncadd.s32 $0xFFFFC000  }
.LBB2_3:
0x48: {  	[tilespmem:s24], [sflag:$0x2] =	stream.indirect.gather [hbm4b:s4+s22], $0x80, s9, s22, $0xb8;
	[tilespmem:$0x1FC00] =	vst v63  }
0x49: {  	_ =	swait.ge [sflag:s25], $0x4000  }
0x4a: {  	s1 =	sshra.s32 s3, $0x2;
	[sflag:s25] =	ssyncset.done $0x0  }
0x4b: {  	s31 =	sadd.s32 $0x2000, s1;
	[sflag:s25] =	ssyncadd.s32 $0xFFFFC000  }
0x4c: {  	[spmem:s2] =	stream.indirect.scatter.add.f32 [tilespmem:s23], [sflag:$0x3], $0x80, s31, s22, $0xb8;
	[tilespmem:$0x1FC00] =	vst v63  }
0x4d: {  	_ =	swait.ge [sflag:s26], $0x4000  }
0x4e: {  	[sflag:s26] =	ssyncset.done $0x0  }
0x4f: {  	s1 =	sadd.s32 $0x2080, s1;
	[sflag:s26] =	ssyncadd.s32 $0xFFFFC000  }
0x50: {  	[spmem:s2] =	stream.indirect.scatter.add.f32 [tilespmem:s24], [sflag:$0x4], $0x80, s1, s22, $0xb8;
	[tilespmem:$0x1FC00] =	vst v63  }
0x51: {  	_ =	swait.ge [sflag:s28], $0x4000  }
0x52: {  	s8 =	sadd.s32 $0x1, s8;
	s19 =	rddreg [dreg:$0x6]  }
0x53: {  	[sflag:s28] =	ssyncset.done $0x0;
	p0 =	slt.u32 s8, s19  }
0x54: {  	[sflag:s28] =	ssyncadd.s32 $0xFFFFC000;
	s3 =	sshra.s32 @p0 s3, $0x2;
	s11 =	simm.s32 @p0 $0x80  }
0x55: {  	s8 =	simm.s32 @p0 $0x4000;
	s12 =	simm.s32 @p0 $0x4;
	s19 =	sadd.s32 @p0 $0x100, s3  }
0x56: {  	[tilespmem:s8], [sflag:$0x1] =	stream.indirect.gather @p0 [hbm4b:s4+s11], $0x80, s19, s11, $0xb8;
	[tilespmem:$0x1FC00] =	vst v63  }
0x57: {  	_ =	swait.ge @p0 [sflag:s12], $0x4000  }
0x58: {  	s14 =	simm.s32 @!p0 $0x4;
	[sflag:s12] =	ssyncset.done @p0 $0x0  }
0x59: {  	s9 =	sadd.s32 @p0 $0x180, s3;
	s3 =	simm.s32 @p0 $0x8000;
	[sflag:s12] =	ssyncadd.s32 @p0 $0xFFFFC000  }
0x5a: {  	[tilespmem:s3], [sflag:$0x2] =	stream.indirect.gather @p0 [hbm4b:s4+s11], $0x80, s9, s11, $0xb8;
	[tilespmem:$0x1FC00] =	vst v63  }
0x5b: {  	_ =	swait.ge @!p0 [sflag:s14], $0x4000  }
0x5c: {  	[sflag:s14] =	ssyncset.done @!p0 $0x0  }
0x5d: {  	[sflag:s14] =	ssyncadd.s32 @!p0 $0xFFFFC000  }
0x5e: {  	[bflag:$0x0] =	sbarrier.arrive $0xFFFF  }
0x5f: {  	s10 =	rddreg [dreg:$0x9]  }
0x60: {  	[hbm:s10], [sflag:s20] =	dma.local [spmem:s21], $0x2780  }
0x61: {  	_ =	swait.ge [sflag:s18], $0x2780  }
0x62: {  	[sflag:s18] =	ssyncset.done $0x0  }
0x63: {  	[sflag:s18] =	ssyncadd.s32 $0xFFFFD880  }
0x64: {  	[bflag:$0x0] =	sbarrier.arrive $0xFFFF  }
0x65: {  	[spmem:s21], [sflag:s20] =	dma.local [hbm:s15], $0x2780  }
0x66: {  	_ =	swait.ge [sflag:s18], $0x2780  }
0x67: {  	[sflag:s18] =	ssyncset.done $0x0  }
0x68: {  	[sflag:s18] =	ssyncadd.s32 $0xFFFFD880  }
0x69: {  	[bflag:$0x0] =	sbarrier.arrive $0xFFFF  }
0x6a: {  	[tilespmem:s23], [sflag:$0x1] =	stream.indirect.gather [hbm4b:s5+s22], $0x80, s13, s22, $0xb8;
	[tilespmem:$0x1FC00] =	vst v63  }
0x6b: {  	_ = 	snop  }
0x6c: {  	[tilespmem:s24], [sflag:$0x2] =	stream.indirect.gather [hbm4b:s5+s22], $0x80, s22, s22, $0xb8;
	[tilespmem:$0x1FC00] =	vst v63  }
0x6d: {  	_ =	swait.ge [sflag:s25], $0x4000  }
0x6e: {  	[sflag:s25] =	ssyncset.done $0x0  }
0x6f: {  	s13 =	simm.s32 $0x2000;
	[sflag:s25] =	ssyncadd.s32 $0xFFFFC000  }
0x70: {  	[spmem:s2] =	stream.indirect.scatter.add.f32 [tilespmem:s23], [sflag:$0x3], $0x80, s13, s22, $0xb8;
	[tilespmem:$0x1FC00] =	vst v63  }
0x71: {  	_ =	swait.ge [sflag:s26], $0x4000  }
0x72: {  	[sflag:s26] =	ssyncset.done $0x0  }
0x73: {  	s15 =	simm.s32 $0x2080;
	[sflag:s26] =	ssyncadd.s32 $0xFFFFC000  }
0x74: {  	[spmem:s2] =	stream.indirect.scatter.add.f32 [tilespmem:s24], [sflag:$0x4], $0x80, s15, s22, $0xb8;
	[tilespmem:$0x1FC00] =	vst v63  }
0x75: {  	_ =	swait.ge [sflag:s28], $0x4000  }
0x76: {  	p1 =	sne.s32 s0, $0x1;
	[sflag:s28] =	ssyncset.done $0x0  }
.Ltmp2:
0x77: {  	s16 =	simm.s32 $0x100;
	[sflag:s28] =	ssyncadd.s32 $0xFFFFC000;
	(pc) =	sbr.rel @!p1 .LBB2_5-.Ltmp2, $4  }
0x78: {  	[tilespmem:s23], [sflag:$0x1] =	stream.indirect.gather [hbm4b:s5+s22], $0x80, s16, s22, $0xb8;
	[tilespmem:$0x1FC00] =	vst v63  }
0x79: {  	s3 =	simm.s32 $0x2180;
	_ =	swait.ge [sflag:s29], $0x4000  }
0x7a: {  	s10 =	simm.s32 $0x180;
	s13 =	sadd.s32 $0xFFFFFFFF, s0;
	[sflag:s29] =	ssyncset.done $0x0  }
0x7b: {  	s15 =	simm.s32 $0x280;
	s16 =	simm.s32 $0x180;
	[sflag:s29] =	ssyncadd.s32 $0xFFFFC000  }
.LBB2_4:
0x7c: {  	[tilespmem:s24], [sflag:$0x2] =	stream.indirect.gather [hbm4b:s5+s22], $0x80, s16, s22, $0xb8;
	[tilespmem:$0x1FC00] =	vst v63  }
0x7d: {  	p2 =	sne.s32 s13, $0x1;
	s13 =	sadd.s32 $0xFFFFFFFF, s13;
	_ =	swait.ge [sflag:s25], $0x4000  }
0x7e: {  	s16 =	smov.u32 s15;
	[sflag:s25] =	ssyncset.done $0x0  }
0x7f: {  	s8 =	sadd.s32 $0xFFFFFF80, s3;
	[sflag:s25] =	ssyncadd.s32 $0xFFFFC000  }
0x80: {  	[spmem:s2] =	stream.indirect.scatter.add.f32 [tilespmem:s23], [sflag:$0x3], $0x80, s8, s22, $0xb8;
	[tilespmem:$0x1FC00] =	vst v63  }
0x81: {  	_ =	swait.ge [sflag:s26], $0x4000  }
0x82: {  	[sflag:s26] =	ssyncset.done $0x0  }
0x83: {  	[sflag:s26] =	ssyncadd.s32 $0xFFFFC000  }
0x84: {  	[spmem:s2] =	stream.indirect.scatter.add.f32 [tilespmem:s24], [sflag:$0x4], $0x80, s3, s22, $0xb8;
	[tilespmem:$0x1FC00] =	vst v63  }
0x85: {  	_ =	swait.ge [sflag:s28], $0x4000  }
0x86: {  	[sflag:s28] =	ssyncset.done $0x0  }
.Ltmp3:
0x87: {  	s8 =	sadd.s32 $0xFFFFFF80, s15;
	[sflag:s28] =	ssyncadd.s32 $0xFFFFC000;
	(pc) =	sbr.rel @p2 .LBB2_4-.Ltmp3, $4  }
0x88: {  	[tilespmem:s23], [sflag:$0x1] =	stream.indirect.gather [hbm4b:s5+s22], $0x80, s8, s22, $0xb8;
	[tilespmem:$0x1FC00] =	vst v63  }
0x89: {  	_ =	swait.ge [sflag:s29], $0x4000  }
0x8a: {  	[sflag:s29] =	ssyncset.done $0x0  }
0x8b: {  	s15 =	sadd.s32 $0x100, s15;
	s3 =	sadd.s32 $0x100, s3;
	[sflag:s29] =	ssyncadd.s32 $0xFFFFC000  }
.LBB2_5:
0x8c: {  	[tilespmem:s24], [sflag:$0x2] =	stream.indirect.gather [hbm4b:s5+s22], $0x80, s16, s22, $0xb8;
	[tilespmem:$0x1FC00] =	vst v63  }
0x8d: {  	_ =	swait.ge [sflag:s25], $0x4000  }
0x8e: {  	[sflag:s25] =	ssyncset.done $0x0  }
0x8f: {  	[sflag:s25] =	ssyncadd.s32 $0xFFFFC000  }
0x90: {  	[spmem:s2] =	stream.indirect.scatter.add.f32 [tilespmem:s23], [sflag:$0x3], $0x80, s31, s22, $0xb8;
	[tilespmem:$0x1FC00] =	vst v63  }
0x91: {  	_ =	swait.ge [sflag:s26], $0x4000  }
0x92: {  	[sflag:s26] =	ssyncset.done $0x0  }
0x93: {  	[sflag:s26] =	ssyncadd.s32 $0xFFFFC000  }
0x94: {  	[spmem:s2] =	stream.indirect.scatter.add.f32 [tilespmem:s24], [sflag:$0x4], $0x80, s1, s22, $0xb8;
	[tilespmem:$0x1FC00] =	vst v63  }
0x95: {  	_ =	swait.ge [sflag:s28], $0x4000  }
0x96: {  	[sflag:s28] =	ssyncset.done $0x0  }
0x97: {  	s3 =	simm.s32 @p0 $0x4000;
	[sflag:s28] =	ssyncadd.s32 $0xFFFFC000  }
0x98: {  	[tilespmem:s3], [sflag:$0x1] =	stream.indirect.gather @p0 [hbm4b:s5+s11], $0x80, s19, s11, $0xb8;
	[tilespmem:$0x1FC00] =	vst v63  }
0x99: {  	_ =	swait.ge @p0 [sflag:s12], $0x4000  }
0x9a: {  	[sflag:s12] =	ssyncset.done @p0 $0x0  }
0x9b: {  	s3 =	simm.s32 @p0 $0x8000;
	[sflag:s12] =	ssyncadd.s32 @p0 $0xFFFFC000  }
0x9c: {  	[tilespmem:s3], [sflag:$0x2] =	stream.indirect.gather @p0 [hbm4b:s5+s11], $0x80, s9, s11, $0xb8;
	[tilespmem:$0x1FC00] =	vst v63  }
0x9d: {  	_ =	swait.ge @!p0 [sflag:s14], $0x4000  }
0x9e: {  	[sflag:s14] =	ssyncset.done @!p0 $0x0  }
0x9f: {  	[sflag:s14] =	ssyncadd.s32 @!p0 $0xFFFFC000  }
0xa0: {  	[bflag:$0x0] =	sbarrier.arrive $0xFFFF  }
0xa1: {  	s11 =	rddreg [dreg:$0x7]  }
0xa2: {  	[hbm:s11], [sflag:s20] =	dma.local [spmem:s21], $0x2780  }
0xa3: {  	_ =	swait.ge [sflag:s18], $0x2780  }
0xa4: {  	[sflag:s18] =	ssyncset.done $0x0  }
0xa5: {  	[sflag:s18] =	ssyncadd.s32 $0xFFFFD880  }
0xa6: {  	[bflag:$0x0] =	sbarrier.arrive $0xFFFF  }
0xa7: {  	s16 =	rddreg [dreg:$0x3]  }
0xa8: {  	[spmem:s21], [sflag:s20] =	dma.local [hbm:s16], $0x2780  }
0xa9: {  	_ =	swait.ge [sflag:s18], $0x2780  }
0xaa: {  	[sflag:s18] =	ssyncset.done $0x0  }
0xab: {  	[sflag:s18] =	ssyncadd.s32 $0xFFFFD880  }
0xac: {  	s15 =	simm.s32 $0x0;
	[bflag:$0x0] =	sbarrier.arrive $0xFFFF  }
0xad: {  	[tilespmem:s23], [sflag:$0x1] =	stream.indirect.gather [hbm4b:s6+s22], $0x80, s15, s22, $0xb8;
	[tilespmem:$0x1FC00] =	vst v63  }
0xae: {  	_ = 	snop  }
0xaf: {  	[tilespmem:s24], [sflag:$0x2] =	stream.indirect.gather [hbm4b:s6+s22], $0x80, s22, s22, $0xb8;
	[tilespmem:$0x1FC00] =	vst v63  }
0xb0: {  	_ =	swait.ge [sflag:s25], $0x4000  }
0xb1: {  	[sflag:s25] =	ssyncset.done $0x0  }
0xb2: {  	s12 =	simm.s32 $0x2000;
	[sflag:s25] =	ssyncadd.s32 $0xFFFFC000  }
0xb3: {  	[spmem:s2] =	stream.indirect.scatter.add.f32 [tilespmem:s23], [sflag:$0x3], $0x80, s12, s22, $0xb8;
	[tilespmem:$0x1FC00] =	vst v63  }
0xb4: {  	_ =	swait.ge [sflag:s26], $0x4000  }
0xb5: {  	[sflag:s26] =	ssyncset.done $0x0  }
0xb6: {  	s13 =	simm.s32 $0x2080;
	[sflag:s26] =	ssyncadd.s32 $0xFFFFC000  }
0xb7: {  	[spmem:s2] =	stream.indirect.scatter.add.f32 [tilespmem:s24], [sflag:$0x4], $0x80, s13, s22, $0xb8;
	[tilespmem:$0x1FC00] =	vst v63  }
0xb8: {  	_ =	swait.ge [sflag:s28], $0x4000  }
0xb9: {  	[sflag:s28] =	ssyncset.done $0x0  }
.Ltmp4:
0xba: {  	s14 =	simm.s32 $0x100;
	[sflag:s28] =	ssyncadd.s32 $0xFFFFC000;
	(pc) =	sbr.rel @!p1 .LBB2_7-.Ltmp4, $4  }
0xbb: {  	[tilespmem:s23], [sflag:$0x1] =	stream.indirect.gather [hbm4b:s6+s22], $0x80, s14, s22, $0xb8;
	[tilespmem:$0x1FC00] =	vst v63  }
0xbc: {  	_ =	swait.ge [sflag:s29], $0x4000  }
0xbd: {  	s8 =	simm.s32 $0x280;
	[sflag:s29] =	ssyncset.done $0x0  }
0xbe: {  	s3 =	sadd.s32 $0xFFFFFFFF, s0;
	s11 =	simm.s32 $0x2180;
	[sflag:s29] =	ssyncadd.s32 $0xFFFFC000  }
.LBB2_6:
0xbf: {  	[tilespmem:s24], [sflag:$0x2] =	stream.indirect.gather [hbm4b:s6+s22], $0x80, s10, s22, $0xb8;
	[tilespmem:$0x1FC00] =	vst v63  }
0xc0: {  	p2 =	sne.s32 s3, $0x1;
	s3 =	sadd.s32 $0xFFFFFFFF, s3;
	_ =	swait.ge [sflag:s25], $0x4000  }
0xc1: {  	s10 =	smov.u32 s8;
	[sflag:s25] =	ssyncset.done $0x0  }
0xc2: {  	s12 =	sadd.s32 $0xFFFFFF80, s11;
	[sflag:s25] =	ssyncadd.s32 $0xFFFFC000  }
0xc3: {  	[spmem:s2] =	stream.indirect.scatter.add.f32 [tilespmem:s23], [sflag:$0x3], $0x80, s12, s22, $0xb8;
	[tilespmem:$0x1FC00] =	vst v63  }
0xc4: {  	_ =	swait.ge [sflag:s26], $0x4000  }
0xc5: {  	[sflag:s26] =	ssyncset.done $0x0  }
0xc6: {  	[sflag:s26] =	ssyncadd.s32 $0xFFFFC000  }
0xc7: {  	[spmem:s2] =	stream.indirect.scatter.add.f32 [tilespmem:s24], [sflag:$0x4], $0x80, s11, s22, $0xb8;
	[tilespmem:$0x1FC00] =	vst v63  }
0xc8: {  	_ =	swait.ge [sflag:s28], $0x4000  }
0xc9: {  	[sflag:s28] =	ssyncset.done $0x0  }
.Ltmp5:
0xca: {  	s12 =	sadd.s32 $0xFFFFFF80, s8;
	[sflag:s28] =	ssyncadd.s32 $0xFFFFC000;
	(pc) =	sbr.rel @p2 .LBB2_6-.Ltmp5, $4  }
0xcb: {  	[tilespmem:s23], [sflag:$0x1] =	stream.indirect.gather [hbm4b:s6+s22], $0x80, s12, s22, $0xb8;
	[tilespmem:$0x1FC00] =	vst v63  }
0xcc: {  	_ =	swait.ge [sflag:s29], $0x4000  }
0xcd: {  	[sflag:s29] =	ssyncset.done $0x0  }
0xce: {  	s8 =	sadd.s32 $0x100, s8;
	s11 =	sadd.s32 $0x100, s11;
	[sflag:s29] =	ssyncadd.s32 $0xFFFFC000  }
.LBB2_7:
0xcf: {  	[tilespmem:s24], [sflag:$0x2] =	stream.indirect.gather [hbm4b:s6+s22], $0x80, s10, s22, $0xb8;
	[tilespmem:$0x1FC00] =	vst v63  }
0xd0: {  	_ =	swait.ge [sflag:s25], $0x4000  }
0xd1: {  	[sflag:s25] =	ssyncset.done $0x0  }
0xd2: {  	[sflag:s25] =	ssyncadd.s32 $0xFFFFC000  }
0xd3: {  	[spmem:s2] =	stream.indirect.scatter.add.f32 [tilespmem:s23], [sflag:$0x3], $0x80, s31, s22, $0xb8;
	[tilespmem:$0x1FC00] =	vst v63  }
0xd4: {  	_ =	swait.ge [sflag:s26], $0x4000  }
0xd5: {  	[sflag:s26] =	ssyncset.done $0x0  }
0xd6: {  	[sflag:s26] =	ssyncadd.s32 $0xFFFFC000  }
0xd7: {  	[spmem:s2] =	stream.indirect.scatter.add.f32 [tilespmem:s24], [sflag:$0x4], $0x80, s1, s22, $0xb8;
	[tilespmem:$0x1FC00] =	vst v63  }
0xd8: {  	_ =	swait.ge [sflag:s28], $0x4000  }
0xd9: {  	s10 =	simm.s32 @p0 $0x80;
	[sflag:s28] =	ssyncset.done $0x0  }
0xda: {  	s12 =	simm.s32 @p0 $0x4000;
	s11 =	simm.s32 @p0 $0x4;
	[sflag:s28] =	ssyncadd.s32 $0xFFFFC000  }
0xdb: {  	[tilespmem:s12], [sflag:$0x1] =	stream.indirect.gather @p0 [hbm4b:s6+s10], $0x80, s19, s10, $0xb8;
	[tilespmem:$0x1FC00] =	vst v63  }
0xdc: {  	_ =	swait.ge @p0 [sflag:s11], $0x4000  }
0xdd: {  	[sflag:s11] =	ssyncset.done @p0 $0x0  }
0xde: {  	s14 =	simm.s32 @p0 $0x8000;
	s13 =	simm.s32 @!p0 $0x4;
	[sflag:s11] =	ssyncadd.s32 @p0 $0xFFFFC000  }
0xdf: {  	[tilespmem:s14], [sflag:$0x2] =	stream.indirect.gather @p0 [hbm4b:s6+s10], $0x80, s9, s10, $0xb8;
	[tilespmem:$0x1FC00] =	vst v63  }
0xe0: {  	_ =	swait.ge @!p0 [sflag:s13], $0x4000  }
0xe1: {  	[sflag:s13] =	ssyncset.done @!p0 $0x0  }
0xe2: {  	[sflag:s13] =	ssyncadd.s32 @!p0 $0xFFFFC000  }
0xe3: {  	[bflag:$0x0] =	sbarrier.arrive $0xFFFF  }
0xe4: {  	s3 =	rddreg [dreg:$0x8]  }
0xe5: {  	[hbm:s3], [sflag:s20] =	dma.local [spmem:s21], $0x2780  }
0xe6: {  	_ =	swait.ge [sflag:s18], $0x2780  }
0xe7: {  	[sflag:s18] =	ssyncset.done $0x0  }
0xe8: {  	[sflag:s18] =	ssyncadd.s32 $0xFFFFD880  }
0xe9: {  	[bflag:$0x0] =	sbarrier.arrive $0xFFFF  }
0xea: {  	[spmem:s21], [sflag:s20] =	dma.local [hbm:s16], $0x2780  }
0xeb: {  	_ =	swait.ge [sflag:s18], $0x2780  }
0xec: {  	[sflag:s18] =	ssyncset.done $0x0  }
0xed: {  	[sflag:s18] =	ssyncadd.s32 $0xFFFFD880  }
0xee: {  	[bflag:$0x0] =	sbarrier.arrive $0xFFFF  }
0xef: {  	[tilespmem:s23], [sflag:$0x1] =	stream.indirect.gather [hbm4b:s7+s22], $0x80, s15, s22, $0xb8;
	[tilespmem:$0x1FC00] =	vst v63  }
0xf0: {  	_ = 	snop  }
0xf1: {  	[tilespmem:s24], [sflag:$0x2] =	stream.indirect.gather [hbm4b:s7+s22], $0x80, s22, s22, $0xb8;
	[tilespmem:$0x1FC00] =	vst v63  }
0xf2: {  	_ =	swait.ge [sflag:s25], $0x4000  }
0xf3: {  	[sflag:s25] =	ssyncset.done $0x0  }
0xf4: {  	s8 =	simm.s32 $0x2000;
	[sflag:s25] =	ssyncadd.s32 $0xFFFFC000  }
0xf5: {  	[spmem:s2] =	stream.indirect.scatter.add.f32 [tilespmem:s23], [sflag:$0x3], $0x80, s8, s22, $0xb8;
	[tilespmem:$0x1FC00] =	vst v63  }
0xf6: {  	_ =	swait.ge [sflag:s26], $0x4000  }
0xf7: {  	[sflag:s26] =	ssyncset.done $0x0  }
0xf8: {  	s15 =	simm.s32 $0x2080;
	[sflag:s26] =	ssyncadd.s32 $0xFFFFC000  }
0xf9: {  	[spmem:s2] =	stream.indirect.scatter.add.f32 [tilespmem:s24], [sflag:$0x4], $0x80, s15, s22, $0xb8;
	[tilespmem:$0x1FC00] =	vst v63  }
0xfa: {  	_ =	swait.ge [sflag:s28], $0x4000  }
0xfb: {  	[sflag:s28] =	ssyncset.done $0x0  }
.Ltmp6:
0xfc: {  	s16 =	simm.s32 $0x100;
	[sflag:s28] =	ssyncadd.s32 $0xFFFFC000;
	(pc) =	sbr.rel @!p1 .LBB2_9-.Ltmp6, $4  }
0xfd: {  	[tilespmem:s23], [sflag:$0x1] =	stream.indirect.gather [hbm4b:s7+s22], $0x80, s16, s22, $0xb8;
	[tilespmem:$0x1FC00] =	vst v63  }
0xfe: {  	_ =	swait.ge [sflag:s29], $0x4000  }
0xff: {  	s0 =	sadd.s32 $0xFFFFFFFF, s0;
	s3 =	simm.s32 $0x280;
	[sflag:s29] =	ssyncset.done $0x0  }
0x100: {  	s8 =	simm.s32 $0x2180;
	s15 =	simm.s32 $0x180;
	[sflag:s29] =	ssyncadd.s32 $0xFFFFC000  }
.LBB2_8:
0x101: {  	[tilespmem:s24], [sflag:$0x2] =	stream.indirect.gather [hbm4b:s7+s22], $0x80, s15, s22, $0xb8;
	[tilespmem:$0x1FC00] =	vst v63  }
0x102: {  	p1 =	sne.s32 s0, $0x1;
	s0 =	sadd.s32 $0xFFFFFFFF, s0;
	_ =	swait.ge [sflag:s25], $0x4000  }
0x103: {  	s15 =	smov.u32 s3;
	[sflag:s25] =	ssyncset.done $0x0  }
0x104: {  	s16 =	sadd.s32 $0xFFFFFF80, s8;
	[sflag:s25] =	ssyncadd.s32 $0xFFFFC000  }
0x105: {  	[spmem:s2] =	stream.indirect.scatter.add.f32 [tilespmem:s23], [sflag:$0x3], $0x80, s16, s22, $0xb8;
	[tilespmem:$0x1FC00] =	vst v63  }
0x106: {  	_ =	swait.ge [sflag:s26], $0x4000  }
0x107: {  	[sflag:s26] =	ssyncset.done $0x0  }
0x108: {  	[sflag:s26] =	ssyncadd.s32 $0xFFFFC000  }
0x109: {  	[spmem:s2] =	stream.indirect.scatter.add.f32 [tilespmem:s24], [sflag:$0x4], $0x80, s8, s22, $0xb8;
	[tilespmem:$0x1FC00] =	vst v63  }
0x10a: {  	_ =	swait.ge [sflag:s28], $0x4000  }
0x10b: {  	[sflag:s28] =	ssyncset.done $0x0  }
.Ltmp7:
0x10c: {  	s16 =	sadd.s32 $0xFFFFFF80, s3;
	[sflag:s28] =	ssyncadd.s32 $0xFFFFC000;
	(pc) =	sbr.rel @p1 .LBB2_8-.Ltmp7, $4  }
0x10d: {  	[tilespmem:s23], [sflag:$0x1] =	stream.indirect.gather [hbm4b:s7+s22], $0x80, s16, s22, $0xb8;
	[tilespmem:$0x1FC00] =	vst v63  }
0x10e: {  	_ =	swait.ge [sflag:s29], $0x4000  }
0x10f: {  	[sflag:s29] =	ssyncset.done $0x0  }
0x110: {  	s3 =	sadd.s32 $0x100, s3;
	s8 =	sadd.s32 $0x100, s8;
	[sflag:s29] =	ssyncadd.s32 $0xFFFFC000  }
.LBB2_9:
0x111: {  	[tilespmem:s24], [sflag:$0x2] =	stream.indirect.gather [hbm4b:s7+s22], $0x80, s15, s22, $0xb8;
	[tilespmem:$0x1FC00] =	vst v63  }
0x112: {  	_ =	swait.ge [sflag:s25], $0x4000  }
0x113: {  	[sflag:s25] =	ssyncset.done $0x0  }
0x114: {  	[sflag:s25] =	ssyncadd.s32 $0xFFFFC000  }
0x115: {  	[spmem:s2] =	stream.indirect.scatter.add.f32 [tilespmem:s23], [sflag:$0x3], $0x80, s31, s22, $0xb8;
	[tilespmem:$0x1FC00] =	vst v63  }
0x116: {  	_ =	swait.ge [sflag:s26], $0x4000  }
0x117: {  	[sflag:s26] =	ssyncset.done $0x0  }
0x118: {  	[sflag:s26] =	ssyncadd.s32 $0xFFFFC000  }
0x119: {  	[spmem:s2] =	stream.indirect.scatter.add.f32 [tilespmem:s24], [sflag:$0x4], $0x80, s1, s22, $0xb8;
	[tilespmem:$0x1FC00] =	vst v63  }
0x11a: {  	_ =	swait.ge [sflag:s28], $0x4000  }
0x11b: {  	[sflag:s28] =	ssyncset.done $0x0  }
0x11c: {  	[sflag:s28] =	ssyncadd.s32 $0xFFFFC000  }
0x11d: {  	[tilespmem:s12], [sflag:$0x1] =	stream.indirect.gather @p0 [hbm4b:s7+s10], $0x80, s19, s10, $0xb8;
	[tilespmem:$0x1FC00] =	vst v63  }
0x11e: {  	_ =	swait.ge @p0 [sflag:s11], $0x4000  }
0x11f: {  	[sflag:s11] =	ssyncset.done @p0 $0x0  }
0x120: {  	[sflag:s11] =	ssyncadd.s32 @p0 $0xFFFFC000  }
0x121: {  	[tilespmem:s14], [sflag:$0x2] =	stream.indirect.gather @p0 [hbm4b:s7+s10], $0x80, s9, s10, $0xb8;
	[tilespmem:$0x1FC00] =	vst v63  }
0x122: {  	_ =	swait.ge @!p0 [sflag:s13], $0x4000  }
0x123: {  	[sflag:s13] =	ssyncset.done @!p0 $0x0  }
0x124: {  	[sflag:s13] =	ssyncadd.s32 @!p0 $0xFFFFC000  }
0x125: {  	[bflag:$0x0] =	sbarrier.arrive $0xFFFF  }
0x126: {  	s0 =	rddreg [dreg:$0xa]  }
0x127: {  	[hbm:s0], [sflag:s20] =	dma.local [spmem:s21], $0x2780  }
0x128: {  	_ =	swait.ge [sflag:s18], $0x2780  }
0x129: {  	s30 =	sadd.s32 $0x1, s30;
	s31 =	rddreg [dreg:$0xb]  }
0x12a: {  	p0 =	sne.s32 s30, s31  }
.Ltmp8:
0x12b: {  	_ = 	snop;
	(pc) =	sbr.rel @p0 .LBB2_1-.Ltmp8, $4  }
0x12c: {  	[sflag:s18] =	ssyncset.done $0x0  }
0x12d: {  	[sflag:s18] =	ssyncadd.s32 $0xFFFFD880  }
0x12e: {  	[bflag:$0x0] =	sbarrier.arrive $0xFFFF  }
0x12f: {  	s13 =	simm.s32 $0x0;
	s15 =	rddreg [dreg:$0x3]  }
0x130: {  	_ =	sfence.sel $0x180000  }
0x131: {  	[bflag:$0x0] =	sbarrier.arrive $0xFFFF  }
0x132: {  	_ =	strace $0x9000004D  }
0x133: {  	s0 =	stileid.u32;
	[bflag:$0x2] =	sbarrier.arrive $0xFFFF  }
0x134: {  	p0 =	sne.s32 s0, $0x0;
	s0 =	rddreg [dreg:$0x2]  }
0x135: {  	s0 =	sadd.s32 @!p0 $0x100000, s0  }
0x136: {  	[sflag:s0] =	ssyncadd.tile.s32 @!p0 $0x1;
	_ =	shalt  }
.Lfunc_end2:
_tile_overlayer_lowered:
.L_overlay_start_2:
0x137: {  	(tag) =	ssettag $0x2  }
0x138: {  	s0 =	rddreg [dreg:$0x0];
	s2 =	stileid.u32  }
0x139: {  	s1 =	rddreg [dreg:$0x1];
	p0 =	sne.s32 s2, $0x0  }
0x13a: {  	s3 =	rddreg [dreg:$0x2];
	[bflag:$0x3] =	sbarrier.arrive $0xFFFF;
	s2 =	simm.s32 @!p0 $0x1C05  }
0x13b: {  	[timem:s3], [sflag:s2] =	dma.local @!p0 [hbm:s0], s1  }
0x13c: {  	s0 =	simm.s32 @!p0 $0x5  }
0x13d: {  	_ =	swait.ge @!p0 [sflag:s0], s1  }
0x13e: {  	s1 =	ssub.s32 @!p0 $0x0, s1;
	[sflag:s0] =	ssyncset.done @!p0 $0x0  }
0x13f: {  	[sflag:s0] =	ssyncadd.s32 @!p0 s1  }
0x140: {  	[bflag:$0x3] =	sbarrier.arrive $0xFFFF  }
0x141: {  	_ =	shalt  }

// kernel: kernel.22.cloned.1.call-start
scs
__scs_entry_jumppad:
0x0: {  	(pc) =	sbr.rel $0x88, $3  }
0x1: {  	(tag) =	ssettag $0x0;
	lr =	simm.s32 $0x1  }
0x2: {  	[smem:$0x3F92] =	sst lr;
	_ =	strace $0xD0000000  }
0x3: {  	_ = 	snop  }
0x4: {  	_ = 	snop  }
0x5: {  	_ = 	snop  }
0x6: {  	_ = 	snop  }
0x7: {  	_ = 	snop  }
__scs_overlays_trampoline_lowered:
0x8: {  	[smem:$0x3FA1] =	sst s0  }
0x9: {  	[smem:$0x3FA2] =	sst s1  }
0xa: {  	[smem:$0x3FA3] =	sst s2  }
0xb: {  	[smem:$0x3FA4] =	sst s3  }
0xc: {  	[smem:$0x3FA5] =	sst s4  }
0xd: {  	[smem:$0x3FA6] =	sst s5  }
0xe: {  	[smem:$0x3FA7] =	sst s6  }
0xf: {  	[smem:$0x3FA8] =	sst s7  }
0x10: {  	[smem:$0x3FA9] =	sst s8  }
0x11: {  	[smem:$0x3FAA] =	sst s9;
	s0 =	simm.s32 @!p0 $0x0  }
0x12: {  	s1 =	sld [smem:$0x3F90];
	s0 =	simm.s32 @p0 $0x1  }
0x13: {  	[smem:$0x3FAB] =	sst s0;
	s0 =	simm.s32 @!p1 $0x0  }
0x14: {  	s2 =	sld [smem:$0x3F8F];
	s0 =	simm.s32 @p1 $0x1  }
0x15: {  	[smem:$0x3FAC] =	sst s0;
	s0 =	simm.s32 @!p2 $0x0  }
0x16: {  	s3 =	sld [smem:$0x3FDB];
	s0 =	simm.s32 @p2 $0x1  }
0x17: {  	s4 =	simm.s32 $0x1BF5;
	[smem:$0x3FAE] =	sst s0  }
0x18: {  	s0 =	sld [smem:$0x3F91];
	_ =	swait.ge [sflag:s4], $0x0  }
0x19: {  	s7 =	sld [smem:$0x3F92]  }
0x1a: {  	s8 =	sadd.s32 $0xFFFFE003, lr  }
0x1b: {  	s9 =	sadd.s32 $0xFFFFFEF7, lr;
	s5 =	simm.s32 $0xFFFFFFFF;
	p2 =	slt.u32 s8, $0xFFFFF086  }
0x1c: {  	p1 =	slt.u32 s9, $0xF7A;
	s5 =	simm.s32 @!p2 $0x0  }
0x1d: {  	s5 =	simm.s32 @p1 $0x1;
	p0 =	seq.s32 s7, s2  }
0x1e: {  	s7 =	smul.u32 @!p0 $0xF7A, s2;
	p2 =	seq.s32 @!p0 s5, $0x0  }
0x1f: {  	s9 =	smul.u32 $0xF7A, s1;
	s8 =	simm.s32 @!p0 $0x1BF5;
	p2 =	por !p2, p0  }
0x20: {  	[sflag:s8] =	ssyncset.s32 @!p0 $0xFFFFF086;
	s6 =	sadd.s32 @!p0 s3, s7;
	s7 =	simm.s32 @!p0 $0x108  }
0x21: {  	s3 =	sadd.s32 s3, s9;
	s6 =	sadd.s32 @!p0 $0x88, s6;
	s7 =	simm.s32 @p2 $0x1082  }
0x22: {  	[simem:s7], [sflag:s8] =	dma.local @!p0 [hbm:s6], $0xF7A  }
0x23: {  	s9 =	sor.u32 $0xD0000000, s2;
	s6 =	simm.s32 $0x108;
	_ =	swait.ge @!p0 [sflag:s8], $0x0  }
0x24: {  	s3 =	sadd.s32 $0x88, s3;
	s6 =	simm.s32 @!p1 $0x1082;
	[sflag:s4] =	ssyncset.s32 $0xFFFFF086  }
0x25: {  	[simem:s6], [sflag:s4] =	dma.local [hbm:s3], $0xF7A  }
0x26: {  	[smem:$0x3F92] =	sst s1;
	(tag) =	ssettag s2;
	_ =	strace s9  }
0x27: {  	s1 =	sld [smem:$0x3FA2]  }
0x28: {  	s2 =	sld [smem:$0x3FA3]  }
0x29: {  	s4 =	sld [smem:$0x3FA5]  }
0x2a: {  	p0 =	seq.s32 s5, $0x0;
	s5 =	sld [smem:$0x3FA6]  }
0x2b: {  	s6 =	sld [smem:$0x3FA7]  }
0x2c: {  	s7 =	sld [smem:$0x3FA8]  }
0x2d: {  	s3 =	simm.s32 $0x108;
	s8 =	sld [smem:$0x3FA9]  }
0x2e: {  	s3 =	simm.s32 @!p0 $0x1082;
	s9 =	sld [smem:$0x3FAA]  }
0x2f: {  	lr =	sadd.s32 s0, s3;
	s0 =	sld [smem:$0x3FA1]  }
0x30: {  	s3 =	sld [smem:$0x3FA4]  }
0x31: {  	[smem:$0x3FAD] =	sst s10  }
0x32: {  	s10 =	sld [smem:$0x3FAB];
	_ =	sdelay $0x3  }
0x33: {  	p0 =	seq.s32 s10, $0x1;
	s10 =	sld [smem:$0x3FAD];
	_ =	sdelay $0x3  }
0x34: {  	[smem:$0x3FAD] =	sst s10  }
0x35: {  	s10 =	sld [smem:$0x3FAC];
	_ =	sdelay $0x3  }
0x36: {  	p1 =	seq.s32 s10, $0x1;
	s10 =	sld [smem:$0x3FAD];
	_ =	sdelay $0x3  }
0x37: {  	[smem:$0x3FAD] =	sst s10  }
0x38: {  	s10 =	sld [smem:$0x3FAE]  }
0x39: {  	_ = 	snop;
	(pc) =	sbr.ind lr, $3  }
0x3a: {  	_ = 	snop  }
0x3b: {  	_ = 	snop  }
0x3c: {  	p2 =	seq.s32 s10, $0x1;
	s10 =	sld [smem:$0x3FAD]  }
0x3d: {  	_ =	shalt  }
0x3e: {  	_ =	shalt  }
0x3f: {  	_ =	shalt  }
0x40: {  	_ =	shalt  }
0x41: {  	_ =	shalt  }
0x42: {  	_ =	shalt  }
0x43: {  	_ =	shalt  }
0x44: {  	_ =	shalt  }
0x45: {  	_ =	shalt  }
0x46: {  	_ =	shalt  }
0x47: {  	_ =	shalt  }
0x48: {  	_ =	shalt  }
0x49: {  	_ =	shalt  }
0x4a: {  	_ =	shalt  }
0x4b: {  	_ =	shalt  }
0x4c: {  	_ =	shalt  }
0x4d: {  	_ =	shalt  }
0x4e: {  	_ =	shalt  }
0x4f: {  	_ =	shalt  }
0x50: {  	_ =	shalt  }
0x51: {  	_ =	shalt  }
0x52: {  	_ =	shalt  }
0x53: {  	_ =	shalt  }
0x54: {  	_ =	shalt  }
0x55: {  	_ =	shalt  }
0x56: {  	_ =	shalt  }
0x57: {  	_ =	shalt  }
0x58: {  	_ =	shalt  }
0x59: {  	_ =	shalt  }
0x5a: {  	_ =	shalt  }
0x5b: {  	_ =	shalt  }
0x5c: {  	_ =	shalt  }
0x5d: {  	_ =	shalt  }
0x5e: {  	_ =	shalt  }
0x5f: {  	_ =	shalt  }
0x60: {  	_ =	shalt  }
0x61: {  	_ =	shalt  }
0x62: {  	_ =	shalt  }
0x63: {  	_ =	shalt  }
0x64: {  	_ =	shalt  }
0x65: {  	_ =	shalt  }
0x66: {  	_ =	shalt  }
0x67: {  	_ =	shalt  }
0x68: {  	_ =	shalt  }
0x69: {  	_ =	shalt  }
0x6a: {  	_ =	shalt  }
0x6b: {  	_ =	shalt  }
0x6c: {  	_ =	shalt  }
0x6d: {  	_ =	shalt  }
0x6e: {  	_ =	shalt  }
0x6f: {  	_ =	shalt  }
0x70: {  	_ =	shalt  }
0x71: {  	_ =	shalt  }
0x72: {  	_ =	shalt  }
0x73: {  	_ =	shalt  }
0x74: {  	_ =	shalt  }
0x75: {  	_ =	shalt  }
0x76: {  	_ =	shalt  }
0x77: {  	_ =	shalt  }
0x78: {  	_ =	shalt  }
0x79: {  	_ =	shalt  }
0x7a: {  	_ =	shalt  }
0x7b: {  	_ =	shalt  }
0x7c: {  	_ =	shalt  }
0x7d: {  	_ =	shalt  }
0x7e: {  	_ =	shalt  }
0x7f: {  	_ =	shalt  }
0x80: {  	_ =	shalt  }
0x81: {  	_ =	shalt  }
0x82: {  	_ =	shalt  }
0x83: {  	_ =	shalt  }
0x84: {  	_ =	shalt  }
0x85: {  	_ =	shalt  }
0x86: {  	_ =	shalt  }
0x87: {  	_ =	shalt  }
.Lfunc_end0:
.L_simem_size_0:
called_computation.3_lowered:
.L_overlay_start_0:
0x88: {  	s2 =	sld [smem:$0x3FD9]  }
0x89: {  	s3 =	sld [smem:$0x3FFE];
	_ =	sdelay $0x1  }
0x8a: {  	s1 =	srdreg.scid  }
0x8b: {  	s0 =	sand.u32 $0x1, s1  }
0x8c: {  	s16 =	sshll.u32 s0, $0xA;
	s2 =	sadd.s32 s3, s2  }
0x8d: {  	s2 =	sadd.s32 s2, s16  }
0x8e: {  	[smem:$0x3FB9] =	sst s2  }
0x8f: {  	_ = 	snop  }
0x90: {  	(tm) =	ssettm $0x1  }
0x91: {  	s17 =	sld [smem:$0x3FFB];
	_ =	sdelay $0x3  }
0x92: {  	_ =	strace s17  }
0x93: {  	s2 =	sld [smem:$0x3FFC];
	_ =	sdelay $0x3  }
0x94: {  	_ =	strace s2  }
0x95: {  	s2 =	sld [smem:$0x3FFD];
	_ =	sdelay $0x3  }
0x96: {  	_ =	strace s2  }
0x97: {  	_ =	strace $0x8FFFFFFF  }
0x98: {  	s18 =	sld [smem:$0x3FDB];
	_ =	sdelay $0x1  }
0x99: {  	s19 =	simm.s32 $_scs_section_size  }
0x9a: {  	s4 =	simm.s32 $_size__tile_overlayer_lowered;
	s5 =	simm.s32 $_tile_overlayer_lowered  }
0x9b: {  	s22 =	simm.s32 $0x1BFF;
	s21 =	sshll.u32 s5, $0x1;
	s2 =	sadd.s32 s19, s18  }
0x9c: {  	s6 =	simm.s32 $0x0;
	s20 =	sshll.u32 s4, $0x1;
	s4 =	sadd.s32 s21, s2  }
0x9d: {  	[timem:s6], [sflag:s22] =	dma.local [hbm:s4], s20  }
0x9e: {  	_ =	swait.ge [sflag:s22], s20  }
0x9f: {  	s3 =	ssub.s32 $0x0, s20;
	[sflag:s22] =	ssyncset.done $0x0  }
0xa0: {  	[sflag:s22] =	ssyncadd.s32 s3;
	_ =	sdelay $0x1  }
0xa1: {  	s23 =	simm.s32 $0x1B8B  }
0xa2: {  	_ =	swait.ge [sflag:s23], $0x1  }
0xa3: {  	[sflag:s23] =	ssyncset.done $0x0  }
0xa4: {  	s25 =	simm.s32 $0x1B8E;
	s24 =	sld [smem:$0x3FFE];
	[sflag:s23] =	ssyncadd.s32 $0xFFFFFFFF  }
0xa5: {  	s26 =	simm.s32 $execute0_lowered;
	[smem:$0x3FD2] =	sst s25  }
0xa6: {  	s4 =	sshll.u32 s26, $0x1;
	_ =	strace $0x8000004F;
	[dreg:$0x1] =	wrdreg $0xFFFFFFFF  }
0xa7: {  	s28 =	simm.s32 $_size_execute0_lowered;
	s2 =	sadd.s32 s2, s4;
	[dreg:$0x0] =	wrdreg $0x0  }
0xa8: {  	s4 =	sshll.u32 s28, $0x1;
	[dreg:$0x2] =	wrdreg s2  }
0xa9: {  	[dreg:$0x3] =	wrdreg s4  }
0xaa: {  	[dreg:$0x4] =	wrdreg $0xC0  }
0xab: {  	_ =	task [dreg:s6], $0x5FFFF  }
0xac: {  	[dreg:$0x1] =	wrdreg $0xFFFFFFFF  }
0xad: {  	[dreg:$0x0] =	wrdreg $0x60  }
0xae: {  	[dreg:$0x2] =	wrdreg s24  }
0xaf: {  	[dreg:$0x3] =	wrdreg $0xC0000  }
0xb0: {  	[dreg:$0x4] =	wrdreg $0x9  }
0xb1: {  	_ =	task.clear_ibuf [dreg:s6], $0x5FFFF;
	_ =	strace $0x9000004F  }
0xb2: {  	s29 =	simm.s32 $0x9;
	_ =	strace $0x80000051  }
0xb3: {  	_ =	swait.ge [sflag:s29], $0x1  }
0xb4: {  	[sflag:s29] =	ssyncadd.s32 $0xFFFFFFFF  }
0xb5: {  	_ =	strace $0x90000051  }
0xb6: {  	_ =	sfence  }
0xb7: {  	s30 =	sld [smem:$0x0];
	_ =	sdelay $0x2  }
0xb8: {  	s31 =	sshll.u32 s1, $0xD;
	s1 =	sshrl.u32 s1, $0x2  }
0xb9: {  	s3 =	sand.u32 $0x4000, s31;
	s1 =	sadd.s32 s1, s30  }
0xba: {  	s0 =	sor.u32 s3, s0;
	s1 =	sshll.u32 s1, $0x11  }
0xbb: {  	s0 =	sor.u32 s1, s0  }
0xbc: {  	s0 =	sadd.s32 $0x8F2B, s0  }
0xbd: {  	[sflag:s0] =	ssyncadd.remote.s32 $0x1  }
0xbe: {  	_ =	sfence.sel $0xFFFF  }
0xbf: {  	[dreg:$0x0] =	wrdreg $0xFFFFFFFF;
	(pc) =	sbr.abs _section_cstart, $3  }
0xc0: {  	[dreg:$0x1] =	wrdreg $0xFFFFFFFF  }
0xc1: {  	_ =	task.clear_ibuf [dreg:s6], $0x2FFFF;
	_ =	strace $0x9FFFFFFF  }
0xc2: {  	(tm) =	ssettm $0x7FFFFFFF  }
0xc3: {  	_ =	shalt  }
tec
execute0_lowered:
.L_overlay_start_1:
0x0: {  	(tag) =	ssettag $0x1  }
0x1: {  	s6 =	rddreg [dreg:$0x0]  }
0x2: {  	s1 =	rddreg [dreg:$0x1]  }
0x3: {  	s2 =	srdreg.scid;
	s0 =	rddreg [dreg:$0x2]  }
0x4: {  	s3 =	simm.s32 $0x0;
	s15 =	simm.s32 $0x80;
	s16 =	simm.s32 $0x4000  }
0x5: {  	s17 =	simm.s32 $0x8000;
	s18 =	simm.s32 $0x1;
	s19 =	simm.s32 $0x2  }
0x6: {  	s20 =	simm.s32 $0x3;
	s21 =	simm.s32 $0x4;
	s22 =	simm.s32 $0x0  }
0x7: {  	s7 =	sand.u32 $0x1, s2;
	s2 =	stileid.u32;
	[smem:$0x7FF] =	sst s3  }
0x8: {  	s4 =	smul.u32 $0x13C000, s7;
	s5 =	sshll.u32 s7, $0xE;
	s8 =	sshll.u32 s2, $0xA  }
0x9: {  	s9 =	smul.u32 $0x13C00, s2;
	_ =	strace $0x80000050;
	s10 =	ssub.s32 $0x2, s7  }
0xa: {  	s11 =	smul.u32 $0x4F000, s2;
	p0 =	seq.s32 s7, $0x0;
	s13 =	sshll.u32 s2, $0x6  }
0xb: {  	s5 =	sor.u32 s8, s5;
	s12 =	sshrl.u32 s10, $0x1;
	s13 =	sor.u32 $0x1C05, s13  }
0xc: {  	s8 =	sadd.s32 s5, s6;
	s9 =	sadd.s32 s9, s4;
	s4 =	sadd.s32 $0x17C00, s6  }
0xd: {  	s5 =	sadd.s32 $0x15400, s6;
	s10 =	ssub.s32 s10, s12;
	s11 =	sshrl.u32 s11, $0x2  }
0xe: {  	s12 =	simm.s32 $0x2000;
	s9 =	sshrl.u32 s9, $0x3;
	s7 =	sadd.s32 $0x5400, s8  }
0xf: {  	s8 =	sadd.s32 $0xD400, s8;
	s14 =	sadd.s32 s11, s1;
	s10 =	smax.u32 s10, $0x1  }
0x10: {  	s11 =	simm.s32 $0x5;
	s9 =	sadd.s32 s9, s6;
	s6 =	simm.s32 $0x1E  }
0x11: {  	s14 =	sshrl.u32 s14, $0x3;
	s6 =	simm.s32 @!p0 $0x8;
	s9 =	sadd.s32 $0x3EE00, s9  }
.LBB2_1:
0x12: {  	[tilespmem:s3], [sflag:$0x5] =	stream.linear.gather [hbm4b:s7+s3], $0x1F00, $0x38;
	[tilespmem:$0x1FC00] =	vst v63  }
0x13: {  	_ =	swait.ge [sflag:s11], $0x1F00  }
0x14: {  	[sflag:s11] =	ssyncset.done $0x0  }
0x15: {  	[sflag:s11] =	ssyncadd.s32 $0xFFFFE100  }
0x16: {  	[tilespmem:s12], [sflag:$0x5] =	stream.linear.gather [hbm4b:s8+s3], $0x1F00, $0x38;
	[tilespmem:$0x1FC00] =	vst v63  }
0x17: {  	_ =	swait.ge [sflag:s11], $0x1F00  }
0x18: {  	[sflag:s11] =	ssyncset.done $0x0  }
0x19: {  	[sflag:s11] =	ssyncadd.s32 $0xFFFFE100  }
0x1a: {  	[spmem:s14], [sflag:s13] =	dma.local [hbm:s5], $0x2780  }
0x1b: {  	_ =	swait.ge [sflag:s11], $0x2780  }
0x1c: {  	[sflag:s11] =	ssyncset.done $0x0  }
0x1d: {  	[sflag:s11] =	ssyncadd.s32 $0xFFFFD880  }
0x1e: {  	[bflag:$0x0] =	sbarrier.arrive $0xFFFF  }
0x1f: {  	[tilespmem:s16], [sflag:$0x1] =	stream.indirect.gather [hbm4b:s4+s15], $0x80, s3, s15, $0xb8;
	[tilespmem:$0x1FC00] =	vst v63  }
0x20: {  	_ = 	snop  }
0x21: {  	[tilespmem:s17], [sflag:$0x2] =	stream.indirect.gather [hbm4b:s4+s15], $0x80, s15, s15, $0xb8;
	[tilespmem:$0x1FC00] =	vst v63  }
0x22: {  	_ =	swait.ge [sflag:s18], $0x4000  }
0x23: {  	[sflag:s18] =	ssyncset.done $0x0  }
0x24: {  	s23 =	simm.s32 $0x2000;
	[sflag:s18] =	ssyncadd.s32 $0xFFFFC000  }
0x25: {  	[spmem:s1] =	stream.indirect.scatter.add.f32 [tilespmem:s16], [sflag:$0x3], $0x80, s23, s15, $0xb8;
	[tilespmem:$0x1FC00] =	vst v63  }
0x26: {  	_ =	swait.ge [sflag:s19], $0x4000  }
0x27: {  	[sflag:s19] =	ssyncset.done $0x0  }
0x28: {  	s25 =	simm.s32 $0x2080;
	[sflag:s19] =	ssyncadd.s32 $0xFFFFC000  }
0x29: {  	[spmem:s1] =	stream.indirect.scatter.add.f32 [tilespmem:s17], [sflag:$0x4], $0x80, s25, s15, $0xb8;
	[tilespmem:$0x1FC00] =	vst v63  }
0x2a: {  	_ =	swait.ge [sflag:s20], $0x4000  }
0x2b: {  	p0 =	sne.s32 s6, $0x1;
	[sflag:s20] =	ssyncset.done $0x0  }
.Ltmp0:
0x2c: {  	s31 =	simm.s32 $0x100;
	[sflag:s20] =	ssyncadd.s32 $0xFFFFC000;
	(pc) =	sbr.rel @!p0 .LBB2_3-.Ltmp0, $4  }
0x2d: {  	[tilespmem:s16], [sflag:$0x1] =	stream.indirect.gather [hbm4b:s4+s15], $0x80, s31, s15, $0xb8;
	[tilespmem:$0x1FC00] =	vst v63  }
0x2e: {  	s29 =	simm.s32 $0x180;
	_ =	swait.ge [sflag:s21], $0x4000  }
0x2f: {  	s24 =	simm.s32 $0x1;
	s28 =	simm.s32 $0x2180;
	[sflag:s21] =	ssyncset.done $0x0  }
0x30: {  	s26 =	simm.s32 $0x180;
	s23 =	simm.s32 $0x280;
	[sflag:s21] =	ssyncadd.s32 $0xFFFFC000  }
.LBB2_2:
0x31: {  	s26 =	smov.u32 s23;
	s25 =	smov.u32 s28  }
0x32: {  	[tilespmem:s17], [sflag:$0x2] =	stream.indirect.gather [hbm4b:s4+s15], $0x80, s29, s15, $0xb8;
	[tilespmem:$0x1FC00] =	vst v63  }
0x33: {  	s24 =	sadd.s32 $0x1, s24;
	s29 =	smov.u32 s23;
	_ =	swait.ge [sflag:s18], $0x4000  }
0x34: {  	p0 =	sne.s32 s6, s24;
	[sflag:s18] =	ssyncset.done $0x0  }
0x35: {  	s30 =	sadd.s32 $0xFFFFFF80, s28;
	[sflag:s18] =	ssyncadd.s32 $0xFFFFC000  }
0x36: {  	[spmem:s1] =	stream.indirect.scatter.add.f32 [tilespmem:s16], [sflag:$0x3], $0x80, s30, s15, $0xb8;
	[tilespmem:$0x1FC00] =	vst v63  }
0x37: {  	_ =	swait.ge [sflag:s19], $0x4000  }
0x38: {  	[sflag:s19] =	ssyncset.done $0x0  }
0x39: {  	[sflag:s19] =	ssyncadd.s32 $0xFFFFC000  }
0x3a: {  	[spmem:s1] =	stream.indirect.scatter.add.f32 [tilespmem:s17], [sflag:$0x4], $0x80, s28, s15, $0xb8;
	[tilespmem:$0x1FC00] =	vst v63  }
0x3b: {  	_ =	swait.ge [sflag:s20], $0x4000  }
0x3c: {  	[sflag:s20] =	ssyncset.done $0x0  }
.Ltmp1:
0x3d: {  	s30 =	sadd.s32 $0xFFFFFF80, s23;
	[sflag:s20] =	ssyncadd.s32 $0xFFFFC000;
	(pc) =	sbr.rel @p0 .LBB2_2-.Ltmp1, $4  }
0x3e: {  	[tilespmem:s16], [sflag:$0x1] =	stream.indirect.gather [hbm4b:s4+s15], $0x80, s30, s15, $0xb8;
	[tilespmem:$0x1FC00] =	vst v63  }
0x3f: {  	_ =	swait.ge [sflag:s21], $0x4000  }
0x40: {  	[sflag:s21] =	ssyncset.done $0x0  }
0x41: {  	s23 =	sadd.s32 $0x100, s23;
	s28 =	sadd.s32 $0x100, s28;
	[sflag:s21] =	ssyncadd.s32 $0xFFFFC000  }
.LBB2_3:
0x42: {  	[tilespmem:s17], [sflag:$0x2] =	stream.indirect.gather [hbm4b:s4+s15], $0x80, s29, s15, $0xb8;
	[tilespmem:$0x1FC00] =	vst v63  }
0x43: {  	_ =	swait.ge [sflag:s18], $0x4000  }
0x44: {  	[sflag:s18] =	ssyncset.done $0x0  }
0x45: {  	s25 =	sadd.s32 $0x80, s25;
	[sflag:s18] =	ssyncadd.s32 $0xFFFFC000  }
0x46: {  	[spmem:s1] =	stream.indirect.scatter.add.f32 [tilespmem:s16], [sflag:$0x3], $0x80, s25, s15, $0xb8;
	[tilespmem:$0x1FC00] =	vst v63  }
0x47: {  	_ =	swait.ge [sflag:s19], $0x4000  }
0x48: {  	[sflag:s19] =	ssyncset.done $0x0  }
0x49: {  	[sflag:s19] =	ssyncadd.s32 $0xFFFFC000  }
0x4a: {  	[spmem:s1] =	stream.indirect.scatter.add.f32 [tilespmem:s17], [sflag:$0x4], $0x80, s28, s15, $0xb8;
	[tilespmem:$0x1FC00] =	vst v63  }
0x4b: {  	p0 =	slt.u32 s24, s6;
	_ =	swait.ge [sflag:s20], $0x4000  }
0x4c: {  	s24 =	sadd.s32 @p0 $0x80, s26;
	[sflag:s20] =	ssyncset.done $0x0  }
0x4d: {  	s26 =	simm.s32 @p0 $0x4000;
	s25 =	simm.s32 @p0 $0x80;
	[sflag:s20] =	ssyncadd.s32 $0xFFFFC000  }
0x4e: {  	[tilespmem:s26], [sflag:$0x1] =	stream.indirect.gather @p0 [hbm4b:s4+s25], $0x80, s24, s25, $0xb8;
	[tilespmem:$0x1FC00] =	vst v63  }
0x4f: {  	s24 =	simm.s32 @p0 $0x4  }
0x50: {  	_ =	swait.ge @p0 [sflag:s24], $0x4000  }
0x51: {  	[sflag:s24] =	ssyncset.done @p0 $0x0  }
0x52: {  	[sflag:s24] =	ssyncadd.s32 @p0 $0xFFFFC000;
	s24 =	simm.s32 @p0 $0x8000  }
0x53: {  	[tilespmem:s24], [sflag:$0x2] =	stream.indirect.gather @p0 [hbm4b:s4+s25], $0x80, s23, s25, $0xb8;
	[tilespmem:$0x1FC00] =	vst v63  }
0x54: {  	s23 =	simm.s32 @!p0 $0x4  }
0x55: {  	_ =	swait.ge @!p0 [sflag:s23], $0x4000  }
0x56: {  	[sflag:s23] =	ssyncset.done @!p0 $0x0  }
0x57: {  	s22 =	sadd.s32 $0x1, s22;
	[sflag:s23] =	ssyncadd.s32 @!p0 $0xFFFFC000  }
0x58: {  	p0 =	sne.s32 s22, s10;
	[bflag:$0x0] =	sbarrier.arrive $0xFFFF  }
0x59: {  	[hbm:s9], [sflag:s13] =	dma.local [spmem:s14], $0x2780  }
.Ltmp2:
0x5a: {  	_ =	swait.ge [sflag:s11], $0x2780;
	(pc) =	sbr.rel @p0 .LBB2_1-.Ltmp2, $3  }
0x5b: {  	[sflag:s11] =	ssyncset.done $0x0  }
0x5c: {  	[sflag:s11] =	ssyncadd.s32 $0xFFFFD880  }
0x5d: {  	[bflag:$0x0] =	sbarrier.arrive $0xFFFF;
	_ =	sdelay $0x1  }
0x5e: {  	_ =	sfence.sel $0x180000  }
0x5f: {  	[bflag:$0x0] =	sbarrier.arrive $0xFFFF  }
0x60: {  	p0 =	sne.s32 s2, $0x0;
	_ =	strace $0x90000050  }
0x61: {  	s0 =	sadd.s32 @!p0 $0x100000, s0;
	[bflag:$0x2] =	sbarrier.arrive $0xFFFF  }
0x62: {  	[sflag:s0] =	ssyncadd.tile.s32 @!p0 $0x1;
	_ =	shalt  }
.Lfunc_end2:
_tile_overlayer_lowered:
.L_overlay_start_2:
0x63: {  	(tag) =	ssettag $0x2  }
0x64: {  	s0 =	rddreg [dreg:$0x0];
	s2 =	stileid.u32  }
0x65: {  	s1 =	rddreg [dreg:$0x1];
	p0 =	sne.s32 s2, $0x0  }
0x66: {  	s3 =	rddreg [dreg:$0x2];
	[bflag:$0x3] =	sbarrier.arrive $0xFFFF;
	s2 =	simm.s32 @!p0 $0x1C05  }
0x67: {  	[timem:s3], [sflag:s2] =	dma.local @!p0 [hbm:s0], s1  }
0x68: {  	s0 =	simm.s32 @!p0 $0x5  }
0x69: {  	_ =	swait.ge @!p0 [sflag:s0], s1  }
0x6a: {  	s1 =	ssub.s32 @!p0 $0x0, s1;
	[sflag:s0] =	ssyncset.done @!p0 $0x0  }
0x6b: {  	[sflag:s0] =	ssyncadd.s32 @!p0 s1  }
0x6c: {  	[bflag:$0x3] =	sbarrier.arrive $0xFFFF  }
0x6d: {  	_ =	shalt  }

</sc_bundles>
